<compile_context>
chip_gen: v7x
topology: tpu7x:2x2x1
jax: 0.10.2.dev20260603
libtpu: 0.0.44.dev20260713+nightly
codegen_flags: <defaults>
</compile_context>

<pallas_src>
import jax
import jax.numpy as jnp
from jax import lax
from jax.experimental import pallas as pl
from jax.experimental.pallas import tpu as pltpu
from jax.experimental.pallas import tpu_sc as plsc

L_SEQ = 200
SKILL = 128
KH = 64
NW = 16
T = 13
NIDX = 960


def _sc_body(it_tbl, uimp_tbl, uinit_tbl, sq_hbm, uid_hbm, out_sc, row0_hbm,
             sq_v, uid_v, idx_v, rows_v, u_v, tk_v, bsum_v, obuf_v, loc_v,
             shared_v, sem_i, sem_u, sem_t):
    c = lax.axis_index("c")
    s = lax.axis_index("s")

    pltpu.sync_copy(sq_hbm, sq_v)
    pltpu.sync_copy(uid_hbm, uid_v)

    iota = lax.iota(jnp.int32, 16)
    base_l = 13 * s
    for j in range(T):
        lpos = jnp.minimum(base_l + j, L_SEQ - 1)
        sqj = plsc.load_gather(sq_v, [jnp.full((16,), 1, jnp.int32) * lpos])
        for k0 in range(0, KH, 16):
            idx_v[pl.ds(j * KH + k0, 16)] = sqj * KH + k0 + iota
    uvec = uid_v[pl.ds(0, 16)]
    for k0 in range(0, KH, 16):
        idx_v[pl.ds(832 + k0, 16)] = uvec * KH + k0 + iota
    idx_v[pl.ds(896, 16)] = uvec

    cp_u = pltpu.async_copy(uimp_tbl.at[idx_v.at[pl.ds(832, 64)]], u_v, sem_u)
    cp_t = pltpu.async_copy(uinit_tbl.at[idx_v.at[pl.ds(896, 1)]], tk_v, sem_t)
    cps = []
    for t in range(6):
        cps.append(pltpu.async_copy(
            it_tbl.at[idx_v.at[pl.ds(128 * t, 128)]],
            rows_v.at[pl.ds(128 * t, 128)], sem_i))
    cps.append(pltpu.async_copy(
        it_tbl.at[idx_v.at[pl.ds(768, 64)]],
        rows_v.at[pl.ds(768, 64)], sem_i))
    cp_u.wait()
    cp_t.wait()

    zero = jnp.zeros((16,), jnp.float32)
    bases = [64 * c + 16 * g for g in range(4)]

    for t in range(7):
        cps[t].wait()
        slab = (2 * t, 2 * t + 1) if t < 6 else (12,)

        def kh_step(kh, accs, _slab=slab):
            out = []
            for ji, j in enumerate(_slab):
                for g in range(4):
                    u_kg = u_v[kh, pl.ds(bases[g], 16)]
                    out.append(accs[4 * ji + g] +
                               rows_v[j * KH + kh, pl.ds(bases[g], 16)] * u_kg)
            return tuple(out)

        accs = lax.fori_loop(0, KH, kh_step, (zero,) * (4 * len(slab)))
        for ji, j in enumerate(slab):
            for g in range(4):
                obuf_v[j + 8, pl.ds(16 * g, 16)] = accs[4 * ji + g]

    for g in range(4):
        p = zero
        for j in range(T):
            p = p + jnp.maximum(obuf_v[j + 8, pl.ds(16 * g, 16)], 0.0)
            obuf_v[j + 8, pl.ds(16 * g, 16)] = p
        bsum_v[0, pl.ds(16 * g, 16)] = p

    pltpu.sync_copy(bsum_v, shared_v.at[s])
    plsc.subcore_barrier()
    pltpu.sync_copy(shared_v, loc_v)

    for g in range(4):
        off = zero
        for i in range(NW - 1):
            row = loc_v[i, 0, pl.ds(16 * g, 16)]
            off = off + jnp.where(i < s, row, 0.0)
        tk = tk_v[0, pl.ds(bases[g], 16)]
        obuf_v[0, pl.ds(16 * g, 16)] = 1.0 / (1.0 + jnp.exp(-(tk + off)))
        for j in range(T):
            v = obuf_v[j + 8, pl.ds(16 * g, 16)] + off + tk
            obuf_v[j + 8, pl.ds(16 * g, 16)] = 1.0 / (1.0 + jnp.exp(-v))

    pltpu.sync_copy(obuf_v.at[pl.ds(8, T)], out_sc.at[s, pl.ds(0, T), c])

    @pl.when(s == 0)
    def _():
        pltpu.sync_copy(obuf_v.at[pl.ds(0, 1)], row0_hbm.at[pl.ds(0, 1), c])


def kernel(user, sq, user_initial_k, user_improving_k, item_improving_k):
    UNUM = user_initial_k.shape[0]
    INUM = item_improving_k.shape[0]
    it_tbl = jnp.transpose(item_improving_k, (0, 2, 1)).reshape(INUM * KH, SKILL)
    uimp_tbl = jnp.transpose(user_improving_k, (0, 2, 1)).reshape(UNUM * KH, SKILL)

    sq32 = sq.astype(jnp.int32)
    uid = jnp.broadcast_to(jnp.asarray(user, jnp.int32), (16,))

    mesh = plsc.VectorSubcoreMesh(core_axis_name="c", subcore_axis_name="s")
    fn = pl.kernel(
        _sc_body,
        out_type=(jax.ShapeDtypeStruct((NW, T, 2, 64), jnp.float32),
                  jax.ShapeDtypeStruct((1, 2, 64), jnp.float32)),
        mesh=mesh,
        compiler_params=pltpu.CompilerParams(use_tc_tiling_on_sc=True,
                                             needs_layout_passes=False),
        scratch_types=[
            pltpu.VMEM((L_SEQ,), jnp.int32),
            pltpu.VMEM((16,), jnp.int32),
            pltpu.VMEM((NIDX,), jnp.int32),
            pltpu.VMEM((T * KH, SKILL), jnp.float32),
            pltpu.VMEM((KH, SKILL), jnp.float32),
            pltpu.VMEM((1, SKILL), jnp.float32),
            pltpu.VMEM((1, 64), jnp.float32),
            pltpu.VMEM((T + 8, 64), jnp.float32),
            pltpu.VMEM((NW, 1, 64), jnp.float32),
            pltpu.VMEM_SHARED((NW, 1, 64), jnp.float32),
            pltpu.SemaphoreType.DMA,
            pltpu.SemaphoreType.DMA,
            pltpu.SemaphoreType.DMA,
        ],
    )
    out_sc, row0_sc = fn(it_tbl, uimp_tbl, user_initial_k, sq32, uid)

    main = out_sc.reshape(NW * T, SKILL)[:L_SEQ]
    row0 = row0_sc.reshape(1, SKILL)
    out = jnp.concatenate([row0, main], axis=0)
    return (out, 0, 0)

# --- scband reference (transcript-rebuilt; emitter-appended) ---
"""Pipeline reference for scband-k-cmf-17540646437584 (READ-ONLY COPY).

The authoritative reference and input builder live on the scoring server;
editing this copy changes nothing except your own understanding.
"""

import jax, jax.numpy as jnp
import numpy as np

USER_NUM = 10000
ITEM_NUM = 5000
SKILL = 128
KH = 64
L = 200
USER_ID = 1234


def setup_inputs(seed: int = 0) -> dict:
    key = jax.random.key(seed)
    k1, k2 = jax.random.split(key)
    sq = jax.random.randint(k1, (L,), 0, ITEM_NUM, dtype=jnp.int64 if jax.config.jax_enable_x64 else jnp.int32)
    # Q_matrix: binary skill-tagging matrix [item_num, skill_num]
    Q = (jax.random.uniform(k2, (ITEM_NUM, SKILL)) < 0.1).astype(jnp.float32)
    # Parameters per __init__
    user_initial_k = jnp.zeros((USER_NUM, SKILL), dtype=jnp.float32)  # zeros * 0.01
    user_improving_k = jnp.ones((USER_NUM, SKILL, KH), dtype=jnp.float32) * 0.01
    # item_improving_k.data = (ones * 0.01) * Q_matrix_m  (Q broadcast over k_hidden)
    item_improving_k = (jnp.ones((ITEM_NUM, SKILL, KH), dtype=jnp.float32) * 0.01) * Q[:, :, None]
    return {
        "user": USER_ID,
        "sq": sq,
        "user_initial_k": user_initial_k,
        "user_improving_k": user_improving_k,
        "item_improving_k": item_improving_k,
    }


def reference(user, sq, user_initial_k, user_improving_k, item_improving_k):
    # temp_k = user_initial_k[user, :] -> [SKILL]
    temp_k = user_initial_k[user]
    # user_improving_k[user, :] broadcast against item gathers -> [L, SKILL, KH]
    u = user_improving_k[user]               # [SKILL, KH]
    it = jnp.take(item_improving_k, sq, axis=0)  # [L, SKILL, KH]
    improves = jnp.sum(u[None, :, :] * it, axis=2)  # [L, SKILL]
    improves_k = jax.nn.relu(improves)
    # sequential accumulation: temp_k, temp_k+imp[0], temp_k+imp[0]+imp[1], ...
    cums = temp_k[None, :] + jnp.cumsum(improves_k, axis=0)  # [L, SKILL]
    seq = jnp.concatenate([temp_k[None, :], cums], axis=0)   # [L+1, SKILL]
    out = jax.nn.sigmoid(seq)
    return (out, 0, 0)


if False:  # reference __main__ guard neutralized (emitter)
    inp = setup_inputs()
    out = reference(**inp)
    print(out[0].shape)

if __name__ == "__main__":
    import jax
    _d = setup_inputs()
    print(jax.jit(kernel)(*tuple(_d.values())))

</pallas_src>

<mosaic_0001>
#map = affine_map<(d0, d1) -> (0, 0)>
#map1 = affine_map<(d0, d1) -> (0)>
#map2 = affine_map<(d0, d1) -> (0, 0, 0, 0)>
#map3 = affine_map<(d0, d1) -> (0, 0, 0)>
module attributes {stable_mosaic.version = 14 : i64} {
  func.func @_sc_body(%arg0: i32, %arg1: i32, %arg2: memref<320000x128xf32, #tpu.memory_space<hbm>>, %arg3: memref<640000x128xf32, #tpu.memory_space<hbm>>, %arg4: memref<10000x128xf32, #tpu.memory_space<hbm>>, %arg5: memref<200xi32, #tpu.memory_space<hbm>>, %arg6: memref<16xi32, #tpu.memory_space<hbm>>, %arg7: memref<16x13x2x64xf32, #tpu.memory_space<hbm>>, %arg8: memref<1x2x64xf32, #tpu.memory_space<hbm>>, %arg9: memref<200xi32, #tpu.memory_space<vmem>>, %arg10: memref<16xi32, #tpu.memory_space<vmem>>, %arg11: memref<960xi32, #tpu.memory_space<vmem>>, %arg12: memref<832x128xf32, #tpu.memory_space<vmem>>, %arg13: memref<64x128xf32, #tpu.memory_space<vmem>>, %arg14: memref<1x128xf32, #tpu.memory_space<vmem>>, %arg15: memref<1x64xf32, #tpu.memory_space<vmem>>, %arg16: memref<21x64xf32, #tpu.memory_space<vmem>>, %arg17: memref<16x1x64xf32, #tpu.memory_space<vmem>>, %arg18: memref<16x1x64xf32, #tpu.memory_space<vmem_shared>>, %arg19: memref<!tpu.dma_semaphore, #tpu.memory_space<semaphore_mem>>, %arg20: memref<!tpu.dma_semaphore, #tpu.memory_space<semaphore_mem>>, %arg21: memref<!tpu.dma_semaphore, #tpu.memory_space<semaphore_mem>>) attributes {dimension_semantics = [#tpu.dimension_semantics<core_parallel>, #tpu.dimension_semantics<subcore_parallel>], iteration_bounds = array<i64: 2, 16>, scalar_prefetch = 0 : i64, scratch_operands = 13 : i64, tpu.core_type = #tpu.core_type<sc_vector_subcore>, window_params = [{transform_indices = #map}, {transform_indices = #map}, {transform_indices = #map}, {transform_indices = #map1}, {transform_indices = #map1}, {transform_indices = #map2}, {transform_indices = #map3}]} {
    "tpu.region"() ({
      %run_scoped3A = tpu.sem_alloc : memref<!tpu.dma_semaphore, #tpu.memory_space<semaphore_mem>>
      tpu.enqueue_dma source(%arg5 : memref<200xi32, #tpu.memory_space<hbm>>) target(%arg9 : memref<200xi32, #tpu.memory_space<vmem>>) target_semaphore(%run_scoped3A : memref<!tpu.dma_semaphore, #tpu.memory_space<semaphore_mem>>)
      tpu.wait_dma2 semaphore(%run_scoped3A : memref<!tpu.dma_semaphore, #tpu.memory_space<semaphore_mem>>) src(%arg5 : memref<200xi32, #tpu.memory_space<hbm>>) dst(%arg9 : memref<200xi32, #tpu.memory_space<vmem>>)
      tpu.yield
    }) : () -> ()
    "tpu.region"() ({
      %run_scoped3A = tpu.sem_alloc : memref<!tpu.dma_semaphore, #tpu.memory_space<semaphore_mem>>
      tpu.enqueue_dma source(%arg6 : memref<16xi32, #tpu.memory_space<hbm>>) target(%arg10 : memref<16xi32, #tpu.memory_space<vmem>>) target_semaphore(%run_scoped3A : memref<!tpu.dma_semaphore, #tpu.memory_space<semaphore_mem>>)
      tpu.wait_dma2 semaphore(%run_scoped3A : memref<!tpu.dma_semaphore, #tpu.memory_space<semaphore_mem>>) src(%arg6 : memref<16xi32, #tpu.memory_space<hbm>>) dst(%arg10 : memref<16xi32, #tpu.memory_space<vmem>>)
      tpu.yield
    }) : () -> ()
    %iota3A = tpu.iota {dimensions = array<i32: 0>} : vector<16xi32>
    %mul3A = arith.constant 13 : i32
    %mul3A_0 = arith.muli %mul3A, %arg1 : i32
    %add3A = arith.constant 0 : i32
    %add3A_1 = arith.addi %mul3A_0, %add3A : i32
    %min3A = arith.constant 199 : i32
    %min3A_2 = arith.minsi %add3A_1, %min3A : i32
    %broadcast_in_dim3A = arith.constant 1 : i32
    %broadcast_in_dim3A_3 = vector.broadcast %broadcast_in_dim3A : i32 to vector<16xi32>
    %mul3A_4 = vector.broadcast %min3A_2 : i32 to vector<16xi32>
    %mul3A_5 = arith.muli %broadcast_in_dim3A_3, %mul3A_4 : vector<16xi32>
    %gather3A = tpu.vector_load_idx %arg9[%mul3A_5] : memref<200xi32, #tpu.memory_space<vmem>>[vector<16xi32>], vector<16xi32>,
    %mul3A_6 = arith.constant 64 : i32
    %mul3A_7 = vector.broadcast %mul3A_6 : i32 to vector<16xi32>
    %mul3A_8 = arith.muli %gather3A, %mul3A_7 : vector<16xi32>
    %add3A_9 = arith.constant 0 : i32
    %add3A_10 = vector.broadcast %add3A_9 : i32 to vector<16xi32>
    %add3A_11 = arith.addi %mul3A_8, %add3A_10 : vector<16xi32>
    %add3A_12 = arith.addi %add3A_11, %iota3A : vector<16xi32>
    %swap3A = arith.constant 0 : index
    %swap3A_13 = tpu.vector_load %arg11[%swap3A] {strides = array<i32>} : memref<960xi32, #tpu.memory_space<vmem>>, vector<16xi32>,
    tpu.vector_store %arg11[%swap3A], %add3A_12 {strides = array<i32>} : memref<960xi32, #tpu.memory_space<vmem>>, vector<16xi32>,
    %mul3A_14 = arith.constant 64 : i32
    %mul3A_15 = vector.broadcast %mul3A_14 : i32 to vector<16xi32>
    %mul3A_16 = arith.muli %gather3A, %mul3A_15 : vector<16xi32>
    %add3A_17 = arith.constant 16 : i32
    %add3A_18 = vector.broadcast %add3A_17 : i32 to vector<16xi32>
    %add3A_19 = arith.addi %mul3A_16, %add3A_18 : vector<16xi32>
    %add3A_20 = arith.addi %add3A_19, %iota3A : vector<16xi32>
    %swap3A_21 = arith.constant 16 : index
    %swap3A_22 = tpu.vector_load %arg11[%swap3A_21] {strides = array<i32>} : memref<960xi32, #tpu.memory_space<vmem>>, vector<16xi32>,
    tpu.vector_store %arg11[%swap3A_21], %add3A_20 {strides = array<i32>} : memref<960xi32, #tpu.memory_space<vmem>>, vector<16xi32>,
    %mul3A_23 = arith.constant 64 : i32
    %mul3A_24 = vector.broadcast %mul3A_23 : i32 to vector<16xi32>
    %mul3A_25 = arith.muli %gather3A, %mul3A_24 : vector<16xi32>
    %add3A_26 = arith.constant 32 : i32
    %add3A_27 = vector.broadcast %add3A_26 : i32 to vector<16xi32>
    %add3A_28 = arith.addi %mul3A_25, %add3A_27 : vector<16xi32>
    %add3A_29 = arith.addi %add3A_28, %iota3A : vector<16xi32>
    %swap3A_30 = arith.constant 32 : index
    %swap3A_31 = tpu.vector_load %arg11[%swap3A_30] {strides = array<i32>} : memref<960xi32, #tpu.memory_space<vmem>>, vector<16xi32>,
    tpu.vector_store %arg11[%swap3A_30], %add3A_29 {strides = array<i32>} : memref<960xi32, #tpu.memory_space<vmem>>, vector<16xi32>,
    %mul3A_32 = arith.constant 64 : i32
    %mul3A_33 = vector.broadcast %mul3A_32 : i32 to vector<16xi32>
    %mul3A_34 = arith.muli %gather3A, %mul3A_33 : vector<16xi32>
    %add3A_35 = arith.constant 48 : i32
    %add3A_36 = vector.broadcast %add3A_35 : i32 to vector<16xi32>
    %add3A_37 = arith.addi %mul3A_34, %add3A_36 : vector<16xi32>
    %add3A_38 = arith.addi %add3A_37, %iota3A : vector<16xi32>
    %swap3A_39 = arith.constant 48 : index
    %swap3A_40 = tpu.vector_load %arg11[%swap3A_39] {strides = array<i32>} : memref<960xi32, #tpu.memory_space<vmem>>, vector<16xi32>,
    tpu.vector_store %arg11[%swap3A_39], %add3A_38 {strides = array<i32>} : memref<960xi32, #tpu.memory_space<vmem>>, vector<16xi32>,
    %add3A_41 = arith.constant 1 : i32
    %add3A_42 = arith.addi %mul3A_0, %add3A_41 : i32
    %min3A_43 = arith.constant 199 : i32
    %min3A_44 = arith.minsi %add3A_42, %min3A_43 : i32
    %broadcast_in_dim3A_45 = arith.constant 1 : i32
    %broadcast_in_dim3A_46 = vector.broadcast %broadcast_in_dim3A_45 : i32 to vector<16xi32>
    %mul3A_47 = vector.broadcast %min3A_44 : i32 to vector<16xi32>
    %mul3A_48 = arith.muli %broadcast_in_dim3A_46, %mul3A_47 : vector<16xi32>
    %gather3A_49 = tpu.vector_load_idx %arg9[%mul3A_48] : memref<200xi32, #tpu.memory_space<vmem>>[vector<16xi32>], vector<16xi32>,
    %mul3A_50 = arith.constant 64 : i32
    %mul3A_51 = vector.broadcast %mul3A_50 : i32 to vector<16xi32>
    %mul3A_52 = arith.muli %gather3A_49, %mul3A_51 : vector<16xi32>
    %add3A_53 = arith.constant 0 : i32
    %add3A_54 = vector.broadcast %add3A_53 : i32 to vector<16xi32>
    %add3A_55 = arith.addi %mul3A_52, %add3A_54 : vector<16xi32>
    %add3A_56 = arith.addi %add3A_55, %iota3A : vector<16xi32>
    %swap3A_57 = arith.constant 64 : index
    %swap3A_58 = tpu.vector_load %arg11[%swap3A_57] {strides = array<i32>} : memref<960xi32, #tpu.memory_space<vmem>>, vector<16xi32>,
    tpu.vector_store %arg11[%swap3A_57], %add3A_56 {strides = array<i32>} : memref<960xi32, #tpu.memory_space<vmem>>, vector<16xi32>,
    %mul3A_59 = arith.constant 64 : i32
    %mul3A_60 = vector.broadcast %mul3A_59 : i32 to vector<16xi32>
    %mul3A_61 = arith.muli %gather3A_49, %mul3A_60 : vector<16xi32>
    %add3A_62 = arith.constant 16 : i32
    %add3A_63 = vector.broadcast %add3A_62 : i32 to vector<16xi32>
    %add3A_64 = arith.addi %mul3A_61, %add3A_63 : vector<16xi32>
    %add3A_65 = arith.addi %add3A_64, %iota3A : vector<16xi32>
    %swap3A_66 = arith.constant 80 : index
    %swap3A_67 = tpu.vector_load %arg11[%swap3A_66] {strides = array<i32>} : memref<960xi32, #tpu.memory_space<vmem>>, vector<16xi32>,
    tpu.vector_store %arg11[%swap3A_66], %add3A_65 {strides = array<i32>} : memref<960xi32, #tpu.memory_space<vmem>>, vector<16xi32>,
    %mul3A_68 = arith.constant 64 : i32
    %mul3A_69 = vector.broadcast %mul3A_68 : i32 to vector<16xi32>
    %mul3A_70 = arith.muli %gather3A_49, %mul3A_69 : vector<16xi32>
    %add3A_71 = arith.constant 32 : i32
    %add3A_72 = vector.broadcast %add3A_71 : i32 to vector<16xi32>
    %add3A_73 = arith.addi %mul3A_70, %add3A_72 : vector<16xi32>
    %add3A_74 = arith.addi %add3A_73, %iota3A : vector<16xi32>
    %swap3A_75 = arith.constant 96 : index
    %swap3A_76 = tpu.vector_load %arg11[%swap3A_75] {strides = array<i32>} : memref<960xi32, #tpu.memory_space<vmem>>, vector<16xi32>,
    tpu.vector_store %arg11[%swap3A_75], %add3A_74 {strides = array<i32>} : memref<960xi32, #tpu.memory_space<vmem>>, vector<16xi32>,
    %mul3A_77 = arith.constant 64 : i32
    %mul3A_78 = vector.broadcast %mul3A_77 : i32 to vector<16xi32>
    %mul3A_79 = arith.muli %gather3A_49, %mul3A_78 : vector<16xi32>
    %add3A_80 = arith.constant 48 : i32
    %add3A_81 = vector.broadcast %add3A_80 : i32 to vector<16xi32>
    %add3A_82 = arith.addi %mul3A_79, %add3A_81 : vector<16xi32>
    %add3A_83 = arith.addi %add3A_82, %iota3A : vector<16xi32>
    %swap3A_84 = arith.constant 112 : index
    %swap3A_85 = tpu.vector_load %arg11[%swap3A_84] {strides = array<i32>} : memref<960xi32, #tpu.memory_space<vmem>>, vector<16xi32>,
    tpu.vector_store %arg11[%swap3A_84], %add3A_83 {strides = array<i32>} : memref<960xi32, #tpu.memory_space<vmem>>, vector<16xi32>,
    %add3A_86 = arith.constant 2 : i32
    %add3A_87 = arith.addi %mul3A_0, %add3A_86 : i32
    %min3A_88 = arith.constant 199 : i32
    %min3A_89 = arith.minsi %add3A_87, %min3A_88 : i32
    %broadcast_in_dim3A_90 = arith.constant 1 : i32
    %broadcast_in_dim3A_91 = vector.broadcast %broadcast_in_dim3A_90 : i32 to vector<16xi32>
    %mul3A_92 = vector.broadcast %min3A_89 : i32 to vector<16xi32>
    %mul3A_93 = arith.muli %broadcast_in_dim3A_91, %mul3A_92 : vector<16xi32>
    %gather3A_94 = tpu.vector_load_idx %arg9[%mul3A_93] : memref<200xi32, #tpu.memory_space<vmem>>[vector<16xi32>], vector<16xi32>,
    %mul3A_95 = arith.constant 64 : i32
    %mul3A_96 = vector.broadcast %mul3A_95 : i32 to vector<16xi32>
    %mul3A_97 = arith.muli %gather3A_94, %mul3A_96 : vector<16xi32>
    %add3A_98 = arith.constant 0 : i32
    %add3A_99 = vector.broadcast %add3A_98 : i32 to vector<16xi32>
    %add3A_100 = arith.addi %mul3A_97, %add3A_99 : vector<16xi32>
    %add3A_101 = arith.addi %add3A_100, %iota3A : vector<16xi32>
    %swap3A_102 = arith.constant 128 : index
    %swap3A_103 = tpu.vector_load %arg11[%swap3A_102] {strides = array<i32>} : memref<960xi32, #tpu.memory_space<vmem>>, vector<16xi32>,
    tpu.vector_store %arg11[%swap3A_102], %add3A_101 {strides = array<i32>} : memref<960xi32, #tpu.memory_space<vmem>>, vector<16xi32>,
    %mul3A_104 = arith.constant 64 : i32
    %mul3A_105 = vector.broadcast %mul3A_104 : i32 to vector<16xi32>
    %mul3A_106 = arith.muli %gather3A_94, %mul3A_105 : vector<16xi32>
    %add3A_107 = arith.constant 16 : i32
    %add3A_108 = vector.broadcast %add3A_107 : i32 to vector<16xi32>
    %add3A_109 = arith.addi %mul3A_106, %add3A_108 : vector<16xi32>
    %add3A_110 = arith.addi %add3A_109, %iota3A : vector<16xi32>
    %swap3A_111 = arith.constant 144 : index
    %swap3A_112 = tpu.vector_load %arg11[%swap3A_111] {strides = array<i32>} : memref<960xi32, #tpu.memory_space<vmem>>, vector<16xi32>,
    tpu.vector_store %arg11[%swap3A_111], %add3A_110 {strides = array<i32>} : memref<960xi32, #tpu.memory_space<vmem>>, vector<16xi32>,
    %mul3A_113 = arith.constant 64 : i32
    %mul3A_114 = vector.broadcast %mul3A_113 : i32 to vector<16xi32>
    %mul3A_115 = arith.muli %gather3A_94, %mul3A_114 : vector<16xi32>
    %add3A_116 = arith.constant 32 : i32
    %add3A_117 = vector.broadcast %add3A_116 : i32 to vector<16xi32>
    %add3A_118 = arith.addi %mul3A_115, %add3A_117 : vector<16xi32>
    %add3A_119 = arith.addi %add3A_118, %iota3A : vector<16xi32>
    %swap3A_120 = arith.constant 160 : index
    %swap3A_121 = tpu.vector_load %arg11[%swap3A_120] {strides = array<i32>} : memref<960xi32, #tpu.memory_space<vmem>>, vector<16xi32>,
    tpu.vector_store %arg11[%swap3A_120], %add3A_119 {strides = array<i32>} : memref<960xi32, #tpu.memory_space<vmem>>, vector<16xi32>,
    %mul3A_122 = arith.constant 64 : i32
    %mul3A_123 = vector.broadcast %mul3A_122 : i32 to vector<16xi32>
    %mul3A_124 = arith.muli %gather3A_94, %mul3A_123 : vector<16xi32>
    %add3A_125 = arith.constant 48 : i32
    %add3A_126 = vector.broadcast %add3A_125 : i32 to vector<16xi32>
    %add3A_127 = arith.addi %mul3A_124, %add3A_126 : vector<16xi32>
    %add3A_128 = arith.addi %add3A_127, %iota3A : vector<16xi32>
    %swap3A_129 = arith.constant 176 : index
    %swap3A_130 = tpu.vector_load %arg11[%swap3A_129] {strides = array<i32>} : memref<960xi32, #tpu.memory_space<vmem>>, vector<16xi32>,
    tpu.vector_store %arg11[%swap3A_129], %add3A_128 {strides = array<i32>} : memref<960xi32, #tpu.memory_space<vmem>>, vector<16xi32>,
    %add3A_131 = arith.constant 3 : i32
    %add3A_132 = arith.addi %mul3A_0, %add3A_131 : i32
    %min3A_133 = arith.constant 199 : i32
    %min3A_134 = arith.minsi %add3A_132, %min3A_133 : i32
    %broadcast_in_dim3A_135 = arith.constant 1 : i32
    %broadcast_in_dim3A_136 = vector.broadcast %broadcast_in_dim3A_135 : i32 to vector<16xi32>
    %mul3A_137 = vector.broadcast %min3A_134 : i32 to vector<16xi32>
    %mul3A_138 = arith.muli %broadcast_in_dim3A_136, %mul3A_137 : vector<16xi32>
    %gather3A_139 = tpu.vector_load_idx %arg9[%mul3A_138] : memref<200xi32, #tpu.memory_space<vmem>>[vector<16xi32>], vector<16xi32>,
    %mul3A_140 = arith.constant 64 : i32
    %mul3A_141 = vector.broadcast %mul3A_140 : i32 to vector<16xi32>
    %mul3A_142 = arith.muli %gather3A_139, %mul3A_141 : vector<16xi32>
    %add3A_143 = arith.constant 0 : i32
    %add3A_144 = vector.broadcast %add3A_143 : i32 to vector<16xi32>
    %add3A_145 = arith.addi %mul3A_142, %add3A_144 : vector<16xi32>
    %add3A_146 = arith.addi %add3A_145, %iota3A : vector<16xi32>
    %swap3A_147 = arith.constant 192 : index
    %swap3A_148 = tpu.vector_load %arg11[%swap3A_147] {strides = array<i32>} : memref<960xi32, #tpu.memory_space<vmem>>, vector<16xi32>,
    tpu.vector_store %arg11[%swap3A_147], %add3A_146 {strides = array<i32>} : memref<960xi32, #tpu.memory_space<vmem>>, vector<16xi32>,
    %mul3A_149 = arith.constant 64 : i32
    %mul3A_150 = vector.broadcast %mul3A_149 : i32 to vector<16xi32>
    %mul3A_151 = arith.muli %gather3A_139, %mul3A_150 : vector<16xi32>
    %add3A_152 = arith.constant 16 : i32
    %add3A_153 = vector.broadcast %add3A_152 : i32 to vector<16xi32>
    %add3A_154 = arith.addi %mul3A_151, %add3A_153 : vector<16xi32>
    %add3A_155 = arith.addi %add3A_154, %iota3A : vector<16xi32>
    %swap3A_156 = arith.constant 208 : index
    %swap3A_157 = tpu.vector_load %arg11[%swap3A_156] {strides = array<i32>} : memref<960xi32, #tpu.memory_space<vmem>>, vector<16xi32>,
    tpu.vector_store %arg11[%swap3A_156], %add3A_155 {strides = array<i32>} : memref<960xi32, #tpu.memory_space<vmem>>, vector<16xi32>,
    %mul3A_158 = arith.constant 64 : i32
    %mul3A_159 = vector.broadcast %mul3A_158 : i32 to vector<16xi32>
    %mul3A_160 = arith.muli %gather3A_139, %mul3A_159 : vector<16xi32>
    %add3A_161 = arith.constant 32 : i32
    %add3A_162 = vector.broadcast %add3A_161 : i32 to vector<16xi32>
    %add3A_163 = arith.addi %mul3A_160, %add3A_162 : vector<16xi32>
    %add3A_164 = arith.addi %add3A_163, %iota3A : vector<16xi32>
    %swap3A_165 = arith.constant 224 : index
    %swap3A_166 = tpu.vector_load %arg11[%swap3A_165] {strides = array<i32>} : memref<960xi32, #tpu.memory_space<vmem>>, vector<16xi32>,
    tpu.vector_store %arg11[%swap3A_165], %add3A_164 {strides = array<i32>} : memref<960xi32, #tpu.memory_space<vmem>>, vector<16xi32>,
    %mul3A_167 = arith.constant 64 : i32
    %mul3A_168 = vector.broadcast %mul3A_167 : i32 to vector<16xi32>
    %mul3A_169 = arith.muli %gather3A_139, %mul3A_168 : vector<16xi32>
    %add3A_170 = arith.constant 48 : i32
    %add3A_171 = vector.broadcast %add3A_170 : i32 to vector<16xi32>
    %add3A_172 = arith.addi %mul3A_169, %add3A_171 : vector<16xi32>
    %add3A_173 = arith.addi %add3A_172, %iota3A : vector<16xi32>
    %swap3A_174 = arith.constant 240 : index
    %swap3A_175 = tpu.vector_load %arg11[%swap3A_174] {strides = array<i32>} : memref<960xi32, #tpu.memory_space<vmem>>, vector<16xi32>,
    tpu.vector_store %arg11[%swap3A_174], %add3A_173 {strides = array<i32>} : memref<960xi32, #tpu.memory_space<vmem>>, vector<16xi32>,
    %add3A_176 = arith.constant 4 : i32
    %add3A_177 = arith.addi %mul3A_0, %add3A_176 : i32
    %min3A_178 = arith.constant 199 : i32
    %min3A_179 = arith.minsi %add3A_177, %min3A_178 : i32
    %broadcast_in_dim3A_180 = arith.constant 1 : i32
    %broadcast_in_dim3A_181 = vector.broadcast %broadcast_in_dim3A_180 : i32 to vector<16xi32>
    %mul3A_182 = vector.broadcast %min3A_179 : i32 to vector<16xi32>
    %mul3A_183 = arith.muli %broadcast_in_dim3A_181, %mul3A_182 : vector<16xi32>
    %gather3A_184 = tpu.vector_load_idx %arg9[%mul3A_183] : memref<200xi32, #tpu.memory_space<vmem>>[vector<16xi32>], vector<16xi32>,
    %mul3A_185 = arith.constant 64 : i32
    %mul3A_186 = vector.broadcast %mul3A_185 : i32 to vector<16xi32>
    %mul3A_187 = arith.muli %gather3A_184, %mul3A_186 : vector<16xi32>
    %add3A_188 = arith.constant 0 : i32
    %add3A_189 = vector.broadcast %add3A_188 : i32 to vector<16xi32>
    %add3A_190 = arith.addi %mul3A_187, %add3A_189 : vector<16xi32>
    %add3A_191 = arith.addi %add3A_190, %iota3A : vector<16xi32>
    %swap3A_192 = arith.constant 256 : index
    %swap3A_193 = tpu.vector_load %arg11[%swap3A_192] {strides = array<i32>} : memref<960xi32, #tpu.memory_space<vmem>>, vector<16xi32>,
    tpu.vector_store %arg11[%swap3A_192], %add3A_191 {strides = array<i32>} : memref<960xi32, #tpu.memory_space<vmem>>, vector<16xi32>,
    %mul3A_194 = arith.constant 64 : i32
    %mul3A_195 = vector.broadcast %mul3A_194 : i32 to vector<16xi32>
    %mul3A_196 = arith.muli %gather3A_184, %mul3A_195 : vector<16xi32>
    %add3A_197 = arith.constant 16 : i32
    %add3A_198 = vector.broadcast %add3A_197 : i32 to vector<16xi32>
    %add3A_199 = arith.addi %mul3A_196, %add3A_198 : vector<16xi32>
    %add3A_200 = arith.addi %add3A_199, %iota3A : vector<16xi32>
    %swap3A_201 = arith.constant 272 : index
    %swap3A_202 = tpu.vector_load %arg11[%swap3A_201] {strides = array<i32>} : memref<960xi32, #tpu.memory_space<vmem>>, vector<16xi32>,
    tpu.vector_store %arg11[%swap3A_201], %add3A_200 {strides = array<i32>} : memref<960xi32, #tpu.memory_space<vmem>>, vector<16xi32>,
    %mul3A_203 = arith.constant 64 : i32
    %mul3A_204 = vector.broadcast %mul3A_203 : i32 to vector<16xi32>
    %mul3A_205 = arith.muli %gather3A_184, %mul3A_204 : vector<16xi32>
    %add3A_206 = arith.constant 32 : i32
    %add3A_207 = vector.broadcast %add3A_206 : i32 to vector<16xi32>
    %add3A_208 = arith.addi %mul3A_205, %add3A_207 : vector<16xi32>
    %add3A_209 = arith.addi %add3A_208, %iota3A : vector<16xi32>
    %swap3A_210 = arith.constant 288 : index
    %swap3A_211 = tpu.vector_load %arg11[%swap3A_210] {strides = array<i32>} : memref<960xi32, #tpu.memory_space<vmem>>, vector<16xi32>,
    tpu.vector_store %arg11[%swap3A_210], %add3A_209 {strides = array<i32>} : memref<960xi32, #tpu.memory_space<vmem>>, vector<16xi32>,
    %mul3A_212 = arith.constant 64 : i32
    %mul3A_213 = vector.broadcast %mul3A_212 : i32 to vector<16xi32>
    %mul3A_214 = arith.muli %gather3A_184, %mul3A_213 : vector<16xi32>
    %add3A_215 = arith.constant 48 : i32
    %add3A_216 = vector.broadcast %add3A_215 : i32 to vector<16xi32>
    %add3A_217 = arith.addi %mul3A_214, %add3A_216 : vector<16xi32>
    %add3A_218 = arith.addi %add3A_217, %iota3A : vector<16xi32>
    %swap3A_219 = arith.constant 304 : index
    %swap3A_220 = tpu.vector_load %arg11[%swap3A_219] {strides = array<i32>} : memref<960xi32, #tpu.memory_space<vmem>>, vector<16xi32>,
    tpu.vector_store %arg11[%swap3A_219], %add3A_218 {strides = array<i32>} : memref<960xi32, #tpu.memory_space<vmem>>, vector<16xi32>,
    %add3A_221 = arith.constant 5 : i32
    %add3A_222 = arith.addi %mul3A_0, %add3A_221 : i32
    %min3A_223 = arith.constant 199 : i32
    %min3A_224 = arith.minsi %add3A_222, %min3A_223 : i32
    %broadcast_in_dim3A_225 = arith.constant 1 : i32
    %broadcast_in_dim3A_226 = vector.broadcast %broadcast_in_dim3A_225 : i32 to vector<16xi32>
    %mul3A_227 = vector.broadcast %min3A_224 : i32 to vector<16xi32>
    %mul3A_228 = arith.muli %broadcast_in_dim3A_226, %mul3A_227 : vector<16xi32>
    %gather3A_229 = tpu.vector_load_idx %arg9[%mul3A_228] : memref<200xi32, #tpu.memory_space<vmem>>[vector<16xi32>], vector<16xi32>,
    %mul3A_230 = arith.constant 64 : i32
    %mul3A_231 = vector.broadcast %mul3A_230 : i32 to vector<16xi32>
    %mul3A_232 = arith.muli %gather3A_229, %mul3A_231 : vector<16xi32>
    %add3A_233 = arith.constant 0 : i32
    %add3A_234 = vector.broadcast %add3A_233 : i32 to vector<16xi32>
    %add3A_235 = arith.addi %mul3A_232, %add3A_234 : vector<16xi32>
    %add3A_236 = arith.addi %add3A_235, %iota3A : vector<16xi32>
    %swap3A_237 = arith.constant 320 : index
    %swap3A_238 = tpu.vector_load %arg11[%swap3A_237] {strides = array<i32>} : memref<960xi32, #tpu.memory_space<vmem>>, vector<16xi32>,
    tpu.vector_store %arg11[%swap3A_237], %add3A_236 {strides = array<i32>} : memref<960xi32, #tpu.memory_space<vmem>>, vector<16xi32>,
    %mul3A_239 = arith.constant 64 : i32
    %mul3A_240 = vector.broadcast %mul3A_239 : i32 to vector<16xi32>
    %mul3A_241 = arith.muli %gather3A_229, %mul3A_240 : vector<16xi32>
    %add3A_242 = arith.constant 16 : i32
    %add3A_243 = vector.broadcast %add3A_242 : i32 to vector<16xi32>
    %add3A_244 = arith.addi %mul3A_241, %add3A_243 : vector<16xi32>
    %add3A_245 = arith.addi %add3A_244, %iota3A : vector<16xi32>
    %swap3A_246 = arith.constant 336 : index
    %swap3A_247 = tpu.vector_load %arg11[%swap3A_246] {strides = array<i32>} : memref<960xi32, #tpu.memory_space<vmem>>, vector<16xi32>,
    tpu.vector_store %arg11[%swap3A_246], %add3A_245 {strides = array<i32>} : memref<960xi32, #tpu.memory_space<vmem>>, vector<16xi32>,
    %mul3A_248 = arith.constant 64 : i32
    %mul3A_249 = vector.broadcast %mul3A_248 : i32 to vector<16xi32>
    %mul3A_250 = arith.muli %gather3A_229, %mul3A_249 : vector<16xi32>
    %add3A_251 = arith.constant 32 : i32
    %add3A_252 = vector.broadcast %add3A_251 : i32 to vector<16xi32>
    %add3A_253 = arith.addi %mul3A_250, %add3A_252 : vector<16xi32>
    %add3A_254 = arith.addi %add3A_253, %iota3A : vector<16xi32>
    %swap3A_255 = arith.constant 352 : index
    %swap3A_256 = tpu.vector_load %arg11[%swap3A_255] {strides = array<i32>} : memref<960xi32, #tpu.memory_space<vmem>>, vector<16xi32>,
    tpu.vector_store %arg11[%swap3A_255], %add3A_254 {strides = array<i32>} : memref<960xi32, #tpu.memory_space<vmem>>, vector<16xi32>,
    %mul3A_257 = arith.constant 64 : i32
    %mul3A_258 = vector.broadcast %mul3A_257 : i32 to vector<16xi32>
    %mul3A_259 = arith.muli %gather3A_229, %mul3A_258 : vector<16xi32>
    %add3A_260 = arith.constant 48 : i32
    %add3A_261 = vector.broadcast %add3A_260 : i32 to vector<16xi32>
    %add3A_262 = arith.addi %mul3A_259, %add3A_261 : vector<16xi32>
    %add3A_263 = arith.addi %add3A_262, %iota3A : vector<16xi32>
    %swap3A_264 = arith.constant 368 : index
    %swap3A_265 = tpu.vector_load %arg11[%swap3A_264] {strides = array<i32>} : memref<960xi32, #tpu.memory_space<vmem>>, vector<16xi32>,
    tpu.vector_store %arg11[%swap3A_264], %add3A_263 {strides = array<i32>} : memref<960xi32, #tpu.memory_space<vmem>>, vector<16xi32>,
    %add3A_266 = arith.constant 6 : i32
    %add3A_267 = arith.addi %mul3A_0, %add3A_266 : i32
    %min3A_268 = arith.constant 199 : i32
    %min3A_269 = arith.minsi %add3A_267, %min3A_268 : i32
    %broadcast_in_dim3A_270 = arith.constant 1 : i32
    %broadcast_in_dim3A_271 = vector.broadcast %broadcast_in_dim3A_270 : i32 to vector<16xi32>
    %mul3A_272 = vector.broadcast %min3A_269 : i32 to vector<16xi32>
    %mul3A_273 = arith.muli %broadcast_in_dim3A_271, %mul3A_272 : vector<16xi32>
    %gather3A_274 = tpu.vector_load_idx %arg9[%mul3A_273] : memref<200xi32, #tpu.memory_space<vmem>>[vector<16xi32>], vector<16xi32>,
    %mul3A_275 = arith.constant 64 : i32
    %mul3A_276 = vector.broadcast %mul3A_275 : i32 to vector<16xi32>
    %mul3A_277 = arith.muli %gather3A_274, %mul3A_276 : vector<16xi32>
    %add3A_278 = arith.constant 0 : i32
    %add3A_279 = vector.broadcast %add3A_278 : i32 to vector<16xi32>
    %add3A_280 = arith.addi %mul3A_277, %add3A_279 : vector<16xi32>
    %add3A_281 = arith.addi %add3A_280, %iota3A : vector<16xi32>
    %swap3A_282 = arith.constant 384 : index
    %swap3A_283 = tpu.vector_load %arg11[%swap3A_282] {strides = array<i32>} : memref<960xi32, #tpu.memory_space<vmem>>, vector<16xi32>,
    tpu.vector_store %arg11[%swap3A_282], %add3A_281 {strides = array<i32>} : memref<960xi32, #tpu.memory_space<vmem>>, vector<16xi32>,
    %mul3A_284 = arith.constant 64 : i32
    %mul3A_285 = vector.broadcast %mul3A_284 : i32 to vector<16xi32>
    %mul3A_286 = arith.muli %gather3A_274, %mul3A_285 : vector<16xi32>
    %add3A_287 = arith.constant 16 : i32
    %add3A_288 = vector.broadcast %add3A_287 : i32 to vector<16xi32>
    %add3A_289 = arith.addi %mul3A_286, %add3A_288 : vector<16xi32>
    %add3A_290 = arith.addi %add3A_289, %iota3A : vector<16xi32>
    %swap3A_291 = arith.constant 400 : index
    %swap3A_292 = tpu.vector_load %arg11[%swap3A_291] {strides = array<i32>} : memref<960xi32, #tpu.memory_space<vmem>>, vector<16xi32>,
    tpu.vector_store %arg11[%swap3A_291], %add3A_290 {strides = array<i32>} : memref<960xi32, #tpu.memory_space<vmem>>, vector<16xi32>,
    %mul3A_293 = arith.constant 64 : i32
    %mul3A_294 = vector.broadcast %mul3A_293 : i32 to vector<16xi32>
    %mul3A_295 = arith.muli %gather3A_274, %mul3A_294 : vector<16xi32>
    %add3A_296 = arith.constant 32 : i32
    %add3A_297 = vector.broadcast %add3A_296 : i32 to vector<16xi32>
    %add3A_298 = arith.addi %mul3A_295, %add3A_297 : vector<16xi32>
    %add3A_299 = arith.addi %add3A_298, %iota3A : vector<16xi32>
    %swap3A_300 = arith.constant 416 : index
    %swap3A_301 = tpu.vector_load %arg11[%swap3A_300] {strides = array<i32>} : memref<960xi32, #tpu.memory_space<vmem>>, vector<16xi32>,
    tpu.vector_store %arg11[%swap3A_300], %add3A_299 {strides = array<i32>} : memref<960xi32, #tpu.memory_space<vmem>>, vector<16xi32>,
    %mul3A_302 = arith.constant 64 : i32
    %mul3A_303 = vector.broadcast %mul3A_302 : i32 to vector<16xi32>
    %mul3A_304 = arith.muli %gather3A_274, %mul3A_303 : vector<16xi32>
    %add3A_305 = arith.constant 48 : i32
    %add3A_306 = vector.broadcast %add3A_305 : i32 to vector<16xi32>
    %add3A_307 = arith.addi %mul3A_304, %add3A_306 : vector<16xi32>
    %add3A_308 = arith.addi %add3A_307, %iota3A : vector<16xi32>
    %swap3A_309 = arith.constant 432 : index
    %swap3A_310 = tpu.vector_load %arg11[%swap3A_309] {strides = array<i32>} : memref<960xi32, #tpu.memory_space<vmem>>, vector<16xi32>,
    tpu.vector_store %arg11[%swap3A_309], %add3A_308 {strides = array<i32>} : memref<960xi32, #tpu.memory_space<vmem>>, vector<16xi32>,
    %add3A_311 = arith.constant 7 : i32
    %add3A_312 = arith.addi %mul3A_0, %add3A_311 : i32
    %min3A_313 = arith.constant 199 : i32
    %min3A_314 = arith.minsi %add3A_312, %min3A_313 : i32
    %broadcast_in_dim3A_315 = arith.constant 1 : i32
    %broadcast_in_dim3A_316 = vector.broadcast %broadcast_in_dim3A_315 : i32 to vector<16xi32>
    %mul3A_317 = vector.broadcast %min3A_314 : i32 to vector<16xi32>
    %mul3A_318 = arith.muli %broadcast_in_dim3A_316, %mul3A_317 : vector<16xi32>
    %gather3A_319 = tpu.vector_load_idx %arg9[%mul3A_318] : memref<200xi32, #tpu.memory_space<vmem>>[vector<16xi32>], vector<16xi32>,
    %mul3A_320 = arith.constant 64 : i32
    %mul3A_321 = vector.broadcast %mul3A_320 : i32 to vector<16xi32>
    %mul3A_322 = arith.muli %gather3A_319, %mul3A_321 : vector<16xi32>
    %add3A_323 = arith.constant 0 : i32
    %add3A_324 = vector.broadcast %add3A_323 : i32 to vector<16xi32>
    %add3A_325 = arith.addi %mul3A_322, %add3A_324 : vector<16xi32>
    %add3A_326 = arith.addi %add3A_325, %iota3A : vector<16xi32>
    %swap3A_327 = arith.constant 448 : index
    %swap3A_328 = tpu.vector_load %arg11[%swap3A_327] {strides = array<i32>} : memref<960xi32, #tpu.memory_space<vmem>>, vector<16xi32>,
    tpu.vector_store %arg11[%swap3A_327], %add3A_326 {strides = array<i32>} : memref<960xi32, #tpu.memory_space<vmem>>, vector<16xi32>,
    %mul3A_329 = arith.constant 64 : i32
    %mul3A_330 = vector.broadcast %mul3A_329 : i32 to vector<16xi32>
    %mul3A_331 = arith.muli %gather3A_319, %mul3A_330 : vector<16xi32>
    %add3A_332 = arith.constant 16 : i32
    %add3A_333 = vector.broadcast %add3A_332 : i32 to vector<16xi32>
    %add3A_334 = arith.addi %mul3A_331, %add3A_333 : vector<16xi32>
    %add3A_335 = arith.addi %add3A_334, %iota3A : vector<16xi32>
    %swap3A_336 = arith.constant 464 : index
    %swap3A_337 = tpu.vector_load %arg11[%swap3A_336] {strides = array<i32>} : memref<960xi32, #tpu.memory_space<vmem>>, vector<16xi32>,
    tpu.vector_store %arg11[%swap3A_336], %add3A_335 {strides = array<i32>} : memref<960xi32, #tpu.memory_space<vmem>>, vector<16xi32>,
    %mul3A_338 = arith.constant 64 : i32
    %mul3A_339 = vector.broadcast %mul3A_338 : i32 to vector<16xi32>
    %mul3A_340 = arith.muli %gather3A_319, %mul3A_339 : vector<16xi32>
    %add3A_341 = arith.constant 32 : i32
    %add3A_342 = vector.broadcast %add3A_341 : i32 to vector<16xi32>
    %add3A_343 = arith.addi %mul3A_340, %add3A_342 : vector<16xi32>
    %add3A_344 = arith.addi %add3A_343, %iota3A : vector<16xi32>
    %swap3A_345 = arith.constant 480 : index
    %swap3A_346 = tpu.vector_load %arg11[%swap3A_345] {strides = array<i32>} : memref<960xi32, #tpu.memory_space<vmem>>, vector<16xi32>,
    tpu.vector_store %arg11[%swap3A_345], %add3A_344 {strides = array<i32>} : memref<960xi32, #tpu.memory_space<vmem>>, vector<16xi32>,
    %mul3A_347 = arith.constant 64 : i32
    %mul3A_348 = vector.broadcast %mul3A_347 : i32 to vector<16xi32>
    %mul3A_349 = arith.muli %gather3A_319, %mul3A_348 : vector<16xi32>
    %add3A_350 = arith.constant 48 : i32
    %add3A_351 = vector.broadcast %add3A_350 : i32 to vector<16xi32>
    %add3A_352 = arith.addi %mul3A_349, %add3A_351 : vector<16xi32>
    %add3A_353 = arith.addi %add3A_352, %iota3A : vector<16xi32>
    %swap3A_354 = arith.constant 496 : index
    %swap3A_355 = tpu.vector_load %arg11[%swap3A_354] {strides = array<i32>} : memref<960xi32, #tpu.memory_space<vmem>>, vector<16xi32>,
    tpu.vector_store %arg11[%swap3A_354], %add3A_353 {strides = array<i32>} : memref<960xi32, #tpu.memory_space<vmem>>, vector<16xi32>,
    %add3A_356 = arith.constant 8 : i32
    %add3A_357 = arith.addi %mul3A_0, %add3A_356 : i32
    %min3A_358 = arith.constant 199 : i32
    %min3A_359 = arith.minsi %add3A_357, %min3A_358 : i32
    %broadcast_in_dim3A_360 = arith.constant 1 : i32
    %broadcast_in_dim3A_361 = vector.broadcast %broadcast_in_dim3A_360 : i32 to vector<16xi32>
    %mul3A_362 = vector.broadcast %min3A_359 : i32 to vector<16xi32>
    %mul3A_363 = arith.muli %broadcast_in_dim3A_361, %mul3A_362 : vector<16xi32>
    %gather3A_364 = tpu.vector_load_idx %arg9[%mul3A_363] : memref<200xi32, #tpu.memory_space<vmem>>[vector<16xi32>], vector<16xi32>,
    %mul3A_365 = arith.constant 64 : i32
    %mul3A_366 = vector.broadcast %mul3A_365 : i32 to vector<16xi32>
    %mul3A_367 = arith.muli %gather3A_364, %mul3A_366 : vector<16xi32>
    %add3A_368 = arith.constant 0 : i32
    %add3A_369 = vector.broadcast %add3A_368 : i32 to vector<16xi32>
    %add3A_370 = arith.addi %mul3A_367, %add3A_369 : vector<16xi32>
    %add3A_371 = arith.addi %add3A_370, %iota3A : vector<16xi32>
    %swap3A_372 = arith.constant 512 : index
    %swap3A_373 = tpu.vector_load %arg11[%swap3A_372] {strides = array<i32>} : memref<960xi32, #tpu.memory_space<vmem>>, vector<16xi32>,
    tpu.vector_store %arg11[%swap3A_372], %add3A_371 {strides = array<i32>} : memref<960xi32, #tpu.memory_space<vmem>>, vector<16xi32>,
    %mul3A_374 = arith.constant 64 : i32
    %mul3A_375 = vector.broadcast %mul3A_374 : i32 to vector<16xi32>
    %mul3A_376 = arith.muli %gather3A_364, %mul3A_375 : vector<16xi32>
    %add3A_377 = arith.constant 16 : i32
    %add3A_378 = vector.broadcast %add3A_377 : i32 to vector<16xi32>
    %add3A_379 = arith.addi %mul3A_376, %add3A_378 : vector<16xi32>
    %add3A_380 = arith.addi %add3A_379, %iota3A : vector<16xi32>
    %swap3A_381 = arith.constant 528 : index
    %swap3A_382 = tpu.vector_load %arg11[%swap3A_381] {strides = array<i32>} : memref<960xi32, #tpu.memory_space<vmem>>, vector<16xi32>,
    tpu.vector_store %arg11[%swap3A_381], %add3A_380 {strides = array<i32>} : memref<960xi32, #tpu.memory_space<vmem>>, vector<16xi32>,
    %mul3A_383 = arith.constant 64 : i32
    %mul3A_384 = vector.broadcast %mul3A_383 : i32 to vector<16xi32>
    %mul3A_385 = arith.muli %gather3A_364, %mul3A_384 : vector<16xi32>
    %add3A_386 = arith.constant 32 : i32
    %add3A_387 = vector.broadcast %add3A_386 : i32 to vector<16xi32>
    %add3A_388 = arith.addi %mul3A_385, %add3A_387 : vector<16xi32>
    %add3A_389 = arith.addi %add3A_388, %iota3A : vector<16xi32>
    %swap3A_390 = arith.constant 544 : index
    %swap3A_391 = tpu.vector_load %arg11[%swap3A_390] {strides = array<i32>} : memref<960xi32, #tpu.memory_space<vmem>>, vector<16xi32>,
    tpu.vector_store %arg11[%swap3A_390], %add3A_389 {strides = array<i32>} : memref<960xi32, #tpu.memory_space<vmem>>, vector<16xi32>,
    %mul3A_392 = arith.constant 64 : i32
    %mul3A_393 = vector.broadcast %mul3A_392 : i32 to vector<16xi32>
    %mul3A_394 = arith.muli %gather3A_364, %mul3A_393 : vector<16xi32>
    %add3A_395 = arith.constant 48 : i32
    %add3A_396 = vector.broadcast %add3A_395 : i32 to vector<16xi32>
    %add3A_397 = arith.addi %mul3A_394, %add3A_396 : vector<16xi32>
    %add3A_398 = arith.addi %add3A_397, %iota3A : vector<16xi32>
    %swap3A_399 = arith.constant 560 : index
    %swap3A_400 = tpu.vector_load %arg11[%swap3A_399] {strides = array<i32>} : memref<960xi32, #tpu.memory_space<vmem>>, vector<16xi32>,
    tpu.vector_store %arg11[%swap3A_399], %add3A_398 {strides = array<i32>} : memref<960xi32, #tpu.memory_space<vmem>>, vector<16xi32>,
    %add3A_401 = arith.constant 9 : i32
    %add3A_402 = arith.addi %mul3A_0, %add3A_401 : i32
    %min3A_403 = arith.constant 199 : i32
    %min3A_404 = arith.minsi %add3A_402, %min3A_403 : i32
    %broadcast_in_dim3A_405 = arith.constant 1 : i32
    %broadcast_in_dim3A_406 = vector.broadcast %broadcast_in_dim3A_405 : i32 to vector<16xi32>
    %mul3A_407 = vector.broadcast %min3A_404 : i32 to vector<16xi32>
    %mul3A_408 = arith.muli %broadcast_in_dim3A_406, %mul3A_407 : vector<16xi32>
    %gather3A_409 = tpu.vector_load_idx %arg9[%mul3A_408] : memref<200xi32, #tpu.memory_space<vmem>>[vector<16xi32>], vector<16xi32>,
    %mul3A_410 = arith.constant 64 : i32
    %mul3A_411 = vector.broadcast %mul3A_410 : i32 to vector<16xi32>
    %mul3A_412 = arith.muli %gather3A_409, %mul3A_411 : vector<16xi32>
    %add3A_413 = arith.constant 0 : i32
    %add3A_414 = vector.broadcast %add3A_413 : i32 to vector<16xi32>
    %add3A_415 = arith.addi %mul3A_412, %add3A_414 : vector<16xi32>
    %add3A_416 = arith.addi %add3A_415, %iota3A : vector<16xi32>
    %swap3A_417 = arith.constant 576 : index
    %swap3A_418 = tpu.vector_load %arg11[%swap3A_417] {strides = array<i32>} : memref<960xi32, #tpu.memory_space<vmem>>, vector<16xi32>,
    tpu.vector_store %arg11[%swap3A_417], %add3A_416 {strides = array<i32>} : memref<960xi32, #tpu.memory_space<vmem>>, vector<16xi32>,
    %mul3A_419 = arith.constant 64 : i32
    %mul3A_420 = vector.broadcast %mul3A_419 : i32 to vector<16xi32>
    %mul3A_421 = arith.muli %gather3A_409, %mul3A_420 : vector<16xi32>
    %add3A_422 = arith.constant 16 : i32
    %add3A_423 = vector.broadcast %add3A_422 : i32 to vector<16xi32>
    %add3A_424 = arith.addi %mul3A_421, %add3A_423 : vector<16xi32>
    %add3A_425 = arith.addi %add3A_424, %iota3A : vector<16xi32>
    %swap3A_426 = arith.constant 592 : index
    %swap3A_427 = tpu.vector_load %arg11[%swap3A_426] {strides = array<i32>} : memref<960xi32, #tpu.memory_space<vmem>>, vector<16xi32>,
    tpu.vector_store %arg11[%swap3A_426], %add3A_425 {strides = array<i32>} : memref<960xi32, #tpu.memory_space<vmem>>, vector<16xi32>,
    %mul3A_428 = arith.constant 64 : i32
    %mul3A_429 = vector.broadcast %mul3A_428 : i32 to vector<16xi32>
    %mul3A_430 = arith.muli %gather3A_409, %mul3A_429 : vector<16xi32>
    %add3A_431 = arith.constant 32 : i32
    %add3A_432 = vector.broadcast %add3A_431 : i32 to vector<16xi32>
    %add3A_433 = arith.addi %mul3A_430, %add3A_432 : vector<16xi32>
    %add3A_434 = arith.addi %add3A_433, %iota3A : vector<16xi32>
    %swap3A_435 = arith.constant 608 : index
    %swap3A_436 = tpu.vector_load %arg11[%swap3A_435] {strides = array<i32>} : memref<960xi32, #tpu.memory_space<vmem>>, vector<16xi32>,
    tpu.vector_store %arg11[%swap3A_435], %add3A_434 {strides = array<i32>} : memref<960xi32, #tpu.memory_space<vmem>>, vector<16xi32>,
    %mul3A_437 = arith.constant 64 : i32
    %mul3A_438 = vector.broadcast %mul3A_437 : i32 to vector<16xi32>
    %mul3A_439 = arith.muli %gather3A_409, %mul3A_438 : vector<16xi32>
    %add3A_440 = arith.constant 48 : i32
    %add3A_441 = vector.broadcast %add3A_440 : i32 to vector<16xi32>
    %add3A_442 = arith.addi %mul3A_439, %add3A_441 : vector<16xi32>
    %add3A_443 = arith.addi %add3A_442, %iota3A : vector<16xi32>
    %swap3A_444 = arith.constant 624 : index
    %swap3A_445 = tpu.vector_load %arg11[%swap3A_444] {strides = array<i32>} : memref<960xi32, #tpu.memory_space<vmem>>, vector<16xi32>,
    tpu.vector_store %arg11[%swap3A_444], %add3A_443 {strides = array<i32>} : memref<960xi32, #tpu.memory_space<vmem>>, vector<16xi32>,
    %add3A_446 = arith.constant 10 : i32
    %add3A_447 = arith.addi %mul3A_0, %add3A_446 : i32
    %min3A_448 = arith.constant 199 : i32
    %min3A_449 = arith.minsi %add3A_447, %min3A_448 : i32
    %broadcast_in_dim3A_450 = arith.constant 1 : i32
    %broadcast_in_dim3A_451 = vector.broadcast %broadcast_in_dim3A_450 : i32 to vector<16xi32>
    %mul3A_452 = vector.broadcast %min3A_449 : i32 to vector<16xi32>
    %mul3A_453 = arith.muli %broadcast_in_dim3A_451, %mul3A_452 : vector<16xi32>
    %gather3A_454 = tpu.vector_load_idx %arg9[%mul3A_453] : memref<200xi32, #tpu.memory_space<vmem>>[vector<16xi32>], vector<16xi32>,
    %mul3A_455 = arith.constant 64 : i32
    %mul3A_456 = vector.broadcast %mul3A_455 : i32 to vector<16xi32>
    %mul3A_457 = arith.muli %gather3A_454, %mul3A_456 : vector<16xi32>
    %add3A_458 = arith.constant 0 : i32
    %add3A_459 = vector.broadcast %add3A_458 : i32 to vector<16xi32>
    %add3A_460 = arith.addi %mul3A_457, %add3A_459 : vector<16xi32>
    %add3A_461 = arith.addi %add3A_460, %iota3A : vector<16xi32>
    %swap3A_462 = arith.constant 640 : index
    %swap3A_463 = tpu.vector_load %arg11[%swap3A_462] {strides = array<i32>} : memref<960xi32, #tpu.memory_space<vmem>>, vector<16xi32>,
    tpu.vector_store %arg11[%swap3A_462], %add3A_461 {strides = array<i32>} : memref<960xi32, #tpu.memory_space<vmem>>, vector<16xi32>,
    %mul3A_464 = arith.constant 64 : i32
    %mul3A_465 = vector.broadcast %mul3A_464 : i32 to vector<16xi32>
    %mul3A_466 = arith.muli %gather3A_454, %mul3A_465 : vector<16xi32>
    %add3A_467 = arith.constant 16 : i32
    %add3A_468 = vector.broadcast %add3A_467 : i32 to vector<16xi32>
    %add3A_469 = arith.addi %mul3A_466, %add3A_468 : vector<16xi32>
    %add3A_470 = arith.addi %add3A_469, %iota3A : vector<16xi32>
    %swap3A_471 = arith.constant 656 : index
    %swap3A_472 = tpu.vector_load %arg11[%swap3A_471] {strides = array<i32>} : memref<960xi32, #tpu.memory_space<vmem>>, vector<16xi32>,
    tpu.vector_store %arg11[%swap3A_471], %add3A_470 {strides = array<i32>} : memref<960xi32, #tpu.memory_space<vmem>>, vector<16xi32>,
    %mul3A_473 = arith.constant 64 : i32
    %mul3A_474 = vector.broadcast %mul3A_473 : i32 to vector<16xi32>
    %mul3A_475 = arith.muli %gather3A_454, %mul3A_474 : vector<16xi32>
    %add3A_476 = arith.constant 32 : i32
    %add3A_477 = vector.broadcast %add3A_476 : i32 to vector<16xi32>
    %add3A_478 = arith.addi %mul3A_475, %add3A_477 : vector<16xi32>
    %add3A_479 = arith.addi %add3A_478, %iota3A : vector<16xi32>
    %swap3A_480 = arith.constant 672 : index
    %swap3A_481 = tpu.vector_load %arg11[%swap3A_480] {strides = array<i32>} : memref<960xi32, #tpu.memory_space<vmem>>, vector<16xi32>,
    tpu.vector_store %arg11[%swap3A_480], %add3A_479 {strides = array<i32>} : memref<960xi32, #tpu.memory_space<vmem>>, vector<16xi32>,
    %mul3A_482 = arith.constant 64 : i32
    %mul3A_483 = vector.broadcast %mul3A_482 : i32 to vector<16xi32>
    %mul3A_484 = arith.muli %gather3A_454, %mul3A_483 : vector<16xi32>
    %add3A_485 = arith.constant 48 : i32
    %add3A_486 = vector.broadcast %add3A_485 : i32 to vector<16xi32>
    %add3A_487 = arith.addi %mul3A_484, %add3A_486 : vector<16xi32>
    %add3A_488 = arith.addi %add3A_487, %iota3A : vector<16xi32>
    %swap3A_489 = arith.constant 688 : index
    %swap3A_490 = tpu.vector_load %arg11[%swap3A_489] {strides = array<i32>} : memref<960xi32, #tpu.memory_space<vmem>>, vector<16xi32>,
    tpu.vector_store %arg11[%swap3A_489], %add3A_488 {strides = array<i32>} : memref<960xi32, #tpu.memory_space<vmem>>, vector<16xi32>,
    %add3A_491 = arith.constant 11 : i32
    %add3A_492 = arith.addi %mul3A_0, %add3A_491 : i32
    %min3A_493 = arith.constant 199 : i32
    %min3A_494 = arith.minsi %add3A_492, %min3A_493 : i32
    %broadcast_in_dim3A_495 = arith.constant 1 : i32
    %broadcast_in_dim3A_496 = vector.broadcast %broadcast_in_dim3A_495 : i32 to vector<16xi32>
    %mul3A_497 = vector.broadcast %min3A_494 : i32 to vector<16xi32>
    %mul3A_498 = arith.muli %broadcast_in_dim3A_496, %mul3A_497 : vector<16xi32>
    %gather3A_499 = tpu.vector_load_idx %arg9[%mul3A_498] : memref<200xi32, #tpu.memory_space<vmem>>[vector<16xi32>], vector<16xi32>,
    %mul3A_500 = arith.constant 64 : i32
    %mul3A_501 = vector.broadcast %mul3A_500 : i32 to vector<16xi32>
    %mul3A_502 = arith.muli %gather3A_499, %mul3A_501 : vector<16xi32>
    %add3A_503 = arith.constant 0 : i32
    %add3A_504 = vector.broadcast %add3A_503 : i32 to vector<16xi32>
    %add3A_505 = arith.addi %mul3A_502, %add3A_504 : vector<16xi32>
    %add3A_506 = arith.addi %add3A_505, %iota3A : vector<16xi32>
    %swap3A_507 = arith.constant 704 : index
    %swap3A_508 = tpu.vector_load %arg11[%swap3A_507] {strides = array<i32>} : memref<960xi32, #tpu.memory_space<vmem>>, vector<16xi32>,
    tpu.vector_store %arg11[%swap3A_507], %add3A_506 {strides = array<i32>} : memref<960xi32, #tpu.memory_space<vmem>>, vector<16xi32>,
    %mul3A_509 = arith.constant 64 : i32
    %mul3A_510 = vector.broadcast %mul3A_509 : i32 to vector<16xi32>
    %mul3A_511 = arith.muli %gather3A_499, %mul3A_510 : vector<16xi32>
    %add3A_512 = arith.constant 16 : i32
    %add3A_513 = vector.broadcast %add3A_512 : i32 to vector<16xi32>
    %add3A_514 = arith.addi %mul3A_511, %add3A_513 : vector<16xi32>
    %add3A_515 = arith.addi %add3A_514, %iota3A : vector<16xi32>
    %swap3A_516 = arith.constant 720 : index
    %swap3A_517 = tpu.vector_load %arg11[%swap3A_516] {strides = array<i32>} : memref<960xi32, #tpu.memory_space<vmem>>, vector<16xi32>,
    tpu.vector_store %arg11[%swap3A_516], %add3A_515 {strides = array<i32>} : memref<960xi32, #tpu.memory_space<vmem>>, vector<16xi32>,
    %mul3A_518 = arith.constant 64 : i32
    %mul3A_519 = vector.broadcast %mul3A_518 : i32 to vector<16xi32>
    %mul3A_520 = arith.muli %gather3A_499, %mul3A_519 : vector<16xi32>
    %add3A_521 = arith.constant 32 : i32
    %add3A_522 = vector.broadcast %add3A_521 : i32 to vector<16xi32>
    %add3A_523 = arith.addi %mul3A_520, %add3A_522 : vector<16xi32>
    %add3A_524 = arith.addi %add3A_523, %iota3A : vector<16xi32>
    %swap3A_525 = arith.constant 736 : index
    %swap3A_526 = tpu.vector_load %arg11[%swap3A_525] {strides = array<i32>} : memref<960xi32, #tpu.memory_space<vmem>>, vector<16xi32>,
    tpu.vector_store %arg11[%swap3A_525], %add3A_524 {strides = array<i32>} : memref<960xi32, #tpu.memory_space<vmem>>, vector<16xi32>,
    %mul3A_527 = arith.constant 64 : i32
    %mul3A_528 = vector.broadcast %mul3A_527 : i32 to vector<16xi32>
    %mul3A_529 = arith.muli %gather3A_499, %mul3A_528 : vector<16xi32>
    %add3A_530 = arith.constant 48 : i32
    %add3A_531 = vector.broadcast %add3A_530 : i32 to vector<16xi32>
    %add3A_532 = arith.addi %mul3A_529, %add3A_531 : vector<16xi32>
    %add3A_533 = arith.addi %add3A_532, %iota3A : vector<16xi32>
    %swap3A_534 = arith.constant 752 : index
    %swap3A_535 = tpu.vector_load %arg11[%swap3A_534] {strides = array<i32>} : memref<960xi32, #tpu.memory_space<vmem>>, vector<16xi32>,
    tpu.vector_store %arg11[%swap3A_534], %add3A_533 {strides = array<i32>} : memref<960xi32, #tpu.memory_space<vmem>>, vector<16xi32>,
    %add3A_536 = arith.constant 12 : i32
    %add3A_537 = arith.addi %mul3A_0, %add3A_536 : i32
    %min3A_538 = arith.constant 199 : i32
    %min3A_539 = arith.minsi %add3A_537, %min3A_538 : i32
    %broadcast_in_dim3A_540 = arith.constant 1 : i32
    %broadcast_in_dim3A_541 = vector.broadcast %broadcast_in_dim3A_540 : i32 to vector<16xi32>
    %mul3A_542 = vector.broadcast %min3A_539 : i32 to vector<16xi32>
    %mul3A_543 = arith.muli %broadcast_in_dim3A_541, %mul3A_542 : vector<16xi32>
    %gather3A_544 = tpu.vector_load_idx %arg9[%mul3A_543] : memref<200xi32, #tpu.memory_space<vmem>>[vector<16xi32>], vector<16xi32>,
    %mul3A_545 = arith.constant 64 : i32
    %mul3A_546 = vector.broadcast %mul3A_545 : i32 to vector<16xi32>
    %mul3A_547 = arith.muli %gather3A_544, %mul3A_546 : vector<16xi32>
    %add3A_548 = arith.constant 0 : i32
    %add3A_549 = vector.broadcast %add3A_548 : i32 to vector<16xi32>
    %add3A_550 = arith.addi %mul3A_547, %add3A_549 : vector<16xi32>
    %add3A_551 = arith.addi %add3A_550, %iota3A : vector<16xi32>
    %swap3A_552 = arith.constant 768 : index
    %swap3A_553 = tpu.vector_load %arg11[%swap3A_552] {strides = array<i32>} : memref<960xi32, #tpu.memory_space<vmem>>, vector<16xi32>,
    tpu.vector_store %arg11[%swap3A_552], %add3A_551 {strides = array<i32>} : memref<960xi32, #tpu.memory_space<vmem>>, vector<16xi32>,
    %mul3A_554 = arith.constant 64 : i32
    %mul3A_555 = vector.broadcast %mul3A_554 : i32 to vector<16xi32>
    %mul3A_556 = arith.muli %gather3A_544, %mul3A_555 : vector<16xi32>
    %add3A_557 = arith.constant 16 : i32
    %add3A_558 = vector.broadcast %add3A_557 : i32 to vector<16xi32>
    %add3A_559 = arith.addi %mul3A_556, %add3A_558 : vector<16xi32>
    %add3A_560 = arith.addi %add3A_559, %iota3A : vector<16xi32>
    %swap3A_561 = arith.constant 784 : index
    %swap3A_562 = tpu.vector_load %arg11[%swap3A_561] {strides = array<i32>} : memref<960xi32, #tpu.memory_space<vmem>>, vector<16xi32>,
    tpu.vector_store %arg11[%swap3A_561], %add3A_560 {strides = array<i32>} : memref<960xi32, #tpu.memory_space<vmem>>, vector<16xi32>,
    %mul3A_563 = arith.constant 64 : i32
    %mul3A_564 = vector.broadcast %mul3A_563 : i32 to vector<16xi32>
    %mul3A_565 = arith.muli %gather3A_544, %mul3A_564 : vector<16xi32>
    %add3A_566 = arith.constant 32 : i32
    %add3A_567 = vector.broadcast %add3A_566 : i32 to vector<16xi32>
    %add3A_568 = arith.addi %mul3A_565, %add3A_567 : vector<16xi32>
    %add3A_569 = arith.addi %add3A_568, %iota3A : vector<16xi32>
    %swap3A_570 = arith.constant 800 : index
    %swap3A_571 = tpu.vector_load %arg11[%swap3A_570] {strides = array<i32>} : memref<960xi32, #tpu.memory_space<vmem>>, vector<16xi32>,
    tpu.vector_store %arg11[%swap3A_570], %add3A_569 {strides = array<i32>} : memref<960xi32, #tpu.memory_space<vmem>>, vector<16xi32>,
    %mul3A_572 = arith.constant 64 : i32
    %mul3A_573 = vector.broadcast %mul3A_572 : i32 to vector<16xi32>
    %mul3A_574 = arith.muli %gather3A_544, %mul3A_573 : vector<16xi32>
    %add3A_575 = arith.constant 48 : i32
    %add3A_576 = vector.broadcast %add3A_575 : i32 to vector<16xi32>
    %add3A_577 = arith.addi %mul3A_574, %add3A_576 : vector<16xi32>
    %add3A_578 = arith.addi %add3A_577, %iota3A : vector<16xi32>
    %swap3A_579 = arith.constant 816 : index
    %swap3A_580 = tpu.vector_load %arg11[%swap3A_579] {strides = array<i32>} : memref<960xi32, #tpu.memory_space<vmem>>, vector<16xi32>,
    tpu.vector_store %arg11[%swap3A_579], %add3A_578 {strides = array<i32>} : memref<960xi32, #tpu.memory_space<vmem>>, vector<16xi32>,
    %get3A = arith.constant 0 : index
    %get3A_581 = tpu.vector_load %arg10[%get3A] {strides = array<i32>} : memref<16xi32, #tpu.memory_space<vmem>>, vector<16xi32>,
    %mul3A_582 = arith.constant 64 : i32
    %mul3A_583 = vector.broadcast %mul3A_582 : i32 to vector<16xi32>
    %mul3A_584 = arith.muli %get3A_581, %mul3A_583 : vector<16xi32>
    %add3A_585 = arith.constant 0 : i32
    %add3A_586 = vector.broadcast %add3A_585 : i32 to vector<16xi32>
    %add3A_587 = arith.addi %mul3A_584, %add3A_586 : vector<16xi32>
    %add3A_588 = arith.addi %add3A_587, %iota3A : vector<16xi32>
    %swap3A_589 = arith.constant 832 : index
    %swap3A_590 = tpu.vector_load %arg11[%swap3A_589] {strides = array<i32>} : memref<960xi32, #tpu.memory_space<vmem>>, vector<16xi32>,
    tpu.vector_store %arg11[%swap3A_589], %add3A_588 {strides = array<i32>} : memref<960xi32, #tpu.memory_space<vmem>>, vector<16xi32>,
    %mul3A_591 = arith.constant 64 : i32
    %mul3A_592 = vector.broadcast %mul3A_591 : i32 to vector<16xi32>
    %mul3A_593 = arith.muli %get3A_581, %mul3A_592 : vector<16xi32>
    %add3A_594 = arith.constant 16 : i32
    %add3A_595 = vector.broadcast %add3A_594 : i32 to vector<16xi32>
    %add3A_596 = arith.addi %mul3A_593, %add3A_595 : vector<16xi32>
    %add3A_597 = arith.addi %add3A_596, %iota3A : vector<16xi32>
    %swap3A_598 = arith.constant 848 : index
    %swap3A_599 = tpu.vector_load %arg11[%swap3A_598] {strides = array<i32>} : memref<960xi32, #tpu.memory_space<vmem>>, vector<16xi32>,
    tpu.vector_store %arg11[%swap3A_598], %add3A_597 {strides = array<i32>} : memref<960xi32, #tpu.memory_space<vmem>>, vector<16xi32>,
    %mul3A_600 = arith.constant 64 : i32
    %mul3A_601 = vector.broadcast %mul3A_600 : i32 to vector<16xi32>
    %mul3A_602 = arith.muli %get3A_581, %mul3A_601 : vector<16xi32>
    %add3A_603 = arith.constant 32 : i32
    %add3A_604 = vector.broadcast %add3A_603 : i32 to vector<16xi32>
    %add3A_605 = arith.addi %mul3A_602, %add3A_604 : vector<16xi32>
    %add3A_606 = arith.addi %add3A_605, %iota3A : vector<16xi32>
    %swap3A_607 = arith.constant 864 : index
    %swap3A_608 = tpu.vector_load %arg11[%swap3A_607] {strides = array<i32>} : memref<960xi32, #tpu.memory_space<vmem>>, vector<16xi32>,
    tpu.vector_store %arg11[%swap3A_607], %add3A_606 {strides = array<i32>} : memref<960xi32, #tpu.memory_space<vmem>>, vector<16xi32>,
    %mul3A_609 = arith.constant 64 : i32
    %mul3A_610 = vector.broadcast %mul3A_609 : i32 to vector<16xi32>
    %mul3A_611 = arith.muli %get3A_581, %mul3A_610 : vector<16xi32>
    %add3A_612 = arith.constant 48 : i32
    %add3A_613 = vector.broadcast %add3A_612 : i32 to vector<16xi32>
    %add3A_614 = arith.addi %mul3A_611, %add3A_613 : vector<16xi32>
    %add3A_615 = arith.addi %add3A_614, %iota3A : vector<16xi32>
    %swap3A_616 = arith.constant 880 : index
    %swap3A_617 = tpu.vector_load %arg11[%swap3A_616] {strides = array<i32>} : memref<960xi32, #tpu.memory_space<vmem>>, vector<16xi32>,
    tpu.vector_store %arg11[%swap3A_616], %add3A_615 {strides = array<i32>} : memref<960xi32, #tpu.memory_space<vmem>>, vector<16xi32>,
    %swap3A_618 = arith.constant 896 : index
    %swap3A_619 = tpu.vector_load %arg11[%swap3A_618] {strides = array<i32>} : memref<960xi32, #tpu.memory_space<vmem>>, vector<16xi32>,
    tpu.vector_store %arg11[%swap3A_618], %get3A_581 {strides = array<i32>} : memref<960xi32, #tpu.memory_space<vmem>>, vector<16xi32>,
    %dma_start3A = arith.constant 832 : i32
    %dma_start3A_620 = tpu.memref_slice %arg11[%dma_start3A] : memref<960xi32, #tpu.memory_space<vmem>> -> memref<64xi32, #tpu.memory_space<vmem>>
    %dma_start3A_621 = arith.constant 0 : i32
    %dma_start3A_622 = arith.constant 0 : i32
    %dma_start3A_623 = tpu.memref_slice %arg3[%dma_start3A_621, %dma_start3A_622] : memref<640000x128xf32, #tpu.memory_space<hbm>> -> memref<640000x128xf32, #tpu.memory_space<hbm>>
    tpu.enqueue_indirect_dma source(%dma_start3A_623 : memref<640000x128xf32, #tpu.memory_space<hbm>>) target(%arg13 : memref<64x128xf32, #tpu.memory_space<vmem>>) offsets(%dma_start3A_620 : memref<64xi32, #tpu.memory_space<vmem>>) semaphore(%arg20 : memref<!tpu.dma_semaphore, #tpu.memory_space<semaphore_mem>>)
    %dma_start3A_624 = arith.constant 896 : i32
    %dma_start3A_625 = tpu.memref_slice %arg11[%dma_start3A_624] : memref<960xi32, #tpu.memory_space<vmem>> -> memref<1xi32, #tpu.memory_space<vmem>>
    %dma_start3A_626 = arith.constant 0 : i32
    %dma_start3A_627 = arith.constant 0 : i32
    %dma_start3A_628 = tpu.memref_slice %arg4[%dma_start3A_626, %dma_start3A_627] : memref<10000x128xf32, #tpu.memory_space<hbm>> -> memref<10000x128xf32, #tpu.memory_space<hbm>>
    tpu.enqueue_indirect_dma source(%dma_start3A_628 : memref<10000x128xf32, #tpu.memory_space<hbm>>) target(%arg14 : memref<1x128xf32, #tpu.memory_space<vmem>>) offsets(%dma_start3A_625 : memref<1xi32, #tpu.memory_space<vmem>>) semaphore(%arg21 : memref<!tpu.dma_semaphore, #tpu.memory_space<semaphore_mem>>)
    %dma_start3A_629 = arith.constant 0 : i32
    %dma_start3A_630 = arith.constant 0 : i32
    %dma_start3A_631 = tpu.memref_slice %arg12[%dma_start3A_629, %dma_start3A_630] : memref<832x128xf32, #tpu.memory_space<vmem>> -> memref<128x128xf32, #tpu.memory_space<vmem>>
    %dma_start3A_632 = arith.constant 0 : i32
    %dma_start3A_633 = tpu.memref_slice %arg11[%dma_start3A_632] : memref<960xi32, #tpu.memory_space<vmem>> -> memref<128xi32, #tpu.memory_space<vmem>>
    %dma_start3A_634 = arith.constant 0 : i32
    %dma_start3A_635 = arith.constant 0 : i32
    %dma_start3A_636 = tpu.memref_slice %arg2[%dma_start3A_634, %dma_start3A_635] : memref<320000x128xf32, #tpu.memory_space<hbm>> -> memref<320000x128xf32, #tpu.memory_space<hbm>>
    tpu.enqueue_indirect_dma source(%dma_start3A_636 : memref<320000x128xf32, #tpu.memory_space<hbm>>) target(%dma_start3A_631 : memref<128x128xf32, #tpu.memory_space<vmem>>) offsets(%dma_start3A_633 : memref<128xi32, #tpu.memory_space<vmem>>) semaphore(%arg19 : memref<!tpu.dma_semaphore, #tpu.memory_space<semaphore_mem>>)
    %dma_start3A_637 = arith.constant 128 : i32
    %dma_start3A_638 = arith.constant 0 : i32
    %dma_start3A_639 = tpu.memref_slice %arg12[%dma_start3A_637, %dma_start3A_638] : memref<832x128xf32, #tpu.memory_space<vmem>> -> memref<128x128xf32, #tpu.memory_space<vmem>>
    %dma_start3A_640 = arith.constant 128 : i32
    %dma_start3A_641 = tpu.memref_slice %arg11[%dma_start3A_640] : memref<960xi32, #tpu.memory_space<vmem>> -> memref<128xi32, #tpu.memory_space<vmem>>
    %dma_start3A_642 = arith.constant 0 : i32
    %dma_start3A_643 = arith.constant 0 : i32
    %dma_start3A_644 = tpu.memref_slice %arg2[%dma_start3A_642, %dma_start3A_643] : memref<320000x128xf32, #tpu.memory_space<hbm>> -> memref<320000x128xf32, #tpu.memory_space<hbm>>
    tpu.enqueue_indirect_dma source(%dma_start3A_644 : memref<320000x128xf32, #tpu.memory_space<hbm>>) target(%dma_start3A_639 : memref<128x128xf32, #tpu.memory_space<vmem>>) offsets(%dma_start3A_641 : memref<128xi32, #tpu.memory_space<vmem>>) semaphore(%arg19 : memref<!tpu.dma_semaphore, #tpu.memory_space<semaphore_mem>>)
    %dma_start3A_645 = arith.constant 256 : i32
    %dma_start3A_646 = arith.constant 0 : i32
    %dma_start3A_647 = tpu.memref_slice %arg12[%dma_start3A_645, %dma_start3A_646] : memref<832x128xf32, #tpu.memory_space<vmem>> -> memref<128x128xf32, #tpu.memory_space<vmem>>
    %dma_start3A_648 = arith.constant 256 : i32
    %dma_start3A_649 = tpu.memref_slice %arg11[%dma_start3A_648] : memref<960xi32, #tpu.memory_space<vmem>> -> memref<128xi32, #tpu.memory_space<vmem>>
    %dma_start3A_650 = arith.constant 0 : i32
    %dma_start3A_651 = arith.constant 0 : i32
    %dma_start3A_652 = tpu.memref_slice %arg2[%dma_start3A_650, %dma_start3A_651] : memref<320000x128xf32, #tpu.memory_space<hbm>> -> memref<320000x128xf32, #tpu.memory_space<hbm>>
    tpu.enqueue_indirect_dma source(%dma_start3A_652 : memref<320000x128xf32, #tpu.memory_space<hbm>>) target(%dma_start3A_647 : memref<128x128xf32, #tpu.memory_space<vmem>>) offsets(%dma_start3A_649 : memref<128xi32, #tpu.memory_space<vmem>>) semaphore(%arg19 : memref<!tpu.dma_semaphore, #tpu.memory_space<semaphore_mem>>)
    %dma_start3A_653 = arith.constant 384 : i32
    %dma_start3A_654 = arith.constant 0 : i32
    %dma_start3A_655 = tpu.memref_slice %arg12[%dma_start3A_653, %dma_start3A_654] : memref<832x128xf32, #tpu.memory_space<vmem>> -> memref<128x128xf32, #tpu.memory_space<vmem>>
    %dma_start3A_656 = arith.constant 384 : i32
    %dma_start3A_657 = tpu.memref_slice %arg11[%dma_start3A_656] : memref<960xi32, #tpu.memory_space<vmem>> -> memref<128xi32, #tpu.memory_space<vmem>>
    %dma_start3A_658 = arith.constant 0 : i32
    %dma_start3A_659 = arith.constant 0 : i32
    %dma_start3A_660 = tpu.memref_slice %arg2[%dma_start3A_658, %dma_start3A_659] : memref<320000x128xf32, #tpu.memory_space<hbm>> -> memref<320000x128xf32, #tpu.memory_space<hbm>>
    tpu.enqueue_indirect_dma source(%dma_start3A_660 : memref<320000x128xf32, #tpu.memory_space<hbm>>) target(%dma_start3A_655 : memref<128x128xf32, #tpu.memory_space<vmem>>) offsets(%dma_start3A_657 : memref<128xi32, #tpu.memory_space<vmem>>) semaphore(%arg19 : memref<!tpu.dma_semaphore, #tpu.memory_space<semaphore_mem>>)
    %dma_start3A_661 = arith.constant 512 : i32
    %dma_start3A_662 = arith.constant 0 : i32
    %dma_start3A_663 = tpu.memref_slice %arg12[%dma_start3A_661, %dma_start3A_662] : memref<832x128xf32, #tpu.memory_space<vmem>> -> memref<128x128xf32, #tpu.memory_space<vmem>>
    %dma_start3A_664 = arith.constant 512 : i32
    %dma_start3A_665 = tpu.memref_slice %arg11[%dma_start3A_664] : memref<960xi32, #tpu.memory_space<vmem>> -> memref<128xi32, #tpu.memory_space<vmem>>
    %dma_start3A_666 = arith.constant 0 : i32
    %dma_start3A_667 = arith.constant 0 : i32
    %dma_start3A_668 = tpu.memref_slice %arg2[%dma_start3A_666, %dma_start3A_667] : memref<320000x128xf32, #tpu.memory_space<hbm>> -> memref<320000x128xf32, #tpu.memory_space<hbm>>
    tpu.enqueue_indirect_dma source(%dma_start3A_668 : memref<320000x128xf32, #tpu.memory_space<hbm>>) target(%dma_start3A_663 : memref<128x128xf32, #tpu.memory_space<vmem>>) offsets(%dma_start3A_665 : memref<128xi32, #tpu.memory_space<vmem>>) semaphore(%arg19 : memref<!tpu.dma_semaphore, #tpu.memory_space<semaphore_mem>>)
    %dma_start3A_669 = arith.constant 640 : i32
    %dma_start3A_670 = arith.constant 0 : i32
    %dma_start3A_671 = tpu.memref_slice %arg12[%dma_start3A_669, %dma_start3A_670] : memref<832x128xf32, #tpu.memory_space<vmem>> -> memref<128x128xf32, #tpu.memory_space<vmem>>
    %dma_start3A_672 = arith.constant 640 : i32
    %dma_start3A_673 = tpu.memref_slice %arg11[%dma_start3A_672] : memref<960xi32, #tpu.memory_space<vmem>> -> memref<128xi32, #tpu.memory_space<vmem>>
    %dma_start3A_674 = arith.constant 0 : i32
    %dma_start3A_675 = arith.constant 0 : i32
    %dma_start3A_676 = tpu.memref_slice %arg2[%dma_start3A_674, %dma_start3A_675] : memref<320000x128xf32, #tpu.memory_space<hbm>> -> memref<320000x128xf32, #tpu.memory_space<hbm>>
    tpu.enqueue_indirect_dma source(%dma_start3A_676 : memref<320000x128xf32, #tpu.memory_space<hbm>>) target(%dma_start3A_671 : memref<128x128xf32, #tpu.memory_space<vmem>>) offsets(%dma_start3A_673 : memref<128xi32, #tpu.memory_space<vmem>>) semaphore(%arg19 : memref<!tpu.dma_semaphore, #tpu.memory_space<semaphore_mem>>)
    %dma_start3A_677 = arith.constant 768 : i32
    %dma_start3A_678 = arith.constant 0 : i32
    %dma_start3A_679 = tpu.memref_slice %arg12[%dma_start3A_677, %dma_start3A_678] : memref<832x128xf32, #tpu.memory_space<vmem>> -> memref<64x128xf32, #tpu.memory_space<vmem>>
    %dma_start3A_680 = arith.constant 768 : i32
    %dma_start3A_681 = tpu.memref_slice %arg11[%dma_start3A_680] : memref<960xi32, #tpu.memory_space<vmem>> -> memref<64xi32, #tpu.memory_space<vmem>>
    %dma_start3A_682 = arith.constant 0 : i32
    %dma_start3A_683 = arith.constant 0 : i32
    %dma_start3A_684 = tpu.memref_slice %arg2[%dma_start3A_682, %dma_start3A_683] : memref<320000x128xf32, #tpu.memory_space<hbm>> -> memref<320000x128xf32, #tpu.memory_space<hbm>>
    tpu.enqueue_indirect_dma source(%dma_start3A_684 : memref<320000x128xf32, #tpu.memory_space<hbm>>) target(%dma_start3A_679 : memref<64x128xf32, #tpu.memory_space<vmem>>) offsets(%dma_start3A_681 : memref<64xi32, #tpu.memory_space<vmem>>) semaphore(%arg19 : memref<!tpu.dma_semaphore, #tpu.memory_space<semaphore_mem>>)
    %dma_wait3A = arith.constant 832 : i32
    %dma_wait3A_685 = tpu.memref_slice %arg11[%dma_wait3A] : memref<960xi32, #tpu.memory_space<vmem>> -> memref<64xi32, #tpu.memory_space<vmem>>
    %dma_wait3A_686 = arith.constant 0 : i32
    %dma_wait3A_687 = arith.constant 0 : i32
    %dma_wait3A_688 = tpu.memref_slice %arg3[%dma_wait3A_686, %dma_wait3A_687] : memref<640000x128xf32, #tpu.memory_space<hbm>> -> memref<640000x128xf32, #tpu.memory_space<hbm>>
    tpu.wait_indirect_dma semaphore(%arg20 : memref<!tpu.dma_semaphore, #tpu.memory_space<semaphore_mem>>) src(%dma_wait3A_688 : memref<640000x128xf32, #tpu.memory_space<hbm>>) dst(%arg13 : memref<64x128xf32, #tpu.memory_space<vmem>>)
    %dma_wait3A_689 = arith.constant 896 : i32
    %dma_wait3A_690 = tpu.memref_slice %arg11[%dma_wait3A_689] : memref<960xi32, #tpu.memory_space<vmem>> -> memref<1xi32, #tpu.memory_space<vmem>>
    %dma_wait3A_691 = arith.constant 0 : i32
    %dma_wait3A_692 = arith.constant 0 : i32
    %dma_wait3A_693 = tpu.memref_slice %arg4[%dma_wait3A_691, %dma_wait3A_692] : memref<10000x128xf32, #tpu.memory_space<hbm>> -> memref<10000x128xf32, #tpu.memory_space<hbm>>
    tpu.wait_indirect_dma semaphore(%arg21 : memref<!tpu.dma_semaphore, #tpu.memory_space<semaphore_mem>>) src(%dma_wait3A_693 : memref<10000x128xf32, #tpu.memory_space<hbm>>) dst(%arg14 : memref<1x128xf32, #tpu.memory_space<vmem>>)
    %broadcast_in_dim3A_694 = arith.constant 0.000000e+00 : f32
    %broadcast_in_dim3A_695 = vector.broadcast %broadcast_in_dim3A_694 : f32 to vector<16xf32>
    %mul3A_696 = arith.constant 64 : i32
    %mul3A_697 = arith.muli %mul3A_696, %arg0 : i32
    %add3A_698 = arith.constant 0 : i32
    %add3A_699 = arith.addi %mul3A_697, %add3A_698 : i32
    %mul3A_700 = arith.constant 64 : i32
    %mul3A_701 = arith.muli %mul3A_700, %arg0 : i32
    %add3A_702 = arith.constant 16 : i32
    %add3A_703 = arith.addi %mul3A_701, %add3A_702 : i32
    %mul3A_704 = arith.constant 64 : i32
    %mul3A_705 = arith.muli %mul3A_704, %arg0 : i32
    %add3A_706 = arith.constant 32 : i32
    %add3A_707 = arith.addi %mul3A_705, %add3A_706 : i32
    %mul3A_708 = arith.constant 64 : i32
    %mul3A_709 = arith.muli %mul3A_708, %arg0 : i32
    %add3A_710 = arith.constant 48 : i32
    %add3A_711 = arith.addi %mul3A_709, %add3A_710 : i32
    %dma_wait3A_712 = arith.constant 0 : i32
    %dma_wait3A_713 = arith.constant 0 : i32
    %dma_wait3A_714 = tpu.memref_slice %arg12[%dma_wait3A_712, %dma_wait3A_713] : memref<832x128xf32, #tpu.memory_space<vmem>> -> memref<128x128xf32, #tpu.memory_space<vmem>>
    %dma_wait3A_715 = arith.constant 0 : i32
    %dma_wait3A_716 = tpu.memref_slice %arg11[%dma_wait3A_715] : memref<960xi32, #tpu.memory_space<vmem>> -> memref<128xi32, #tpu.memory_space<vmem>>
    %dma_wait3A_717 = arith.constant 0 : i32
    %dma_wait3A_718 = arith.constant 0 : i32
    %dma_wait3A_719 = tpu.memref_slice %arg2[%dma_wait3A_717, %dma_wait3A_718] : memref<320000x128xf32, #tpu.memory_space<hbm>> -> memref<320000x128xf32, #tpu.memory_space<hbm>>
    tpu.wait_indirect_dma semaphore(%arg19 : memref<!tpu.dma_semaphore, #tpu.memory_space<semaphore_mem>>) src(%dma_wait3A_719 : memref<320000x128xf32, #tpu.memory_space<hbm>>) dst(%dma_wait3A_714 : memref<128x128xf32, #tpu.memory_space<vmem>>)
    %scan3A = arith.constant 0 : i32
    %scan3A_720 = arith.constant 64 : i32
    %scan3A_721 = arith.addi %scan3A, %scan3A_720 : i32
    %scan3A_722 = arith.constant 1 : i32
    %scan3A_723:8 = scf.for %scan3A_3488 = %scan3A to %scan3A_721 step %scan3A_722 iter_args(%scan3A_3489 = %broadcast_in_dim3A_695, %scan3A_3490 = %broadcast_in_dim3A_695, %scan3A_3491 = %broadcast_in_dim3A_695, %scan3A_3492 = %broadcast_in_dim3A_695, %scan3A_3493 = %broadcast_in_dim3A_695, %scan3A_3494 = %broadcast_in_dim3A_695, %scan3A_3495 = %broadcast_in_dim3A_695, %scan3A_3496 = %broadcast_in_dim3A_695) -> (vector<16xf32>, vector<16xf32>, vector<16xf32>, vector<16xf32>, vector<16xf32>, vector<16xf32>, vector<16xf32>, vector<16xf32>)  : i32 {
      %get3A_3497 = arith.index_cast %scan3A_3488 : i32 to index
      %get3A_3498 = arith.index_cast %add3A_699 : i32 to index
      %get3A_3499 = tpu.vector_load %arg13[%get3A_3497, %get3A_3498] {strides = array<i32>} : memref<64x128xf32, #tpu.memory_space<vmem>>, vector<16xf32>,
      %add3A_3500 = arith.constant 0 : i32
      %add3A_3501 = arith.addi %add3A_3500, %scan3A_3488 : i32
      %get3A_3502 = arith.index_cast %add3A_3501 : i32 to index
      %get3A_3503 = arith.index_cast %add3A_699 : i32 to index
      %get3A_3504 = tpu.vector_load %arg12[%get3A_3502, %get3A_3503] {strides = array<i32>} : memref<832x128xf32, #tpu.memory_space<vmem>>, vector<16xf32>,
      %mul3A_3505 = arith.mulf %get3A_3504, %get3A_3499 : vector<16xf32>
      %add3A_3506 = arith.addf %scan3A_3489, %mul3A_3505 : vector<16xf32>
      %get3A_3507 = arith.index_cast %scan3A_3488 : i32 to index
      %get3A_3508 = arith.index_cast %add3A_703 : i32 to index
      %get3A_3509 = tpu.vector_load %arg13[%get3A_3507, %get3A_3508] {strides = array<i32>} : memref<64x128xf32, #tpu.memory_space<vmem>>, vector<16xf32>,
      %add3A_3510 = arith.constant 0 : i32
      %add3A_3511 = arith.addi %add3A_3510, %scan3A_3488 : i32
      %get3A_3512 = arith.index_cast %add3A_3511 : i32 to index
      %get3A_3513 = arith.index_cast %add3A_703 : i32 to index
      %get3A_3514 = tpu.vector_load %arg12[%get3A_3512, %get3A_3513] {strides = array<i32>} : memref<832x128xf32, #tpu.memory_space<vmem>>, vector<16xf32>,
      %mul3A_3515 = arith.mulf %get3A_3514, %get3A_3509 : vector<16xf32>
      %add3A_3516 = arith.addf %scan3A_3490, %mul3A_3515 : vector<16xf32>
      %get3A_3517 = arith.index_cast %scan3A_3488 : i32 to index
      %get3A_3518 = arith.index_cast %add3A_707 : i32 to index
      %get3A_3519 = tpu.vector_load %arg13[%get3A_3517, %get3A_3518] {strides = array<i32>} : memref<64x128xf32, #tpu.memory_space<vmem>>, vector<16xf32>,
      %add3A_3520 = arith.constant 0 : i32
      %add3A_3521 = arith.addi %add3A_3520, %scan3A_3488 : i32
      %get3A_3522 = arith.index_cast %add3A_3521 : i32 to index
      %get3A_3523 = arith.index_cast %add3A_707 : i32 to index
      %get3A_3524 = tpu.vector_load %arg12[%get3A_3522, %get3A_3523] {strides = array<i32>} : memref<832x128xf32, #tpu.memory_space<vmem>>, vector<16xf32>,
      %mul3A_3525 = arith.mulf %get3A_3524, %get3A_3519 : vector<16xf32>
      %add3A_3526 = arith.addf %scan3A_3491, %mul3A_3525 : vector<16xf32>
      %get3A_3527 = arith.index_cast %scan3A_3488 : i32 to index
      %get3A_3528 = arith.index_cast %add3A_711 : i32 to index
      %get3A_3529 = tpu.vector_load %arg13[%get3A_3527, %get3A_3528] {strides = array<i32>} : memref<64x128xf32, #tpu.memory_space<vmem>>, vector<16xf32>,
      %add3A_3530 = arith.constant 0 : i32
      %add3A_3531 = arith.addi %add3A_3530, %scan3A_3488 : i32
      %get3A_3532 = arith.index_cast %add3A_3531 : i32 to index
      %get3A_3533 = arith.index_cast %add3A_711 : i32 to index
      %get3A_3534 = tpu.vector_load %arg12[%get3A_3532, %get3A_3533] {strides = array<i32>} : memref<832x128xf32, #tpu.memory_space<vmem>>, vector<16xf32>,
      %mul3A_3535 = arith.mulf %get3A_3534, %get3A_3529 : vector<16xf32>
      %add3A_3536 = arith.addf %scan3A_3492, %mul3A_3535 : vector<16xf32>
      %get3A_3537 = arith.index_cast %scan3A_3488 : i32 to index
      %get3A_3538 = arith.index_cast %add3A_699 : i32 to index
      %get3A_3539 = tpu.vector_load %arg13[%get3A_3537, %get3A_3538] {strides = array<i32>} : memref<64x128xf32, #tpu.memory_space<vmem>>, vector<16xf32>,
      %add3A_3540 = arith.constant 64 : i32
      %add3A_3541 = arith.addi %add3A_3540, %scan3A_3488 : i32
      %get3A_3542 = arith.index_cast %add3A_3541 : i32 to index
      %get3A_3543 = arith.index_cast %add3A_699 : i32 to index
      %get3A_3544 = tpu.vector_load %arg12[%get3A_3542, %get3A_3543] {strides = array<i32>} : memref<832x128xf32, #tpu.memory_space<vmem>>, vector<16xf32>,
      %mul3A_3545 = arith.mulf %get3A_3544, %get3A_3539 : vector<16xf32>
      %add3A_3546 = arith.addf %scan3A_3493, %mul3A_3545 : vector<16xf32>
      %get3A_3547 = arith.index_cast %scan3A_3488 : i32 to index
      %get3A_3548 = arith.index_cast %add3A_703 : i32 to index
      %get3A_3549 = tpu.vector_load %arg13[%get3A_3547, %get3A_3548] {strides = array<i32>} : memref<64x128xf32, #tpu.memory_space<vmem>>, vector<16xf32>,
      %add3A_3550 = arith.constant 64 : i32
      %add3A_3551 = arith.addi %add3A_3550, %scan3A_3488 : i32
      %get3A_3552 = arith.index_cast %add3A_3551 : i32 to index
      %get3A_3553 = arith.index_cast %add3A_703 : i32 to index
      %get3A_3554 = tpu.vector_load %arg12[%get3A_3552, %get3A_3553] {strides = array<i32>} : memref<832x128xf32, #tpu.memory_space<vmem>>, vector<16xf32>,
      %mul3A_3555 = arith.mulf %get3A_3554, %get3A_3549 : vector<16xf32>
      %add3A_3556 = arith.addf %scan3A_3494, %mul3A_3555 : vector<16xf32>
      %get3A_3557 = arith.index_cast %scan3A_3488 : i32 to index
      %get3A_3558 = arith.index_cast %add3A_707 : i32 to index
      %get3A_3559 = tpu.vector_load %arg13[%get3A_3557, %get3A_3558] {strides = array<i32>} : memref<64x128xf32, #tpu.memory_space<vmem>>, vector<16xf32>,
      %add3A_3560 = arith.constant 64 : i32
      %add3A_3561 = arith.addi %add3A_3560, %scan3A_3488 : i32
      %get3A_3562 = arith.index_cast %add3A_3561 : i32 to index
      %get3A_3563 = arith.index_cast %add3A_707 : i32 to index
      %get3A_3564 = tpu.vector_load %arg12[%get3A_3562, %get3A_3563] {strides = array<i32>} : memref<832x128xf32, #tpu.memory_space<vmem>>, vector<16xf32>,
      %mul3A_3565 = arith.mulf %get3A_3564, %get3A_3559 : vector<16xf32>
      %add3A_3566 = arith.addf %scan3A_3495, %mul3A_3565 : vector<16xf32>
      %get3A_3567 = arith.index_cast %scan3A_3488 : i32 to index
      %get3A_3568 = arith.index_cast %add3A_711 : i32 to index
      %get3A_3569 = tpu.vector_load %arg13[%get3A_3567, %get3A_3568] {strides = array<i32>} : memref<64x128xf32, #tpu.memory_space<vmem>>, vector<16xf32>,
      %add3A_3570 = arith.constant 64 : i32
      %add3A_3571 = arith.addi %add3A_3570, %scan3A_3488 : i32
      %get3A_3572 = arith.index_cast %add3A_3571 : i32 to index
      %get3A_3573 = arith.index_cast %add3A_711 : i32 to index
      %get3A_3574 = tpu.vector_load %arg12[%get3A_3572, %get3A_3573] {strides = array<i32>} : memref<832x128xf32, #tpu.memory_space<vmem>>, vector<16xf32>,
      %mul3A_3575 = arith.mulf %get3A_3574, %get3A_3569 : vector<16xf32>
      %add3A_3576 = arith.addf %scan3A_3496, %mul3A_3575 : vector<16xf32>
      scf.yield %add3A_3506, %add3A_3516, %add3A_3526, %add3A_3536, %add3A_3546, %add3A_3556, %add3A_3566, %add3A_3576 : vector<16xf32>, vector<16xf32>, vector<16xf32>, vector<16xf32>, vector<16xf32>, vector<16xf32>, vector<16xf32>, vector<16xf32>
    }
    %scan3A_724 = arith.constant 64 : i32
    %swap3A_725 = arith.constant 8 : i32
    %swap3A_726 = arith.index_cast %swap3A_725 : i32 to index
    %swap3A_727 = arith.constant 0 : index
    %swap3A_728 = tpu.vector_load %arg16[%swap3A_726, %swap3A_727] {strides = array<i32>} : memref<21x64xf32, #tpu.memory_space<vmem>>, vector<16xf32>,
    tpu.vector_store %arg16[%swap3A_726, %swap3A_727], %scan3A_723#0 {strides = array<i32>} : memref<21x64xf32, #tpu.memory_space<vmem>>, vector<16xf32>,
    %swap3A_729 = arith.constant 8 : i32
    %swap3A_730 = arith.index_cast %swap3A_729 : i32 to index
    %swap3A_731 = arith.constant 16 : index
    %swap3A_732 = tpu.vector_load %arg16[%swap3A_730, %swap3A_731] {strides = array<i32>} : memref<21x64xf32, #tpu.memory_space<vmem>>, vector<16xf32>,
    tpu.vector_store %arg16[%swap3A_730, %swap3A_731], %scan3A_723#1 {strides = array<i32>} : memref<21x64xf32, #tpu.memory_space<vmem>>, vector<16xf32>,
    %swap3A_733 = arith.constant 8 : i32
    %swap3A_734 = arith.index_cast %swap3A_733 : i32 to index
    %swap3A_735 = arith.constant 32 : index
    %swap3A_736 = tpu.vector_load %arg16[%swap3A_734, %swap3A_735] {strides = array<i32>} : memref<21x64xf32, #tpu.memory_space<vmem>>, vector<16xf32>,
    tpu.vector_store %arg16[%swap3A_734, %swap3A_735], %scan3A_723#2 {strides = array<i32>} : memref<21x64xf32, #tpu.memory_space<vmem>>, vector<16xf32>,
    %swap3A_737 = arith.constant 8 : i32
    %swap3A_738 = arith.index_cast %swap3A_737 : i32 to index
    %swap3A_739 = arith.constant 48 : index
    %swap3A_740 = tpu.vector_load %arg16[%swap3A_738, %swap3A_739] {strides = array<i32>} : memref<21x64xf32, #tpu.memory_space<vmem>>, vector<16xf32>,
    tpu.vector_store %arg16[%swap3A_738, %swap3A_739], %scan3A_723#3 {strides = array<i32>} : memref<21x64xf32, #tpu.memory_space<vmem>>, vector<16xf32>,
    %swap3A_741 = arith.constant 9 : i32
    %swap3A_742 = arith.index_cast %swap3A_741 : i32 to index
    %swap3A_743 = arith.constant 0 : index
    %swap3A_744 = tpu.vector_load %arg16[%swap3A_742, %swap3A_743] {strides = array<i32>} : memref<21x64xf32, #tpu.memory_space<vmem>>, vector<16xf32>,
    tpu.vector_store %arg16[%swap3A_742, %swap3A_743], %scan3A_723#4 {strides = array<i32>} : memref<21x64xf32, #tpu.memory_space<vmem>>, vector<16xf32>,
    %swap3A_745 = arith.constant 9 : i32
    %swap3A_746 = arith.index_cast %swap3A_745 : i32 to index
    %swap3A_747 = arith.constant 16 : index
    %swap3A_748 = tpu.vector_load %arg16[%swap3A_746, %swap3A_747] {strides = array<i32>} : memref<21x64xf32, #tpu.memory_space<vmem>>, vector<16xf32>,
    tpu.vector_store %arg16[%swap3A_746, %swap3A_747], %scan3A_723#5 {strides = array<i32>} : memref<21x64xf32, #tpu.memory_space<vmem>>, vector<16xf32>,
    %swap3A_749 = arith.constant 9 : i32
    %swap3A_750 = arith.index_cast %swap3A_749 : i32 to index
    %swap3A_751 = arith.constant 32 : index
    %swap3A_752 = tpu.vector_load %arg16[%swap3A_750, %swap3A_751] {strides = array<i32>} : memref<21x64xf32, #tpu.memory_space<vmem>>, vector<16xf32>,
    tpu.vector_store %arg16[%swap3A_750, %swap3A_751], %scan3A_723#6 {strides = array<i32>} : memref<21x64xf32, #tpu.memory_space<vmem>>, vector<16xf32>,
    %swap3A_753 = arith.constant 9 : i32
    %swap3A_754 = arith.index_cast %swap3A_753 : i32 to index
    %swap3A_755 = arith.constant 48 : index
    %swap3A_756 = tpu.vector_load %arg16[%swap3A_754, %swap3A_755] {strides = array<i32>} : memref<21x64xf32, #tpu.memory_space<vmem>>, vector<16xf32>,
    tpu.vector_store %arg16[%swap3A_754, %swap3A_755], %scan3A_723#7 {strides = array<i32>} : memref<21x64xf32, #tpu.memory_space<vmem>>, vector<16xf32>,
    %dma_wait3A_757 = arith.constant 128 : i32
    %dma_wait3A_758 = arith.constant 0 : i32
    %dma_wait3A_759 = tpu.memref_slice %arg12[%dma_wait3A_757, %dma_wait3A_758] : memref<832x128xf32, #tpu.memory_space<vmem>> -> memref<128x128xf32, #tpu.memory_space<vmem>>
    %dma_wait3A_760 = arith.constant 128 : i32
    %dma_wait3A_761 = tpu.memref_slice %arg11[%dma_wait3A_760] : memref<960xi32, #tpu.memory_space<vmem>> -> memref<128xi32, #tpu.memory_space<vmem>>
    %dma_wait3A_762 = arith.constant 0 : i32
    %dma_wait3A_763 = arith.constant 0 : i32
    %dma_wait3A_764 = tpu.memref_slice %arg2[%dma_wait3A_762, %dma_wait3A_763] : memref<320000x128xf32, #tpu.memory_space<hbm>> -> memref<320000x128xf32, #tpu.memory_space<hbm>>
    tpu.wait_indirect_dma semaphore(%arg19 : memref<!tpu.dma_semaphore, #tpu.memory_space<semaphore_mem>>) src(%dma_wait3A_764 : memref<320000x128xf32, #tpu.memory_space<hbm>>) dst(%dma_wait3A_759 : memref<128x128xf32, #tpu.memory_space<vmem>>)
    %scan3A_765 = arith.constant 0 : i32
    %scan3A_766 = arith.constant 64 : i32
    %scan3A_767 = arith.addi %scan3A_765, %scan3A_766 : i32
    %scan3A_768 = arith.constant 1 : i32
    %scan3A_769:8 = scf.for %scan3A_3488 = %scan3A_765 to %scan3A_767 step %scan3A_768 iter_args(%scan3A_3489 = %broadcast_in_dim3A_695, %scan3A_3490 = %broadcast_in_dim3A_695, %scan3A_3491 = %broadcast_in_dim3A_695, %scan3A_3492 = %broadcast_in_dim3A_695, %scan3A_3493 = %broadcast_in_dim3A_695, %scan3A_3494 = %broadcast_in_dim3A_695, %scan3A_3495 = %broadcast_in_dim3A_695, %scan3A_3496 = %broadcast_in_dim3A_695) -> (vector<16xf32>, vector<16xf32>, vector<16xf32>, vector<16xf32>, vector<16xf32>, vector<16xf32>, vector<16xf32>, vector<16xf32>)  : i32 {
      %get3A_3497 = arith.index_cast %scan3A_3488 : i32 to index
      %get3A_3498 = arith.index_cast %add3A_699 : i32 to index
      %get3A_3499 = tpu.vector_load %arg13[%get3A_3497, %get3A_3498] {strides = array<i32>} : memref<64x128xf32, #tpu.memory_space<vmem>>, vector<16xf32>,
      %add3A_3500 = arith.constant 128 : i32
      %add3A_3501 = arith.addi %add3A_3500, %scan3A_3488 : i32
      %get3A_3502 = arith.index_cast %add3A_3501 : i32 to index
      %get3A_3503 = arith.index_cast %add3A_699 : i32 to index
      %get3A_3504 = tpu.vector_load %arg12[%get3A_3502, %get3A_3503] {strides = array<i32>} : memref<832x128xf32, #tpu.memory_space<vmem>>, vector<16xf32>,
      %mul3A_3505 = arith.mulf %get3A_3504, %get3A_3499 : vector<16xf32>
      %add3A_3506 = arith.addf %scan3A_3489, %mul3A_3505 : vector<16xf32>
      %get3A_3507 = arith.index_cast %scan3A_3488 : i32 to index
      %get3A_3508 = arith.index_cast %add3A_703 : i32 to index
      %get3A_3509 = tpu.vector_load %arg13[%get3A_3507, %get3A_3508] {strides = array<i32>} : memref<64x128xf32, #tpu.memory_space<vmem>>, vector<16xf32>,
      %add3A_3510 = arith.constant 128 : i32
      %add3A_3511 = arith.addi %add3A_3510, %scan3A_3488 : i32
      %get3A_3512 = arith.index_cast %add3A_3511 : i32 to index
      %get3A_3513 = arith.index_cast %add3A_703 : i32 to index
      %get3A_3514 = tpu.vector_load %arg12[%get3A_3512, %get3A_3513] {strides = array<i32>} : memref<832x128xf32, #tpu.memory_space<vmem>>, vector<16xf32>,
      %mul3A_3515 = arith.mulf %get3A_3514, %get3A_3509 : vector<16xf32>
      %add3A_3516 = arith.addf %scan3A_3490, %mul3A_3515 : vector<16xf32>
      %get3A_3517 = arith.index_cast %scan3A_3488 : i32 to index
      %get3A_3518 = arith.index_cast %add3A_707 : i32 to index
      %get3A_3519 = tpu.vector_load %arg13[%get3A_3517, %get3A_3518] {strides = array<i32>} : memref<64x128xf32, #tpu.memory_space<vmem>>, vector<16xf32>,
      %add3A_3520 = arith.constant 128 : i32
      %add3A_3521 = arith.addi %add3A_3520, %scan3A_3488 : i32
      %get3A_3522 = arith.index_cast %add3A_3521 : i32 to index
      %get3A_3523 = arith.index_cast %add3A_707 : i32 to index
      %get3A_3524 = tpu.vector_load %arg12[%get3A_3522, %get3A_3523] {strides = array<i32>} : memref<832x128xf32, #tpu.memory_space<vmem>>, vector<16xf32>,
      %mul3A_3525 = arith.mulf %get3A_3524, %get3A_3519 : vector<16xf32>
      %add3A_3526 = arith.addf %scan3A_3491, %mul3A_3525 : vector<16xf32>
      %get3A_3527 = arith.index_cast %scan3A_3488 : i32 to index
      %get3A_3528 = arith.index_cast %add3A_711 : i32 to index
      %get3A_3529 = tpu.vector_load %arg13[%get3A_3527, %get3A_3528] {strides = array<i32>} : memref<64x128xf32, #tpu.memory_space<vmem>>, vector<16xf32>,
      %add3A_3530 = arith.constant 128 : i32
      %add3A_3531 = arith.addi %add3A_3530, %scan3A_3488 : i32
      %get3A_3532 = arith.index_cast %add3A_3531 : i32 to index
      %get3A_3533 = arith.index_cast %add3A_711 : i32 to index
      %get3A_3534 = tpu.vector_load %arg12[%get3A_3532, %get3A_3533] {strides = array<i32>} : memref<832x128xf32, #tpu.memory_space<vmem>>, vector<16xf32>,
      %mul3A_3535 = arith.mulf %get3A_3534, %get3A_3529 : vector<16xf32>
      %add3A_3536 = arith.addf %scan3A_3492, %mul3A_3535 : vector<16xf32>
      %get3A_3537 = arith.index_cast %scan3A_3488 : i32 to index
      %get3A_3538 = arith.index_cast %add3A_699 : i32 to index
      %get3A_3539 = tpu.vector_load %arg13[%get3A_3537, %get3A_3538] {strides = array<i32>} : memref<64x128xf32, #tpu.memory_space<vmem>>, vector<16xf32>,
      %add3A_3540 = arith.constant 192 : i32
      %add3A_3541 = arith.addi %add3A_3540, %scan3A_3488 : i32
      %get3A_3542 = arith.index_cast %add3A_3541 : i32 to index
      %get3A_3543 = arith.index_cast %add3A_699 : i32 to index
      %get3A_3544 = tpu.vector_load %arg12[%get3A_3542, %get3A_3543] {strides = array<i32>} : memref<832x128xf32, #tpu.memory_space<vmem>>, vector<16xf32>,
      %mul3A_3545 = arith.mulf %get3A_3544, %get3A_3539 : vector<16xf32>
      %add3A_3546 = arith.addf %scan3A_3493, %mul3A_3545 : vector<16xf32>
      %get3A_3547 = arith.index_cast %scan3A_3488 : i32 to index
      %get3A_3548 = arith.index_cast %add3A_703 : i32 to index
      %get3A_3549 = tpu.vector_load %arg13[%get3A_3547, %get3A_3548] {strides = array<i32>} : memref<64x128xf32, #tpu.memory_space<vmem>>, vector<16xf32>,
      %add3A_3550 = arith.constant 192 : i32
      %add3A_3551 = arith.addi %add3A_3550, %scan3A_3488 : i32
      %get3A_3552 = arith.index_cast %add3A_3551 : i32 to index
      %get3A_3553 = arith.index_cast %add3A_703 : i32 to index
      %get3A_3554 = tpu.vector_load %arg12[%get3A_3552, %get3A_3553] {strides = array<i32>} : memref<832x128xf32, #tpu.memory_space<vmem>>, vector<16xf32>,
      %mul3A_3555 = arith.mulf %get3A_3554, %get3A_3549 : vector<16xf32>
      %add3A_3556 = arith.addf %scan3A_3494, %mul3A_3555 : vector<16xf32>
      %get3A_3557 = arith.index_cast %scan3A_3488 : i32 to index
      %get3A_3558 = arith.index_cast %add3A_707 : i32 to index
      %get3A_3559 = tpu.vector_load %arg13[%get3A_3557, %get3A_3558] {strides = array<i32>} : memref<64x128xf32, #tpu.memory_space<vmem>>, vector<16xf32>,
      %add3A_3560 = arith.constant 192 : i32
      %add3A_3561 = arith.addi %add3A_3560, %scan3A_3488 : i32
      %get3A_3562 = arith.index_cast %add3A_3561 : i32 to index
      %get3A_3563 = arith.index_cast %add3A_707 : i32 to index
      %get3A_3564 = tpu.vector_load %arg12[%get3A_3562, %get3A_3563] {strides = array<i32>} : memref<832x128xf32, #tpu.memory_space<vmem>>, vector<16xf32>,
      %mul3A_3565 = arith.mulf %get3A_3564, %get3A_3559 : vector<16xf32>
      %add3A_3566 = arith.addf %scan3A_3495, %mul3A_3565 : vector<16xf32>
      %get3A_3567 = arith.index_cast %scan3A_3488 : i32 to index
      %get3A_3568 = arith.index_cast %add3A_711 : i32 to index
      %get3A_3569 = tpu.vector_load %arg13[%get3A_3567, %get3A_3568] {strides = array<i32>} : memref<64x128xf32, #tpu.memory_space<vmem>>, vector<16xf32>,
      %add3A_3570 = arith.constant 192 : i32
      %add3A_3571 = arith.addi %add3A_3570, %scan3A_3488 : i32
      %get3A_3572 = arith.index_cast %add3A_3571 : i32 to index
      %get3A_3573 = arith.index_cast %add3A_711 : i32 to index
      %get3A_3574 = tpu.vector_load %arg12[%get3A_3572, %get3A_3573] {strides = array<i32>} : memref<832x128xf32, #tpu.memory_space<vmem>>, vector<16xf32>,
      %mul3A_3575 = arith.mulf %get3A_3574, %get3A_3569 : vector<16xf32>
      %add3A_3576 = arith.addf %scan3A_3496, %mul3A_3575 : vector<16xf32>
      scf.yield %add3A_3506, %add3A_3516, %add3A_3526, %add3A_3536, %add3A_3546, %add3A_3556, %add3A_3566, %add3A_3576 : vector<16xf32>, vector<16xf32>, vector<16xf32>, vector<16xf32>, vector<16xf32>, vector<16xf32>, vector<16xf32>, vector<16xf32>
    }
    %scan3A_770 = arith.constant 64 : i32
    %swap3A_771 = arith.constant 10 : i32
    %swap3A_772 = arith.index_cast %swap3A_771 : i32 to index
    %swap3A_773 = arith.constant 0 : index
    %swap3A_774 = tpu.vector_load %arg16[%swap3A_772, %swap3A_773] {strides = array<i32>} : memref<21x64xf32, #tpu.memory_space<vmem>>, vector<16xf32>,
    tpu.vector_store %arg16[%swap3A_772, %swap3A_773], %scan3A_769#0 {strides = array<i32>} : memref<21x64xf32, #tpu.memory_space<vmem>>, vector<16xf32>,
    %swap3A_775 = arith.constant 10 : i32
    %swap3A_776 = arith.index_cast %swap3A_775 : i32 to index
    %swap3A_777 = arith.constant 16 : index
    %swap3A_778 = tpu.vector_load %arg16[%swap3A_776, %swap3A_777] {strides = array<i32>} : memref<21x64xf32, #tpu.memory_space<vmem>>, vector<16xf32>,
    tpu.vector_store %arg16[%swap3A_776, %swap3A_777], %scan3A_769#1 {strides = array<i32>} : memref<21x64xf32, #tpu.memory_space<vmem>>, vector<16xf32>,
    %swap3A_779 = arith.constant 10 : i32
    %swap3A_780 = arith.index_cast %swap3A_779 : i32 to index
    %swap3A_781 = arith.constant 32 : index
    %swap3A_782 = tpu.vector_load %arg16[%swap3A_780, %swap3A_781] {strides = array<i32>} : memref<21x64xf32, #tpu.memory_space<vmem>>, vector<16xf32>,
    tpu.vector_store %arg16[%swap3A_780, %swap3A_781], %scan3A_769#2 {strides = array<i32>} : memref<21x64xf32, #tpu.memory_space<vmem>>, vector<16xf32>,
    %swap3A_783 = arith.constant 10 : i32
    %swap3A_784 = arith.index_cast %swap3A_783 : i32 to index
    %swap3A_785 = arith.constant 48 : index
    %swap3A_786 = tpu.vector_load %arg16[%swap3A_784, %swap3A_785] {strides = array<i32>} : memref<21x64xf32, #tpu.memory_space<vmem>>, vector<16xf32>,
    tpu.vector_store %arg16[%swap3A_784, %swap3A_785], %scan3A_769#3 {strides = array<i32>} : memref<21x64xf32, #tpu.memory_space<vmem>>, vector<16xf32>,
    %swap3A_787 = arith.constant 11 : i32
    %swap3A_788 = arith.index_cast %swap3A_787 : i32 to index
    %swap3A_789 = arith.constant 0 : index
    %swap3A_790 = tpu.vector_load %arg16[%swap3A_788, %swap3A_789] {strides = array<i32>} : memref<21x64xf32, #tpu.memory_space<vmem>>, vector<16xf32>,
    tpu.vector_store %arg16[%swap3A_788, %swap3A_789], %scan3A_769#4 {strides = array<i32>} : memref<21x64xf32, #tpu.memory_space<vmem>>, vector<16xf32>,
    %swap3A_791 = arith.constant 11 : i32
    %swap3A_792 = arith.index_cast %swap3A_791 : i32 to index
    %swap3A_793 = arith.constant 16 : index
    %swap3A_794 = tpu.vector_load %arg16[%swap3A_792, %swap3A_793] {strides = array<i32>} : memref<21x64xf32, #tpu.memory_space<vmem>>, vector<16xf32>,
    tpu.vector_store %arg16[%swap3A_792, %swap3A_793], %scan3A_769#5 {strides = array<i32>} : memref<21x64xf32, #tpu.memory_space<vmem>>, vector<16xf32>,
    %swap3A_795 = arith.constant 11 : i32
    %swap3A_796 = arith.index_cast %swap3A_795 : i32 to index
    %swap3A_797 = arith.constant 32 : index
    %swap3A_798 = tpu.vector_load %arg16[%swap3A_796, %swap3A_797] {strides = array<i32>} : memref<21x64xf32, #tpu.memory_space<vmem>>, vector<16xf32>,
    tpu.vector_store %arg16[%swap3A_796, %swap3A_797], %scan3A_769#6 {strides = array<i32>} : memref<21x64xf32, #tpu.memory_space<vmem>>, vector<16xf32>,
    %swap3A_799 = arith.constant 11 : i32
    %swap3A_800 = arith.index_cast %swap3A_799 : i32 to index
    %swap3A_801 = arith.constant 48 : index
    %swap3A_802 = tpu.vector_load %arg16[%swap3A_800, %swap3A_801] {strides = array<i32>} : memref<21x64xf32, #tpu.memory_space<vmem>>, vector<16xf32>,
    tpu.vector_store %arg16[%swap3A_800, %swap3A_801], %scan3A_769#7 {strides = array<i32>} : memref<21x64xf32, #tpu.memory_space<vmem>>, vector<16xf32>,
    %dma_wait3A_803 = arith.constant 256 : i32
    %dma_wait3A_804 = arith.constant 0 : i32
    %dma_wait3A_805 = tpu.memref_slice %arg12[%dma_wait3A_803, %dma_wait3A_804] : memref<832x128xf32, #tpu.memory_space<vmem>> -> memref<128x128xf32, #tpu.memory_space<vmem>>
    %dma_wait3A_806 = arith.constant 256 : i32
    %dma_wait3A_807 = tpu.memref_slice %arg11[%dma_wait3A_806] : memref<960xi32, #tpu.memory_space<vmem>> -> memref<128xi32, #tpu.memory_space<vmem>>
    %dma_wait3A_808 = arith.constant 0 : i32
    %dma_wait3A_809 = arith.constant 0 : i32
    %dma_wait3A_810 = tpu.memref_slice %arg2[%dma_wait3A_808, %dma_wait3A_809] : memref<320000x128xf32, #tpu.memory_space<hbm>> -> memref<320000x128xf32, #tpu.memory_space<hbm>>
    tpu.wait_indirect_dma semaphore(%arg19 : memref<!tpu.dma_semaphore, #tpu.memory_space<semaphore_mem>>) src(%dma_wait3A_810 : memref<320000x128xf32, #tpu.memory_space<hbm>>) dst(%dma_wait3A_805 : memref<128x128xf32, #tpu.memory_space<vmem>>)
    %scan3A_811 = arith.constant 0 : i32
    %scan3A_812 = arith.constant 64 : i32
    %scan3A_813 = arith.addi %scan3A_811, %scan3A_812 : i32
    %scan3A_814 = arith.constant 1 : i32
    %scan3A_815:8 = scf.for %scan3A_3488 = %scan3A_811 to %scan3A_813 step %scan3A_814 iter_args(%scan3A_3489 = %broadcast_in_dim3A_695, %scan3A_3490 = %broadcast_in_dim3A_695, %scan3A_3491 = %broadcast_in_dim3A_695, %scan3A_3492 = %broadcast_in_dim3A_695, %scan3A_3493 = %broadcast_in_dim3A_695, %scan3A_3494 = %broadcast_in_dim3A_695, %scan3A_3495 = %broadcast_in_dim3A_695, %scan3A_3496 = %broadcast_in_dim3A_695) -> (vector<16xf32>, vector<16xf32>, vector<16xf32>, vector<16xf32>, vector<16xf32>, vector<16xf32>, vector<16xf32>, vector<16xf32>)  : i32 {
      %get3A_3497 = arith.index_cast %scan3A_3488 : i32 to index
      %get3A_3498 = arith.index_cast %add3A_699 : i32 to index
      %get3A_3499 = tpu.vector_load %arg13[%get3A_3497, %get3A_3498] {strides = array<i32>} : memref<64x128xf32, #tpu.memory_space<vmem>>, vector<16xf32>,
      %add3A_3500 = arith.constant 256 : i32
      %add3A_3501 = arith.addi %add3A_3500, %scan3A_3488 : i32
      %get3A_3502 = arith.index_cast %add3A_3501 : i32 to index
      %get3A_3503 = arith.index_cast %add3A_699 : i32 to index
      %get3A_3504 = tpu.vector_load %arg12[%get3A_3502, %get3A_3503] {strides = array<i32>} : memref<832x128xf32, #tpu.memory_space<vmem>>, vector<16xf32>,
      %mul3A_3505 = arith.mulf %get3A_3504, %get3A_3499 : vector<16xf32>
      %add3A_3506 = arith.addf %scan3A_3489, %mul3A_3505 : vector<16xf32>
      %get3A_3507 = arith.index_cast %scan3A_3488 : i32 to index
      %get3A_3508 = arith.index_cast %add3A_703 : i32 to index
      %get3A_3509 = tpu.vector_load %arg13[%get3A_3507, %get3A_3508] {strides = array<i32>} : memref<64x128xf32, #tpu.memory_space<vmem>>, vector<16xf32>,
      %add3A_3510 = arith.constant 256 : i32
      %add3A_3511 = arith.addi %add3A_3510, %scan3A_3488 : i32
      %get3A_3512 = arith.index_cast %add3A_3511 : i32 to index
      %get3A_3513 = arith.index_cast %add3A_703 : i32 to index
      %get3A_3514 = tpu.vector_load %arg12[%get3A_3512, %get3A_3513] {strides = array<i32>} : memref<832x128xf32, #tpu.memory_space<vmem>>, vector<16xf32>,
      %mul3A_3515 = arith.mulf %get3A_3514, %get3A_3509 : vector<16xf32>
      %add3A_3516 = arith.addf %scan3A_3490, %mul3A_3515 : vector<16xf32>
      %get3A_3517 = arith.index_cast %scan3A_3488 : i32 to index
      %get3A_3518 = arith.index_cast %add3A_707 : i32 to index
      %get3A_3519 = tpu.vector_load %arg13[%get3A_3517, %get3A_3518] {strides = array<i32>} : memref<64x128xf32, #tpu.memory_space<vmem>>, vector<16xf32>,
      %add3A_3520 = arith.constant 256 : i32
      %add3A_3521 = arith.addi %add3A_3520, %scan3A_3488 : i32
      %get3A_3522 = arith.index_cast %add3A_3521 : i32 to index
      %get3A_3523 = arith.index_cast %add3A_707 : i32 to index
      %get3A_3524 = tpu.vector_load %arg12[%get3A_3522, %get3A_3523] {strides = array<i32>} : memref<832x128xf32, #tpu.memory_space<vmem>>, vector<16xf32>,
      %mul3A_3525 = arith.mulf %get3A_3524, %get3A_3519 : vector<16xf32>
      %add3A_3526 = arith.addf %scan3A_3491, %mul3A_3525 : vector<16xf32>
      %get3A_3527 = arith.index_cast %scan3A_3488 : i32 to index
      %get3A_3528 = arith.index_cast %add3A_711 : i32 to index
      %get3A_3529 = tpu.vector_load %arg13[%get3A_3527, %get3A_3528] {strides = array<i32>} : memref<64x128xf32, #tpu.memory_space<vmem>>, vector<16xf32>,
      %add3A_3530 = arith.constant 256 : i32
      %add3A_3531 = arith.addi %add3A_3530, %scan3A_3488 : i32
      %get3A_3532 = arith.index_cast %add3A_3531 : i32 to index
      %get3A_3533 = arith.index_cast %add3A_711 : i32 to index
      %get3A_3534 = tpu.vector_load %arg12[%get3A_3532, %get3A_3533] {strides = array<i32>} : memref<832x128xf32, #tpu.memory_space<vmem>>, vector<16xf32>,
      %mul3A_3535 = arith.mulf %get3A_3534, %get3A_3529 : vector<16xf32>
      %add3A_3536 = arith.addf %scan3A_3492, %mul3A_3535 : vector<16xf32>
      %get3A_3537 = arith.index_cast %scan3A_3488 : i32 to index
      %get3A_3538 = arith.index_cast %add3A_699 : i32 to index
      %get3A_3539 = tpu.vector_load %arg13[%get3A_3537, %get3A_3538] {strides = array<i32>} : memref<64x128xf32, #tpu.memory_space<vmem>>, vector<16xf32>,
      %add3A_3540 = arith.constant 320 : i32
      %add3A_3541 = arith.addi %add3A_3540, %scan3A_3488 : i32
      %get3A_3542 = arith.index_cast %add3A_3541 : i32 to index
      %get3A_3543 = arith.index_cast %add3A_699 : i32 to index
      %get3A_3544 = tpu.vector_load %arg12[%get3A_3542, %get3A_3543] {strides = array<i32>} : memref<832x128xf32, #tpu.memory_space<vmem>>, vector<16xf32>,
      %mul3A_3545 = arith.mulf %get3A_3544, %get3A_3539 : vector<16xf32>
      %add3A_3546 = arith.addf %scan3A_3493, %mul3A_3545 : vector<16xf32>
      %get3A_3547 = arith.index_cast %scan3A_3488 : i32 to index
      %get3A_3548 = arith.index_cast %add3A_703 : i32 to index
      %get3A_3549 = tpu.vector_load %arg13[%get3A_3547, %get3A_3548] {strides = array<i32>} : memref<64x128xf32, #tpu.memory_space<vmem>>, vector<16xf32>,
      %add3A_3550 = arith.constant 320 : i32
      %add3A_3551 = arith.addi %add3A_3550, %scan3A_3488 : i32
      %get3A_3552 = arith.index_cast %add3A_3551 : i32 to index
      %get3A_3553 = arith.index_cast %add3A_703 : i32 to index
      %get3A_3554 = tpu.vector_load %arg12[%get3A_3552, %get3A_3553] {strides = array<i32>} : memref<832x128xf32, #tpu.memory_space<vmem>>, vector<16xf32>,
      %mul3A_3555 = arith.mulf %get3A_3554, %get3A_3549 : vector<16xf32>
      %add3A_3556 = arith.addf %scan3A_3494, %mul3A_3555 : vector<16xf32>
      %get3A_3557 = arith.index_cast %scan3A_3488 : i32 to index
      %get3A_3558 = arith.index_cast %add3A_707 : i32 to index
      %get3A_3559 = tpu.vector_load %arg13[%get3A_3557, %get3A_3558] {strides = array<i32>} : memref<64x128xf32, #tpu.memory_space<vmem>>, vector<16xf32>,
      %add3A_3560 = arith.constant 320 : i32
      %add3A_3561 = arith.addi %add3A_3560, %scan3A_3488 : i32
      %get3A_3562 = arith.index_cast %add3A_3561 : i32 to index
      %get3A_3563 = arith.index_cast %add3A_707 : i32 to index
      %get3A_3564 = tpu.vector_load %arg12[%get3A_3562, %get3A_3563] {strides = array<i32>} : memref<832x128xf32, #tpu.memory_space<vmem>>, vector<16xf32>,
      %mul3A_3565 = arith.mulf %get3A_3564, %get3A_3559 : vector<16xf32>
      %add3A_3566 = arith.addf %scan3A_3495, %mul3A_3565 : vector<16xf32>
      %get3A_3567 = arith.index_cast %scan3A_3488 : i32 to index
      %get3A_3568 = arith.index_cast %add3A_711 : i32 to index
      %get3A_3569 = tpu.vector_load %arg13[%get3A_3567, %get3A_3568] {strides = array<i32>} : memref<64x128xf32, #tpu.memory_space<vmem>>, vector<16xf32>,
      %add3A_3570 = arith.constant 320 : i32
      %add3A_3571 = arith.addi %add3A_3570, %scan3A_3488 : i32
      %get3A_3572 = arith.index_cast %add3A_3571 : i32 to index
      %get3A_3573 = arith.index_cast %add3A_711 : i32 to index
      %get3A_3574 = tpu.vector_load %arg12[%get3A_3572, %get3A_3573] {strides = array<i32>} : memref<832x128xf32, #tpu.memory_space<vmem>>, vector<16xf32>,
      %mul3A_3575 = arith.mulf %get3A_3574, %get3A_3569 : vector<16xf32>
      %add3A_3576 = arith.addf %scan3A_3496, %mul3A_3575 : vector<16xf32>
      scf.yield %add3A_3506, %add3A_3516, %add3A_3526, %add3A_3536, %add3A_3546, %add3A_3556, %add3A_3566, %add3A_3576 : vector<16xf32>, vector<16xf32>, vector<16xf32>, vector<16xf32>, vector<16xf32>, vector<16xf32>, vector<16xf32>, vector<16xf32>
    }
    %scan3A_816 = arith.constant 64 : i32
    %swap3A_817 = arith.constant 12 : i32
    %swap3A_818 = arith.index_cast %swap3A_817 : i32 to index
    %swap3A_819 = arith.constant 0 : index
    %swap3A_820 = tpu.vector_load %arg16[%swap3A_818, %swap3A_819] {strides = array<i32>} : memref<21x64xf32, #tpu.memory_space<vmem>>, vector<16xf32>,
    tpu.vector_store %arg16[%swap3A_818, %swap3A_819], %scan3A_815#0 {strides = array<i32>} : memref<21x64xf32, #tpu.memory_space<vmem>>, vector<16xf32>,
    %swap3A_821 = arith.constant 12 : i32
    %swap3A_822 = arith.index_cast %swap3A_821 : i32 to index
    %swap3A_823 = arith.constant 16 : index
    %swap3A_824 = tpu.vector_load %arg16[%swap3A_822, %swap3A_823] {strides = array<i32>} : memref<21x64xf32, #tpu.memory_space<vmem>>, vector<16xf32>,
    tpu.vector_store %arg16[%swap3A_822, %swap3A_823], %scan3A_815#1 {strides = array<i32>} : memref<21x64xf32, #tpu.memory_space<vmem>>, vector<16xf32>,
    %swap3A_825 = arith.constant 12 : i32
    %swap3A_826 = arith.index_cast %swap3A_825 : i32 to index
    %swap3A_827 = arith.constant 32 : index
    %swap3A_828 = tpu.vector_load %arg16[%swap3A_826, %swap3A_827] {strides = array<i32>} : memref<21x64xf32, #tpu.memory_space<vmem>>, vector<16xf32>,
    tpu.vector_store %arg16[%swap3A_826, %swap3A_827], %scan3A_815#2 {strides = array<i32>} : memref<21x64xf32, #tpu.memory_space<vmem>>, vector<16xf32>,
    %swap3A_829 = arith.constant 12 : i32
    %swap3A_830 = arith.index_cast %swap3A_829 : i32 to index
    %swap3A_831 = arith.constant 48 : index
    %swap3A_832 = tpu.vector_load %arg16[%swap3A_830, %swap3A_831] {strides = array<i32>} : memref<21x64xf32, #tpu.memory_space<vmem>>, vector<16xf32>,
    tpu.vector_store %arg16[%swap3A_830, %swap3A_831], %scan3A_815#3 {strides = array<i32>} : memref<21x64xf32, #tpu.memory_space<vmem>>, vector<16xf32>,
    %swap3A_833 = arith.constant 13 : i32
    %swap3A_834 = arith.index_cast %swap3A_833 : i32 to index
    %swap3A_835 = arith.constant 0 : index
    %swap3A_836 = tpu.vector_load %arg16[%swap3A_834, %swap3A_835] {strides = array<i32>} : memref<21x64xf32, #tpu.memory_space<vmem>>, vector<16xf32>,
    tpu.vector_store %arg16[%swap3A_834, %swap3A_835], %scan3A_815#4 {strides = array<i32>} : memref<21x64xf32, #tpu.memory_space<vmem>>, vector<16xf32>,
    %swap3A_837 = arith.constant 13 : i32
    %swap3A_838 = arith.index_cast %swap3A_837 : i32 to index
    %swap3A_839 = arith.constant 16 : index
    %swap3A_840 = tpu.vector_load %arg16[%swap3A_838, %swap3A_839] {strides = array<i32>} : memref<21x64xf32, #tpu.memory_space<vmem>>, vector<16xf32>,
    tpu.vector_store %arg16[%swap3A_838, %swap3A_839], %scan3A_815#5 {strides = array<i32>} : memref<21x64xf32, #tpu.memory_space<vmem>>, vector<16xf32>,
    %swap3A_841 = arith.constant 13 : i32
    %swap3A_842 = arith.index_cast %swap3A_841 : i32 to index
    %swap3A_843 = arith.constant 32 : index
    %swap3A_844 = tpu.vector_load %arg16[%swap3A_842, %swap3A_843] {strides = array<i32>} : memref<21x64xf32, #tpu.memory_space<vmem>>, vector<16xf32>,
    tpu.vector_store %arg16[%swap3A_842, %swap3A_843], %scan3A_815#6 {strides = array<i32>} : memref<21x64xf32, #tpu.memory_space<vmem>>, vector<16xf32>,
    %swap3A_845 = arith.constant 13 : i32
    %swap3A_846 = arith.index_cast %swap3A_845 : i32 to index
    %swap3A_847 = arith.constant 48 : index
    %swap3A_848 = tpu.vector_load %arg16[%swap3A_846, %swap3A_847] {strides = array<i32>} : memref<21x64xf32, #tpu.memory_space<vmem>>, vector<16xf32>,
    tpu.vector_store %arg16[%swap3A_846, %swap3A_847], %scan3A_815#7 {strides = array<i32>} : memref<21x64xf32, #tpu.memory_space<vmem>>, vector<16xf32>,
    %dma_wait3A_849 = arith.constant 384 : i32
    %dma_wait3A_850 = arith.constant 0 : i32
    %dma_wait3A_851 = tpu.memref_slice %arg12[%dma_wait3A_849, %dma_wait3A_850] : memref<832x128xf32, #tpu.memory_space<vmem>> -> memref<128x128xf32, #tpu.memory_space<vmem>>
    %dma_wait3A_852 = arith.constant 384 : i32
    %dma_wait3A_853 = tpu.memref_slice %arg11[%dma_wait3A_852] : memref<960xi32, #tpu.memory_space<vmem>> -> memref<128xi32, #tpu.memory_space<vmem>>
    %dma_wait3A_854 = arith.constant 0 : i32
    %dma_wait3A_855 = arith.constant 0 : i32
    %dma_wait3A_856 = tpu.memref_slice %arg2[%dma_wait3A_854, %dma_wait3A_855] : memref<320000x128xf32, #tpu.memory_space<hbm>> -> memref<320000x128xf32, #tpu.memory_space<hbm>>
    tpu.wait_indirect_dma semaphore(%arg19 : memref<!tpu.dma_semaphore, #tpu.memory_space<semaphore_mem>>) src(%dma_wait3A_856 : memref<320000x128xf32, #tpu.memory_space<hbm>>) dst(%dma_wait3A_851 : memref<128x128xf32, #tpu.memory_space<vmem>>)
    %scan3A_857 = arith.constant 0 : i32
    %scan3A_858 = arith.constant 64 : i32
    %scan3A_859 = arith.addi %scan3A_857, %scan3A_858 : i32
    %scan3A_860 = arith.constant 1 : i32
    %scan3A_861:8 = scf.for %scan3A_3488 = %scan3A_857 to %scan3A_859 step %scan3A_860 iter_args(%scan3A_3489 = %broadcast_in_dim3A_695, %scan3A_3490 = %broadcast_in_dim3A_695, %scan3A_3491 = %broadcast_in_dim3A_695, %scan3A_3492 = %broadcast_in_dim3A_695, %scan3A_3493 = %broadcast_in_dim3A_695, %scan3A_3494 = %broadcast_in_dim3A_695, %scan3A_3495 = %broadcast_in_dim3A_695, %scan3A_3496 = %broadcast_in_dim3A_695) -> (vector<16xf32>, vector<16xf32>, vector<16xf32>, vector<16xf32>, vector<16xf32>, vector<16xf32>, vector<16xf32>, vector<16xf32>)  : i32 {
      %get3A_3497 = arith.index_cast %scan3A_3488 : i32 to index
      %get3A_3498 = arith.index_cast %add3A_699 : i32 to index
      %get3A_3499 = tpu.vector_load %arg13[%get3A_3497, %get3A_3498] {strides = array<i32>} : memref<64x128xf32, #tpu.memory_space<vmem>>, vector<16xf32>,
      %add3A_3500 = arith.constant 384 : i32
      %add3A_3501 = arith.addi %add3A_3500, %scan3A_3488 : i32
      %get3A_3502 = arith.index_cast %add3A_3501 : i32 to index
      %get3A_3503 = arith.index_cast %add3A_699 : i32 to index
      %get3A_3504 = tpu.vector_load %arg12[%get3A_3502, %get3A_3503] {strides = array<i32>} : memref<832x128xf32, #tpu.memory_space<vmem>>, vector<16xf32>,
      %mul3A_3505 = arith.mulf %get3A_3504, %get3A_3499 : vector<16xf32>
      %add3A_3506 = arith.addf %scan3A_3489, %mul3A_3505 : vector<16xf32>
      %get3A_3507 = arith.index_cast %scan3A_3488 : i32 to index
      %get3A_3508 = arith.index_cast %add3A_703 : i32 to index
      %get3A_3509 = tpu.vector_load %arg13[%get3A_3507, %get3A_3508] {strides = array<i32>} : memref<64x128xf32, #tpu.memory_space<vmem>>, vector<16xf32>,
      %add3A_3510 = arith.constant 384 : i32
      %add3A_3511 = arith.addi %add3A_3510, %scan3A_3488 : i32
      %get3A_3512 = arith.index_cast %add3A_3511 : i32 to index
      %get3A_3513 = arith.index_cast %add3A_703 : i32 to index
      %get3A_3514 = tpu.vector_load %arg12[%get3A_3512, %get3A_3513] {strides = array<i32>} : memref<832x128xf32, #tpu.memory_space<vmem>>, vector<16xf32>,
      %mul3A_3515 = arith.mulf %get3A_3514, %get3A_3509 : vector<16xf32>
      %add3A_3516 = arith.addf %scan3A_3490, %mul3A_3515 : vector<16xf32>
      %get3A_3517 = arith.index_cast %scan3A_3488 : i32 to index
      %get3A_3518 = arith.index_cast %add3A_707 : i32 to index
      %get3A_3519 = tpu.vector_load %arg13[%get3A_3517, %get3A_3518] {strides = array<i32>} : memref<64x128xf32, #tpu.memory_space<vmem>>, vector<16xf32>,
      %add3A_3520 = arith.constant 384 : i32
      %add3A_3521 = arith.addi %add3A_3520, %scan3A_3488 : i32
      %get3A_3522 = arith.index_cast %add3A_3521 : i32 to index
      %get3A_3523 = arith.index_cast %add3A_707 : i32 to index
      %get3A_3524 = tpu.vector_load %arg12[%get3A_3522, %get3A_3523] {strides = array<i32>} : memref<832x128xf32, #tpu.memory_space<vmem>>, vector<16xf32>,
      %mul3A_3525 = arith.mulf %get3A_3524, %get3A_3519 : vector<16xf32>
      %add3A_3526 = arith.addf %scan3A_3491, %mul3A_3525 : vector<16xf32>
      %get3A_3527 = arith.index_cast %scan3A_3488 : i32 to index
      %get3A_3528 = arith.index_cast %add3A_711 : i32 to index
      %get3A_3529 = tpu.vector_load %arg13[%get3A_3527, %get3A_3528] {strides = array<i32>} : memref<64x128xf32, #tpu.memory_space<vmem>>, vector<16xf32>,
      %add3A_3530 = arith.constant 384 : i32
      %add3A_3531 = arith.addi %add3A_3530, %scan3A_3488 : i32
      %get3A_3532 = arith.index_cast %add3A_3531 : i32 to index
      %get3A_3533 = arith.index_cast %add3A_711 : i32 to index
      %get3A_3534 = tpu.vector_load %arg12[%get3A_3532, %get3A_3533] {strides = array<i32>} : memref<832x128xf32, #tpu.memory_space<vmem>>, vector<16xf32>,
      %mul3A_3535 = arith.mulf %get3A_3534, %get3A_3529 : vector<16xf32>
      %add3A_3536 = arith.addf %scan3A_3492, %mul3A_3535 : vector<16xf32>
      %get3A_3537 = arith.index_cast %scan3A_3488 : i32 to index
      %get3A_3538 = arith.index_cast %add3A_699 : i32 to index
      %get3A_3539 = tpu.vector_load %arg13[%get3A_3537, %get3A_3538] {strides = array<i32>} : memref<64x128xf32, #tpu.memory_space<vmem>>, vector<16xf32>,
      %add3A_3540 = arith.constant 448 : i32
      %add3A_3541 = arith.addi %add3A_3540, %scan3A_3488 : i32
      %get3A_3542 = arith.index_cast %add3A_3541 : i32 to index
      %get3A_3543 = arith.index_cast %add3A_699 : i32 to index
      %get3A_3544 = tpu.vector_load %arg12[%get3A_3542, %get3A_3543] {strides = array<i32>} : memref<832x128xf32, #tpu.memory_space<vmem>>, vector<16xf32>,
      %mul3A_3545 = arith.mulf %get3A_3544, %get3A_3539 : vector<16xf32>
      %add3A_3546 = arith.addf %scan3A_3493, %mul3A_3545 : vector<16xf32>
      %get3A_3547 = arith.index_cast %scan3A_3488 : i32 to index
      %get3A_3548 = arith.index_cast %add3A_703 : i32 to index
      %get3A_3549 = tpu.vector_load %arg13[%get3A_3547, %get3A_3548] {strides = array<i32>} : memref<64x128xf32, #tpu.memory_space<vmem>>, vector<16xf32>,
      %add3A_3550 = arith.constant 448 : i32
      %add3A_3551 = arith.addi %add3A_3550, %scan3A_3488 : i32
      %get3A_3552 = arith.index_cast %add3A_3551 : i32 to index
      %get3A_3553 = arith.index_cast %add3A_703 : i32 to index
      %get3A_3554 = tpu.vector_load %arg12[%get3A_3552, %get3A_3553] {strides = array<i32>} : memref<832x128xf32, #tpu.memory_space<vmem>>, vector<16xf32>,
      %mul3A_3555 = arith.mulf %get3A_3554, %get3A_3549 : vector<16xf32>
      %add3A_3556 = arith.addf %scan3A_3494, %mul3A_3555 : vector<16xf32>
      %get3A_3557 = arith.index_cast %scan3A_3488 : i32 to index
      %get3A_3558 = arith.index_cast %add3A_707 : i32 to index
      %get3A_3559 = tpu.vector_load %arg13[%get3A_3557, %get3A_3558] {strides = array<i32>} : memref<64x128xf32, #tpu.memory_space<vmem>>, vector<16xf32>,
      %add3A_3560 = arith.constant 448 : i32
      %add3A_3561 = arith.addi %add3A_3560, %scan3A_3488 : i32
      %get3A_3562 = arith.index_cast %add3A_3561 : i32 to index
      %get3A_3563 = arith.index_cast %add3A_707 : i32 to index
      %get3A_3564 = tpu.vector_load %arg12[%get3A_3562, %get3A_3563] {strides = array<i32>} : memref<832x128xf32, #tpu.memory_space<vmem>>, vector<16xf32>,
      %mul3A_3565 = arith.mulf %get3A_3564, %get3A_3559 : vector<16xf32>
      %add3A_3566 = arith.addf %scan3A_3495, %mul3A_3565 : vector<16xf32>
      %get3A_3567 = arith.index_cast %scan3A_3488 : i32 to index
      %get3A_3568 = arith.index_cast %add3A_711 : i32 to index
      %get3A_3569 = tpu.vector_load %arg13[%get3A_3567, %get3A_3568] {strides = array<i32>} : memref<64x128xf32, #tpu.memory_space<vmem>>, vector<16xf32>,
      %add3A_3570 = arith.constant 448 : i32
      %add3A_3571 = arith.addi %add3A_3570, %scan3A_3488 : i32
      %get3A_3572 = arith.index_cast %add3A_3571 : i32 to index
      %get3A_3573 = arith.index_cast %add3A_711 : i32 to index
      %get3A_3574 = tpu.vector_load %arg12[%get3A_3572, %get3A_3573] {strides = array<i32>} : memref<832x128xf32, #tpu.memory_space<vmem>>, vector<16xf32>,
      %mul3A_3575 = arith.mulf %get3A_3574, %get3A_3569 : vector<16xf32>
      %add3A_3576 = arith.addf %scan3A_3496, %mul3A_3575 : vector<16xf32>
      scf.yield %add3A_3506, %add3A_3516, %add3A_3526, %add3A_3536, %add3A_3546, %add3A_3556, %add3A_3566, %add3A_3576 : vector<16xf32>, vector<16xf32>, vector<16xf32>, vector<16xf32>, vector<16xf32>, vector<16xf32>, vector<16xf32>, vector<16xf32>
    }
    %scan3A_862 = arith.constant 64 : i32
    %swap3A_863 = arith.constant 14 : i32
    %swap3A_864 = arith.index_cast %swap3A_863 : i32 to index
    %swap3A_865 = arith.constant 0 : index
    %swap3A_866 = tpu.vector_load %arg16[%swap3A_864, %swap3A_865] {strides = array<i32>} : memref<21x64xf32, #tpu.memory_space<vmem>>, vector<16xf32>,
    tpu.vector_store %arg16[%swap3A_864, %swap3A_865], %scan3A_861#0 {strides = array<i32>} : memref<21x64xf32, #tpu.memory_space<vmem>>, vector<16xf32>,
    %swap3A_867 = arith.constant 14 : i32
    %swap3A_868 = arith.index_cast %swap3A_867 : i32 to index
    %swap3A_869 = arith.constant 16 : index
    %swap3A_870 = tpu.vector_load %arg16[%swap3A_868, %swap3A_869] {strides = array<i32>} : memref<21x64xf32, #tpu.memory_space<vmem>>, vector<16xf32>,
    tpu.vector_store %arg16[%swap3A_868, %swap3A_869], %scan3A_861#1 {strides = array<i32>} : memref<21x64xf32, #tpu.memory_space<vmem>>, vector<16xf32>,
    %swap3A_871 = arith.constant 14 : i32
    %swap3A_872 = arith.index_cast %swap3A_871 : i32 to index
    %swap3A_873 = arith.constant 32 : index
    %swap3A_874 = tpu.vector_load %arg16[%swap3A_872, %swap3A_873] {strides = array<i32>} : memref<21x64xf32, #tpu.memory_space<vmem>>, vector<16xf32>,
    tpu.vector_store %arg16[%swap3A_872, %swap3A_873], %scan3A_861#2 {strides = array<i32>} : memref<21x64xf32, #tpu.memory_space<vmem>>, vector<16xf32>,
    %swap3A_875 = arith.constant 14 : i32
    %swap3A_876 = arith.index_cast %swap3A_875 : i32 to index
    %swap3A_877 = arith.constant 48 : index
    %swap3A_878 = tpu.vector_load %arg16[%swap3A_876, %swap3A_877] {strides = array<i32>} : memref<21x64xf32, #tpu.memory_space<vmem>>, vector<16xf32>,
    tpu.vector_store %arg16[%swap3A_876, %swap3A_877], %scan3A_861#3 {strides = array<i32>} : memref<21x64xf32, #tpu.memory_space<vmem>>, vector<16xf32>,
    %swap3A_879 = arith.constant 15 : i32
    %swap3A_880 = arith.index_cast %swap3A_879 : i32 to index
    %swap3A_881 = arith.constant 0 : index
    %swap3A_882 = tpu.vector_load %arg16[%swap3A_880, %swap3A_881] {strides = array<i32>} : memref<21x64xf32, #tpu.memory_space<vmem>>, vector<16xf32>,
    tpu.vector_store %arg16[%swap3A_880, %swap3A_881], %scan3A_861#4 {strides = array<i32>} : memref<21x64xf32, #tpu.memory_space<vmem>>, vector<16xf32>,
    %swap3A_883 = arith.constant 15 : i32
    %swap3A_884 = arith.index_cast %swap3A_883 : i32 to index
    %swap3A_885 = arith.constant 16 : index
    %swap3A_886 = tpu.vector_load %arg16[%swap3A_884, %swap3A_885] {strides = array<i32>} : memref<21x64xf32, #tpu.memory_space<vmem>>, vector<16xf32>,
    tpu.vector_store %arg16[%swap3A_884, %swap3A_885], %scan3A_861#5 {strides = array<i32>} : memref<21x64xf32, #tpu.memory_space<vmem>>, vector<16xf32>,
    %swap3A_887 = arith.constant 15 : i32
    %swap3A_888 = arith.index_cast %swap3A_887 : i32 to index
    %swap3A_889 = arith.constant 32 : index
    %swap3A_890 = tpu.vector_load %arg16[%swap3A_888, %swap3A_889] {strides = array<i32>} : memref<21x64xf32, #tpu.memory_space<vmem>>, vector<16xf32>,
    tpu.vector_store %arg16[%swap3A_888, %swap3A_889], %scan3A_861#6 {strides = array<i32>} : memref<21x64xf32, #tpu.memory_space<vmem>>, vector<16xf32>,
    %swap3A_891 = arith.constant 15 : i32
    %swap3A_892 = arith.index_cast %swap3A_891 : i32 to index
    %swap3A_893 = arith.constant 48 : index
    %swap3A_894 = tpu.vector_load %arg16[%swap3A_892, %swap3A_893] {strides = array<i32>} : memref<21x64xf32, #tpu.memory_space<vmem>>, vector<16xf32>,
    tpu.vector_store %arg16[%swap3A_892, %swap3A_893], %scan3A_861#7 {strides = array<i32>} : memref<21x64xf32, #tpu.memory_space<vmem>>, vector<16xf32>,
    %dma_wait3A_895 = arith.constant 512 : i32
    %dma_wait3A_896 = arith.constant 0 : i32
    %dma_wait3A_897 = tpu.memref_slice %arg12[%dma_wait3A_895, %dma_wait3A_896] : memref<832x128xf32, #tpu.memory_space<vmem>> -> memref<128x128xf32, #tpu.memory_space<vmem>>
    %dma_wait3A_898 = arith.constant 512 : i32
    %dma_wait3A_899 = tpu.memref_slice %arg11[%dma_wait3A_898] : memref<960xi32, #tpu.memory_space<vmem>> -> memref<128xi32, #tpu.memory_space<vmem>>
    %dma_wait3A_900 = arith.constant 0 : i32
    %dma_wait3A_901 = arith.constant 0 : i32
    %dma_wait3A_902 = tpu.memref_slice %arg2[%dma_wait3A_900, %dma_wait3A_901] : memref<320000x128xf32, #tpu.memory_space<hbm>> -> memref<320000x128xf32, #tpu.memory_space<hbm>>
    tpu.wait_indirect_dma semaphore(%arg19 : memref<!tpu.dma_semaphore, #tpu.memory_space<semaphore_mem>>) src(%dma_wait3A_902 : memref<320000x128xf32, #tpu.memory_space<hbm>>) dst(%dma_wait3A_897 : memref<128x128xf32, #tpu.memory_space<vmem>>)
    %scan3A_903 = arith.constant 0 : i32
    %scan3A_904 = arith.constant 64 : i32
    %scan3A_905 = arith.addi %scan3A_903, %scan3A_904 : i32
    %scan3A_906 = arith.constant 1 : i32
    %scan3A_907:8 = scf.for %scan3A_3488 = %scan3A_903 to %scan3A_905 step %scan3A_906 iter_args(%scan3A_3489 = %broadcast_in_dim3A_695, %scan3A_3490 = %broadcast_in_dim3A_695, %scan3A_3491 = %broadcast_in_dim3A_695, %scan3A_3492 = %broadcast_in_dim3A_695, %scan3A_3493 = %broadcast_in_dim3A_695, %scan3A_3494 = %broadcast_in_dim3A_695, %scan3A_3495 = %broadcast_in_dim3A_695, %scan3A_3496 = %broadcast_in_dim3A_695) -> (vector<16xf32>, vector<16xf32>, vector<16xf32>, vector<16xf32>, vector<16xf32>, vector<16xf32>, vector<16xf32>, vector<16xf32>)  : i32 {
      %get3A_3497 = arith.index_cast %scan3A_3488 : i32 to index
      %get3A_3498 = arith.index_cast %add3A_699 : i32 to index
      %get3A_3499 = tpu.vector_load %arg13[%get3A_3497, %get3A_3498] {strides = array<i32>} : memref<64x128xf32, #tpu.memory_space<vmem>>, vector<16xf32>,
      %add3A_3500 = arith.constant 512 : i32
      %add3A_3501 = arith.addi %add3A_3500, %scan3A_3488 : i32
      %get3A_3502 = arith.index_cast %add3A_3501 : i32 to index
      %get3A_3503 = arith.index_cast %add3A_699 : i32 to index
      %get3A_3504 = tpu.vector_load %arg12[%get3A_3502, %get3A_3503] {strides = array<i32>} : memref<832x128xf32, #tpu.memory_space<vmem>>, vector<16xf32>,
      %mul3A_3505 = arith.mulf %get3A_3504, %get3A_3499 : vector<16xf32>
      %add3A_3506 = arith.addf %scan3A_3489, %mul3A_3505 : vector<16xf32>
      %get3A_3507 = arith.index_cast %scan3A_3488 : i32 to index
      %get3A_3508 = arith.index_cast %add3A_703 : i32 to index
      %get3A_3509 = tpu.vector_load %arg13[%get3A_3507, %get3A_3508] {strides = array<i32>} : memref<64x128xf32, #tpu.memory_space<vmem>>, vector<16xf32>,
      %add3A_3510 = arith.constant 512 : i32
      %add3A_3511 = arith.addi %add3A_3510, %scan3A_3488 : i32
      %get3A_3512 = arith.index_cast %add3A_3511 : i32 to index
      %get3A_3513 = arith.index_cast %add3A_703 : i32 to index
      %get3A_3514 = tpu.vector_load %arg12[%get3A_3512, %get3A_3513] {strides = array<i32>} : memref<832x128xf32, #tpu.memory_space<vmem>>, vector<16xf32>,
      %mul3A_3515 = arith.mulf %get3A_3514, %get3A_3509 : vector<16xf32>
      %add3A_3516 = arith.addf %scan3A_3490, %mul3A_3515 : vector<16xf32>
      %get3A_3517 = arith.index_cast %scan3A_3488 : i32 to index
      %get3A_3518 = arith.index_cast %add3A_707 : i32 to index
      %get3A_3519 = tpu.vector_load %arg13[%get3A_3517, %get3A_3518] {strides = array<i32>} : memref<64x128xf32, #tpu.memory_space<vmem>>, vector<16xf32>,
      %add3A_3520 = arith.constant 512 : i32
      %add3A_3521 = arith.addi %add3A_3520, %scan3A_3488 : i32
      %get3A_3522 = arith.index_cast %add3A_3521 : i32 to index
      %get3A_3523 = arith.index_cast %add3A_707 : i32 to index
      %get3A_3524 = tpu.vector_load %arg12[%get3A_3522, %get3A_3523] {strides = array<i32>} : memref<832x128xf32, #tpu.memory_space<vmem>>, vector<16xf32>,
      %mul3A_3525 = arith.mulf %get3A_3524, %get3A_3519 : vector<16xf32>
      %add3A_3526 = arith.addf %scan3A_3491, %mul3A_3525 : vector<16xf32>
      %get3A_3527 = arith.index_cast %scan3A_3488 : i32 to index
      %get3A_3528 = arith.index_cast %add3A_711 : i32 to index
      %get3A_3529 = tpu.vector_load %arg13[%get3A_3527, %get3A_3528] {strides = array<i32>} : memref<64x128xf32, #tpu.memory_space<vmem>>, vector<16xf32>,
      %add3A_3530 = arith.constant 512 : i32
      %add3A_3531 = arith.addi %add3A_3530, %scan3A_3488 : i32
      %get3A_3532 = arith.index_cast %add3A_3531 : i32 to index
      %get3A_3533 = arith.index_cast %add3A_711 : i32 to index
      %get3A_3534 = tpu.vector_load %arg12[%get3A_3532, %get3A_3533] {strides = array<i32>} : memref<832x128xf32, #tpu.memory_space<vmem>>, vector<16xf32>,
      %mul3A_3535 = arith.mulf %get3A_3534, %get3A_3529 : vector<16xf32>
      %add3A_3536 = arith.addf %scan3A_3492, %mul3A_3535 : vector<16xf32>
      %get3A_3537 = arith.index_cast %scan3A_3488 : i32 to index
      %get3A_3538 = arith.index_cast %add3A_699 : i32 to index
      %get3A_3539 = tpu.vector_load %arg13[%get3A_3537, %get3A_3538] {strides = array<i32>} : memref<64x128xf32, #tpu.memory_space<vmem>>, vector<16xf32>,
      %add3A_3540 = arith.constant 576 : i32
      %add3A_3541 = arith.addi %add3A_3540, %scan3A_3488 : i32
      %get3A_3542 = arith.index_cast %add3A_3541 : i32 to index
      %get3A_3543 = arith.index_cast %add3A_699 : i32 to index
      %get3A_3544 = tpu.vector_load %arg12[%get3A_3542, %get3A_3543] {strides = array<i32>} : memref<832x128xf32, #tpu.memory_space<vmem>>, vector<16xf32>,
      %mul3A_3545 = arith.mulf %get3A_3544, %get3A_3539 : vector<16xf32>
      %add3A_3546 = arith.addf %scan3A_3493, %mul3A_3545 : vector<16xf32>
      %get3A_3547 = arith.index_cast %scan3A_3488 : i32 to index
      %get3A_3548 = arith.index_cast %add3A_703 : i32 to index
      %get3A_3549 = tpu.vector_load %arg13[%get3A_3547, %get3A_3548] {strides = array<i32>} : memref<64x128xf32, #tpu.memory_space<vmem>>, vector<16xf32>,
      %add3A_3550 = arith.constant 576 : i32
      %add3A_3551 = arith.addi %add3A_3550, %scan3A_3488 : i32
      %get3A_3552 = arith.index_cast %add3A_3551 : i32 to index
      %get3A_3553 = arith.index_cast %add3A_703 : i32 to index
      %get3A_3554 = tpu.vector_load %arg12[%get3A_3552, %get3A_3553] {strides = array<i32>} : memref<832x128xf32, #tpu.memory_space<vmem>>, vector<16xf32>,
      %mul3A_3555 = arith.mulf %get3A_3554, %get3A_3549 : vector<16xf32>
      %add3A_3556 = arith.addf %scan3A_3494, %mul3A_3555 : vector<16xf32>
      %get3A_3557 = arith.index_cast %scan3A_3488 : i32 to index
      %get3A_3558 = arith.index_cast %add3A_707 : i32 to index
      %get3A_3559 = tpu.vector_load %arg13[%get3A_3557, %get3A_3558] {strides = array<i32>} : memref<64x128xf32, #tpu.memory_space<vmem>>, vector<16xf32>,
      %add3A_3560 = arith.constant 576 : i32
      %add3A_3561 = arith.addi %add3A_3560, %scan3A_3488 : i32
      %get3A_3562 = arith.index_cast %add3A_3561 : i32 to index
      %get3A_3563 = arith.index_cast %add3A_707 : i32 to index
      %get3A_3564 = tpu.vector_load %arg12[%get3A_3562, %get3A_3563] {strides = array<i32>} : memref<832x128xf32, #tpu.memory_space<vmem>>, vector<16xf32>,
      %mul3A_3565 = arith.mulf %get3A_3564, %get3A_3559 : vector<16xf32>
      %add3A_3566 = arith.addf %scan3A_3495, %mul3A_3565 : vector<16xf32>
      %get3A_3567 = arith.index_cast %scan3A_3488 : i32 to index
      %get3A_3568 = arith.index_cast %add3A_711 : i32 to index
      %get3A_3569 = tpu.vector_load %arg13[%get3A_3567, %get3A_3568] {strides = array<i32>} : memref<64x128xf32, #tpu.memory_space<vmem>>, vector<16xf32>,
      %add3A_3570 = arith.constant 576 : i32
      %add3A_3571 = arith.addi %add3A_3570, %scan3A_3488 : i32
      %get3A_3572 = arith.index_cast %add3A_3571 : i32 to index
      %get3A_3573 = arith.index_cast %add3A_711 : i32 to index
      %get3A_3574 = tpu.vector_load %arg12[%get3A_3572, %get3A_3573] {strides = array<i32>} : memref<832x128xf32, #tpu.memory_space<vmem>>, vector<16xf32>,
      %mul3A_3575 = arith.mulf %get3A_3574, %get3A_3569 : vector<16xf32>
      %add3A_3576 = arith.addf %scan3A_3496, %mul3A_3575 : vector<16xf32>
      scf.yield %add3A_3506, %add3A_3516, %add3A_3526, %add3A_3536, %add3A_3546, %add3A_3556, %add3A_3566, %add3A_3576 : vector<16xf32>, vector<16xf32>, vector<16xf32>, vector<16xf32>, vector<16xf32>, vector<16xf32>, vector<16xf32>, vector<16xf32>
    }
    %scan3A_908 = arith.constant 64 : i32
    %swap3A_909 = arith.constant 16 : i32
    %swap3A_910 = arith.index_cast %swap3A_909 : i32 to index
    %swap3A_911 = arith.constant 0 : index
    %swap3A_912 = tpu.vector_load %arg16[%swap3A_910, %swap3A_911] {strides = array<i32>} : memref<21x64xf32, #tpu.memory_space<vmem>>, vector<16xf32>,
    tpu.vector_store %arg16[%swap3A_910, %swap3A_911], %scan3A_907#0 {strides = array<i32>} : memref<21x64xf32, #tpu.memory_space<vmem>>, vector<16xf32>,
    %swap3A_913 = arith.constant 16 : i32
    %swap3A_914 = arith.index_cast %swap3A_913 : i32 to index
    %swap3A_915 = arith.constant 16 : index
    %swap3A_916 = tpu.vector_load %arg16[%swap3A_914, %swap3A_915] {strides = array<i32>} : memref<21x64xf32, #tpu.memory_space<vmem>>, vector<16xf32>,
    tpu.vector_store %arg16[%swap3A_914, %swap3A_915], %scan3A_907#1 {strides = array<i32>} : memref<21x64xf32, #tpu.memory_space<vmem>>, vector<16xf32>,
    %swap3A_917 = arith.constant 16 : i32
    %swap3A_918 = arith.index_cast %swap3A_917 : i32 to index
    %swap3A_919 = arith.constant 32 : index
    %swap3A_920 = tpu.vector_load %arg16[%swap3A_918, %swap3A_919] {strides = array<i32>} : memref<21x64xf32, #tpu.memory_space<vmem>>, vector<16xf32>,
    tpu.vector_store %arg16[%swap3A_918, %swap3A_919], %scan3A_907#2 {strides = array<i32>} : memref<21x64xf32, #tpu.memory_space<vmem>>, vector<16xf32>,
    %swap3A_921 = arith.constant 16 : i32
    %swap3A_922 = arith.index_cast %swap3A_921 : i32 to index
    %swap3A_923 = arith.constant 48 : index
    %swap3A_924 = tpu.vector_load %arg16[%swap3A_922, %swap3A_923] {strides = array<i32>} : memref<21x64xf32, #tpu.memory_space<vmem>>, vector<16xf32>,
    tpu.vector_store %arg16[%swap3A_922, %swap3A_923], %scan3A_907#3 {strides = array<i32>} : memref<21x64xf32, #tpu.memory_space<vmem>>, vector<16xf32>,
    %swap3A_925 = arith.constant 17 : i32
    %swap3A_926 = arith.index_cast %swap3A_925 : i32 to index
    %swap3A_927 = arith.constant 0 : index
    %swap3A_928 = tpu.vector_load %arg16[%swap3A_926, %swap3A_927] {strides = array<i32>} : memref<21x64xf32, #tpu.memory_space<vmem>>, vector<16xf32>,
    tpu.vector_store %arg16[%swap3A_926, %swap3A_927], %scan3A_907#4 {strides = array<i32>} : memref<21x64xf32, #tpu.memory_space<vmem>>, vector<16xf32>,
    %swap3A_929 = arith.constant 17 : i32
    %swap3A_930 = arith.index_cast %swap3A_929 : i32 to index
    %swap3A_931 = arith.constant 16 : index
    %swap3A_932 = tpu.vector_load %arg16[%swap3A_930, %swap3A_931] {strides = array<i32>} : memref<21x64xf32, #tpu.memory_space<vmem>>, vector<16xf32>,
    tpu.vector_store %arg16[%swap3A_930, %swap3A_931], %scan3A_907#5 {strides = array<i32>} : memref<21x64xf32, #tpu.memory_space<vmem>>, vector<16xf32>,
    %swap3A_933 = arith.constant 17 : i32
    %swap3A_934 = arith.index_cast %swap3A_933 : i32 to index
    %swap3A_935 = arith.constant 32 : index
    %swap3A_936 = tpu.vector_load %arg16[%swap3A_934, %swap3A_935] {strides = array<i32>} : memref<21x64xf32, #tpu.memory_space<vmem>>, vector<16xf32>,
    tpu.vector_store %arg16[%swap3A_934, %swap3A_935], %scan3A_907#6 {strides = array<i32>} : memref<21x64xf32, #tpu.memory_space<vmem>>, vector<16xf32>,
    %swap3A_937 = arith.constant 17 : i32
    %swap3A_938 = arith.index_cast %swap3A_937 : i32 to index
    %swap3A_939 = arith.constant 48 : index
    %swap3A_940 = tpu.vector_load %arg16[%swap3A_938, %swap3A_939] {strides = array<i32>} : memref<21x64xf32, #tpu.memory_space<vmem>>, vector<16xf32>,
    tpu.vector_store %arg16[%swap3A_938, %swap3A_939], %scan3A_907#7 {strides = array<i32>} : memref<21x64xf32, #tpu.memory_space<vmem>>, vector<16xf32>,
    %dma_wait3A_941 = arith.constant 640 : i32
    %dma_wait3A_942 = arith.constant 0 : i32
    %dma_wait3A_943 = tpu.memref_slice %arg12[%dma_wait3A_941, %dma_wait3A_942] : memref<832x128xf32, #tpu.memory_space<vmem>> -> memref<128x128xf32, #tpu.memory_space<vmem>>
    %dma_wait3A_944 = arith.constant 640 : i32
    %dma_wait3A_945 = tpu.memref_slice %arg11[%dma_wait3A_944] : memref<960xi32, #tpu.memory_space<vmem>> -> memref<128xi32, #tpu.memory_space<vmem>>
    %dma_wait3A_946 = arith.constant 0 : i32
    %dma_wait3A_947 = arith.constant 0 : i32
    %dma_wait3A_948 = tpu.memref_slice %arg2[%dma_wait3A_946, %dma_wait3A_947] : memref<320000x128xf32, #tpu.memory_space<hbm>> -> memref<320000x128xf32, #tpu.memory_space<hbm>>
    tpu.wait_indirect_dma semaphore(%arg19 : memref<!tpu.dma_semaphore, #tpu.memory_space<semaphore_mem>>) src(%dma_wait3A_948 : memref<320000x128xf32, #tpu.memory_space<hbm>>) dst(%dma_wait3A_943 : memref<128x128xf32, #tpu.memory_space<vmem>>)
    %scan3A_949 = arith.constant 0 : i32
    %scan3A_950 = arith.constant 64 : i32
    %scan3A_951 = arith.addi %scan3A_949, %scan3A_950 : i32
    %scan3A_952 = arith.constant 1 : i32
    %scan3A_953:8 = scf.for %scan3A_3488 = %scan3A_949 to %scan3A_951 step %scan3A_952 iter_args(%scan3A_3489 = %broadcast_in_dim3A_695, %scan3A_3490 = %broadcast_in_dim3A_695, %scan3A_3491 = %broadcast_in_dim3A_695, %scan3A_3492 = %broadcast_in_dim3A_695, %scan3A_3493 = %broadcast_in_dim3A_695, %scan3A_3494 = %broadcast_in_dim3A_695, %scan3A_3495 = %broadcast_in_dim3A_695, %scan3A_3496 = %broadcast_in_dim3A_695) -> (vector<16xf32>, vector<16xf32>, vector<16xf32>, vector<16xf32>, vector<16xf32>, vector<16xf32>, vector<16xf32>, vector<16xf32>)  : i32 {
      %get3A_3497 = arith.index_cast %scan3A_3488 : i32 to index
      %get3A_3498 = arith.index_cast %add3A_699 : i32 to index
      %get3A_3499 = tpu.vector_load %arg13[%get3A_3497, %get3A_3498] {strides = array<i32>} : memref<64x128xf32, #tpu.memory_space<vmem>>, vector<16xf32>,
      %add3A_3500 = arith.constant 640 : i32
      %add3A_3501 = arith.addi %add3A_3500, %scan3A_3488 : i32
      %get3A_3502 = arith.index_cast %add3A_3501 : i32 to index
      %get3A_3503 = arith.index_cast %add3A_699 : i32 to index
      %get3A_3504 = tpu.vector_load %arg12[%get3A_3502, %get3A_3503] {strides = array<i32>} : memref<832x128xf32, #tpu.memory_space<vmem>>, vector<16xf32>,
      %mul3A_3505 = arith.mulf %get3A_3504, %get3A_3499 : vector<16xf32>
      %add3A_3506 = arith.addf %scan3A_3489, %mul3A_3505 : vector<16xf32>
      %get3A_3507 = arith.index_cast %scan3A_3488 : i32 to index
      %get3A_3508 = arith.index_cast %add3A_703 : i32 to index
      %get3A_3509 = tpu.vector_load %arg13[%get3A_3507, %get3A_3508] {strides = array<i32>} : memref<64x128xf32, #tpu.memory_space<vmem>>, vector<16xf32>,
      %add3A_3510 = arith.constant 640 : i32
      %add3A_3511 = arith.addi %add3A_3510, %scan3A_3488 : i32
      %get3A_3512 = arith.index_cast %add3A_3511 : i32 to index
      %get3A_3513 = arith.index_cast %add3A_703 : i32 to index
      %get3A_3514 = tpu.vector_load %arg12[%get3A_3512, %get3A_3513] {strides = array<i32>} : memref<832x128xf32, #tpu.memory_space<vmem>>, vector<16xf32>,
      %mul3A_3515 = arith.mulf %get3A_3514, %get3A_3509 : vector<16xf32>
      %add3A_3516 = arith.addf %scan3A_3490, %mul3A_3515 : vector<16xf32>
      %get3A_3517 = arith.index_cast %scan3A_3488 : i32 to index
      %get3A_3518 = arith.index_cast %add3A_707 : i32 to index
      %get3A_3519 = tpu.vector_load %arg13[%get3A_3517, %get3A_3518] {strides = array<i32>} : memref<64x128xf32, #tpu.memory_space<vmem>>, vector<16xf32>,
      %add3A_3520 = arith.constant 640 : i32
      %add3A_3521 = arith.addi %add3A_3520, %scan3A_3488 : i32
      %get3A_3522 = arith.index_cast %add3A_3521 : i32 to index
      %get3A_3523 = arith.index_cast %add3A_707 : i32 to index
      %get3A_3524 = tpu.vector_load %arg12[%get3A_3522, %get3A_3523] {strides = array<i32>} : memref<832x128xf32, #tpu.memory_space<vmem>>, vector<16xf32>,
      %mul3A_3525 = arith.mulf %get3A_3524, %get3A_3519 : vector<16xf32>
      %add3A_3526 = arith.addf %scan3A_3491, %mul3A_3525 : vector<16xf32>
      %get3A_3527 = arith.index_cast %scan3A_3488 : i32 to index
      %get3A_3528 = arith.index_cast %add3A_711 : i32 to index
      %get3A_3529 = tpu.vector_load %arg13[%get3A_3527, %get3A_3528] {strides = array<i32>} : memref<64x128xf32, #tpu.memory_space<vmem>>, vector<16xf32>,
      %add3A_3530 = arith.constant 640 : i32
      %add3A_3531 = arith.addi %add3A_3530, %scan3A_3488 : i32
      %get3A_3532 = arith.index_cast %add3A_3531 : i32 to index
      %get3A_3533 = arith.index_cast %add3A_711 : i32 to index
      %get3A_3534 = tpu.vector_load %arg12[%get3A_3532, %get3A_3533] {strides = array<i32>} : memref<832x128xf32, #tpu.memory_space<vmem>>, vector<16xf32>,
      %mul3A_3535 = arith.mulf %get3A_3534, %get3A_3529 : vector<16xf32>
      %add3A_3536 = arith.addf %scan3A_3492, %mul3A_3535 : vector<16xf32>
      %get3A_3537 = arith.index_cast %scan3A_3488 : i32 to index
      %get3A_3538 = arith.index_cast %add3A_699 : i32 to index
      %get3A_3539 = tpu.vector_load %arg13[%get3A_3537, %get3A_3538] {strides = array<i32>} : memref<64x128xf32, #tpu.memory_space<vmem>>, vector<16xf32>,
      %add3A_3540 = arith.constant 704 : i32
      %add3A_3541 = arith.addi %add3A_3540, %scan3A_3488 : i32
      %get3A_3542 = arith.index_cast %add3A_3541 : i32 to index
      %get3A_3543 = arith.index_cast %add3A_699 : i32 to index
      %get3A_3544 = tpu.vector_load %arg12[%get3A_3542, %get3A_3543] {strides = array<i32>} : memref<832x128xf32, #tpu.memory_space<vmem>>, vector<16xf32>,
      %mul3A_3545 = arith.mulf %get3A_3544, %get3A_3539 : vector<16xf32>
      %add3A_3546 = arith.addf %scan3A_3493, %mul3A_3545 : vector<16xf32>
      %get3A_3547 = arith.index_cast %scan3A_3488 : i32 to index
      %get3A_3548 = arith.index_cast %add3A_703 : i32 to index
      %get3A_3549 = tpu.vector_load %arg13[%get3A_3547, %get3A_3548] {strides = array<i32>} : memref<64x128xf32, #tpu.memory_space<vmem>>, vector<16xf32>,
      %add3A_3550 = arith.constant 704 : i32
      %add3A_3551 = arith.addi %add3A_3550, %scan3A_3488 : i32
      %get3A_3552 = arith.index_cast %add3A_3551 : i32 to index
      %get3A_3553 = arith.index_cast %add3A_703 : i32 to index
      %get3A_3554 = tpu.vector_load %arg12[%get3A_3552, %get3A_3553] {strides = array<i32>} : memref<832x128xf32, #tpu.memory_space<vmem>>, vector<16xf32>,
      %mul3A_3555 = arith.mulf %get3A_3554, %get3A_3549 : vector<16xf32>
      %add3A_3556 = arith.addf %scan3A_3494, %mul3A_3555 : vector<16xf32>
      %get3A_3557 = arith.index_cast %scan3A_3488 : i32 to index
      %get3A_3558 = arith.index_cast %add3A_707 : i32 to index
      %get3A_3559 = tpu.vector_load %arg13[%get3A_3557, %get3A_3558] {strides = array<i32>} : memref<64x128xf32, #tpu.memory_space<vmem>>, vector<16xf32>,
      %add3A_3560 = arith.constant 704 : i32
      %add3A_3561 = arith.addi %add3A_3560, %scan3A_3488 : i32
      %get3A_3562 = arith.index_cast %add3A_3561 : i32 to index
      %get3A_3563 = arith.index_cast %add3A_707 : i32 to index
      %get3A_3564 = tpu.vector_load %arg12[%get3A_3562, %get3A_3563] {strides = array<i32>} : memref<832x128xf32, #tpu.memory_space<vmem>>, vector<16xf32>,
      %mul3A_3565 = arith.mulf %get3A_3564, %get3A_3559 : vector<16xf32>
      %add3A_3566 = arith.addf %scan3A_3495, %mul3A_3565 : vector<16xf32>
      %get3A_3567 = arith.index_cast %scan3A_3488 : i32 to index
      %get3A_3568 = arith.index_cast %add3A_711 : i32 to index
      %get3A_3569 = tpu.vector_load %arg13[%get3A_3567, %get3A_3568] {strides = array<i32>} : memref<64x128xf32, #tpu.memory_space<vmem>>, vector<16xf32>,
      %add3A_3570 = arith.constant 704 : i32
      %add3A_3571 = arith.addi %add3A_3570, %scan3A_3488 : i32
      %get3A_3572 = arith.index_cast %add3A_3571 : i32 to index
      %get3A_3573 = arith.index_cast %add3A_711 : i32 to index
      %get3A_3574 = tpu.vector_load %arg12[%get3A_3572, %get3A_3573] {strides = array<i32>} : memref<832x128xf32, #tpu.memory_space<vmem>>, vector<16xf32>,
      %mul3A_3575 = arith.mulf %get3A_3574, %get3A_3569 : vector<16xf32>
      %add3A_3576 = arith.addf %scan3A_3496, %mul3A_3575 : vector<16xf32>
      scf.yield %add3A_3506, %add3A_3516, %add3A_3526, %add3A_3536, %add3A_3546, %add3A_3556, %add3A_3566, %add3A_3576 : vector<16xf32>, vector<16xf32>, vector<16xf32>, vector<16xf32>, vector<16xf32>, vector<16xf32>, vector<16xf32>, vector<16xf32>
    }
    %scan3A_954 = arith.constant 64 : i32
    %swap3A_955 = arith.constant 18 : i32
    %swap3A_956 = arith.index_cast %swap3A_955 : i32 to index
    %swap3A_957 = arith.constant 0 : index
    %swap3A_958 = tpu.vector_load %arg16[%swap3A_956, %swap3A_957] {strides = array<i32>} : memref<21x64xf32, #tpu.memory_space<vmem>>, vector<16xf32>,
    tpu.vector_store %arg16[%swap3A_956, %swap3A_957], %scan3A_953#0 {strides = array<i32>} : memref<21x64xf32, #tpu.memory_space<vmem>>, vector<16xf32>,
    %swap3A_959 = arith.constant 18 : i32
    %swap3A_960 = arith.index_cast %swap3A_959 : i32 to index
    %swap3A_961 = arith.constant 16 : index
    %swap3A_962 = tpu.vector_load %arg16[%swap3A_960, %swap3A_961] {strides = array<i32>} : memref<21x64xf32, #tpu.memory_space<vmem>>, vector<16xf32>,
    tpu.vector_store %arg16[%swap3A_960, %swap3A_961], %scan3A_953#1 {strides = array<i32>} : memref<21x64xf32, #tpu.memory_space<vmem>>, vector<16xf32>,
    %swap3A_963 = arith.constant 18 : i32
    %swap3A_964 = arith.index_cast %swap3A_963 : i32 to index
    %swap3A_965 = arith.constant 32 : index
    %swap3A_966 = tpu.vector_load %arg16[%swap3A_964, %swap3A_965] {strides = array<i32>} : memref<21x64xf32, #tpu.memory_space<vmem>>, vector<16xf32>,
    tpu.vector_store %arg16[%swap3A_964, %swap3A_965], %scan3A_953#2 {strides = array<i32>} : memref<21x64xf32, #tpu.memory_space<vmem>>, vector<16xf32>,
    %swap3A_967 = arith.constant 18 : i32
    %swap3A_968 = arith.index_cast %swap3A_967 : i32 to index
    %swap3A_969 = arith.constant 48 : index
    %swap3A_970 = tpu.vector_load %arg16[%swap3A_968, %swap3A_969] {strides = array<i32>} : memref<21x64xf32, #tpu.memory_space<vmem>>, vector<16xf32>,
    tpu.vector_store %arg16[%swap3A_968, %swap3A_969], %scan3A_953#3 {strides = array<i32>} : memref<21x64xf32, #tpu.memory_space<vmem>>, vector<16xf32>,
    %swap3A_971 = arith.constant 19 : i32
    %swap3A_972 = arith.index_cast %swap3A_971 : i32 to index
    %swap3A_973 = arith.constant 0 : index
    %swap3A_974 = tpu.vector_load %arg16[%swap3A_972, %swap3A_973] {strides = array<i32>} : memref<21x64xf32, #tpu.memory_space<vmem>>, vector<16xf32>,
    tpu.vector_store %arg16[%swap3A_972, %swap3A_973], %scan3A_953#4 {strides = array<i32>} : memref<21x64xf32, #tpu.memory_space<vmem>>, vector<16xf32>,
    %swap3A_975 = arith.constant 19 : i32
    %swap3A_976 = arith.index_cast %swap3A_975 : i32 to index
    %swap3A_977 = arith.constant 16 : index
    %swap3A_978 = tpu.vector_load %arg16[%swap3A_976, %swap3A_977] {strides = array<i32>} : memref<21x64xf32, #tpu.memory_space<vmem>>, vector<16xf32>,
    tpu.vector_store %arg16[%swap3A_976, %swap3A_977], %scan3A_953#5 {strides = array<i32>} : memref<21x64xf32, #tpu.memory_space<vmem>>, vector<16xf32>,
    %swap3A_979 = arith.constant 19 : i32
    %swap3A_980 = arith.index_cast %swap3A_979 : i32 to index
    %swap3A_981 = arith.constant 32 : index
    %swap3A_982 = tpu.vector_load %arg16[%swap3A_980, %swap3A_981] {strides = array<i32>} : memref<21x64xf32, #tpu.memory_space<vmem>>, vector<16xf32>,
    tpu.vector_store %arg16[%swap3A_980, %swap3A_981], %scan3A_953#6 {strides = array<i32>} : memref<21x64xf32, #tpu.memory_space<vmem>>, vector<16xf32>,
    %swap3A_983 = arith.constant 19 : i32
    %swap3A_984 = arith.index_cast %swap3A_983 : i32 to index
    %swap3A_985 = arith.constant 48 : index
    %swap3A_986 = tpu.vector_load %arg16[%swap3A_984, %swap3A_985] {strides = array<i32>} : memref<21x64xf32, #tpu.memory_space<vmem>>, vector<16xf32>,
    tpu.vector_store %arg16[%swap3A_984, %swap3A_985], %scan3A_953#7 {strides = array<i32>} : memref<21x64xf32, #tpu.memory_space<vmem>>, vector<16xf32>,
    %dma_wait3A_987 = arith.constant 768 : i32
    %dma_wait3A_988 = arith.constant 0 : i32
    %dma_wait3A_989 = tpu.memref_slice %arg12[%dma_wait3A_987, %dma_wait3A_988] : memref<832x128xf32, #tpu.memory_space<vmem>> -> memref<64x128xf32, #tpu.memory_space<vmem>>
    %dma_wait3A_990 = arith.constant 768 : i32
    %dma_wait3A_991 = tpu.memref_slice %arg11[%dma_wait3A_990] : memref<960xi32, #tpu.memory_space<vmem>> -> memref<64xi32, #tpu.memory_space<vmem>>
    %dma_wait3A_992 = arith.constant 0 : i32
    %dma_wait3A_993 = arith.constant 0 : i32
    %dma_wait3A_994 = tpu.memref_slice %arg2[%dma_wait3A_992, %dma_wait3A_993] : memref<320000x128xf32, #tpu.memory_space<hbm>> -> memref<320000x128xf32, #tpu.memory_space<hbm>>
    tpu.wait_indirect_dma semaphore(%arg19 : memref<!tpu.dma_semaphore, #tpu.memory_space<semaphore_mem>>) src(%dma_wait3A_994 : memref<320000x128xf32, #tpu.memory_space<hbm>>) dst(%dma_wait3A_989 : memref<64x128xf32, #tpu.memory_space<vmem>>)
    %scan3A_995 = arith.constant 0 : i32
    %scan3A_996 = arith.constant 64 : i32
    %scan3A_997 = arith.addi %scan3A_995, %scan3A_996 : i32
    %scan3A_998 = arith.constant 1 : i32
    %scan3A_999:4 = scf.for %scan3A_3488 = %scan3A_995 to %scan3A_997 step %scan3A_998 iter_args(%scan3A_3489 = %broadcast_in_dim3A_695, %scan3A_3490 = %broadcast_in_dim3A_695, %scan3A_3491 = %broadcast_in_dim3A_695, %scan3A_3492 = %broadcast_in_dim3A_695) -> (vector<16xf32>, vector<16xf32>, vector<16xf32>, vector<16xf32>)  : i32 {
      %get3A_3493 = arith.index_cast %scan3A_3488 : i32 to index
      %get3A_3494 = arith.index_cast %add3A_699 : i32 to index
      %get3A_3495 = tpu.vector_load %arg13[%get3A_3493, %get3A_3494] {strides = array<i32>} : memref<64x128xf32, #tpu.memory_space<vmem>>, vector<16xf32>,
      %add3A_3496 = arith.constant 768 : i32
      %add3A_3497 = arith.addi %add3A_3496, %scan3A_3488 : i32
      %get3A_3498 = arith.index_cast %add3A_3497 : i32 to index
      %get3A_3499 = arith.index_cast %add3A_699 : i32 to index
      %get3A_3500 = tpu.vector_load %arg12[%get3A_3498, %get3A_3499] {strides = array<i32>} : memref<832x128xf32, #tpu.memory_space<vmem>>, vector<16xf32>,
      %mul3A_3501 = arith.mulf %get3A_3500, %get3A_3495 : vector<16xf32>
      %add3A_3502 = arith.addf %scan3A_3489, %mul3A_3501 : vector<16xf32>
      %get3A_3503 = arith.index_cast %scan3A_3488 : i32 to index
      %get3A_3504 = arith.index_cast %add3A_703 : i32 to index
      %get3A_3505 = tpu.vector_load %arg13[%get3A_3503, %get3A_3504] {strides = array<i32>} : memref<64x128xf32, #tpu.memory_space<vmem>>, vector<16xf32>,
      %add3A_3506 = arith.constant 768 : i32
      %add3A_3507 = arith.addi %add3A_3506, %scan3A_3488 : i32
      %get3A_3508 = arith.index_cast %add3A_3507 : i32 to index
      %get3A_3509 = arith.index_cast %add3A_703 : i32 to index
      %get3A_3510 = tpu.vector_load %arg12[%get3A_3508, %get3A_3509] {strides = array<i32>} : memref<832x128xf32, #tpu.memory_space<vmem>>, vector<16xf32>,
      %mul3A_3511 = arith.mulf %get3A_3510, %get3A_3505 : vector<16xf32>
      %add3A_3512 = arith.addf %scan3A_3490, %mul3A_3511 : vector<16xf32>
      %get3A_3513 = arith.index_cast %scan3A_3488 : i32 to index
      %get3A_3514 = arith.index_cast %add3A_707 : i32 to index
      %get3A_3515 = tpu.vector_load %arg13[%get3A_3513, %get3A_3514] {strides = array<i32>} : memref<64x128xf32, #tpu.memory_space<vmem>>, vector<16xf32>,
      %add3A_3516 = arith.constant 768 : i32
      %add3A_3517 = arith.addi %add3A_3516, %scan3A_3488 : i32
      %get3A_3518 = arith.index_cast %add3A_3517 : i32 to index
      %get3A_3519 = arith.index_cast %add3A_707 : i32 to index
      %get3A_3520 = tpu.vector_load %arg12[%get3A_3518, %get3A_3519] {strides = array<i32>} : memref<832x128xf32, #tpu.memory_space<vmem>>, vector<16xf32>,
      %mul3A_3521 = arith.mulf %get3A_3520, %get3A_3515 : vector<16xf32>
      %add3A_3522 = arith.addf %scan3A_3491, %mul3A_3521 : vector<16xf32>
      %get3A_3523 = arith.index_cast %scan3A_3488 : i32 to index
      %get3A_3524 = arith.index_cast %add3A_711 : i32 to index
      %get3A_3525 = tpu.vector_load %arg13[%get3A_3523, %get3A_3524] {strides = array<i32>} : memref<64x128xf32, #tpu.memory_space<vmem>>, vector<16xf32>,
      %add3A_3526 = arith.constant 768 : i32
      %add3A_3527 = arith.addi %add3A_3526, %scan3A_3488 : i32
      %get3A_3528 = arith.index_cast %add3A_3527 : i32 to index
      %get3A_3529 = arith.index_cast %add3A_711 : i32 to index
      %get3A_3530 = tpu.vector_load %arg12[%get3A_3528, %get3A_3529] {strides = array<i32>} : memref<832x128xf32, #tpu.memory_space<vmem>>, vector<16xf32>,
      %mul3A_3531 = arith.mulf %get3A_3530, %get3A_3525 : vector<16xf32>
      %add3A_3532 = arith.addf %scan3A_3492, %mul3A_3531 : vector<16xf32>
      scf.yield %add3A_3502, %add3A_3512, %add3A_3522, %add3A_3532 : vector<16xf32>, vector<16xf32>, vector<16xf32>, vector<16xf32>
    }
    %scan3A_1000 = arith.constant 64 : i32
    %swap3A_1001 = arith.constant 20 : i32
    %swap3A_1002 = arith.index_cast %swap3A_1001 : i32 to index
    %swap3A_1003 = arith.constant 0 : index
    %swap3A_1004 = tpu.vector_load %arg16[%swap3A_1002, %swap3A_1003] {strides = array<i32>} : memref<21x64xf32, #tpu.memory_space<vmem>>, vector<16xf32>,
    tpu.vector_store %arg16[%swap3A_1002, %swap3A_1003], %scan3A_999#0 {strides = array<i32>} : memref<21x64xf32, #tpu.memory_space<vmem>>, vector<16xf32>,
    %swap3A_1005 = arith.constant 20 : i32
    %swap3A_1006 = arith.index_cast %swap3A_1005 : i32 to index
    %swap3A_1007 = arith.constant 16 : index
    %swap3A_1008 = tpu.vector_load %arg16[%swap3A_1006, %swap3A_1007] {strides = array<i32>} : memref<21x64xf32, #tpu.memory_space<vmem>>, vector<16xf32>,
    tpu.vector_store %arg16[%swap3A_1006, %swap3A_1007], %scan3A_999#1 {strides = array<i32>} : memref<21x64xf32, #tpu.memory_space<vmem>>, vector<16xf32>,
    %swap3A_1009 = arith.constant 20 : i32
    %swap3A_1010 = arith.index_cast %swap3A_1009 : i32 to index
    %swap3A_1011 = arith.constant 32 : index
    %swap3A_1012 = tpu.vector_load %arg16[%swap3A_1010, %swap3A_1011] {strides = array<i32>} : memref<21x64xf32, #tpu.memory_space<vmem>>, vector<16xf32>,
    tpu.vector_store %arg16[%swap3A_1010, %swap3A_1011], %scan3A_999#2 {strides = array<i32>} : memref<21x64xf32, #tpu.memory_space<vmem>>, vector<16xf32>,
    %swap3A_1013 = arith.constant 20 : i32
    %swap3A_1014 = arith.index_cast %swap3A_1013 : i32 to index
    %swap3A_1015 = arith.constant 48 : index
    %swap3A_1016 = tpu.vector_load %arg16[%swap3A_1014, %swap3A_1015] {strides = array<i32>} : memref<21x64xf32, #tpu.memory_space<vmem>>, vector<16xf32>,
    tpu.vector_store %arg16[%swap3A_1014, %swap3A_1015], %scan3A_999#3 {strides = array<i32>} : memref<21x64xf32, #tpu.memory_space<vmem>>, vector<16xf32>,
    %get3A_1017 = arith.constant 8 : i32
    %get3A_1018 = arith.index_cast %get3A_1017 : i32 to index
    %get3A_1019 = arith.constant 0 : index
    %get3A_1020 = tpu.vector_load %arg16[%get3A_1018, %get3A_1019] {strides = array<i32>} : memref<21x64xf32, #tpu.memory_space<vmem>>, vector<16xf32>,
    %max3A = arith.constant 0.000000e+00 : f32
    %max3A_1021 = vector.broadcast %max3A : f32 to vector<16xf32>
    %max3A_1022 = arith.maximumf %get3A_1020, %max3A_1021 : vector<16xf32>
    %add3A_1023 = arith.addf %broadcast_in_dim3A_695, %max3A_1022 : vector<16xf32>
    %swap3A_1024 = arith.constant 8 : i32
    %swap3A_1025 = arith.index_cast %swap3A_1024 : i32 to index
    %swap3A_1026 = arith.constant 0 : index
    %swap3A_1027 = tpu.vector_load %arg16[%swap3A_1025, %swap3A_1026] {strides = array<i32>} : memref<21x64xf32, #tpu.memory_space<vmem>>, vector<16xf32>,
    tpu.vector_store %arg16[%swap3A_1025, %swap3A_1026], %add3A_1023 {strides = array<i32>} : memref<21x64xf32, #tpu.memory_space<vmem>>, vector<16xf32>,
    %get3A_1028 = arith.constant 9 : i32
    %get3A_1029 = arith.index_cast %get3A_1028 : i32 to index
    %get3A_1030 = arith.constant 0 : index
    %get3A_1031 = tpu.vector_load %arg16[%get3A_1029, %get3A_1030] {strides = array<i32>} : memref<21x64xf32, #tpu.memory_space<vmem>>, vector<16xf32>,
    %max3A_1032 = arith.constant 0.000000e+00 : f32
    %max3A_1033 = vector.broadcast %max3A_1032 : f32 to vector<16xf32>
    %max3A_1034 = arith.maximumf %get3A_1031, %max3A_1033 : vector<16xf32>
    %add3A_1035 = arith.addf %add3A_1023, %max3A_1034 : vector<16xf32>
    %swap3A_1036 = arith.constant 9 : i32
    %swap3A_1037 = arith.index_cast %swap3A_1036 : i32 to index
    %swap3A_1038 = arith.constant 0 : index
    %swap3A_1039 = tpu.vector_load %arg16[%swap3A_1037, %swap3A_1038] {strides = array<i32>} : memref<21x64xf32, #tpu.memory_space<vmem>>, vector<16xf32>,
    tpu.vector_store %arg16[%swap3A_1037, %swap3A_1038], %add3A_1035 {strides = array<i32>} : memref<21x64xf32, #tpu.memory_space<vmem>>, vector<16xf32>,
    %get3A_1040 = arith.constant 10 : i32
    %get3A_1041 = arith.index_cast %get3A_1040 : i32 to index
    %get3A_1042 = arith.constant 0 : index
    %get3A_1043 = tpu.vector_load %arg16[%get3A_1041, %get3A_1042] {strides = array<i32>} : memref<21x64xf32, #tpu.memory_space<vmem>>, vector<16xf32>,
    %max3A_1044 = arith.constant 0.000000e+00 : f32
    %max3A_1045 = vector.broadcast %max3A_1044 : f32 to vector<16xf32>
    %max3A_1046 = arith.maximumf %get3A_1043, %max3A_1045 : vector<16xf32>
    %add3A_1047 = arith.addf %add3A_1035, %max3A_1046 : vector<16xf32>
    %swap3A_1048 = arith.constant 10 : i32
    %swap3A_1049 = arith.index_cast %swap3A_1048 : i32 to index
    %swap3A_1050 = arith.constant 0 : index
    %swap3A_1051 = tpu.vector_load %arg16[%swap3A_1049, %swap3A_1050] {strides = array<i32>} : memref<21x64xf32, #tpu.memory_space<vmem>>, vector<16xf32>,
    tpu.vector_store %arg16[%swap3A_1049, %swap3A_1050], %add3A_1047 {strides = array<i32>} : memref<21x64xf32, #tpu.memory_space<vmem>>, vector<16xf32>,
    %get3A_1052 = arith.constant 11 : i32
    %get3A_1053 = arith.index_cast %get3A_1052 : i32 to index
    %get3A_1054 = arith.constant 0 : index
    %get3A_1055 = tpu.vector_load %arg16[%get3A_1053, %get3A_1054] {strides = array<i32>} : memref<21x64xf32, #tpu.memory_space<vmem>>, vector<16xf32>,
    %max3A_1056 = arith.constant 0.000000e+00 : f32
    %max3A_1057 = vector.broadcast %max3A_1056 : f32 to vector<16xf32>
    %max3A_1058 = arith.maximumf %get3A_1055, %max3A_1057 : vector<16xf32>
    %add3A_1059 = arith.addf %add3A_1047, %max3A_1058 : vector<16xf32>
    %swap3A_1060 = arith.constant 11 : i32
    %swap3A_1061 = arith.index_cast %swap3A_1060 : i32 to index
    %swap3A_1062 = arith.constant 0 : index
    %swap3A_1063 = tpu.vector_load %arg16[%swap3A_1061, %swap3A_1062] {strides = array<i32>} : memref<21x64xf32, #tpu.memory_space<vmem>>, vector<16xf32>,
    tpu.vector_store %arg16[%swap3A_1061, %swap3A_1062], %add3A_1059 {strides = array<i32>} : memref<21x64xf32, #tpu.memory_space<vmem>>, vector<16xf32>,
    %get3A_1064 = arith.constant 12 : i32
    %get3A_1065 = arith.index_cast %get3A_1064 : i32 to index
    %get3A_1066 = arith.constant 0 : index
    %get3A_1067 = tpu.vector_load %arg16[%get3A_1065, %get3A_1066] {strides = array<i32>} : memref<21x64xf32, #tpu.memory_space<vmem>>, vector<16xf32>,
    %max3A_1068 = arith.constant 0.000000e+00 : f32
    %max3A_1069 = vector.broadcast %max3A_1068 : f32 to vector<16xf32>
    %max3A_1070 = arith.maximumf %get3A_1067, %max3A_1069 : vector<16xf32>
    %add3A_1071 = arith.addf %add3A_1059, %max3A_1070 : vector<16xf32>
    %swap3A_1072 = arith.constant 12 : i32
    %swap3A_1073 = arith.index_cast %swap3A_1072 : i32 to index
    %swap3A_1074 = arith.constant 0 : index
    %swap3A_1075 = tpu.vector_load %arg16[%swap3A_1073, %swap3A_1074] {strides = array<i32>} : memref<21x64xf32, #tpu.memory_space<vmem>>, vector<16xf32>,
    tpu.vector_store %arg16[%swap3A_1073, %swap3A_1074], %add3A_1071 {strides = array<i32>} : memref<21x64xf32, #tpu.memory_space<vmem>>, vector<16xf32>,
    %get3A_1076 = arith.constant 13 : i32
    %get3A_1077 = arith.index_cast %get3A_1076 : i32 to index
    %get3A_1078 = arith.constant 0 : index
    %get3A_1079 = tpu.vector_load %arg16[%get3A_1077, %get3A_1078] {strides = array<i32>} : memref<21x64xf32, #tpu.memory_space<vmem>>, vector<16xf32>,
    %max3A_1080 = arith.constant 0.000000e+00 : f32
    %max3A_1081 = vector.broadcast %max3A_1080 : f32 to vector<16xf32>
    %max3A_1082 = arith.maximumf %get3A_1079, %max3A_1081 : vector<16xf32>
    %add3A_1083 = arith.addf %add3A_1071, %max3A_1082 : vector<16xf32>
    %swap3A_1084 = arith.constant 13 : i32
    %swap3A_1085 = arith.index_cast %swap3A_1084 : i32 to index
    %swap3A_1086 = arith.constant 0 : index
    %swap3A_1087 = tpu.vector_load %arg16[%swap3A_1085, %swap3A_1086] {strides = array<i32>} : memref<21x64xf32, #tpu.memory_space<vmem>>, vector<16xf32>,
    tpu.vector_store %arg16[%swap3A_1085, %swap3A_1086], %add3A_1083 {strides = array<i32>} : memref<21x64xf32, #tpu.memory_space<vmem>>, vector<16xf32>,
    %get3A_1088 = arith.constant 14 : i32
    %get3A_1089 = arith.index_cast %get3A_1088 : i32 to index
    %get3A_1090 = arith.constant 0 : index
    %get3A_1091 = tpu.vector_load %arg16[%get3A_1089, %get3A_1090] {strides = array<i32>} : memref<21x64xf32, #tpu.memory_space<vmem>>, vector<16xf32>,
    %max3A_1092 = arith.constant 0.000000e+00 : f32
    %max3A_1093 = vector.broadcast %max3A_1092 : f32 to vector<16xf32>
    %max3A_1094 = arith.maximumf %get3A_1091, %max3A_1093 : vector<16xf32>
    %add3A_1095 = arith.addf %add3A_1083, %max3A_1094 : vector<16xf32>
    %swap3A_1096 = arith.constant 14 : i32
    %swap3A_1097 = arith.index_cast %swap3A_1096 : i32 to index
    %swap3A_1098 = arith.constant 0 : index
    %swap3A_1099 = tpu.vector_load %arg16[%swap3A_1097, %swap3A_1098] {strides = array<i32>} : memref<21x64xf32, #tpu.memory_space<vmem>>, vector<16xf32>,
    tpu.vector_store %arg16[%swap3A_1097, %swap3A_1098], %add3A_1095 {strides = array<i32>} : memref<21x64xf32, #tpu.memory_space<vmem>>, vector<16xf32>,
    %get3A_1100 = arith.constant 15 : i32
    %get3A_1101 = arith.index_cast %get3A_1100 : i32 to index
    %get3A_1102 = arith.constant 0 : index
    %get3A_1103 = tpu.vector_load %arg16[%get3A_1101, %get3A_1102] {strides = array<i32>} : memref<21x64xf32, #tpu.memory_space<vmem>>, vector<16xf32>,
    %max3A_1104 = arith.constant 0.000000e+00 : f32
    %max3A_1105 = vector.broadcast %max3A_1104 : f32 to vector<16xf32>
    %max3A_1106 = arith.maximumf %get3A_1103, %max3A_1105 : vector<16xf32>
    %add3A_1107 = arith.addf %add3A_1095, %max3A_1106 : vector<16xf32>
    %swap3A_1108 = arith.constant 15 : i32
    %swap3A_1109 = arith.index_cast %swap3A_1108 : i32 to index
    %swap3A_1110 = arith.constant 0 : index
    %swap3A_1111 = tpu.vector_load %arg16[%swap3A_1109, %swap3A_1110] {strides = array<i32>} : memref<21x64xf32, #tpu.memory_space<vmem>>, vector<16xf32>,
    tpu.vector_store %arg16[%swap3A_1109, %swap3A_1110], %add3A_1107 {strides = array<i32>} : memref<21x64xf32, #tpu.memory_space<vmem>>, vector<16xf32>,
    %get3A_1112 = arith.constant 16 : i32
    %get3A_1113 = arith.index_cast %get3A_1112 : i32 to index
    %get3A_1114 = arith.constant 0 : index
    %get3A_1115 = tpu.vector_load %arg16[%get3A_1113, %get3A_1114] {strides = array<i32>} : memref<21x64xf32, #tpu.memory_space<vmem>>, vector<16xf32>,
    %max3A_1116 = arith.constant 0.000000e+00 : f32
    %max3A_1117 = vector.broadcast %max3A_1116 : f32 to vector<16xf32>
    %max3A_1118 = arith.maximumf %get3A_1115, %max3A_1117 : vector<16xf32>
    %add3A_1119 = arith.addf %add3A_1107, %max3A_1118 : vector<16xf32>
    %swap3A_1120 = arith.constant 16 : i32
    %swap3A_1121 = arith.index_cast %swap3A_1120 : i32 to index
    %swap3A_1122 = arith.constant 0 : index
    %swap3A_1123 = tpu.vector_load %arg16[%swap3A_1121, %swap3A_1122] {strides = array<i32>} : memref<21x64xf32, #tpu.memory_space<vmem>>, vector<16xf32>,
    tpu.vector_store %arg16[%swap3A_1121, %swap3A_1122], %add3A_1119 {strides = array<i32>} : memref<21x64xf32, #tpu.memory_space<vmem>>, vector<16xf32>,
    %get3A_1124 = arith.constant 17 : i32
    %get3A_1125 = arith.index_cast %get3A_1124 : i32 to index
    %get3A_1126 = arith.constant 0 : index
    %get3A_1127 = tpu.vector_load %arg16[%get3A_1125, %get3A_1126] {strides = array<i32>} : memref<21x64xf32, #tpu.memory_space<vmem>>, vector<16xf32>,
    %max3A_1128 = arith.constant 0.000000e+00 : f32
    %max3A_1129 = vector.broadcast %max3A_1128 : f32 to vector<16xf32>
    %max3A_1130 = arith.maximumf %get3A_1127, %max3A_1129 : vector<16xf32>
    %add3A_1131 = arith.addf %add3A_1119, %max3A_1130 : vector<16xf32>
    %swap3A_1132 = arith.constant 17 : i32
    %swap3A_1133 = arith.index_cast %swap3A_1132 : i32 to index
    %swap3A_1134 = arith.constant 0 : index
    %swap3A_1135 = tpu.vector_load %arg16[%swap3A_1133, %swap3A_1134] {strides = array<i32>} : memref<21x64xf32, #tpu.memory_space<vmem>>, vector<16xf32>,
    tpu.vector_store %arg16[%swap3A_1133, %swap3A_1134], %add3A_1131 {strides = array<i32>} : memref<21x64xf32, #tpu.memory_space<vmem>>, vector<16xf32>,
    %get3A_1136 = arith.constant 18 : i32
    %get3A_1137 = arith.index_cast %get3A_1136 : i32 to index
    %get3A_1138 = arith.constant 0 : index
    %get3A_1139 = tpu.vector_load %arg16[%get3A_1137, %get3A_1138] {strides = array<i32>} : memref<21x64xf32, #tpu.memory_space<vmem>>, vector<16xf32>,
    %max3A_1140 = arith.constant 0.000000e+00 : f32
    %max3A_1141 = vector.broadcast %max3A_1140 : f32 to vector<16xf32>
    %max3A_1142 = arith.maximumf %get3A_1139, %max3A_1141 : vector<16xf32>
    %add3A_1143 = arith.addf %add3A_1131, %max3A_1142 : vector<16xf32>
    %swap3A_1144 = arith.constant 18 : i32
    %swap3A_1145 = arith.index_cast %swap3A_1144 : i32 to index
    %swap3A_1146 = arith.constant 0 : index
    %swap3A_1147 = tpu.vector_load %arg16[%swap3A_1145, %swap3A_1146] {strides = array<i32>} : memref<21x64xf32, #tpu.memory_space<vmem>>, vector<16xf32>,
    tpu.vector_store %arg16[%swap3A_1145, %swap3A_1146], %add3A_1143 {strides = array<i32>} : memref<21x64xf32, #tpu.memory_space<vmem>>, vector<16xf32>,
    %get3A_1148 = arith.constant 19 : i32
    %get3A_1149 = arith.index_cast %get3A_1148 : i32 to index
    %get3A_1150 = arith.constant 0 : index
    %get3A_1151 = tpu.vector_load %arg16[%get3A_1149, %get3A_1150] {strides = array<i32>} : memref<21x64xf32, #tpu.memory_space<vmem>>, vector<16xf32>,
    %max3A_1152 = arith.constant 0.000000e+00 : f32
    %max3A_1153 = vector.broadcast %max3A_1152 : f32 to vector<16xf32>
    %max3A_1154 = arith.maximumf %get3A_1151, %max3A_1153 : vector<16xf32>
    %add3A_1155 = arith.addf %add3A_1143, %max3A_1154 : vector<16xf32>
    %swap3A_1156 = arith.constant 19 : i32
    %swap3A_1157 = arith.index_cast %swap3A_1156 : i32 to index
    %swap3A_1158 = arith.constant 0 : index
    %swap3A_1159 = tpu.vector_load %arg16[%swap3A_1157, %swap3A_1158] {strides = array<i32>} : memref<21x64xf32, #tpu.memory_space<vmem>>, vector<16xf32>,
    tpu.vector_store %arg16[%swap3A_1157, %swap3A_1158], %add3A_1155 {strides = array<i32>} : memref<21x64xf32, #tpu.memory_space<vmem>>, vector<16xf32>,
    %get3A_1160 = arith.constant 20 : i32
    %get3A_1161 = arith.index_cast %get3A_1160 : i32 to index
    %get3A_1162 = arith.constant 0 : index
    %get3A_1163 = tpu.vector_load %arg16[%get3A_1161, %get3A_1162] {strides = array<i32>} : memref<21x64xf32, #tpu.memory_space<vmem>>, vector<16xf32>,
    %max3A_1164 = arith.constant 0.000000e+00 : f32
    %max3A_1165 = vector.broadcast %max3A_1164 : f32 to vector<16xf32>
    %max3A_1166 = arith.maximumf %get3A_1163, %max3A_1165 : vector<16xf32>
    %add3A_1167 = arith.addf %add3A_1155, %max3A_1166 : vector<16xf32>
    %swap3A_1168 = arith.constant 20 : i32
    %swap3A_1169 = arith.index_cast %swap3A_1168 : i32 to index
    %swap3A_1170 = arith.constant 0 : index
    %swap3A_1171 = tpu.vector_load %arg16[%swap3A_1169, %swap3A_1170] {strides = array<i32>} : memref<21x64xf32, #tpu.memory_space<vmem>>, vector<16xf32>,
    tpu.vector_store %arg16[%swap3A_1169, %swap3A_1170], %add3A_1167 {strides = array<i32>} : memref<21x64xf32, #tpu.memory_space<vmem>>, vector<16xf32>,
    %swap3A_1172 = arith.constant 0 : i32
    %swap3A_1173 = arith.index_cast %swap3A_1172 : i32 to index
    %swap3A_1174 = arith.constant 0 : index
    %swap3A_1175 = tpu.vector_load %arg15[%swap3A_1173, %swap3A_1174] {strides = array<i32>} : memref<1x64xf32, #tpu.memory_space<vmem>>, vector<16xf32>,
    tpu.vector_store %arg15[%swap3A_1173, %swap3A_1174], %add3A_1167 {strides = array<i32>} : memref<1x64xf32, #tpu.memory_space<vmem>>, vector<16xf32>,
    %get3A_1176 = arith.constant 8 : i32
    %get3A_1177 = arith.index_cast %get3A_1176 : i32 to index
    %get3A_1178 = arith.constant 16 : index
    %get3A_1179 = tpu.vector_load %arg16[%get3A_1177, %get3A_1178] {strides = array<i32>} : memref<21x64xf32, #tpu.memory_space<vmem>>, vector<16xf32>,
    %max3A_1180 = arith.constant 0.000000e+00 : f32
    %max3A_1181 = vector.broadcast %max3A_1180 : f32 to vector<16xf32>
    %max3A_1182 = arith.maximumf %get3A_1179, %max3A_1181 : vector<16xf32>
    %add3A_1183 = arith.addf %broadcast_in_dim3A_695, %max3A_1182 : vector<16xf32>
    %swap3A_1184 = arith.constant 8 : i32
    %swap3A_1185 = arith.index_cast %swap3A_1184 : i32 to index
    %swap3A_1186 = arith.constant 16 : index
    %swap3A_1187 = tpu.vector_load %arg16[%swap3A_1185, %swap3A_1186] {strides = array<i32>} : memref<21x64xf32, #tpu.memory_space<vmem>>, vector<16xf32>,
    tpu.vector_store %arg16[%swap3A_1185, %swap3A_1186], %add3A_1183 {strides = array<i32>} : memref<21x64xf32, #tpu.memory_space<vmem>>, vector<16xf32>,
    %get3A_1188 = arith.constant 9 : i32
    %get3A_1189 = arith.index_cast %get3A_1188 : i32 to index
    %get3A_1190 = arith.constant 16 : index
    %get3A_1191 = tpu.vector_load %arg16[%get3A_1189, %get3A_1190] {strides = array<i32>} : memref<21x64xf32, #tpu.memory_space<vmem>>, vector<16xf32>,
    %max3A_1192 = arith.constant 0.000000e+00 : f32
    %max3A_1193 = vector.broadcast %max3A_1192 : f32 to vector<16xf32>
    %max3A_1194 = arith.maximumf %get3A_1191, %max3A_1193 : vector<16xf32>
    %add3A_1195 = arith.addf %add3A_1183, %max3A_1194 : vector<16xf32>
    %swap3A_1196 = arith.constant 9 : i32
    %swap3A_1197 = arith.index_cast %swap3A_1196 : i32 to index
    %swap3A_1198 = arith.constant 16 : index
    %swap3A_1199 = tpu.vector_load %arg16[%swap3A_1197, %swap3A_1198] {strides = array<i32>} : memref<21x64xf32, #tpu.memory_space<vmem>>, vector<16xf32>,
    tpu.vector_store %arg16[%swap3A_1197, %swap3A_1198], %add3A_1195 {strides = array<i32>} : memref<21x64xf32, #tpu.memory_space<vmem>>, vector<16xf32>,
    %get3A_1200 = arith.constant 10 : i32
    %get3A_1201 = arith.index_cast %get3A_1200 : i32 to index
    %get3A_1202 = arith.constant 16 : index
    %get3A_1203 = tpu.vector_load %arg16[%get3A_1201, %get3A_1202] {strides = array<i32>} : memref<21x64xf32, #tpu.memory_space<vmem>>, vector<16xf32>,
    %max3A_1204 = arith.constant 0.000000e+00 : f32
    %max3A_1205 = vector.broadcast %max3A_1204 : f32 to vector<16xf32>
    %max3A_1206 = arith.maximumf %get3A_1203, %max3A_1205 : vector<16xf32>
    %add3A_1207 = arith.addf %add3A_1195, %max3A_1206 : vector<16xf32>
    %swap3A_1208 = arith.constant 10 : i32
    %swap3A_1209 = arith.index_cast %swap3A_1208 : i32 to index
    %swap3A_1210 = arith.constant 16 : index
    %swap3A_1211 = tpu.vector_load %arg16[%swap3A_1209, %swap3A_1210] {strides = array<i32>} : memref<21x64xf32, #tpu.memory_space<vmem>>, vector<16xf32>,
    tpu.vector_store %arg16[%swap3A_1209, %swap3A_1210], %add3A_1207 {strides = array<i32>} : memref<21x64xf32, #tpu.memory_space<vmem>>, vector<16xf32>,
    %get3A_1212 = arith.constant 11 : i32
    %get3A_1213 = arith.index_cast %get3A_1212 : i32 to index
    %get3A_1214 = arith.constant 16 : index
    %get3A_1215 = tpu.vector_load %arg16[%get3A_1213, %get3A_1214] {strides = array<i32>} : memref<21x64xf32, #tpu.memory_space<vmem>>, vector<16xf32>,
    %max3A_1216 = arith.constant 0.000000e+00 : f32
    %max3A_1217 = vector.broadcast %max3A_1216 : f32 to vector<16xf32>
    %max3A_1218 = arith.maximumf %get3A_1215, %max3A_1217 : vector<16xf32>
    %add3A_1219 = arith.addf %add3A_1207, %max3A_1218 : vector<16xf32>
    %swap3A_1220 = arith.constant 11 : i32
    %swap3A_1221 = arith.index_cast %swap3A_1220 : i32 to index
    %swap3A_1222 = arith.constant 16 : index
    %swap3A_1223 = tpu.vector_load %arg16[%swap3A_1221, %swap3A_1222] {strides = array<i32>} : memref<21x64xf32, #tpu.memory_space<vmem>>, vector<16xf32>,
    tpu.vector_store %arg16[%swap3A_1221, %swap3A_1222], %add3A_1219 {strides = array<i32>} : memref<21x64xf32, #tpu.memory_space<vmem>>, vector<16xf32>,
    %get3A_1224 = arith.constant 12 : i32
    %get3A_1225 = arith.index_cast %get3A_1224 : i32 to index
    %get3A_1226 = arith.constant 16 : index
    %get3A_1227 = tpu.vector_load %arg16[%get3A_1225, %get3A_1226] {strides = array<i32>} : memref<21x64xf32, #tpu.memory_space<vmem>>, vector<16xf32>,
    %max3A_1228 = arith.constant 0.000000e+00 : f32
    %max3A_1229 = vector.broadcast %max3A_1228 : f32 to vector<16xf32>
    %max3A_1230 = arith.maximumf %get3A_1227, %max3A_1229 : vector<16xf32>
    %add3A_1231 = arith.addf %add3A_1219, %max3A_1230 : vector<16xf32>
    %swap3A_1232 = arith.constant 12 : i32
    %swap3A_1233 = arith.index_cast %swap3A_1232 : i32 to index
    %swap3A_1234 = arith.constant 16 : index
    %swap3A_1235 = tpu.vector_load %arg16[%swap3A_1233, %swap3A_1234] {strides = array<i32>} : memref<21x64xf32, #tpu.memory_space<vmem>>, vector<16xf32>,
    tpu.vector_store %arg16[%swap3A_1233, %swap3A_1234], %add3A_1231 {strides = array<i32>} : memref<21x64xf32, #tpu.memory_space<vmem>>, vector<16xf32>,
    %get3A_1236 = arith.constant 13 : i32
    %get3A_1237 = arith.index_cast %get3A_1236 : i32 to index
    %get3A_1238 = arith.constant 16 : index
    %get3A_1239 = tpu.vector_load %arg16[%get3A_1237, %get3A_1238] {strides = array<i32>} : memref<21x64xf32, #tpu.memory_space<vmem>>, vector<16xf32>,
    %max3A_1240 = arith.constant 0.000000e+00 : f32
    %max3A_1241 = vector.broadcast %max3A_1240 : f32 to vector<16xf32>
    %max3A_1242 = arith.maximumf %get3A_1239, %max3A_1241 : vector<16xf32>
    %add3A_1243 = arith.addf %add3A_1231, %max3A_1242 : vector<16xf32>
    %swap3A_1244 = arith.constant 13 : i32
    %swap3A_1245 = arith.index_cast %swap3A_1244 : i32 to index
    %swap3A_1246 = arith.constant 16 : index
    %swap3A_1247 = tpu.vector_load %arg16[%swap3A_1245, %swap3A_1246] {strides = array<i32>} : memref<21x64xf32, #tpu.memory_space<vmem>>, vector<16xf32>,
    tpu.vector_store %arg16[%swap3A_1245, %swap3A_1246], %add3A_1243 {strides = array<i32>} : memref<21x64xf32, #tpu.memory_space<vmem>>, vector<16xf32>,
    %get3A_1248 = arith.constant 14 : i32
    %get3A_1249 = arith.index_cast %get3A_1248 : i32 to index
    %get3A_1250 = arith.constant 16 : index
    %get3A_1251 = tpu.vector_load %arg16[%get3A_1249, %get3A_1250] {strides = array<i32>} : memref<21x64xf32, #tpu.memory_space<vmem>>, vector<16xf32>,
    %max3A_1252 = arith.constant 0.000000e+00 : f32
    %max3A_1253 = vector.broadcast %max3A_1252 : f32 to vector<16xf32>
    %max3A_1254 = arith.maximumf %get3A_1251, %max3A_1253 : vector<16xf32>
    %add3A_1255 = arith.addf %add3A_1243, %max3A_1254 : vector<16xf32>
    %swap3A_1256 = arith.constant 14 : i32
    %swap3A_1257 = arith.index_cast %swap3A_1256 : i32 to index
    %swap3A_1258 = arith.constant 16 : index
    %swap3A_1259 = tpu.vector_load %arg16[%swap3A_1257, %swap3A_1258] {strides = array<i32>} : memref<21x64xf32, #tpu.memory_space<vmem>>, vector<16xf32>,
    tpu.vector_store %arg16[%swap3A_1257, %swap3A_1258], %add3A_1255 {strides = array<i32>} : memref<21x64xf32, #tpu.memory_space<vmem>>, vector<16xf32>,
    %get3A_1260 = arith.constant 15 : i32
    %get3A_1261 = arith.index_cast %get3A_1260 : i32 to index
    %get3A_1262 = arith.constant 16 : index
    %get3A_1263 = tpu.vector_load %arg16[%get3A_1261, %get3A_1262] {strides = array<i32>} : memref<21x64xf32, #tpu.memory_space<vmem>>, vector<16xf32>,
    %max3A_1264 = arith.constant 0.000000e+00 : f32
    %max3A_1265 = vector.broadcast %max3A_1264 : f32 to vector<16xf32>
    %max3A_1266 = arith.maximumf %get3A_1263, %max3A_1265 : vector<16xf32>
    %add3A_1267 = arith.addf %add3A_1255, %max3A_1266 : vector<16xf32>
    %swap3A_1268 = arith.constant 15 : i32
    %swap3A_1269 = arith.index_cast %swap3A_1268 : i32 to index
    %swap3A_1270 = arith.constant 16 : index
    %swap3A_1271 = tpu.vector_load %arg16[%swap3A_1269, %swap3A_1270] {strides = array<i32>} : memref<21x64xf32, #tpu.memory_space<vmem>>, vector<16xf32>,
    tpu.vector_store %arg16[%swap3A_1269, %swap3A_1270], %add3A_1267 {strides = array<i32>} : memref<21x64xf32, #tpu.memory_space<vmem>>, vector<16xf32>,
    %get3A_1272 = arith.constant 16 : i32
    %get3A_1273 = arith.index_cast %get3A_1272 : i32 to index
    %get3A_1274 = arith.constant 16 : index
    %get3A_1275 = tpu.vector_load %arg16[%get3A_1273, %get3A_1274] {strides = array<i32>} : memref<21x64xf32, #tpu.memory_space<vmem>>, vector<16xf32>,
    %max3A_1276 = arith.constant 0.000000e+00 : f32
    %max3A_1277 = vector.broadcast %max3A_1276 : f32 to vector<16xf32>
    %max3A_1278 = arith.maximumf %get3A_1275, %max3A_1277 : vector<16xf32>
    %add3A_1279 = arith.addf %add3A_1267, %max3A_1278 : vector<16xf32>
    %swap3A_1280 = arith.constant 16 : i32
    %swap3A_1281 = arith.index_cast %swap3A_1280 : i32 to index
    %swap3A_1282 = arith.constant 16 : index
    %swap3A_1283 = tpu.vector_load %arg16[%swap3A_1281, %swap3A_1282] {strides = array<i32>} : memref<21x64xf32, #tpu.memory_space<vmem>>, vector<16xf32>,
    tpu.vector_store %arg16[%swap3A_1281, %swap3A_1282], %add3A_1279 {strides = array<i32>} : memref<21x64xf32, #tpu.memory_space<vmem>>, vector<16xf32>,
    %get3A_1284 = arith.constant 17 : i32
    %get3A_1285 = arith.index_cast %get3A_1284 : i32 to index
    %get3A_1286 = arith.constant 16 : index
    %get3A_1287 = tpu.vector_load %arg16[%get3A_1285, %get3A_1286] {strides = array<i32>} : memref<21x64xf32, #tpu.memory_space<vmem>>, vector<16xf32>,
    %max3A_1288 = arith.constant 0.000000e+00 : f32
    %max3A_1289 = vector.broadcast %max3A_1288 : f32 to vector<16xf32>
    %max3A_1290 = arith.maximumf %get3A_1287, %max3A_1289 : vector<16xf32>
    %add3A_1291 = arith.addf %add3A_1279, %max3A_1290 : vector<16xf32>
    %swap3A_1292 = arith.constant 17 : i32
    %swap3A_1293 = arith.index_cast %swap3A_1292 : i32 to index
    %swap3A_1294 = arith.constant 16 : index
    %swap3A_1295 = tpu.vector_load %arg16[%swap3A_1293, %swap3A_1294] {strides = array<i32>} : memref<21x64xf32, #tpu.memory_space<vmem>>, vector<16xf32>,
    tpu.vector_store %arg16[%swap3A_1293, %swap3A_1294], %add3A_1291 {strides = array<i32>} : memref<21x64xf32, #tpu.memory_space<vmem>>, vector<16xf32>,
    %get3A_1296 = arith.constant 18 : i32
    %get3A_1297 = arith.index_cast %get3A_1296 : i32 to index
    %get3A_1298 = arith.constant 16 : index
    %get3A_1299 = tpu.vector_load %arg16[%get3A_1297, %get3A_1298] {strides = array<i32>} : memref<21x64xf32, #tpu.memory_space<vmem>>, vector<16xf32>,
    %max3A_1300 = arith.constant 0.000000e+00 : f32
    %max3A_1301 = vector.broadcast %max3A_1300 : f32 to vector<16xf32>
    %max3A_1302 = arith.maximumf %get3A_1299, %max3A_1301 : vector<16xf32>
    %add3A_1303 = arith.addf %add3A_1291, %max3A_1302 : vector<16xf32>
    %swap3A_1304 = arith.constant 18 : i32
    %swap3A_1305 = arith.index_cast %swap3A_1304 : i32 to index
    %swap3A_1306 = arith.constant 16 : index
    %swap3A_1307 = tpu.vector_load %arg16[%swap3A_1305, %swap3A_1306] {strides = array<i32>} : memref<21x64xf32, #tpu.memory_space<vmem>>, vector<16xf32>,
    tpu.vector_store %arg16[%swap3A_1305, %swap3A_1306], %add3A_1303 {strides = array<i32>} : memref<21x64xf32, #tpu.memory_space<vmem>>, vector<16xf32>,
    %get3A_1308 = arith.constant 19 : i32
    %get3A_1309 = arith.index_cast %get3A_1308 : i32 to index
    %get3A_1310 = arith.constant 16 : index
    %get3A_1311 = tpu.vector_load %arg16[%get3A_1309, %get3A_1310] {strides = array<i32>} : memref<21x64xf32, #tpu.memory_space<vmem>>, vector<16xf32>,
    %max3A_1312 = arith.constant 0.000000e+00 : f32
    %max3A_1313 = vector.broadcast %max3A_1312 : f32 to vector<16xf32>
    %max3A_1314 = arith.maximumf %get3A_1311, %max3A_1313 : vector<16xf32>
    %add3A_1315 = arith.addf %add3A_1303, %max3A_1314 : vector<16xf32>
    %swap3A_1316 = arith.constant 19 : i32
    %swap3A_1317 = arith.index_cast %swap3A_1316 : i32 to index
    %swap3A_1318 = arith.constant 16 : index
    %swap3A_1319 = tpu.vector_load %arg16[%swap3A_1317, %swap3A_1318] {strides = array<i32>} : memref<21x64xf32, #tpu.memory_space<vmem>>, vector<16xf32>,
    tpu.vector_store %arg16[%swap3A_1317, %swap3A_1318], %add3A_1315 {strides = array<i32>} : memref<21x64xf32, #tpu.memory_space<vmem>>, vector<16xf32>,
    %get3A_1320 = arith.constant 20 : i32
    %get3A_1321 = arith.index_cast %get3A_1320 : i32 to index
    %get3A_1322 = arith.constant 16 : index
    %get3A_1323 = tpu.vector_load %arg16[%get3A_1321, %get3A_1322] {strides = array<i32>} : memref<21x64xf32, #tpu.memory_space<vmem>>, vector<16xf32>,
    %max3A_1324 = arith.constant 0.000000e+00 : f32
    %max3A_1325 = vector.broadcast %max3A_1324 : f32 to vector<16xf32>
    %max3A_1326 = arith.maximumf %get3A_1323, %max3A_1325 : vector<16xf32>
    %add3A_1327 = arith.addf %add3A_1315, %max3A_1326 : vector<16xf32>
    %swap3A_1328 = arith.constant 20 : i32
    %swap3A_1329 = arith.index_cast %swap3A_1328 : i32 to index
    %swap3A_1330 = arith.constant 16 : index
    %swap3A_1331 = tpu.vector_load %arg16[%swap3A_1329, %swap3A_1330] {strides = array<i32>} : memref<21x64xf32, #tpu.memory_space<vmem>>, vector<16xf32>,
    tpu.vector_store %arg16[%swap3A_1329, %swap3A_1330], %add3A_1327 {strides = array<i32>} : memref<21x64xf32, #tpu.memory_space<vmem>>, vector<16xf32>,
    %swap3A_1332 = arith.constant 0 : i32
    %swap3A_1333 = arith.index_cast %swap3A_1332 : i32 to index
    %swap3A_1334 = arith.constant 16 : index
    %swap3A_1335 = tpu.vector_load %arg15[%swap3A_1333, %swap3A_1334] {strides = array<i32>} : memref<1x64xf32, #tpu.memory_space<vmem>>, vector<16xf32>,
    tpu.vector_store %arg15[%swap3A_1333, %swap3A_1334], %add3A_1327 {strides = array<i32>} : memref<1x64xf32, #tpu.memory_space<vmem>>, vector<16xf32>,
    %get3A_1336 = arith.constant 8 : i32
    %get3A_1337 = arith.index_cast %get3A_1336 : i32 to index
    %get3A_1338 = arith.constant 32 : index
    %get3A_1339 = tpu.vector_load %arg16[%get3A_1337, %get3A_1338] {strides = array<i32>} : memref<21x64xf32, #tpu.memory_space<vmem>>, vector<16xf32>,
    %max3A_1340 = arith.constant 0.000000e+00 : f32
    %max3A_1341 = vector.broadcast %max3A_1340 : f32 to vector<16xf32>
    %max3A_1342 = arith.maximumf %get3A_1339, %max3A_1341 : vector<16xf32>
    %add3A_1343 = arith.addf %broadcast_in_dim3A_695, %max3A_1342 : vector<16xf32>
    %swap3A_1344 = arith.constant 8 : i32
    %swap3A_1345 = arith.index_cast %swap3A_1344 : i32 to index
    %swap3A_1346 = arith.constant 32 : index
    %swap3A_1347 = tpu.vector_load %arg16[%swap3A_1345, %swap3A_1346] {strides = array<i32>} : memref<21x64xf32, #tpu.memory_space<vmem>>, vector<16xf32>,
    tpu.vector_store %arg16[%swap3A_1345, %swap3A_1346], %add3A_1343 {strides = array<i32>} : memref<21x64xf32, #tpu.memory_space<vmem>>, vector<16xf32>,
    %get3A_1348 = arith.constant 9 : i32
    %get3A_1349 = arith.index_cast %get3A_1348 : i32 to index
    %get3A_1350 = arith.constant 32 : index
    %get3A_1351 = tpu.vector_load %arg16[%get3A_1349, %get3A_1350] {strides = array<i32>} : memref<21x64xf32, #tpu.memory_space<vmem>>, vector<16xf32>,
    %max3A_1352 = arith.constant 0.000000e+00 : f32
    %max3A_1353 = vector.broadcast %max3A_1352 : f32 to vector<16xf32>
    %max3A_1354 = arith.maximumf %get3A_1351, %max3A_1353 : vector<16xf32>
    %add3A_1355 = arith.addf %add3A_1343, %max3A_1354 : vector<16xf32>
    %swap3A_1356 = arith.constant 9 : i32
    %swap3A_1357 = arith.index_cast %swap3A_1356 : i32 to index
    %swap3A_1358 = arith.constant 32 : index
    %swap3A_1359 = tpu.vector_load %arg16[%swap3A_1357, %swap3A_1358] {strides = array<i32>} : memref<21x64xf32, #tpu.memory_space<vmem>>, vector<16xf32>,
    tpu.vector_store %arg16[%swap3A_1357, %swap3A_1358], %add3A_1355 {strides = array<i32>} : memref<21x64xf32, #tpu.memory_space<vmem>>, vector<16xf32>,
    %get3A_1360 = arith.constant 10 : i32
    %get3A_1361 = arith.index_cast %get3A_1360 : i32 to index
    %get3A_1362 = arith.constant 32 : index
    %get3A_1363 = tpu.vector_load %arg16[%get3A_1361, %get3A_1362] {strides = array<i32>} : memref<21x64xf32, #tpu.memory_space<vmem>>, vector<16xf32>,
    %max3A_1364 = arith.constant 0.000000e+00 : f32
    %max3A_1365 = vector.broadcast %max3A_1364 : f32 to vector<16xf32>
    %max3A_1366 = arith.maximumf %get3A_1363, %max3A_1365 : vector<16xf32>
    %add3A_1367 = arith.addf %add3A_1355, %max3A_1366 : vector<16xf32>
    %swap3A_1368 = arith.constant 10 : i32
    %swap3A_1369 = arith.index_cast %swap3A_1368 : i32 to index
    %swap3A_1370 = arith.constant 32 : index
    %swap3A_1371 = tpu.vector_load %arg16[%swap3A_1369, %swap3A_1370] {strides = array<i32>} : memref<21x64xf32, #tpu.memory_space<vmem>>, vector<16xf32>,
    tpu.vector_store %arg16[%swap3A_1369, %swap3A_1370], %add3A_1367 {strides = array<i32>} : memref<21x64xf32, #tpu.memory_space<vmem>>, vector<16xf32>,
    %get3A_1372 = arith.constant 11 : i32
    %get3A_1373 = arith.index_cast %get3A_1372 : i32 to index
    %get3A_1374 = arith.constant 32 : index
    %get3A_1375 = tpu.vector_load %arg16[%get3A_1373, %get3A_1374] {strides = array<i32>} : memref<21x64xf32, #tpu.memory_space<vmem>>, vector<16xf32>,
    %max3A_1376 = arith.constant 0.000000e+00 : f32
    %max3A_1377 = vector.broadcast %max3A_1376 : f32 to vector<16xf32>
    %max3A_1378 = arith.maximumf %get3A_1375, %max3A_1377 : vector<16xf32>
    %add3A_1379 = arith.addf %add3A_1367, %max3A_1378 : vector<16xf32>
    %swap3A_1380 = arith.constant 11 : i32
    %swap3A_1381 = arith.index_cast %swap3A_1380 : i32 to index
    %swap3A_1382 = arith.constant 32 : index
    %swap3A_1383 = tpu.vector_load %arg16[%swap3A_1381, %swap3A_1382] {strides = array<i32>} : memref<21x64xf32, #tpu.memory_space<vmem>>, vector<16xf32>,
    tpu.vector_store %arg16[%swap3A_1381, %swap3A_1382], %add3A_1379 {strides = array<i32>} : memref<21x64xf32, #tpu.memory_space<vmem>>, vector<16xf32>,
    %get3A_1384 = arith.constant 12 : i32
    %get3A_1385 = arith.index_cast %get3A_1384 : i32 to index
    %get3A_1386 = arith.constant 32 : index
    %get3A_1387 = tpu.vector_load %arg16[%get3A_1385, %get3A_1386] {strides = array<i32>} : memref<21x64xf32, #tpu.memory_space<vmem>>, vector<16xf32>,
    %max3A_1388 = arith.constant 0.000000e+00 : f32
    %max3A_1389 = vector.broadcast %max3A_1388 : f32 to vector<16xf32>
    %max3A_1390 = arith.maximumf %get3A_1387, %max3A_1389 : vector<16xf32>
    %add3A_1391 = arith.addf %add3A_1379, %max3A_1390 : vector<16xf32>
    %swap3A_1392 = arith.constant 12 : i32
    %swap3A_1393 = arith.index_cast %swap3A_1392 : i32 to index
    %swap3A_1394 = arith.constant 32 : index
    %swap3A_1395 = tpu.vector_load %arg16[%swap3A_1393, %swap3A_1394] {strides = array<i32>} : memref<21x64xf32, #tpu.memory_space<vmem>>, vector<16xf32>,
    tpu.vector_store %arg16[%swap3A_1393, %swap3A_1394], %add3A_1391 {strides = array<i32>} : memref<21x64xf32, #tpu.memory_space<vmem>>, vector<16xf32>,
    %get3A_1396 = arith.constant 13 : i32
    %get3A_1397 = arith.index_cast %get3A_1396 : i32 to index
    %get3A_1398 = arith.constant 32 : index
    %get3A_1399 = tpu.vector_load %arg16[%get3A_1397, %get3A_1398] {strides = array<i32>} : memref<21x64xf32, #tpu.memory_space<vmem>>, vector<16xf32>,
    %max3A_1400 = arith.constant 0.000000e+00 : f32
    %max3A_1401 = vector.broadcast %max3A_1400 : f32 to vector<16xf32>
    %max3A_1402 = arith.maximumf %get3A_1399, %max3A_1401 : vector<16xf32>
    %add3A_1403 = arith.addf %add3A_1391, %max3A_1402 : vector<16xf32>
    %swap3A_1404 = arith.constant 13 : i32
    %swap3A_1405 = arith.index_cast %swap3A_1404 : i32 to index
    %swap3A_1406 = arith.constant 32 : index
    %swap3A_1407 = tpu.vector_load %arg16[%swap3A_1405, %swap3A_1406] {strides = array<i32>} : memref<21x64xf32, #tpu.memory_space<vmem>>, vector<16xf32>,
    tpu.vector_store %arg16[%swap3A_1405, %swap3A_1406], %add3A_1403 {strides = array<i32>} : memref<21x64xf32, #tpu.memory_space<vmem>>, vector<16xf32>,
    %get3A_1408 = arith.constant 14 : i32
    %get3A_1409 = arith.index_cast %get3A_1408 : i32 to index
    %get3A_1410 = arith.constant 32 : index
    %get3A_1411 = tpu.vector_load %arg16[%get3A_1409, %get3A_1410] {strides = array<i32>} : memref<21x64xf32, #tpu.memory_space<vmem>>, vector<16xf32>,
    %max3A_1412 = arith.constant 0.000000e+00 : f32
    %max3A_1413 = vector.broadcast %max3A_1412 : f32 to vector<16xf32>
    %max3A_1414 = arith.maximumf %get3A_1411, %max3A_1413 : vector<16xf32>
    %add3A_1415 = arith.addf %add3A_1403, %max3A_1414 : vector<16xf32>
    %swap3A_1416 = arith.constant 14 : i32
    %swap3A_1417 = arith.index_cast %swap3A_1416 : i32 to index
    %swap3A_1418 = arith.constant 32 : index
    %swap3A_1419 = tpu.vector_load %arg16[%swap3A_1417, %swap3A_1418] {strides = array<i32>} : memref<21x64xf32, #tpu.memory_space<vmem>>, vector<16xf32>,
    tpu.vector_store %arg16[%swap3A_1417, %swap3A_1418], %add3A_1415 {strides = array<i32>} : memref<21x64xf32, #tpu.memory_space<vmem>>, vector<16xf32>,
    %get3A_1420 = arith.constant 15 : i32
    %get3A_1421 = arith.index_cast %get3A_1420 : i32 to index
    %get3A_1422 = arith.constant 32 : index
    %get3A_1423 = tpu.vector_load %arg16[%get3A_1421, %get3A_1422] {strides = array<i32>} : memref<21x64xf32, #tpu.memory_space<vmem>>, vector<16xf32>,
    %max3A_1424 = arith.constant 0.000000e+00 : f32
    %max3A_1425 = vector.broadcast %max3A_1424 : f32 to vector<16xf32>
    %max3A_1426 = arith.maximumf %get3A_1423, %max3A_1425 : vector<16xf32>
    %add3A_1427 = arith.addf %add3A_1415, %max3A_1426 : vector<16xf32>
    %swap3A_1428 = arith.constant 15 : i32
    %swap3A_1429 = arith.index_cast %swap3A_1428 : i32 to index
    %swap3A_1430 = arith.constant 32 : index
    %swap3A_1431 = tpu.vector_load %arg16[%swap3A_1429, %swap3A_1430] {strides = array<i32>} : memref<21x64xf32, #tpu.memory_space<vmem>>, vector<16xf32>,
    tpu.vector_store %arg16[%swap3A_1429, %swap3A_1430], %add3A_1427 {strides = array<i32>} : memref<21x64xf32, #tpu.memory_space<vmem>>, vector<16xf32>,
    %get3A_1432 = arith.constant 16 : i32
    %get3A_1433 = arith.index_cast %get3A_1432 : i32 to index
    %get3A_1434 = arith.constant 32 : index
    %get3A_1435 = tpu.vector_load %arg16[%get3A_1433, %get3A_1434] {strides = array<i32>} : memref<21x64xf32, #tpu.memory_space<vmem>>, vector<16xf32>,
    %max3A_1436 = arith.constant 0.000000e+00 : f32
    %max3A_1437 = vector.broadcast %max3A_1436 : f32 to vector<16xf32>
    %max3A_1438 = arith.maximumf %get3A_1435, %max3A_1437 : vector<16xf32>
    %add3A_1439 = arith.addf %add3A_1427, %max3A_1438 : vector<16xf32>
    %swap3A_1440 = arith.constant 16 : i32
    %swap3A_1441 = arith.index_cast %swap3A_1440 : i32 to index
    %swap3A_1442 = arith.constant 32 : index
    %swap3A_1443 = tpu.vector_load %arg16[%swap3A_1441, %swap3A_1442] {strides = array<i32>} : memref<21x64xf32, #tpu.memory_space<vmem>>, vector<16xf32>,
    tpu.vector_store %arg16[%swap3A_1441, %swap3A_1442], %add3A_1439 {strides = array<i32>} : memref<21x64xf32, #tpu.memory_space<vmem>>, vector<16xf32>,
    %get3A_1444 = arith.constant 17 : i32
    %get3A_1445 = arith.index_cast %get3A_1444 : i32 to index
    %get3A_1446 = arith.constant 32 : index
    %get3A_1447 = tpu.vector_load %arg16[%get3A_1445, %get3A_1446] {strides = array<i32>} : memref<21x64xf32, #tpu.memory_space<vmem>>, vector<16xf32>,
    %max3A_1448 = arith.constant 0.000000e+00 : f32
    %max3A_1449 = vector.broadcast %max3A_1448 : f32 to vector<16xf32>
    %max3A_1450 = arith.maximumf %get3A_1447, %max3A_1449 : vector<16xf32>
    %add3A_1451 = arith.addf %add3A_1439, %max3A_1450 : vector<16xf32>
    %swap3A_1452 = arith.constant 17 : i32
    %swap3A_1453 = arith.index_cast %swap3A_1452 : i32 to index
    %swap3A_1454 = arith.constant 32 : index
    %swap3A_1455 = tpu.vector_load %arg16[%swap3A_1453, %swap3A_1454] {strides = array<i32>} : memref<21x64xf32, #tpu.memory_space<vmem>>, vector<16xf32>,
    tpu.vector_store %arg16[%swap3A_1453, %swap3A_1454], %add3A_1451 {strides = array<i32>} : memref<21x64xf32, #tpu.memory_space<vmem>>, vector<16xf32>,
    %get3A_1456 = arith.constant 18 : i32
    %get3A_1457 = arith.index_cast %get3A_1456 : i32 to index
    %get3A_1458 = arith.constant 32 : index
    %get3A_1459 = tpu.vector_load %arg16[%get3A_1457, %get3A_1458] {strides = array<i32>} : memref<21x64xf32, #tpu.memory_space<vmem>>, vector<16xf32>,
    %max3A_1460 = arith.constant 0.000000e+00 : f32
    %max3A_1461 = vector.broadcast %max3A_1460 : f32 to vector<16xf32>
    %max3A_1462 = arith.maximumf %get3A_1459, %max3A_1461 : vector<16xf32>
    %add3A_1463 = arith.addf %add3A_1451, %max3A_1462 : vector<16xf32>
    %swap3A_1464 = arith.constant 18 : i32
    %swap3A_1465 = arith.index_cast %swap3A_1464 : i32 to index
    %swap3A_1466 = arith.constant 32 : index
    %swap3A_1467 = tpu.vector_load %arg16[%swap3A_1465, %swap3A_1466] {strides = array<i32>} : memref<21x64xf32, #tpu.memory_space<vmem>>, vector<16xf32>,
    tpu.vector_store %arg16[%swap3A_1465, %swap3A_1466], %add3A_1463 {strides = array<i32>} : memref<21x64xf32, #tpu.memory_space<vmem>>, vector<16xf32>,
    %get3A_1468 = arith.constant 19 : i32
    %get3A_1469 = arith.index_cast %get3A_1468 : i32 to index
    %get3A_1470 = arith.constant 32 : index
    %get3A_1471 = tpu.vector_load %arg16[%get3A_1469, %get3A_1470] {strides = array<i32>} : memref<21x64xf32, #tpu.memory_space<vmem>>, vector<16xf32>,
    %max3A_1472 = arith.constant 0.000000e+00 : f32
    %max3A_1473 = vector.broadcast %max3A_1472 : f32 to vector<16xf32>
    %max3A_1474 = arith.maximumf %get3A_1471, %max3A_1473 : vector<16xf32>
    %add3A_1475 = arith.addf %add3A_1463, %max3A_1474 : vector<16xf32>
    %swap3A_1476 = arith.constant 19 : i32
    %swap3A_1477 = arith.index_cast %swap3A_1476 : i32 to index
    %swap3A_1478 = arith.constant 32 : index
    %swap3A_1479 = tpu.vector_load %arg16[%swap3A_1477, %swap3A_1478] {strides = array<i32>} : memref<21x64xf32, #tpu.memory_space<vmem>>, vector<16xf32>,
    tpu.vector_store %arg16[%swap3A_1477, %swap3A_1478], %add3A_1475 {strides = array<i32>} : memref<21x64xf32, #tpu.memory_space<vmem>>, vector<16xf32>,
    %get3A_1480 = arith.constant 20 : i32
    %get3A_1481 = arith.index_cast %get3A_1480 : i32 to index
    %get3A_1482 = arith.constant 32 : index
    %get3A_1483 = tpu.vector_load %arg16[%get3A_1481, %get3A_1482] {strides = array<i32>} : memref<21x64xf32, #tpu.memory_space<vmem>>, vector<16xf32>,
    %max3A_1484 = arith.constant 0.000000e+00 : f32
    %max3A_1485 = vector.broadcast %max3A_1484 : f32 to vector<16xf32>
    %max3A_1486 = arith.maximumf %get3A_1483, %max3A_1485 : vector<16xf32>
    %add3A_1487 = arith.addf %add3A_1475, %max3A_1486 : vector<16xf32>
    %swap3A_1488 = arith.constant 20 : i32
    %swap3A_1489 = arith.index_cast %swap3A_1488 : i32 to index
    %swap3A_1490 = arith.constant 32 : index
    %swap3A_1491 = tpu.vector_load %arg16[%swap3A_1489, %swap3A_1490] {strides = array<i32>} : memref<21x64xf32, #tpu.memory_space<vmem>>, vector<16xf32>,
    tpu.vector_store %arg16[%swap3A_1489, %swap3A_1490], %add3A_1487 {strides = array<i32>} : memref<21x64xf32, #tpu.memory_space<vmem>>, vector<16xf32>,
    %swap3A_1492 = arith.constant 0 : i32
    %swap3A_1493 = arith.index_cast %swap3A_1492 : i32 to index
    %swap3A_1494 = arith.constant 32 : index
    %swap3A_1495 = tpu.vector_load %arg15[%swap3A_1493, %swap3A_1494] {strides = array<i32>} : memref<1x64xf32, #tpu.memory_space<vmem>>, vector<16xf32>,
    tpu.vector_store %arg15[%swap3A_1493, %swap3A_1494], %add3A_1487 {strides = array<i32>} : memref<1x64xf32, #tpu.memory_space<vmem>>, vector<16xf32>,
    %get3A_1496 = arith.constant 8 : i32
    %get3A_1497 = arith.index_cast %get3A_1496 : i32 to index
    %get3A_1498 = arith.constant 48 : index
    %get3A_1499 = tpu.vector_load %arg16[%get3A_1497, %get3A_1498] {strides = array<i32>} : memref<21x64xf32, #tpu.memory_space<vmem>>, vector<16xf32>,
    %max3A_1500 = arith.constant 0.000000e+00 : f32
    %max3A_1501 = vector.broadcast %max3A_1500 : f32 to vector<16xf32>
    %max3A_1502 = arith.maximumf %get3A_1499, %max3A_1501 : vector<16xf32>
    %add3A_1503 = arith.addf %broadcast_in_dim3A_695, %max3A_1502 : vector<16xf32>
    %swap3A_1504 = arith.constant 8 : i32
    %swap3A_1505 = arith.index_cast %swap3A_1504 : i32 to index
    %swap3A_1506 = arith.constant 48 : index
    %swap3A_1507 = tpu.vector_load %arg16[%swap3A_1505, %swap3A_1506] {strides = array<i32>} : memref<21x64xf32, #tpu.memory_space<vmem>>, vector<16xf32>,
    tpu.vector_store %arg16[%swap3A_1505, %swap3A_1506], %add3A_1503 {strides = array<i32>} : memref<21x64xf32, #tpu.memory_space<vmem>>, vector<16xf32>,
    %get3A_1508 = arith.constant 9 : i32
    %get3A_1509 = arith.index_cast %get3A_1508 : i32 to index
    %get3A_1510 = arith.constant 48 : index
    %get3A_1511 = tpu.vector_load %arg16[%get3A_1509, %get3A_1510] {strides = array<i32>} : memref<21x64xf32, #tpu.memory_space<vmem>>, vector<16xf32>,
    %max3A_1512 = arith.constant 0.000000e+00 : f32
    %max3A_1513 = vector.broadcast %max3A_1512 : f32 to vector<16xf32>
    %max3A_1514 = arith.maximumf %get3A_1511, %max3A_1513 : vector<16xf32>
    %add3A_1515 = arith.addf %add3A_1503, %max3A_1514 : vector<16xf32>
    %swap3A_1516 = arith.constant 9 : i32
    %swap3A_1517 = arith.index_cast %swap3A_1516 : i32 to index
    %swap3A_1518 = arith.constant 48 : index
    %swap3A_1519 = tpu.vector_load %arg16[%swap3A_1517, %swap3A_1518] {strides = array<i32>} : memref<21x64xf32, #tpu.memory_space<vmem>>, vector<16xf32>,
    tpu.vector_store %arg16[%swap3A_1517, %swap3A_1518], %add3A_1515 {strides = array<i32>} : memref<21x64xf32, #tpu.memory_space<vmem>>, vector<16xf32>,
    %get3A_1520 = arith.constant 10 : i32
    %get3A_1521 = arith.index_cast %get3A_1520 : i32 to index
    %get3A_1522 = arith.constant 48 : index
    %get3A_1523 = tpu.vector_load %arg16[%get3A_1521, %get3A_1522] {strides = array<i32>} : memref<21x64xf32, #tpu.memory_space<vmem>>, vector<16xf32>,
    %max3A_1524 = arith.constant 0.000000e+00 : f32
    %max3A_1525 = vector.broadcast %max3A_1524 : f32 to vector<16xf32>
    %max3A_1526 = arith.maximumf %get3A_1523, %max3A_1525 : vector<16xf32>
    %add3A_1527 = arith.addf %add3A_1515, %max3A_1526 : vector<16xf32>
    %swap3A_1528 = arith.constant 10 : i32
    %swap3A_1529 = arith.index_cast %swap3A_1528 : i32 to index
    %swap3A_1530 = arith.constant 48 : index
    %swap3A_1531 = tpu.vector_load %arg16[%swap3A_1529, %swap3A_1530] {strides = array<i32>} : memref<21x64xf32, #tpu.memory_space<vmem>>, vector<16xf32>,
    tpu.vector_store %arg16[%swap3A_1529, %swap3A_1530], %add3A_1527 {strides = array<i32>} : memref<21x64xf32, #tpu.memory_space<vmem>>, vector<16xf32>,
    %get3A_1532 = arith.constant 11 : i32
    %get3A_1533 = arith.index_cast %get3A_1532 : i32 to index
    %get3A_1534 = arith.constant 48 : index
    %get3A_1535 = tpu.vector_load %arg16[%get3A_1533, %get3A_1534] {strides = array<i32>} : memref<21x64xf32, #tpu.memory_space<vmem>>, vector<16xf32>,
    %max3A_1536 = arith.constant 0.000000e+00 : f32
    %max3A_1537 = vector.broadcast %max3A_1536 : f32 to vector<16xf32>
    %max3A_1538 = arith.maximumf %get3A_1535, %max3A_1537 : vector<16xf32>
    %add3A_1539 = arith.addf %add3A_1527, %max3A_1538 : vector<16xf32>
    %swap3A_1540 = arith.constant 11 : i32
    %swap3A_1541 = arith.index_cast %swap3A_1540 : i32 to index
    %swap3A_1542 = arith.constant 48 : index
    %swap3A_1543 = tpu.vector_load %arg16[%swap3A_1541, %swap3A_1542] {strides = array<i32>} : memref<21x64xf32, #tpu.memory_space<vmem>>, vector<16xf32>,
    tpu.vector_store %arg16[%swap3A_1541, %swap3A_1542], %add3A_1539 {strides = array<i32>} : memref<21x64xf32, #tpu.memory_space<vmem>>, vector<16xf32>,
    %get3A_1544 = arith.constant 12 : i32
    %get3A_1545 = arith.index_cast %get3A_1544 : i32 to index
    %get3A_1546 = arith.constant 48 : index
    %get3A_1547 = tpu.vector_load %arg16[%get3A_1545, %get3A_1546] {strides = array<i32>} : memref<21x64xf32, #tpu.memory_space<vmem>>, vector<16xf32>,
    %max3A_1548 = arith.constant 0.000000e+00 : f32
    %max3A_1549 = vector.broadcast %max3A_1548 : f32 to vector<16xf32>
    %max3A_1550 = arith.maximumf %get3A_1547, %max3A_1549 : vector<16xf32>
    %add3A_1551 = arith.addf %add3A_1539, %max3A_1550 : vector<16xf32>
    %swap3A_1552 = arith.constant 12 : i32
    %swap3A_1553 = arith.index_cast %swap3A_1552 : i32 to index
    %swap3A_1554 = arith.constant 48 : index
    %swap3A_1555 = tpu.vector_load %arg16[%swap3A_1553, %swap3A_1554] {strides = array<i32>} : memref<21x64xf32, #tpu.memory_space<vmem>>, vector<16xf32>,
    tpu.vector_store %arg16[%swap3A_1553, %swap3A_1554], %add3A_1551 {strides = array<i32>} : memref<21x64xf32, #tpu.memory_space<vmem>>, vector<16xf32>,
    %get3A_1556 = arith.constant 13 : i32
    %get3A_1557 = arith.index_cast %get3A_1556 : i32 to index
    %get3A_1558 = arith.constant 48 : index
    %get3A_1559 = tpu.vector_load %arg16[%get3A_1557, %get3A_1558] {strides = array<i32>} : memref<21x64xf32, #tpu.memory_space<vmem>>, vector<16xf32>,
    %max3A_1560 = arith.constant 0.000000e+00 : f32
    %max3A_1561 = vector.broadcast %max3A_1560 : f32 to vector<16xf32>
    %max3A_1562 = arith.maximumf %get3A_1559, %max3A_1561 : vector<16xf32>
    %add3A_1563 = arith.addf %add3A_1551, %max3A_1562 : vector<16xf32>
    %swap3A_1564 = arith.constant 13 : i32
    %swap3A_1565 = arith.index_cast %swap3A_1564 : i32 to index
    %swap3A_1566 = arith.constant 48 : index
    %swap3A_1567 = tpu.vector_load %arg16[%swap3A_1565, %swap3A_1566] {strides = array<i32>} : memref<21x64xf32, #tpu.memory_space<vmem>>, vector<16xf32>,
    tpu.vector_store %arg16[%swap3A_1565, %swap3A_1566], %add3A_1563 {strides = array<i32>} : memref<21x64xf32, #tpu.memory_space<vmem>>, vector<16xf32>,
    %get3A_1568 = arith.constant 14 : i32
    %get3A_1569 = arith.index_cast %get3A_1568 : i32 to index
    %get3A_1570 = arith.constant 48 : index
    %get3A_1571 = tpu.vector_load %arg16[%get3A_1569, %get3A_1570] {strides = array<i32>} : memref<21x64xf32, #tpu.memory_space<vmem>>, vector<16xf32>,
    %max3A_1572 = arith.constant 0.000000e+00 : f32
    %max3A_1573 = vector.broadcast %max3A_1572 : f32 to vector<16xf32>
    %max3A_1574 = arith.maximumf %get3A_1571, %max3A_1573 : vector<16xf32>
    %add3A_1575 = arith.addf %add3A_1563, %max3A_1574 : vector<16xf32>
    %swap3A_1576 = arith.constant 14 : i32
    %swap3A_1577 = arith.index_cast %swap3A_1576 : i32 to index
    %swap3A_1578 = arith.constant 48 : index
    %swap3A_1579 = tpu.vector_load %arg16[%swap3A_1577, %swap3A_1578] {strides = array<i32>} : memref<21x64xf32, #tpu.memory_space<vmem>>, vector<16xf32>,
    tpu.vector_store %arg16[%swap3A_1577, %swap3A_1578], %add3A_1575 {strides = array<i32>} : memref<21x64xf32, #tpu.memory_space<vmem>>, vector<16xf32>,
    %get3A_1580 = arith.constant 15 : i32
    %get3A_1581 = arith.index_cast %get3A_1580 : i32 to index
    %get3A_1582 = arith.constant 48 : index
    %get3A_1583 = tpu.vector_load %arg16[%get3A_1581, %get3A_1582] {strides = array<i32>} : memref<21x64xf32, #tpu.memory_space<vmem>>, vector<16xf32>,
    %max3A_1584 = arith.constant 0.000000e+00 : f32
    %max3A_1585 = vector.broadcast %max3A_1584 : f32 to vector<16xf32>
    %max3A_1586 = arith.maximumf %get3A_1583, %max3A_1585 : vector<16xf32>
    %add3A_1587 = arith.addf %add3A_1575, %max3A_1586 : vector<16xf32>
    %swap3A_1588 = arith.constant 15 : i32
    %swap3A_1589 = arith.index_cast %swap3A_1588 : i32 to index
    %swap3A_1590 = arith.constant 48 : index
    %swap3A_1591 = tpu.vector_load %arg16[%swap3A_1589, %swap3A_1590] {strides = array<i32>} : memref<21x64xf32, #tpu.memory_space<vmem>>, vector<16xf32>,
    tpu.vector_store %arg16[%swap3A_1589, %swap3A_1590], %add3A_1587 {strides = array<i32>} : memref<21x64xf32, #tpu.memory_space<vmem>>, vector<16xf32>,
    %get3A_1592 = arith.constant 16 : i32
    %get3A_1593 = arith.index_cast %get3A_1592 : i32 to index
    %get3A_1594 = arith.constant 48 : index
    %get3A_1595 = tpu.vector_load %arg16[%get3A_1593, %get3A_1594] {strides = array<i32>} : memref<21x64xf32, #tpu.memory_space<vmem>>, vector<16xf32>,
    %max3A_1596 = arith.constant 0.000000e+00 : f32
    %max3A_1597 = vector.broadcast %max3A_1596 : f32 to vector<16xf32>
    %max3A_1598 = arith.maximumf %get3A_1595, %max3A_1597 : vector<16xf32>
    %add3A_1599 = arith.addf %add3A_1587, %max3A_1598 : vector<16xf32>
    %swap3A_1600 = arith.constant 16 : i32
    %swap3A_1601 = arith.index_cast %swap3A_1600 : i32 to index
    %swap3A_1602 = arith.constant 48 : index
    %swap3A_1603 = tpu.vector_load %arg16[%swap3A_1601, %swap3A_1602] {strides = array<i32>} : memref<21x64xf32, #tpu.memory_space<vmem>>, vector<16xf32>,
    tpu.vector_store %arg16[%swap3A_1601, %swap3A_1602], %add3A_1599 {strides = array<i32>} : memref<21x64xf32, #tpu.memory_space<vmem>>, vector<16xf32>,
    %get3A_1604 = arith.constant 17 : i32
    %get3A_1605 = arith.index_cast %get3A_1604 : i32 to index
    %get3A_1606 = arith.constant 48 : index
    %get3A_1607 = tpu.vector_load %arg16[%get3A_1605, %get3A_1606] {strides = array<i32>} : memref<21x64xf32, #tpu.memory_space<vmem>>, vector<16xf32>,
    %max3A_1608 = arith.constant 0.000000e+00 : f32
    %max3A_1609 = vector.broadcast %max3A_1608 : f32 to vector<16xf32>
    %max3A_1610 = arith.maximumf %get3A_1607, %max3A_1609 : vector<16xf32>
    %add3A_1611 = arith.addf %add3A_1599, %max3A_1610 : vector<16xf32>
    %swap3A_1612 = arith.constant 17 : i32
    %swap3A_1613 = arith.index_cast %swap3A_1612 : i32 to index
    %swap3A_1614 = arith.constant 48 : index
    %swap3A_1615 = tpu.vector_load %arg16[%swap3A_1613, %swap3A_1614] {strides = array<i32>} : memref<21x64xf32, #tpu.memory_space<vmem>>, vector<16xf32>,
    tpu.vector_store %arg16[%swap3A_1613, %swap3A_1614], %add3A_1611 {strides = array<i32>} : memref<21x64xf32, #tpu.memory_space<vmem>>, vector<16xf32>,
    %get3A_1616 = arith.constant 18 : i32
    %get3A_1617 = arith.index_cast %get3A_1616 : i32 to index
    %get3A_1618 = arith.constant 48 : index
    %get3A_1619 = tpu.vector_load %arg16[%get3A_1617, %get3A_1618] {strides = array<i32>} : memref<21x64xf32, #tpu.memory_space<vmem>>, vector<16xf32>,
    %max3A_1620 = arith.constant 0.000000e+00 : f32
    %max3A_1621 = vector.broadcast %max3A_1620 : f32 to vector<16xf32>
    %max3A_1622 = arith.maximumf %get3A_1619, %max3A_1621 : vector<16xf32>
    %add3A_1623 = arith.addf %add3A_1611, %max3A_1622 : vector<16xf32>
    %swap3A_1624 = arith.constant 18 : i32
    %swap3A_1625 = arith.index_cast %swap3A_1624 : i32 to index
    %swap3A_1626 = arith.constant 48 : index
    %swap3A_1627 = tpu.vector_load %arg16[%swap3A_1625, %swap3A_1626] {strides = array<i32>} : memref<21x64xf32, #tpu.memory_space<vmem>>, vector<16xf32>,
    tpu.vector_store %arg16[%swap3A_1625, %swap3A_1626], %add3A_1623 {strides = array<i32>} : memref<21x64xf32, #tpu.memory_space<vmem>>, vector<16xf32>,
    %get3A_1628 = arith.constant 19 : i32
    %get3A_1629 = arith.index_cast %get3A_1628 : i32 to index
    %get3A_1630 = arith.constant 48 : index
    %get3A_1631 = tpu.vector_load %arg16[%get3A_1629, %get3A_1630] {strides = array<i32>} : memref<21x64xf32, #tpu.memory_space<vmem>>, vector<16xf32>,
    %max3A_1632 = arith.constant 0.000000e+00 : f32
    %max3A_1633 = vector.broadcast %max3A_1632 : f32 to vector<16xf32>
    %max3A_1634 = arith.maximumf %get3A_1631, %max3A_1633 : vector<16xf32>
    %add3A_1635 = arith.addf %add3A_1623, %max3A_1634 : vector<16xf32>
    %swap3A_1636 = arith.constant 19 : i32
    %swap3A_1637 = arith.index_cast %swap3A_1636 : i32 to index
    %swap3A_1638 = arith.constant 48 : index
    %swap3A_1639 = tpu.vector_load %arg16[%swap3A_1637, %swap3A_1638] {strides = array<i32>} : memref<21x64xf32, #tpu.memory_space<vmem>>, vector<16xf32>,
    tpu.vector_store %arg16[%swap3A_1637, %swap3A_1638], %add3A_1635 {strides = array<i32>} : memref<21x64xf32, #tpu.memory_space<vmem>>, vector<16xf32>,
    %get3A_1640 = arith.constant 20 : i32
    %get3A_1641 = arith.index_cast %get3A_1640 : i32 to index
    %get3A_1642 = arith.constant 48 : index
    %get3A_1643 = tpu.vector_load %arg16[%get3A_1641, %get3A_1642] {strides = array<i32>} : memref<21x64xf32, #tpu.memory_space<vmem>>, vector<16xf32>,
    %max3A_1644 = arith.constant 0.000000e+00 : f32
    %max3A_1645 = vector.broadcast %max3A_1644 : f32 to vector<16xf32>
    %max3A_1646 = arith.maximumf %get3A_1643, %max3A_1645 : vector<16xf32>
    %add3A_1647 = arith.addf %add3A_1635, %max3A_1646 : vector<16xf32>
    %swap3A_1648 = arith.constant 20 : i32
    %swap3A_1649 = arith.index_cast %swap3A_1648 : i32 to index
    %swap3A_1650 = arith.constant 48 : index
    %swap3A_1651 = tpu.vector_load %arg16[%swap3A_1649, %swap3A_1650] {strides = array<i32>} : memref<21x64xf32, #tpu.memory_space<vmem>>, vector<16xf32>,
    tpu.vector_store %arg16[%swap3A_1649, %swap3A_1650], %add3A_1647 {strides = array<i32>} : memref<21x64xf32, #tpu.memory_space<vmem>>, vector<16xf32>,
    %swap3A_1652 = arith.constant 0 : i32
    %swap3A_1653 = arith.index_cast %swap3A_1652 : i32 to index
    %swap3A_1654 = arith.constant 48 : index
    %swap3A_1655 = tpu.vector_load %arg15[%swap3A_1653, %swap3A_1654] {strides = array<i32>} : memref<1x64xf32, #tpu.memory_space<vmem>>, vector<16xf32>,
    tpu.vector_store %arg15[%swap3A_1653, %swap3A_1654], %add3A_1647 {strides = array<i32>} : memref<1x64xf32, #tpu.memory_space<vmem>>, vector<16xf32>,
    "tpu.region"() ({
      %run_scoped3A = tpu.sem_alloc : memref<!tpu.dma_semaphore, #tpu.memory_space<semaphore_mem>>
      %dma_start3A_3488 = arith.constant 0 : i32
      %dma_start3A_3489 = arith.constant 0 : i32
      %dma_start3A_3490 = tpu.memref_slice %arg18[%arg1, %dma_start3A_3488, %dma_start3A_3489] : memref<16x1x64xf32, #tpu.memory_space<vmem_shared>> -> memref<1x1x64xf32, #tpu.memory_space<vmem_shared>>
      %dma_start3A_3491 = tpu.memref_squeeze %dma_start3A_3490 : memref<1x1x64xf32, #tpu.memory_space<vmem_shared>> -> memref<1x64xf32, #tpu.memory_space<vmem_shared>>
      %dma_start3A_3492 = arith.constant 0 : i32
      %dma_start3A_3493 = arith.constant 0 : i32
      %dma_start3A_3494 = tpu.memref_slice %arg18[%arg1, %dma_start3A_3492, %dma_start3A_3493] : memref<16x1x64xf32, #tpu.memory_space<vmem_shared>> -> memref<1x1x64xf32, #tpu.memory_space<vmem_shared>>
      %dma_start3A_3495 = tpu.memref_squeeze %dma_start3A_3494 : memref<1x1x64xf32, #tpu.memory_space<vmem_shared>> -> memref<1x64xf32, #tpu.memory_space<vmem_shared>>
      tpu.enqueue_dma source(%arg15 : memref<1x64xf32, #tpu.memory_space<vmem>>) target(%dma_start3A_3495 : memref<1x64xf32, #tpu.memory_space<vmem_shared>>) target_semaphore(%run_scoped3A : memref<!tpu.dma_semaphore, #tpu.memory_space<semaphore_mem>>)
      %dma_wait3A_3496 = arith.constant 0 : i32
      %dma_wait3A_3497 = arith.constant 0 : i32
      %dma_wait3A_3498 = tpu.memref_slice %arg18[%arg1, %dma_wait3A_3496, %dma_wait3A_3497] : memref<16x1x64xf32, #tpu.memory_space<vmem_shared>> -> memref<1x1x64xf32, #tpu.memory_space<vmem_shared>>
      %dma_wait3A_3499 = tpu.memref_squeeze %dma_wait3A_3498 : memref<1x1x64xf32, #tpu.memory_space<vmem_shared>> -> memref<1x64xf32, #tpu.memory_space<vmem_shared>>
      %dma_wait3A_3500 = arith.constant 0 : i32
      %dma_wait3A_3501 = arith.constant 0 : i32
      %dma_wait3A_3502 = tpu.memref_slice %arg18[%arg1, %dma_wait3A_3500, %dma_wait3A_3501] : memref<16x1x64xf32, #tpu.memory_space<vmem_shared>> -> memref<1x1x64xf32, #tpu.memory_space<vmem_shared>>
      %dma_wait3A_3503 = tpu.memref_squeeze %dma_wait3A_3502 : memref<1x1x64xf32, #tpu.memory_space<vmem_shared>> -> memref<1x64xf32, #tpu.memory_space<vmem_shared>>
      tpu.wait_dma2 semaphore(%run_scoped3A : memref<!tpu.dma_semaphore, #tpu.memory_space<semaphore_mem>>) src(%arg15 : memref<1x64xf32, #tpu.memory_space<vmem>>) dst(%dma_wait3A_3503 : memref<1x64xf32, #tpu.memory_space<vmem_shared>>)
      tpu.yield
    }) : () -> ()
    %barrier3A = arith.constant 0 : index
    tpu.barrier barrier_id(%barrier3A)
    "tpu.region"() ({
      %run_scoped3A = tpu.sem_alloc : memref<!tpu.dma_semaphore, #tpu.memory_space<semaphore_mem>>
      tpu.enqueue_dma source(%arg18 : memref<16x1x64xf32, #tpu.memory_space<vmem_shared>>) target(%arg17 : memref<16x1x64xf32, #tpu.memory_space<vmem>>) target_semaphore(%run_scoped3A : memref<!tpu.dma_semaphore, #tpu.memory_space<semaphore_mem>>)
      tpu.wait_dma2 semaphore(%run_scoped3A : memref<!tpu.dma_semaphore, #tpu.memory_space<semaphore_mem>>) src(%arg18 : memref<16x1x64xf32, #tpu.memory_space<vmem_shared>>) dst(%arg17 : memref<16x1x64xf32, #tpu.memory_space<vmem>>)
      tpu.yield
    }) : () -> ()
    %get3A_1656 = arith.constant 0 : i32
    %get3A_1657 = arith.constant 0 : i32
    %get3A_1658 = arith.index_cast %get3A_1656 : i32 to index
    %get3A_1659 = arith.index_cast %get3A_1657 : i32 to index
    %get3A_1660 = arith.constant 0 : index
    %get3A_1661 = tpu.vector_load %arg17[%get3A_1658, %get3A_1659, %get3A_1660] {strides = array<i32>} : memref<16x1x64xf32, #tpu.memory_space<vmem>>, vector<16xf32>,
    %gt3A = arith.constant 0 : i32
    %gt3A_1662 = arith.cmpi sgt, %arg1, %gt3A : i32
    %jit3A = arith.constant 0.000000e+00 : f32
    %broadcast_in_dim3A_1663 = vector.broadcast %jit3A : f32 to vector<16xf32>
    %select_n3A = arith.select %gt3A_1662, %get3A_1661, %broadcast_in_dim3A_1663 : vector<16xf32>
    %add3A_1664 = arith.addf %broadcast_in_dim3A_695, %select_n3A : vector<16xf32>
    %get3A_1665 = arith.constant 1 : i32
    %get3A_1666 = arith.constant 0 : i32
    %get3A_1667 = arith.index_cast %get3A_1665 : i32 to index
    %get3A_1668 = arith.index_cast %get3A_1666 : i32 to index
    %get3A_1669 = arith.constant 0 : index
    %get3A_1670 = tpu.vector_load %arg17[%get3A_1667, %get3A_1668, %get3A_1669] {strides = array<i32>} : memref<16x1x64xf32, #tpu.memory_space<vmem>>, vector<16xf32>,
    %gt3A_1671 = arith.constant 1 : i32
    %gt3A_1672 = arith.cmpi sgt, %arg1, %gt3A_1671 : i32
    %jit3A_1673 = arith.constant 0.000000e+00 : f32
    %broadcast_in_dim3A_1674 = vector.broadcast %jit3A_1673 : f32 to vector<16xf32>
    %select_n3A_1675 = arith.select %gt3A_1672, %get3A_1670, %broadcast_in_dim3A_1674 : vector<16xf32>
    %add3A_1676 = arith.addf %add3A_1664, %select_n3A_1675 : vector<16xf32>
    %get3A_1677 = arith.constant 2 : i32
    %get3A_1678 = arith.constant 0 : i32
    %get3A_1679 = arith.index_cast %get3A_1677 : i32 to index
    %get3A_1680 = arith.index_cast %get3A_1678 : i32 to index
    %get3A_1681 = arith.constant 0 : index
    %get3A_1682 = tpu.vector_load %arg17[%get3A_1679, %get3A_1680, %get3A_1681] {strides = array<i32>} : memref<16x1x64xf32, #tpu.memory_space<vmem>>, vector<16xf32>,
    %gt3A_1683 = arith.constant 2 : i32
    %gt3A_1684 = arith.cmpi sgt, %arg1, %gt3A_1683 : i32
    %jit3A_1685 = arith.constant 0.000000e+00 : f32
    %broadcast_in_dim3A_1686 = vector.broadcast %jit3A_1685 : f32 to vector<16xf32>
    %select_n3A_1687 = arith.select %gt3A_1684, %get3A_1682, %broadcast_in_dim3A_1686 : vector<16xf32>
    %add3A_1688 = arith.addf %add3A_1676, %select_n3A_1687 : vector<16xf32>
    %get3A_1689 = arith.constant 3 : i32
    %get3A_1690 = arith.constant 0 : i32
    %get3A_1691 = arith.index_cast %get3A_1689 : i32 to index
    %get3A_1692 = arith.index_cast %get3A_1690 : i32 to index
    %get3A_1693 = arith.constant 0 : index
    %get3A_1694 = tpu.vector_load %arg17[%get3A_1691, %get3A_1692, %get3A_1693] {strides = array<i32>} : memref<16x1x64xf32, #tpu.memory_space<vmem>>, vector<16xf32>,
    %gt3A_1695 = arith.constant 3 : i32
    %gt3A_1696 = arith.cmpi sgt, %arg1, %gt3A_1695 : i32
    %jit3A_1697 = arith.constant 0.000000e+00 : f32
    %broadcast_in_dim3A_1698 = vector.broadcast %jit3A_1697 : f32 to vector<16xf32>
    %select_n3A_1699 = arith.select %gt3A_1696, %get3A_1694, %broadcast_in_dim3A_1698 : vector<16xf32>
    %add3A_1700 = arith.addf %add3A_1688, %select_n3A_1699 : vector<16xf32>
    %get3A_1701 = arith.constant 4 : i32
    %get3A_1702 = arith.constant 0 : i32
    %get3A_1703 = arith.index_cast %get3A_1701 : i32 to index
    %get3A_1704 = arith.index_cast %get3A_1702 : i32 to index
    %get3A_1705 = arith.constant 0 : index
    %get3A_1706 = tpu.vector_load %arg17[%get3A_1703, %get3A_1704, %get3A_1705] {strides = array<i32>} : memref<16x1x64xf32, #tpu.memory_space<vmem>>, vector<16xf32>,
    %gt3A_1707 = arith.constant 4 : i32
    %gt3A_1708 = arith.cmpi sgt, %arg1, %gt3A_1707 : i32
    %jit3A_1709 = arith.constant 0.000000e+00 : f32
    %broadcast_in_dim3A_1710 = vector.broadcast %jit3A_1709 : f32 to vector<16xf32>
    %select_n3A_1711 = arith.select %gt3A_1708, %get3A_1706, %broadcast_in_dim3A_1710 : vector<16xf32>
    %add3A_1712 = arith.addf %add3A_1700, %select_n3A_1711 : vector<16xf32>
    %get3A_1713 = arith.constant 5 : i32
    %get3A_1714 = arith.constant 0 : i32
    %get3A_1715 = arith.index_cast %get3A_1713 : i32 to index
    %get3A_1716 = arith.index_cast %get3A_1714 : i32 to index
    %get3A_1717 = arith.constant 0 : index
    %get3A_1718 = tpu.vector_load %arg17[%get3A_1715, %get3A_1716, %get3A_1717] {strides = array<i32>} : memref<16x1x64xf32, #tpu.memory_space<vmem>>, vector<16xf32>,
    %gt3A_1719 = arith.constant 5 : i32
    %gt3A_1720 = arith.cmpi sgt, %arg1, %gt3A_1719 : i32
    %jit3A_1721 = arith.constant 0.000000e+00 : f32
    %broadcast_in_dim3A_1722 = vector.broadcast %jit3A_1721 : f32 to vector<16xf32>
    %select_n3A_1723 = arith.select %gt3A_1720, %get3A_1718, %broadcast_in_dim3A_1722 : vector<16xf32>
    %add3A_1724 = arith.addf %add3A_1712, %select_n3A_1723 : vector<16xf32>
    %get3A_1725 = arith.constant 6 : i32
    %get3A_1726 = arith.constant 0 : i32
    %get3A_1727 = arith.index_cast %get3A_1725 : i32 to index
    %get3A_1728 = arith.index_cast %get3A_1726 : i32 to index
    %get3A_1729 = arith.constant 0 : index
    %get3A_1730 = tpu.vector_load %arg17[%get3A_1727, %get3A_1728, %get3A_1729] {strides = array<i32>} : memref<16x1x64xf32, #tpu.memory_space<vmem>>, vector<16xf32>,
    %gt3A_1731 = arith.constant 6 : i32
    %gt3A_1732 = arith.cmpi sgt, %arg1, %gt3A_1731 : i32
    %jit3A_1733 = arith.constant 0.000000e+00 : f32
    %broadcast_in_dim3A_1734 = vector.broadcast %jit3A_1733 : f32 to vector<16xf32>
    %select_n3A_1735 = arith.select %gt3A_1732, %get3A_1730, %broadcast_in_dim3A_1734 : vector<16xf32>
    %add3A_1736 = arith.addf %add3A_1724, %select_n3A_1735 : vector<16xf32>
    %get3A_1737 = arith.constant 7 : i32
    %get3A_1738 = arith.constant 0 : i32
    %get3A_1739 = arith.index_cast %get3A_1737 : i32 to index
    %get3A_1740 = arith.index_cast %get3A_1738 : i32 to index
    %get3A_1741 = arith.constant 0 : index
    %get3A_1742 = tpu.vector_load %arg17[%get3A_1739, %get3A_1740, %get3A_1741] {strides = array<i32>} : memref<16x1x64xf32, #tpu.memory_space<vmem>>, vector<16xf32>,
    %gt3A_1743 = arith.constant 7 : i32
    %gt3A_1744 = arith.cmpi sgt, %arg1, %gt3A_1743 : i32
    %jit3A_1745 = arith.constant 0.000000e+00 : f32
    %broadcast_in_dim3A_1746 = vector.broadcast %jit3A_1745 : f32 to vector<16xf32>
    %select_n3A_1747 = arith.select %gt3A_1744, %get3A_1742, %broadcast_in_dim3A_1746 : vector<16xf32>
    %add3A_1748 = arith.addf %add3A_1736, %select_n3A_1747 : vector<16xf32>
    %get3A_1749 = arith.constant 8 : i32
    %get3A_1750 = arith.constant 0 : i32
    %get3A_1751 = arith.index_cast %get3A_1749 : i32 to index
    %get3A_1752 = arith.index_cast %get3A_1750 : i32 to index
    %get3A_1753 = arith.constant 0 : index
    %get3A_1754 = tpu.vector_load %arg17[%get3A_1751, %get3A_1752, %get3A_1753] {strides = array<i32>} : memref<16x1x64xf32, #tpu.memory_space<vmem>>, vector<16xf32>,
    %gt3A_1755 = arith.constant 8 : i32
    %gt3A_1756 = arith.cmpi sgt, %arg1, %gt3A_1755 : i32
    %jit3A_1757 = arith.constant 0.000000e+00 : f32
    %broadcast_in_dim3A_1758 = vector.broadcast %jit3A_1757 : f32 to vector<16xf32>
    %select_n3A_1759 = arith.select %gt3A_1756, %get3A_1754, %broadcast_in_dim3A_1758 : vector<16xf32>
    %add3A_1760 = arith.addf %add3A_1748, %select_n3A_1759 : vector<16xf32>
    %get3A_1761 = arith.constant 9 : i32
    %get3A_1762 = arith.constant 0 : i32
    %get3A_1763 = arith.index_cast %get3A_1761 : i32 to index
    %get3A_1764 = arith.index_cast %get3A_1762 : i32 to index
    %get3A_1765 = arith.constant 0 : index
    %get3A_1766 = tpu.vector_load %arg17[%get3A_1763, %get3A_1764, %get3A_1765] {strides = array<i32>} : memref<16x1x64xf32, #tpu.memory_space<vmem>>, vector<16xf32>,
    %gt3A_1767 = arith.constant 9 : i32
    %gt3A_1768 = arith.cmpi sgt, %arg1, %gt3A_1767 : i32
    %jit3A_1769 = arith.constant 0.000000e+00 : f32
    %broadcast_in_dim3A_1770 = vector.broadcast %jit3A_1769 : f32 to vector<16xf32>
    %select_n3A_1771 = arith.select %gt3A_1768, %get3A_1766, %broadcast_in_dim3A_1770 : vector<16xf32>
    %add3A_1772 = arith.addf %add3A_1760, %select_n3A_1771 : vector<16xf32>
    %get3A_1773 = arith.constant 10 : i32
    %get3A_1774 = arith.constant 0 : i32
    %get3A_1775 = arith.index_cast %get3A_1773 : i32 to index
    %get3A_1776 = arith.index_cast %get3A_1774 : i32 to index
    %get3A_1777 = arith.constant 0 : index
    %get3A_1778 = tpu.vector_load %arg17[%get3A_1775, %get3A_1776, %get3A_1777] {strides = array<i32>} : memref<16x1x64xf32, #tpu.memory_space<vmem>>, vector<16xf32>,
    %gt3A_1779 = arith.constant 10 : i32
    %gt3A_1780 = arith.cmpi sgt, %arg1, %gt3A_1779 : i32
    %jit3A_1781 = arith.constant 0.000000e+00 : f32
    %broadcast_in_dim3A_1782 = vector.broadcast %jit3A_1781 : f32 to vector<16xf32>
    %select_n3A_1783 = arith.select %gt3A_1780, %get3A_1778, %broadcast_in_dim3A_1782 : vector<16xf32>
    %add3A_1784 = arith.addf %add3A_1772, %select_n3A_1783 : vector<16xf32>
    %get3A_1785 = arith.constant 11 : i32
    %get3A_1786 = arith.constant 0 : i32
    %get3A_1787 = arith.index_cast %get3A_1785 : i32 to index
    %get3A_1788 = arith.index_cast %get3A_1786 : i32 to index
    %get3A_1789 = arith.constant 0 : index
    %get3A_1790 = tpu.vector_load %arg17[%get3A_1787, %get3A_1788, %get3A_1789] {strides = array<i32>} : memref<16x1x64xf32, #tpu.memory_space<vmem>>, vector<16xf32>,
    %gt3A_1791 = arith.constant 11 : i32
    %gt3A_1792 = arith.cmpi sgt, %arg1, %gt3A_1791 : i32
    %jit3A_1793 = arith.constant 0.000000e+00 : f32
    %broadcast_in_dim3A_1794 = vector.broadcast %jit3A_1793 : f32 to vector<16xf32>
    %select_n3A_1795 = arith.select %gt3A_1792, %get3A_1790, %broadcast_in_dim3A_1794 : vector<16xf32>
    %add3A_1796 = arith.addf %add3A_1784, %select_n3A_1795 : vector<16xf32>
    %get3A_1797 = arith.constant 12 : i32
    %get3A_1798 = arith.constant 0 : i32
    %get3A_1799 = arith.index_cast %get3A_1797 : i32 to index
    %get3A_1800 = arith.index_cast %get3A_1798 : i32 to index
    %get3A_1801 = arith.constant 0 : index
    %get3A_1802 = tpu.vector_load %arg17[%get3A_1799, %get3A_1800, %get3A_1801] {strides = array<i32>} : memref<16x1x64xf32, #tpu.memory_space<vmem>>, vector<16xf32>,
    %gt3A_1803 = arith.constant 12 : i32
    %gt3A_1804 = arith.cmpi sgt, %arg1, %gt3A_1803 : i32
    %jit3A_1805 = arith.constant 0.000000e+00 : f32
    %broadcast_in_dim3A_1806 = vector.broadcast %jit3A_1805 : f32 to vector<16xf32>
    %select_n3A_1807 = arith.select %gt3A_1804, %get3A_1802, %broadcast_in_dim3A_1806 : vector<16xf32>
    %add3A_1808 = arith.addf %add3A_1796, %select_n3A_1807 : vector<16xf32>
    %get3A_1809 = arith.constant 13 : i32
    %get3A_1810 = arith.constant 0 : i32
    %get3A_1811 = arith.index_cast %get3A_1809 : i32 to index
    %get3A_1812 = arith.index_cast %get3A_1810 : i32 to index
    %get3A_1813 = arith.constant 0 : index
    %get3A_1814 = tpu.vector_load %arg17[%get3A_1811, %get3A_1812, %get3A_1813] {strides = array<i32>} : memref<16x1x64xf32, #tpu.memory_space<vmem>>, vector<16xf32>,
    %gt3A_1815 = arith.constant 13 : i32
    %gt3A_1816 = arith.cmpi sgt, %arg1, %gt3A_1815 : i32
    %jit3A_1817 = arith.constant 0.000000e+00 : f32
    %broadcast_in_dim3A_1818 = vector.broadcast %jit3A_1817 : f32 to vector<16xf32>
    %select_n3A_1819 = arith.select %gt3A_1816, %get3A_1814, %broadcast_in_dim3A_1818 : vector<16xf32>
    %add3A_1820 = arith.addf %add3A_1808, %select_n3A_1819 : vector<16xf32>
    %get3A_1821 = arith.constant 14 : i32
    %get3A_1822 = arith.constant 0 : i32
    %get3A_1823 = arith.index_cast %get3A_1821 : i32 to index
    %get3A_1824 = arith.index_cast %get3A_1822 : i32 to index
    %get3A_1825 = arith.constant 0 : index
    %get3A_1826 = tpu.vector_load %arg17[%get3A_1823, %get3A_1824, %get3A_1825] {strides = array<i32>} : memref<16x1x64xf32, #tpu.memory_space<vmem>>, vector<16xf32>,
    %gt3A_1827 = arith.constant 14 : i32
    %gt3A_1828 = arith.cmpi sgt, %arg1, %gt3A_1827 : i32
    %jit3A_1829 = arith.constant 0.000000e+00 : f32
    %broadcast_in_dim3A_1830 = vector.broadcast %jit3A_1829 : f32 to vector<16xf32>
    %select_n3A_1831 = arith.select %gt3A_1828, %get3A_1826, %broadcast_in_dim3A_1830 : vector<16xf32>
    %add3A_1832 = arith.addf %add3A_1820, %select_n3A_1831 : vector<16xf32>
    %get3A_1833 = arith.constant 0 : i32
    %get3A_1834 = arith.index_cast %get3A_1833 : i32 to index
    %get3A_1835 = arith.index_cast %add3A_699 : i32 to index
    %get3A_1836 = tpu.vector_load %arg14[%get3A_1834, %get3A_1835] {strides = array<i32>} : memref<1x128xf32, #tpu.memory_space<vmem>>, vector<16xf32>,
    %add3A_1837 = arith.addf %get3A_1836, %add3A_1832 : vector<16xf32>
    %neg3A = arith.constant 0.000000e+00 : f32
    %neg3A_1838 = vector.broadcast %neg3A : f32 to vector<16xf32>
    %neg3A_1839 = arith.subf %neg3A_1838, %add3A_1837 : vector<16xf32>
    %exp3A = math.exp %neg3A_1839 : vector<16xf32>
    %add3A_1840 = arith.constant 1.000000e+00 : f32
    %add3A_1841 = vector.broadcast %add3A_1840 : f32 to vector<16xf32>
    %add3A_1842 = arith.addf %add3A_1841, %exp3A : vector<16xf32>
    %div3A = arith.constant 1.000000e+00 : f32
    %div3A_1843 = vector.broadcast %div3A : f32 to vector<16xf32>
    %div3A_1844 = arith.divf %div3A_1843, %add3A_1842 : vector<16xf32>
    %swap3A_1845 = arith.constant 0 : i32
    %swap3A_1846 = arith.index_cast %swap3A_1845 : i32 to index
    %swap3A_1847 = arith.constant 0 : index
    %swap3A_1848 = tpu.vector_load %arg16[%swap3A_1846, %swap3A_1847] {strides = array<i32>} : memref<21x64xf32, #tpu.memory_space<vmem>>, vector<16xf32>,
    tpu.vector_store %arg16[%swap3A_1846, %swap3A_1847], %div3A_1844 {strides = array<i32>} : memref<21x64xf32, #tpu.memory_space<vmem>>, vector<16xf32>,
    %get3A_1849 = arith.constant 8 : i32
    %get3A_1850 = arith.index_cast %get3A_1849 : i32 to index
    %get3A_1851 = arith.constant 0 : index
    %get3A_1852 = tpu.vector_load %arg16[%get3A_1850, %get3A_1851] {strides = array<i32>} : memref<21x64xf32, #tpu.memory_space<vmem>>, vector<16xf32>,
    %add3A_1853 = arith.addf %get3A_1852, %add3A_1832 : vector<16xf32>
    %add3A_1854 = arith.addf %add3A_1853, %get3A_1836 : vector<16xf32>
    %neg3A_1855 = arith.constant 0.000000e+00 : f32
    %neg3A_1856 = vector.broadcast %neg3A_1855 : f32 to vector<16xf32>
    %neg3A_1857 = arith.subf %neg3A_1856, %add3A_1854 : vector<16xf32>
    %exp3A_1858 = math.exp %neg3A_1857 : vector<16xf32>
    %add3A_1859 = arith.constant 1.000000e+00 : f32
    %add3A_1860 = vector.broadcast %add3A_1859 : f32 to vector<16xf32>
    %add3A_1861 = arith.addf %add3A_1860, %exp3A_1858 : vector<16xf32>
    %div3A_1862 = arith.constant 1.000000e+00 : f32
    %div3A_1863 = vector.broadcast %div3A_1862 : f32 to vector<16xf32>
    %div3A_1864 = arith.divf %div3A_1863, %add3A_1861 : vector<16xf32>
    %swap3A_1865 = arith.constant 8 : i32
    %swap3A_1866 = arith.index_cast %swap3A_1865 : i32 to index
    %swap3A_1867 = arith.constant 0 : index
    %swap3A_1868 = tpu.vector_load %arg16[%swap3A_1866, %swap3A_1867] {strides = array<i32>} : memref<21x64xf32, #tpu.memory_space<vmem>>, vector<16xf32>,
    tpu.vector_store %arg16[%swap3A_1866, %swap3A_1867], %div3A_1864 {strides = array<i32>} : memref<21x64xf32, #tpu.memory_space<vmem>>, vector<16xf32>,
    %get3A_1869 = arith.constant 9 : i32
    %get3A_1870 = arith.index_cast %get3A_1869 : i32 to index
    %get3A_1871 = arith.constant 0 : index
    %get3A_1872 = tpu.vector_load %arg16[%get3A_1870, %get3A_1871] {strides = array<i32>} : memref<21x64xf32, #tpu.memory_space<vmem>>, vector<16xf32>,
    %add3A_1873 = arith.addf %get3A_1872, %add3A_1832 : vector<16xf32>
    %add3A_1874 = arith.addf %add3A_1873, %get3A_1836 : vector<16xf32>
    %neg3A_1875 = arith.constant 0.000000e+00 : f32
    %neg3A_1876 = vector.broadcast %neg3A_1875 : f32 to vector<16xf32>
    %neg3A_1877 = arith.subf %neg3A_1876, %add3A_1874 : vector<16xf32>
    %exp3A_1878 = math.exp %neg3A_1877 : vector<16xf32>
    %add3A_1879 = arith.constant 1.000000e+00 : f32
    %add3A_1880 = vector.broadcast %add3A_1879 : f32 to vector<16xf32>
    %add3A_1881 = arith.addf %add3A_1880, %exp3A_1878 : vector<16xf32>
    %div3A_1882 = arith.constant 1.000000e+00 : f32
    %div3A_1883 = vector.broadcast %div3A_1882 : f32 to vector<16xf32>
    %div3A_1884 = arith.divf %div3A_1883, %add3A_1881 : vector<16xf32>
    %swap3A_1885 = arith.constant 9 : i32
    %swap3A_1886 = arith.index_cast %swap3A_1885 : i32 to index
    %swap3A_1887 = arith.constant 0 : index
    %swap3A_1888 = tpu.vector_load %arg16[%swap3A_1886, %swap3A_1887] {strides = array<i32>} : memref<21x64xf32, #tpu.memory_space<vmem>>, vector<16xf32>,
    tpu.vector_store %arg16[%swap3A_1886, %swap3A_1887], %div3A_1884 {strides = array<i32>} : memref<21x64xf32, #tpu.memory_space<vmem>>, vector<16xf32>,
    %get3A_1889 = arith.constant 10 : i32
    %get3A_1890 = arith.index_cast %get3A_1889 : i32 to index
    %get3A_1891 = arith.constant 0 : index
    %get3A_1892 = tpu.vector_load %arg16[%get3A_1890, %get3A_1891] {strides = array<i32>} : memref<21x64xf32, #tpu.memory_space<vmem>>, vector<16xf32>,
    %add3A_1893 = arith.addf %get3A_1892, %add3A_1832 : vector<16xf32>
    %add3A_1894 = arith.addf %add3A_1893, %get3A_1836 : vector<16xf32>
    %neg3A_1895 = arith.constant 0.000000e+00 : f32
    %neg3A_1896 = vector.broadcast %neg3A_1895 : f32 to vector<16xf32>
    %neg3A_1897 = arith.subf %neg3A_1896, %add3A_1894 : vector<16xf32>
    %exp3A_1898 = math.exp %neg3A_1897 : vector<16xf32>
    %add3A_1899 = arith.constant 1.000000e+00 : f32
    %add3A_1900 = vector.broadcast %add3A_1899 : f32 to vector<16xf32>
    %add3A_1901 = arith.addf %add3A_1900, %exp3A_1898 : vector<16xf32>
    %div3A_1902 = arith.constant 1.000000e+00 : f32
    %div3A_1903 = vector.broadcast %div3A_1902 : f32 to vector<16xf32>
    %div3A_1904 = arith.divf %div3A_1903, %add3A_1901 : vector<16xf32>
    %swap3A_1905 = arith.constant 10 : i32
    %swap3A_1906 = arith.index_cast %swap3A_1905 : i32 to index
    %swap3A_1907 = arith.constant 0 : index
    %swap3A_1908 = tpu.vector_load %arg16[%swap3A_1906, %swap3A_1907] {strides = array<i32>} : memref<21x64xf32, #tpu.memory_space<vmem>>, vector<16xf32>,
    tpu.vector_store %arg16[%swap3A_1906, %swap3A_1907], %div3A_1904 {strides = array<i32>} : memref<21x64xf32, #tpu.memory_space<vmem>>, vector<16xf32>,
    %get3A_1909 = arith.constant 11 : i32
    %get3A_1910 = arith.index_cast %get3A_1909 : i32 to index
    %get3A_1911 = arith.constant 0 : index
    %get3A_1912 = tpu.vector_load %arg16[%get3A_1910, %get3A_1911] {strides = array<i32>} : memref<21x64xf32, #tpu.memory_space<vmem>>, vector<16xf32>,
    %add3A_1913 = arith.addf %get3A_1912, %add3A_1832 : vector<16xf32>
    %add3A_1914 = arith.addf %add3A_1913, %get3A_1836 : vector<16xf32>
    %neg3A_1915 = arith.constant 0.000000e+00 : f32
    %neg3A_1916 = vector.broadcast %neg3A_1915 : f32 to vector<16xf32>
    %neg3A_1917 = arith.subf %neg3A_1916, %add3A_1914 : vector<16xf32>
    %exp3A_1918 = math.exp %neg3A_1917 : vector<16xf32>
    %add3A_1919 = arith.constant 1.000000e+00 : f32
    %add3A_1920 = vector.broadcast %add3A_1919 : f32 to vector<16xf32>
    %add3A_1921 = arith.addf %add3A_1920, %exp3A_1918 : vector<16xf32>
    %div3A_1922 = arith.constant 1.000000e+00 : f32
    %div3A_1923 = vector.broadcast %div3A_1922 : f32 to vector<16xf32>
    %div3A_1924 = arith.divf %div3A_1923, %add3A_1921 : vector<16xf32>
    %swap3A_1925 = arith.constant 11 : i32
    %swap3A_1926 = arith.index_cast %swap3A_1925 : i32 to index
    %swap3A_1927 = arith.constant 0 : index
    %swap3A_1928 = tpu.vector_load %arg16[%swap3A_1926, %swap3A_1927] {strides = array<i32>} : memref<21x64xf32, #tpu.memory_space<vmem>>, vector<16xf32>,
    tpu.vector_store %arg16[%swap3A_1926, %swap3A_1927], %div3A_1924 {strides = array<i32>} : memref<21x64xf32, #tpu.memory_space<vmem>>, vector<16xf32>,
    %get3A_1929 = arith.constant 12 : i32
    %get3A_1930 = arith.index_cast %get3A_1929 : i32 to index
    %get3A_1931 = arith.constant 0 : index
    %get3A_1932 = tpu.vector_load %arg16[%get3A_1930, %get3A_1931] {strides = array<i32>} : memref<21x64xf32, #tpu.memory_space<vmem>>, vector<16xf32>,
    %add3A_1933 = arith.addf %get3A_1932, %add3A_1832 : vector<16xf32>
    %add3A_1934 = arith.addf %add3A_1933, %get3A_1836 : vector<16xf32>
    %neg3A_1935 = arith.constant 0.000000e+00 : f32
    %neg3A_1936 = vector.broadcast %neg3A_1935 : f32 to vector<16xf32>
    %neg3A_1937 = arith.subf %neg3A_1936, %add3A_1934 : vector<16xf32>
    %exp3A_1938 = math.exp %neg3A_1937 : vector<16xf32>
    %add3A_1939 = arith.constant 1.000000e+00 : f32
    %add3A_1940 = vector.broadcast %add3A_1939 : f32 to vector<16xf32>
    %add3A_1941 = arith.addf %add3A_1940, %exp3A_1938 : vector<16xf32>
    %div3A_1942 = arith.constant 1.000000e+00 : f32
    %div3A_1943 = vector.broadcast %div3A_1942 : f32 to vector<16xf32>
    %div3A_1944 = arith.divf %div3A_1943, %add3A_1941 : vector<16xf32>
    %swap3A_1945 = arith.constant 12 : i32
    %swap3A_1946 = arith.index_cast %swap3A_1945 : i32 to index
    %swap3A_1947 = arith.constant 0 : index
    %swap3A_1948 = tpu.vector_load %arg16[%swap3A_1946, %swap3A_1947] {strides = array<i32>} : memref<21x64xf32, #tpu.memory_space<vmem>>, vector<16xf32>,
    tpu.vector_store %arg16[%swap3A_1946, %swap3A_1947], %div3A_1944 {strides = array<i32>} : memref<21x64xf32, #tpu.memory_space<vmem>>, vector<16xf32>,
    %get3A_1949 = arith.constant 13 : i32
    %get3A_1950 = arith.index_cast %get3A_1949 : i32 to index
    %get3A_1951 = arith.constant 0 : index
    %get3A_1952 = tpu.vector_load %arg16[%get3A_1950, %get3A_1951] {strides = array<i32>} : memref<21x64xf32, #tpu.memory_space<vmem>>, vector<16xf32>,
    %add3A_1953 = arith.addf %get3A_1952, %add3A_1832 : vector<16xf32>
    %add3A_1954 = arith.addf %add3A_1953, %get3A_1836 : vector<16xf32>
    %neg3A_1955 = arith.constant 0.000000e+00 : f32
    %neg3A_1956 = vector.broadcast %neg3A_1955 : f32 to vector<16xf32>
    %neg3A_1957 = arith.subf %neg3A_1956, %add3A_1954 : vector<16xf32>
    %exp3A_1958 = math.exp %neg3A_1957 : vector<16xf32>
    %add3A_1959 = arith.constant 1.000000e+00 : f32
    %add3A_1960 = vector.broadcast %add3A_1959 : f32 to vector<16xf32>
    %add3A_1961 = arith.addf %add3A_1960, %exp3A_1958 : vector<16xf32>
    %div3A_1962 = arith.constant 1.000000e+00 : f32
    %div3A_1963 = vector.broadcast %div3A_1962 : f32 to vector<16xf32>
    %div3A_1964 = arith.divf %div3A_1963, %add3A_1961 : vector<16xf32>
    %swap3A_1965 = arith.constant 13 : i32
    %swap3A_1966 = arith.index_cast %swap3A_1965 : i32 to index
    %swap3A_1967 = arith.constant 0 : index
    %swap3A_1968 = tpu.vector_load %arg16[%swap3A_1966, %swap3A_1967] {strides = array<i32>} : memref<21x64xf32, #tpu.memory_space<vmem>>, vector<16xf32>,
    tpu.vector_store %arg16[%swap3A_1966, %swap3A_1967], %div3A_1964 {strides = array<i32>} : memref<21x64xf32, #tpu.memory_space<vmem>>, vector<16xf32>,
    %get3A_1969 = arith.constant 14 : i32
    %get3A_1970 = arith.index_cast %get3A_1969 : i32 to index
    %get3A_1971 = arith.constant 0 : index
    %get3A_1972 = tpu.vector_load %arg16[%get3A_1970, %get3A_1971] {strides = array<i32>} : memref<21x64xf32, #tpu.memory_space<vmem>>, vector<16xf32>,
    %add3A_1973 = arith.addf %get3A_1972, %add3A_1832 : vector<16xf32>
    %add3A_1974 = arith.addf %add3A_1973, %get3A_1836 : vector<16xf32>
    %neg3A_1975 = arith.constant 0.000000e+00 : f32
    %neg3A_1976 = vector.broadcast %neg3A_1975 : f32 to vector<16xf32>
    %neg3A_1977 = arith.subf %neg3A_1976, %add3A_1974 : vector<16xf32>
    %exp3A_1978 = math.exp %neg3A_1977 : vector<16xf32>
    %add3A_1979 = arith.constant 1.000000e+00 : f32
    %add3A_1980 = vector.broadcast %add3A_1979 : f32 to vector<16xf32>
    %add3A_1981 = arith.addf %add3A_1980, %exp3A_1978 : vector<16xf32>
    %div3A_1982 = arith.constant 1.000000e+00 : f32
    %div3A_1983 = vector.broadcast %div3A_1982 : f32 to vector<16xf32>
    %div3A_1984 = arith.divf %div3A_1983, %add3A_1981 : vector<16xf32>
    %swap3A_1985 = arith.constant 14 : i32
    %swap3A_1986 = arith.index_cast %swap3A_1985 : i32 to index
    %swap3A_1987 = arith.constant 0 : index
    %swap3A_1988 = tpu.vector_load %arg16[%swap3A_1986, %swap3A_1987] {strides = array<i32>} : memref<21x64xf32, #tpu.memory_space<vmem>>, vector<16xf32>,
    tpu.vector_store %arg16[%swap3A_1986, %swap3A_1987], %div3A_1984 {strides = array<i32>} : memref<21x64xf32, #tpu.memory_space<vmem>>, vector<16xf32>,
    %get3A_1989 = arith.constant 15 : i32
    %get3A_1990 = arith.index_cast %get3A_1989 : i32 to index
    %get3A_1991 = arith.constant 0 : index
    %get3A_1992 = tpu.vector_load %arg16[%get3A_1990, %get3A_1991] {strides = array<i32>} : memref<21x64xf32, #tpu.memory_space<vmem>>, vector<16xf32>,
    %add3A_1993 = arith.addf %get3A_1992, %add3A_1832 : vector<16xf32>
    %add3A_1994 = arith.addf %add3A_1993, %get3A_1836 : vector<16xf32>
    %neg3A_1995 = arith.constant 0.000000e+00 : f32
    %neg3A_1996 = vector.broadcast %neg3A_1995 : f32 to vector<16xf32>
    %neg3A_1997 = arith.subf %neg3A_1996, %add3A_1994 : vector<16xf32>
    %exp3A_1998 = math.exp %neg3A_1997 : vector<16xf32>
    %add3A_1999 = arith.constant 1.000000e+00 : f32
    %add3A_2000 = vector.broadcast %add3A_1999 : f32 to vector<16xf32>
    %add3A_2001 = arith.addf %add3A_2000, %exp3A_1998 : vector<16xf32>
    %div3A_2002 = arith.constant 1.000000e+00 : f32
    %div3A_2003 = vector.broadcast %div3A_2002 : f32 to vector<16xf32>
    %div3A_2004 = arith.divf %div3A_2003, %add3A_2001 : vector<16xf32>
    %swap3A_2005 = arith.constant 15 : i32
    %swap3A_2006 = arith.index_cast %swap3A_2005 : i32 to index
    %swap3A_2007 = arith.constant 0 : index
    %swap3A_2008 = tpu.vector_load %arg16[%swap3A_2006, %swap3A_2007] {strides = array<i32>} : memref<21x64xf32, #tpu.memory_space<vmem>>, vector<16xf32>,
    tpu.vector_store %arg16[%swap3A_2006, %swap3A_2007], %div3A_2004 {strides = array<i32>} : memref<21x64xf32, #tpu.memory_space<vmem>>, vector<16xf32>,
    %get3A_2009 = arith.constant 16 : i32
    %get3A_2010 = arith.index_cast %get3A_2009 : i32 to index
    %get3A_2011 = arith.constant 0 : index
    %get3A_2012 = tpu.vector_load %arg16[%get3A_2010, %get3A_2011] {strides = array<i32>} : memref<21x64xf32, #tpu.memory_space<vmem>>, vector<16xf32>,
    %add3A_2013 = arith.addf %get3A_2012, %add3A_1832 : vector<16xf32>
    %add3A_2014 = arith.addf %add3A_2013, %get3A_1836 : vector<16xf32>
    %neg3A_2015 = arith.constant 0.000000e+00 : f32
    %neg3A_2016 = vector.broadcast %neg3A_2015 : f32 to vector<16xf32>
    %neg3A_2017 = arith.subf %neg3A_2016, %add3A_2014 : vector<16xf32>
    %exp3A_2018 = math.exp %neg3A_2017 : vector<16xf32>
    %add3A_2019 = arith.constant 1.000000e+00 : f32
    %add3A_2020 = vector.broadcast %add3A_2019 : f32 to vector<16xf32>
    %add3A_2021 = arith.addf %add3A_2020, %exp3A_2018 : vector<16xf32>
    %div3A_2022 = arith.constant 1.000000e+00 : f32
    %div3A_2023 = vector.broadcast %div3A_2022 : f32 to vector<16xf32>
    %div3A_2024 = arith.divf %div3A_2023, %add3A_2021 : vector<16xf32>
    %swap3A_2025 = arith.constant 16 : i32
    %swap3A_2026 = arith.index_cast %swap3A_2025 : i32 to index
    %swap3A_2027 = arith.constant 0 : index
    %swap3A_2028 = tpu.vector_load %arg16[%swap3A_2026, %swap3A_2027] {strides = array<i32>} : memref<21x64xf32, #tpu.memory_space<vmem>>, vector<16xf32>,
    tpu.vector_store %arg16[%swap3A_2026, %swap3A_2027], %div3A_2024 {strides = array<i32>} : memref<21x64xf32, #tpu.memory_space<vmem>>, vector<16xf32>,
    %get3A_2029 = arith.constant 17 : i32
    %get3A_2030 = arith.index_cast %get3A_2029 : i32 to index
    %get3A_2031 = arith.constant 0 : index
    %get3A_2032 = tpu.vector_load %arg16[%get3A_2030, %get3A_2031] {strides = array<i32>} : memref<21x64xf32, #tpu.memory_space<vmem>>, vector<16xf32>,
    %add3A_2033 = arith.addf %get3A_2032, %add3A_1832 : vector<16xf32>
    %add3A_2034 = arith.addf %add3A_2033, %get3A_1836 : vector<16xf32>
    %neg3A_2035 = arith.constant 0.000000e+00 : f32
    %neg3A_2036 = vector.broadcast %neg3A_2035 : f32 to vector<16xf32>
    %neg3A_2037 = arith.subf %neg3A_2036, %add3A_2034 : vector<16xf32>
    %exp3A_2038 = math.exp %neg3A_2037 : vector<16xf32>
    %add3A_2039 = arith.constant 1.000000e+00 : f32
    %add3A_2040 = vector.broadcast %add3A_2039 : f32 to vector<16xf32>
    %add3A_2041 = arith.addf %add3A_2040, %exp3A_2038 : vector<16xf32>
    %div3A_2042 = arith.constant 1.000000e+00 : f32
    %div3A_2043 = vector.broadcast %div3A_2042 : f32 to vector<16xf32>
    %div3A_2044 = arith.divf %div3A_2043, %add3A_2041 : vector<16xf32>
    %swap3A_2045 = arith.constant 17 : i32
    %swap3A_2046 = arith.index_cast %swap3A_2045 : i32 to index
    %swap3A_2047 = arith.constant 0 : index
    %swap3A_2048 = tpu.vector_load %arg16[%swap3A_2046, %swap3A_2047] {strides = array<i32>} : memref<21x64xf32, #tpu.memory_space<vmem>>, vector<16xf32>,
    tpu.vector_store %arg16[%swap3A_2046, %swap3A_2047], %div3A_2044 {strides = array<i32>} : memref<21x64xf32, #tpu.memory_space<vmem>>, vector<16xf32>,
    %get3A_2049 = arith.constant 18 : i32
    %get3A_2050 = arith.index_cast %get3A_2049 : i32 to index
    %get3A_2051 = arith.constant 0 : index
    %get3A_2052 = tpu.vector_load %arg16[%get3A_2050, %get3A_2051] {strides = array<i32>} : memref<21x64xf32, #tpu.memory_space<vmem>>, vector<16xf32>,
    %add3A_2053 = arith.addf %get3A_2052, %add3A_1832 : vector<16xf32>
    %add3A_2054 = arith.addf %add3A_2053, %get3A_1836 : vector<16xf32>
    %neg3A_2055 = arith.constant 0.000000e+00 : f32
    %neg3A_2056 = vector.broadcast %neg3A_2055 : f32 to vector<16xf32>
    %neg3A_2057 = arith.subf %neg3A_2056, %add3A_2054 : vector<16xf32>
    %exp3A_2058 = math.exp %neg3A_2057 : vector<16xf32>
    %add3A_2059 = arith.constant 1.000000e+00 : f32
    %add3A_2060 = vector.broadcast %add3A_2059 : f32 to vector<16xf32>
    %add3A_2061 = arith.addf %add3A_2060, %exp3A_2058 : vector<16xf32>
    %div3A_2062 = arith.constant 1.000000e+00 : f32
    %div3A_2063 = vector.broadcast %div3A_2062 : f32 to vector<16xf32>
    %div3A_2064 = arith.divf %div3A_2063, %add3A_2061 : vector<16xf32>
    %swap3A_2065 = arith.constant 18 : i32
    %swap3A_2066 = arith.index_cast %swap3A_2065 : i32 to index
    %swap3A_2067 = arith.constant 0 : index
    %swap3A_2068 = tpu.vector_load %arg16[%swap3A_2066, %swap3A_2067] {strides = array<i32>} : memref<21x64xf32, #tpu.memory_space<vmem>>, vector<16xf32>,
    tpu.vector_store %arg16[%swap3A_2066, %swap3A_2067], %div3A_2064 {strides = array<i32>} : memref<21x64xf32, #tpu.memory_space<vmem>>, vector<16xf32>,
    %get3A_2069 = arith.constant 19 : i32
    %get3A_2070 = arith.index_cast %get3A_2069 : i32 to index
    %get3A_2071 = arith.constant 0 : index
    %get3A_2072 = tpu.vector_load %arg16[%get3A_2070, %get3A_2071] {strides = array<i32>} : memref<21x64xf32, #tpu.memory_space<vmem>>, vector<16xf32>,
    %add3A_2073 = arith.addf %get3A_2072, %add3A_1832 : vector<16xf32>
    %add3A_2074 = arith.addf %add3A_2073, %get3A_1836 : vector<16xf32>
    %neg3A_2075 = arith.constant 0.000000e+00 : f32
    %neg3A_2076 = vector.broadcast %neg3A_2075 : f32 to vector<16xf32>
    %neg3A_2077 = arith.subf %neg3A_2076, %add3A_2074 : vector<16xf32>
    %exp3A_2078 = math.exp %neg3A_2077 : vector<16xf32>
    %add3A_2079 = arith.constant 1.000000e+00 : f32
    %add3A_2080 = vector.broadcast %add3A_2079 : f32 to vector<16xf32>
    %add3A_2081 = arith.addf %add3A_2080, %exp3A_2078 : vector<16xf32>
    %div3A_2082 = arith.constant 1.000000e+00 : f32
    %div3A_2083 = vector.broadcast %div3A_2082 : f32 to vector<16xf32>
    %div3A_2084 = arith.divf %div3A_2083, %add3A_2081 : vector<16xf32>
    %swap3A_2085 = arith.constant 19 : i32
    %swap3A_2086 = arith.index_cast %swap3A_2085 : i32 to index
    %swap3A_2087 = arith.constant 0 : index
    %swap3A_2088 = tpu.vector_load %arg16[%swap3A_2086, %swap3A_2087] {strides = array<i32>} : memref<21x64xf32, #tpu.memory_space<vmem>>, vector<16xf32>,
    tpu.vector_store %arg16[%swap3A_2086, %swap3A_2087], %div3A_2084 {strides = array<i32>} : memref<21x64xf32, #tpu.memory_space<vmem>>, vector<16xf32>,
    %get3A_2089 = arith.constant 20 : i32
    %get3A_2090 = arith.index_cast %get3A_2089 : i32 to index
    %get3A_2091 = arith.constant 0 : index
    %get3A_2092 = tpu.vector_load %arg16[%get3A_2090, %get3A_2091] {strides = array<i32>} : memref<21x64xf32, #tpu.memory_space<vmem>>, vector<16xf32>,
    %add3A_2093 = arith.addf %get3A_2092, %add3A_1832 : vector<16xf32>
    %add3A_2094 = arith.addf %add3A_2093, %get3A_1836 : vector<16xf32>
    %neg3A_2095 = arith.constant 0.000000e+00 : f32
    %neg3A_2096 = vector.broadcast %neg3A_2095 : f32 to vector<16xf32>
    %neg3A_2097 = arith.subf %neg3A_2096, %add3A_2094 : vector<16xf32>
    %exp3A_2098 = math.exp %neg3A_2097 : vector<16xf32>
    %add3A_2099 = arith.constant 1.000000e+00 : f32
    %add3A_2100 = vector.broadcast %add3A_2099 : f32 to vector<16xf32>
    %add3A_2101 = arith.addf %add3A_2100, %exp3A_2098 : vector<16xf32>
    %div3A_2102 = arith.constant 1.000000e+00 : f32
    %div3A_2103 = vector.broadcast %div3A_2102 : f32 to vector<16xf32>
    %div3A_2104 = arith.divf %div3A_2103, %add3A_2101 : vector<16xf32>
    %swap3A_2105 = arith.constant 20 : i32
    %swap3A_2106 = arith.index_cast %swap3A_2105 : i32 to index
    %swap3A_2107 = arith.constant 0 : index
    %swap3A_2108 = tpu.vector_load %arg16[%swap3A_2106, %swap3A_2107] {strides = array<i32>} : memref<21x64xf32, #tpu.memory_space<vmem>>, vector<16xf32>,
    tpu.vector_store %arg16[%swap3A_2106, %swap3A_2107], %div3A_2104 {strides = array<i32>} : memref<21x64xf32, #tpu.memory_space<vmem>>, vector<16xf32>,
    %get3A_2109 = arith.constant 0 : i32
    %get3A_2110 = arith.constant 0 : i32
    %get3A_2111 = arith.index_cast %get3A_2109 : i32 to index
    %get3A_2112 = arith.index_cast %get3A_2110 : i32 to index
    %get3A_2113 = arith.constant 16 : index
    %get3A_2114 = tpu.vector_load %arg17[%get3A_2111, %get3A_2112, %get3A_2113] {strides = array<i32>} : memref<16x1x64xf32, #tpu.memory_space<vmem>>, vector<16xf32>,
    %gt3A_2115 = arith.constant 0 : i32
    %gt3A_2116 = arith.cmpi sgt, %arg1, %gt3A_2115 : i32
    %jit3A_2117 = arith.constant 0.000000e+00 : f32
    %broadcast_in_dim3A_2118 = vector.broadcast %jit3A_2117 : f32 to vector<16xf32>
    %select_n3A_2119 = arith.select %gt3A_2116, %get3A_2114, %broadcast_in_dim3A_2118 : vector<16xf32>
    %add3A_2120 = arith.addf %broadcast_in_dim3A_695, %select_n3A_2119 : vector<16xf32>
    %get3A_2121 = arith.constant 1 : i32
    %get3A_2122 = arith.constant 0 : i32
    %get3A_2123 = arith.index_cast %get3A_2121 : i32 to index
    %get3A_2124 = arith.index_cast %get3A_2122 : i32 to index
    %get3A_2125 = arith.constant 16 : index
    %get3A_2126 = tpu.vector_load %arg17[%get3A_2123, %get3A_2124, %get3A_2125] {strides = array<i32>} : memref<16x1x64xf32, #tpu.memory_space<vmem>>, vector<16xf32>,
    %gt3A_2127 = arith.constant 1 : i32
    %gt3A_2128 = arith.cmpi sgt, %arg1, %gt3A_2127 : i32
    %jit3A_2129 = arith.constant 0.000000e+00 : f32
    %broadcast_in_dim3A_2130 = vector.broadcast %jit3A_2129 : f32 to vector<16xf32>
    %select_n3A_2131 = arith.select %gt3A_2128, %get3A_2126, %broadcast_in_dim3A_2130 : vector<16xf32>
    %add3A_2132 = arith.addf %add3A_2120, %select_n3A_2131 : vector<16xf32>
    %get3A_2133 = arith.constant 2 : i32
    %get3A_2134 = arith.constant 0 : i32
    %get3A_2135 = arith.index_cast %get3A_2133 : i32 to index
    %get3A_2136 = arith.index_cast %get3A_2134 : i32 to index
    %get3A_2137 = arith.constant 16 : index
    %get3A_2138 = tpu.vector_load %arg17[%get3A_2135, %get3A_2136, %get3A_2137] {strides = array<i32>} : memref<16x1x64xf32, #tpu.memory_space<vmem>>, vector<16xf32>,
    %gt3A_2139 = arith.constant 2 : i32
    %gt3A_2140 = arith.cmpi sgt, %arg1, %gt3A_2139 : i32
    %jit3A_2141 = arith.constant 0.000000e+00 : f32
    %broadcast_in_dim3A_2142 = vector.broadcast %jit3A_2141 : f32 to vector<16xf32>
    %select_n3A_2143 = arith.select %gt3A_2140, %get3A_2138, %broadcast_in_dim3A_2142 : vector<16xf32>
    %add3A_2144 = arith.addf %add3A_2132, %select_n3A_2143 : vector<16xf32>
    %get3A_2145 = arith.constant 3 : i32
    %get3A_2146 = arith.constant 0 : i32
    %get3A_2147 = arith.index_cast %get3A_2145 : i32 to index
    %get3A_2148 = arith.index_cast %get3A_2146 : i32 to index
    %get3A_2149 = arith.constant 16 : index
    %get3A_2150 = tpu.vector_load %arg17[%get3A_2147, %get3A_2148, %get3A_2149] {strides = array<i32>} : memref<16x1x64xf32, #tpu.memory_space<vmem>>, vector<16xf32>,
    %gt3A_2151 = arith.constant 3 : i32
    %gt3A_2152 = arith.cmpi sgt, %arg1, %gt3A_2151 : i32
    %jit3A_2153 = arith.constant 0.000000e+00 : f32
    %broadcast_in_dim3A_2154 = vector.broadcast %jit3A_2153 : f32 to vector<16xf32>
    %select_n3A_2155 = arith.select %gt3A_2152, %get3A_2150, %broadcast_in_dim3A_2154 : vector<16xf32>
    %add3A_2156 = arith.addf %add3A_2144, %select_n3A_2155 : vector<16xf32>
    %get3A_2157 = arith.constant 4 : i32
    %get3A_2158 = arith.constant 0 : i32
    %get3A_2159 = arith.index_cast %get3A_2157 : i32 to index
    %get3A_2160 = arith.index_cast %get3A_2158 : i32 to index
    %get3A_2161 = arith.constant 16 : index
    %get3A_2162 = tpu.vector_load %arg17[%get3A_2159, %get3A_2160, %get3A_2161] {strides = array<i32>} : memref<16x1x64xf32, #tpu.memory_space<vmem>>, vector<16xf32>,
    %gt3A_2163 = arith.constant 4 : i32
    %gt3A_2164 = arith.cmpi sgt, %arg1, %gt3A_2163 : i32
    %jit3A_2165 = arith.constant 0.000000e+00 : f32
    %broadcast_in_dim3A_2166 = vector.broadcast %jit3A_2165 : f32 to vector<16xf32>
    %select_n3A_2167 = arith.select %gt3A_2164, %get3A_2162, %broadcast_in_dim3A_2166 : vector<16xf32>
    %add3A_2168 = arith.addf %add3A_2156, %select_n3A_2167 : vector<16xf32>
    %get3A_2169 = arith.constant 5 : i32
    %get3A_2170 = arith.constant 0 : i32
    %get3A_2171 = arith.index_cast %get3A_2169 : i32 to index
    %get3A_2172 = arith.index_cast %get3A_2170 : i32 to index
    %get3A_2173 = arith.constant 16 : index
    %get3A_2174 = tpu.vector_load %arg17[%get3A_2171, %get3A_2172, %get3A_2173] {strides = array<i32>} : memref<16x1x64xf32, #tpu.memory_space<vmem>>, vector<16xf32>,
    %gt3A_2175 = arith.constant 5 : i32
    %gt3A_2176 = arith.cmpi sgt, %arg1, %gt3A_2175 : i32
    %jit3A_2177 = arith.constant 0.000000e+00 : f32
    %broadcast_in_dim3A_2178 = vector.broadcast %jit3A_2177 : f32 to vector<16xf32>
    %select_n3A_2179 = arith.select %gt3A_2176, %get3A_2174, %broadcast_in_dim3A_2178 : vector<16xf32>
    %add3A_2180 = arith.addf %add3A_2168, %select_n3A_2179 : vector<16xf32>
    %get3A_2181 = arith.constant 6 : i32
    %get3A_2182 = arith.constant 0 : i32
    %get3A_2183 = arith.index_cast %get3A_2181 : i32 to index
    %get3A_2184 = arith.index_cast %get3A_2182 : i32 to index
    %get3A_2185 = arith.constant 16 : index
    %get3A_2186 = tpu.vector_load %arg17[%get3A_2183, %get3A_2184, %get3A_2185] {strides = array<i32>} : memref<16x1x64xf32, #tpu.memory_space<vmem>>, vector<16xf32>,
    %gt3A_2187 = arith.constant 6 : i32
    %gt3A_2188 = arith.cmpi sgt, %arg1, %gt3A_2187 : i32
    %jit3A_2189 = arith.constant 0.000000e+00 : f32
    %broadcast_in_dim3A_2190 = vector.broadcast %jit3A_2189 : f32 to vector<16xf32>
    %select_n3A_2191 = arith.select %gt3A_2188, %get3A_2186, %broadcast_in_dim3A_2190 : vector<16xf32>
    %add3A_2192 = arith.addf %add3A_2180, %select_n3A_2191 : vector<16xf32>
    %get3A_2193 = arith.constant 7 : i32
    %get3A_2194 = arith.constant 0 : i32
    %get3A_2195 = arith.index_cast %get3A_2193 : i32 to index
    %get3A_2196 = arith.index_cast %get3A_2194 : i32 to index
    %get3A_2197 = arith.constant 16 : index
    %get3A_2198 = tpu.vector_load %arg17[%get3A_2195, %get3A_2196, %get3A_2197] {strides = array<i32>} : memref<16x1x64xf32, #tpu.memory_space<vmem>>, vector<16xf32>,
    %gt3A_2199 = arith.constant 7 : i32
    %gt3A_2200 = arith.cmpi sgt, %arg1, %gt3A_2199 : i32
    %jit3A_2201 = arith.constant 0.000000e+00 : f32
    %broadcast_in_dim3A_2202 = vector.broadcast %jit3A_2201 : f32 to vector<16xf32>
    %select_n3A_2203 = arith.select %gt3A_2200, %get3A_2198, %broadcast_in_dim3A_2202 : vector<16xf32>
    %add3A_2204 = arith.addf %add3A_2192, %select_n3A_2203 : vector<16xf32>
    %get3A_2205 = arith.constant 8 : i32
    %get3A_2206 = arith.constant 0 : i32
    %get3A_2207 = arith.index_cast %get3A_2205 : i32 to index
    %get3A_2208 = arith.index_cast %get3A_2206 : i32 to index
    %get3A_2209 = arith.constant 16 : index
    %get3A_2210 = tpu.vector_load %arg17[%get3A_2207, %get3A_2208, %get3A_2209] {strides = array<i32>} : memref<16x1x64xf32, #tpu.memory_space<vmem>>, vector<16xf32>,
    %gt3A_2211 = arith.constant 8 : i32
    %gt3A_2212 = arith.cmpi sgt, %arg1, %gt3A_2211 : i32
    %jit3A_2213 = arith.constant 0.000000e+00 : f32
    %broadcast_in_dim3A_2214 = vector.broadcast %jit3A_2213 : f32 to vector<16xf32>
    %select_n3A_2215 = arith.select %gt3A_2212, %get3A_2210, %broadcast_in_dim3A_2214 : vector<16xf32>
    %add3A_2216 = arith.addf %add3A_2204, %select_n3A_2215 : vector<16xf32>
    %get3A_2217 = arith.constant 9 : i32
    %get3A_2218 = arith.constant 0 : i32
    %get3A_2219 = arith.index_cast %get3A_2217 : i32 to index
    %get3A_2220 = arith.index_cast %get3A_2218 : i32 to index
    %get3A_2221 = arith.constant 16 : index
    %get3A_2222 = tpu.vector_load %arg17[%get3A_2219, %get3A_2220, %get3A_2221] {strides = array<i32>} : memref<16x1x64xf32, #tpu.memory_space<vmem>>, vector<16xf32>,
    %gt3A_2223 = arith.constant 9 : i32
    %gt3A_2224 = arith.cmpi sgt, %arg1, %gt3A_2223 : i32
    %jit3A_2225 = arith.constant 0.000000e+00 : f32
    %broadcast_in_dim3A_2226 = vector.broadcast %jit3A_2225 : f32 to vector<16xf32>
    %select_n3A_2227 = arith.select %gt3A_2224, %get3A_2222, %broadcast_in_dim3A_2226 : vector<16xf32>
    %add3A_2228 = arith.addf %add3A_2216, %select_n3A_2227 : vector<16xf32>
    %get3A_2229 = arith.constant 10 : i32
    %get3A_2230 = arith.constant 0 : i32
    %get3A_2231 = arith.index_cast %get3A_2229 : i32 to index
    %get3A_2232 = arith.index_cast %get3A_2230 : i32 to index
    %get3A_2233 = arith.constant 16 : index
    %get3A_2234 = tpu.vector_load %arg17[%get3A_2231, %get3A_2232, %get3A_2233] {strides = array<i32>} : memref<16x1x64xf32, #tpu.memory_space<vmem>>, vector<16xf32>,
    %gt3A_2235 = arith.constant 10 : i32
    %gt3A_2236 = arith.cmpi sgt, %arg1, %gt3A_2235 : i32
    %jit3A_2237 = arith.constant 0.000000e+00 : f32
    %broadcast_in_dim3A_2238 = vector.broadcast %jit3A_2237 : f32 to vector<16xf32>
    %select_n3A_2239 = arith.select %gt3A_2236, %get3A_2234, %broadcast_in_dim3A_2238 : vector<16xf32>
    %add3A_2240 = arith.addf %add3A_2228, %select_n3A_2239 : vector<16xf32>
    %get3A_2241 = arith.constant 11 : i32
    %get3A_2242 = arith.constant 0 : i32
    %get3A_2243 = arith.index_cast %get3A_2241 : i32 to index
    %get3A_2244 = arith.index_cast %get3A_2242 : i32 to index
    %get3A_2245 = arith.constant 16 : index
    %get3A_2246 = tpu.vector_load %arg17[%get3A_2243, %get3A_2244, %get3A_2245] {strides = array<i32>} : memref<16x1x64xf32, #tpu.memory_space<vmem>>, vector<16xf32>,
    %gt3A_2247 = arith.constant 11 : i32
    %gt3A_2248 = arith.cmpi sgt, %arg1, %gt3A_2247 : i32
    %jit3A_2249 = arith.constant 0.000000e+00 : f32
    %broadcast_in_dim3A_2250 = vector.broadcast %jit3A_2249 : f32 to vector<16xf32>
    %select_n3A_2251 = arith.select %gt3A_2248, %get3A_2246, %broadcast_in_dim3A_2250 : vector<16xf32>
    %add3A_2252 = arith.addf %add3A_2240, %select_n3A_2251 : vector<16xf32>
    %get3A_2253 = arith.constant 12 : i32
    %get3A_2254 = arith.constant 0 : i32
    %get3A_2255 = arith.index_cast %get3A_2253 : i32 to index
    %get3A_2256 = arith.index_cast %get3A_2254 : i32 to index
    %get3A_2257 = arith.constant 16 : index
    %get3A_2258 = tpu.vector_load %arg17[%get3A_2255, %get3A_2256, %get3A_2257] {strides = array<i32>} : memref<16x1x64xf32, #tpu.memory_space<vmem>>, vector<16xf32>,
    %gt3A_2259 = arith.constant 12 : i32
    %gt3A_2260 = arith.cmpi sgt, %arg1, %gt3A_2259 : i32
    %jit3A_2261 = arith.constant 0.000000e+00 : f32
    %broadcast_in_dim3A_2262 = vector.broadcast %jit3A_2261 : f32 to vector<16xf32>
    %select_n3A_2263 = arith.select %gt3A_2260, %get3A_2258, %broadcast_in_dim3A_2262 : vector<16xf32>
    %add3A_2264 = arith.addf %add3A_2252, %select_n3A_2263 : vector<16xf32>
    %get3A_2265 = arith.constant 13 : i32
    %get3A_2266 = arith.constant 0 : i32
    %get3A_2267 = arith.index_cast %get3A_2265 : i32 to index
    %get3A_2268 = arith.index_cast %get3A_2266 : i32 to index
    %get3A_2269 = arith.constant 16 : index
    %get3A_2270 = tpu.vector_load %arg17[%get3A_2267, %get3A_2268, %get3A_2269] {strides = array<i32>} : memref<16x1x64xf32, #tpu.memory_space<vmem>>, vector<16xf32>,
    %gt3A_2271 = arith.constant 13 : i32
    %gt3A_2272 = arith.cmpi sgt, %arg1, %gt3A_2271 : i32
    %jit3A_2273 = arith.constant 0.000000e+00 : f32
    %broadcast_in_dim3A_2274 = vector.broadcast %jit3A_2273 : f32 to vector<16xf32>
    %select_n3A_2275 = arith.select %gt3A_2272, %get3A_2270, %broadcast_in_dim3A_2274 : vector<16xf32>
    %add3A_2276 = arith.addf %add3A_2264, %select_n3A_2275 : vector<16xf32>
    %get3A_2277 = arith.constant 14 : i32
    %get3A_2278 = arith.constant 0 : i32
    %get3A_2279 = arith.index_cast %get3A_2277 : i32 to index
    %get3A_2280 = arith.index_cast %get3A_2278 : i32 to index
    %get3A_2281 = arith.constant 16 : index
    %get3A_2282 = tpu.vector_load %arg17[%get3A_2279, %get3A_2280, %get3A_2281] {strides = array<i32>} : memref<16x1x64xf32, #tpu.memory_space<vmem>>, vector<16xf32>,
    %gt3A_2283 = arith.constant 14 : i32
    %gt3A_2284 = arith.cmpi sgt, %arg1, %gt3A_2283 : i32
    %jit3A_2285 = arith.constant 0.000000e+00 : f32
    %broadcast_in_dim3A_2286 = vector.broadcast %jit3A_2285 : f32 to vector<16xf32>
    %select_n3A_2287 = arith.select %gt3A_2284, %get3A_2282, %broadcast_in_dim3A_2286 : vector<16xf32>
    %add3A_2288 = arith.addf %add3A_2276, %select_n3A_2287 : vector<16xf32>
    %get3A_2289 = arith.constant 0 : i32
    %get3A_2290 = arith.index_cast %get3A_2289 : i32 to index
    %get3A_2291 = arith.index_cast %add3A_703 : i32 to index
    %get3A_2292 = tpu.vector_load %arg14[%get3A_2290, %get3A_2291] {strides = array<i32>} : memref<1x128xf32, #tpu.memory_space<vmem>>, vector<16xf32>,
    %add3A_2293 = arith.addf %get3A_2292, %add3A_2288 : vector<16xf32>
    %neg3A_2294 = arith.constant 0.000000e+00 : f32
    %neg3A_2295 = vector.broadcast %neg3A_2294 : f32 to vector<16xf32>
    %neg3A_2296 = arith.subf %neg3A_2295, %add3A_2293 : vector<16xf32>
    %exp3A_2297 = math.exp %neg3A_2296 : vector<16xf32>
    %add3A_2298 = arith.constant 1.000000e+00 : f32
    %add3A_2299 = vector.broadcast %add3A_2298 : f32 to vector<16xf32>
    %add3A_2300 = arith.addf %add3A_2299, %exp3A_2297 : vector<16xf32>
    %div3A_2301 = arith.constant 1.000000e+00 : f32
    %div3A_2302 = vector.broadcast %div3A_2301 : f32 to vector<16xf32>
    %div3A_2303 = arith.divf %div3A_2302, %add3A_2300 : vector<16xf32>
    %swap3A_2304 = arith.constant 0 : i32
    %swap3A_2305 = arith.index_cast %swap3A_2304 : i32 to index
    %swap3A_2306 = arith.constant 16 : index
    %swap3A_2307 = tpu.vector_load %arg16[%swap3A_2305, %swap3A_2306] {strides = array<i32>} : memref<21x64xf32, #tpu.memory_space<vmem>>, vector<16xf32>,
    tpu.vector_store %arg16[%swap3A_2305, %swap3A_2306], %div3A_2303 {strides = array<i32>} : memref<21x64xf32, #tpu.memory_space<vmem>>, vector<16xf32>,
    %get3A_2308 = arith.constant 8 : i32
    %get3A_2309 = arith.index_cast %get3A_2308 : i32 to index
    %get3A_2310 = arith.constant 16 : index
    %get3A_2311 = tpu.vector_load %arg16[%get3A_2309, %get3A_2310] {strides = array<i32>} : memref<21x64xf32, #tpu.memory_space<vmem>>, vector<16xf32>,
    %add3A_2312 = arith.addf %get3A_2311, %add3A_2288 : vector<16xf32>
    %add3A_2313 = arith.addf %add3A_2312, %get3A_2292 : vector<16xf32>
    %neg3A_2314 = arith.constant 0.000000e+00 : f32
    %neg3A_2315 = vector.broadcast %neg3A_2314 : f32 to vector<16xf32>
    %neg3A_2316 = arith.subf %neg3A_2315, %add3A_2313 : vector<16xf32>
    %exp3A_2317 = math.exp %neg3A_2316 : vector<16xf32>
    %add3A_2318 = arith.constant 1.000000e+00 : f32
    %add3A_2319 = vector.broadcast %add3A_2318 : f32 to vector<16xf32>
    %add3A_2320 = arith.addf %add3A_2319, %exp3A_2317 : vector<16xf32>
    %div3A_2321 = arith.constant 1.000000e+00 : f32
    %div3A_2322 = vector.broadcast %div3A_2321 : f32 to vector<16xf32>
    %div3A_2323 = arith.divf %div3A_2322, %add3A_2320 : vector<16xf32>
    %swap3A_2324 = arith.constant 8 : i32
    %swap3A_2325 = arith.index_cast %swap3A_2324 : i32 to index
    %swap3A_2326 = arith.constant 16 : index
    %swap3A_2327 = tpu.vector_load %arg16[%swap3A_2325, %swap3A_2326] {strides = array<i32>} : memref<21x64xf32, #tpu.memory_space<vmem>>, vector<16xf32>,
    tpu.vector_store %arg16[%swap3A_2325, %swap3A_2326], %div3A_2323 {strides = array<i32>} : memref<21x64xf32, #tpu.memory_space<vmem>>, vector<16xf32>,
    %get3A_2328 = arith.constant 9 : i32
    %get3A_2329 = arith.index_cast %get3A_2328 : i32 to index
    %get3A_2330 = arith.constant 16 : index
    %get3A_2331 = tpu.vector_load %arg16[%get3A_2329, %get3A_2330] {strides = array<i32>} : memref<21x64xf32, #tpu.memory_space<vmem>>, vector<16xf32>,
    %add3A_2332 = arith.addf %get3A_2331, %add3A_2288 : vector<16xf32>
    %add3A_2333 = arith.addf %add3A_2332, %get3A_2292 : vector<16xf32>
    %neg3A_2334 = arith.constant 0.000000e+00 : f32
    %neg3A_2335 = vector.broadcast %neg3A_2334 : f32 to vector<16xf32>
    %neg3A_2336 = arith.subf %neg3A_2335, %add3A_2333 : vector<16xf32>
    %exp3A_2337 = math.exp %neg3A_2336 : vector<16xf32>
    %add3A_2338 = arith.constant 1.000000e+00 : f32
    %add3A_2339 = vector.broadcast %add3A_2338 : f32 to vector<16xf32>
    %add3A_2340 = arith.addf %add3A_2339, %exp3A_2337 : vector<16xf32>
    %div3A_2341 = arith.constant 1.000000e+00 : f32
    %div3A_2342 = vector.broadcast %div3A_2341 : f32 to vector<16xf32>
    %div3A_2343 = arith.divf %div3A_2342, %add3A_2340 : vector<16xf32>
    %swap3A_2344 = arith.constant 9 : i32
    %swap3A_2345 = arith.index_cast %swap3A_2344 : i32 to index
    %swap3A_2346 = arith.constant 16 : index
    %swap3A_2347 = tpu.vector_load %arg16[%swap3A_2345, %swap3A_2346] {strides = array<i32>} : memref<21x64xf32, #tpu.memory_space<vmem>>, vector<16xf32>,
    tpu.vector_store %arg16[%swap3A_2345, %swap3A_2346], %div3A_2343 {strides = array<i32>} : memref<21x64xf32, #tpu.memory_space<vmem>>, vector<16xf32>,
    %get3A_2348 = arith.constant 10 : i32
    %get3A_2349 = arith.index_cast %get3A_2348 : i32 to index
    %get3A_2350 = arith.constant 16 : index
    %get3A_2351 = tpu.vector_load %arg16[%get3A_2349, %get3A_2350] {strides = array<i32>} : memref<21x64xf32, #tpu.memory_space<vmem>>, vector<16xf32>,
    %add3A_2352 = arith.addf %get3A_2351, %add3A_2288 : vector<16xf32>
    %add3A_2353 = arith.addf %add3A_2352, %get3A_2292 : vector<16xf32>
    %neg3A_2354 = arith.constant 0.000000e+00 : f32
    %neg3A_2355 = vector.broadcast %neg3A_2354 : f32 to vector<16xf32>
    %neg3A_2356 = arith.subf %neg3A_2355, %add3A_2353 : vector<16xf32>
    %exp3A_2357 = math.exp %neg3A_2356 : vector<16xf32>
    %add3A_2358 = arith.constant 1.000000e+00 : f32
    %add3A_2359 = vector.broadcast %add3A_2358 : f32 to vector<16xf32>
    %add3A_2360 = arith.addf %add3A_2359, %exp3A_2357 : vector<16xf32>
    %div3A_2361 = arith.constant 1.000000e+00 : f32
    %div3A_2362 = vector.broadcast %div3A_2361 : f32 to vector<16xf32>
    %div3A_2363 = arith.divf %div3A_2362, %add3A_2360 : vector<16xf32>
    %swap3A_2364 = arith.constant 10 : i32
    %swap3A_2365 = arith.index_cast %swap3A_2364 : i32 to index
    %swap3A_2366 = arith.constant 16 : index
    %swap3A_2367 = tpu.vector_load %arg16[%swap3A_2365, %swap3A_2366] {strides = array<i32>} : memref<21x64xf32, #tpu.memory_space<vmem>>, vector<16xf32>,
    tpu.vector_store %arg16[%swap3A_2365, %swap3A_2366], %div3A_2363 {strides = array<i32>} : memref<21x64xf32, #tpu.memory_space<vmem>>, vector<16xf32>,
    %get3A_2368 = arith.constant 11 : i32
    %get3A_2369 = arith.index_cast %get3A_2368 : i32 to index
    %get3A_2370 = arith.constant 16 : index
    %get3A_2371 = tpu.vector_load %arg16[%get3A_2369, %get3A_2370] {strides = array<i32>} : memref<21x64xf32, #tpu.memory_space<vmem>>, vector<16xf32>,
    %add3A_2372 = arith.addf %get3A_2371, %add3A_2288 : vector<16xf32>
    %add3A_2373 = arith.addf %add3A_2372, %get3A_2292 : vector<16xf32>
    %neg3A_2374 = arith.constant 0.000000e+00 : f32
    %neg3A_2375 = vector.broadcast %neg3A_2374 : f32 to vector<16xf32>
    %neg3A_2376 = arith.subf %neg3A_2375, %add3A_2373 : vector<16xf32>
    %exp3A_2377 = math.exp %neg3A_2376 : vector<16xf32>
    %add3A_2378 = arith.constant 1.000000e+00 : f32
    %add3A_2379 = vector.broadcast %add3A_2378 : f32 to vector<16xf32>
    %add3A_2380 = arith.addf %add3A_2379, %exp3A_2377 : vector<16xf32>
    %div3A_2381 = arith.constant 1.000000e+00 : f32
    %div3A_2382 = vector.broadcast %div3A_2381 : f32 to vector<16xf32>
    %div3A_2383 = arith.divf %div3A_2382, %add3A_2380 : vector<16xf32>
    %swap3A_2384 = arith.constant 11 : i32
    %swap3A_2385 = arith.index_cast %swap3A_2384 : i32 to index
    %swap3A_2386 = arith.constant 16 : index
    %swap3A_2387 = tpu.vector_load %arg16[%swap3A_2385, %swap3A_2386] {strides = array<i32>} : memref<21x64xf32, #tpu.memory_space<vmem>>, vector<16xf32>,
    tpu.vector_store %arg16[%swap3A_2385, %swap3A_2386], %div3A_2383 {strides = array<i32>} : memref<21x64xf32, #tpu.memory_space<vmem>>, vector<16xf32>,
    %get3A_2388 = arith.constant 12 : i32
    %get3A_2389 = arith.index_cast %get3A_2388 : i32 to index
    %get3A_2390 = arith.constant 16 : index
    %get3A_2391 = tpu.vector_load %arg16[%get3A_2389, %get3A_2390] {strides = array<i32>} : memref<21x64xf32, #tpu.memory_space<vmem>>, vector<16xf32>,
    %add3A_2392 = arith.addf %get3A_2391, %add3A_2288 : vector<16xf32>
    %add3A_2393 = arith.addf %add3A_2392, %get3A_2292 : vector<16xf32>
    %neg3A_2394 = arith.constant 0.000000e+00 : f32
    %neg3A_2395 = vector.broadcast %neg3A_2394 : f32 to vector<16xf32>
    %neg3A_2396 = arith.subf %neg3A_2395, %add3A_2393 : vector<16xf32>
    %exp3A_2397 = math.exp %neg3A_2396 : vector<16xf32>
    %add3A_2398 = arith.constant 1.000000e+00 : f32
    %add3A_2399 = vector.broadcast %add3A_2398 : f32 to vector<16xf32>
    %add3A_2400 = arith.addf %add3A_2399, %exp3A_2397 : vector<16xf32>
    %div3A_2401 = arith.constant 1.000000e+00 : f32
    %div3A_2402 = vector.broadcast %div3A_2401 : f32 to vector<16xf32>
    %div3A_2403 = arith.divf %div3A_2402, %add3A_2400 : vector<16xf32>
    %swap3A_2404 = arith.constant 12 : i32
    %swap3A_2405 = arith.index_cast %swap3A_2404 : i32 to index
    %swap3A_2406 = arith.constant 16 : index
    %swap3A_2407 = tpu.vector_load %arg16[%swap3A_2405, %swap3A_2406] {strides = array<i32>} : memref<21x64xf32, #tpu.memory_space<vmem>>, vector<16xf32>,
    tpu.vector_store %arg16[%swap3A_2405, %swap3A_2406], %div3A_2403 {strides = array<i32>} : memref<21x64xf32, #tpu.memory_space<vmem>>, vector<16xf32>,
    %get3A_2408 = arith.constant 13 : i32
    %get3A_2409 = arith.index_cast %get3A_2408 : i32 to index
    %get3A_2410 = arith.constant 16 : index
    %get3A_2411 = tpu.vector_load %arg16[%get3A_2409, %get3A_2410] {strides = array<i32>} : memref<21x64xf32, #tpu.memory_space<vmem>>, vector<16xf32>,
    %add3A_2412 = arith.addf %get3A_2411, %add3A_2288 : vector<16xf32>
    %add3A_2413 = arith.addf %add3A_2412, %get3A_2292 : vector<16xf32>
    %neg3A_2414 = arith.constant 0.000000e+00 : f32
    %neg3A_2415 = vector.broadcast %neg3A_2414 : f32 to vector<16xf32>
    %neg3A_2416 = arith.subf %neg3A_2415, %add3A_2413 : vector<16xf32>
    %exp3A_2417 = math.exp %neg3A_2416 : vector<16xf32>
    %add3A_2418 = arith.constant 1.000000e+00 : f32
    %add3A_2419 = vector.broadcast %add3A_2418 : f32 to vector<16xf32>
    %add3A_2420 = arith.addf %add3A_2419, %exp3A_2417 : vector<16xf32>
    %div3A_2421 = arith.constant 1.000000e+00 : f32
    %div3A_2422 = vector.broadcast %div3A_2421 : f32 to vector<16xf32>
    %div3A_2423 = arith.divf %div3A_2422, %add3A_2420 : vector<16xf32>
    %swap3A_2424 = arith.constant 13 : i32
    %swap3A_2425 = arith.index_cast %swap3A_2424 : i32 to index
    %swap3A_2426 = arith.constant 16 : index
    %swap3A_2427 = tpu.vector_load %arg16[%swap3A_2425, %swap3A_2426] {strides = array<i32>} : memref<21x64xf32, #tpu.memory_space<vmem>>, vector<16xf32>,
    tpu.vector_store %arg16[%swap3A_2425, %swap3A_2426], %div3A_2423 {strides = array<i32>} : memref<21x64xf32, #tpu.memory_space<vmem>>, vector<16xf32>,
    %get3A_2428 = arith.constant 14 : i32
    %get3A_2429 = arith.index_cast %get3A_2428 : i32 to index
    %get3A_2430 = arith.constant 16 : index
    %get3A_2431 = tpu.vector_load %arg16[%get3A_2429, %get3A_2430] {strides = array<i32>} : memref<21x64xf32, #tpu.memory_space<vmem>>, vector<16xf32>,
    %add3A_2432 = arith.addf %get3A_2431, %add3A_2288 : vector<16xf32>
    %add3A_2433 = arith.addf %add3A_2432, %get3A_2292 : vector<16xf32>
    %neg3A_2434 = arith.constant 0.000000e+00 : f32
    %neg3A_2435 = vector.broadcast %neg3A_2434 : f32 to vector<16xf32>
    %neg3A_2436 = arith.subf %neg3A_2435, %add3A_2433 : vector<16xf32>
    %exp3A_2437 = math.exp %neg3A_2436 : vector<16xf32>
    %add3A_2438 = arith.constant 1.000000e+00 : f32
    %add3A_2439 = vector.broadcast %add3A_2438 : f32 to vector<16xf32>
    %add3A_2440 = arith.addf %add3A_2439, %exp3A_2437 : vector<16xf32>
    %div3A_2441 = arith.constant 1.000000e+00 : f32
    %div3A_2442 = vector.broadcast %div3A_2441 : f32 to vector<16xf32>
    %div3A_2443 = arith.divf %div3A_2442, %add3A_2440 : vector<16xf32>
    %swap3A_2444 = arith.constant 14 : i32
    %swap3A_2445 = arith.index_cast %swap3A_2444 : i32 to index
    %swap3A_2446 = arith.constant 16 : index
    %swap3A_2447 = tpu.vector_load %arg16[%swap3A_2445, %swap3A_2446] {strides = array<i32>} : memref<21x64xf32, #tpu.memory_space<vmem>>, vector<16xf32>,
    tpu.vector_store %arg16[%swap3A_2445, %swap3A_2446], %div3A_2443 {strides = array<i32>} : memref<21x64xf32, #tpu.memory_space<vmem>>, vector<16xf32>,
    %get3A_2448 = arith.constant 15 : i32
    %get3A_2449 = arith.index_cast %get3A_2448 : i32 to index
    %get3A_2450 = arith.constant 16 : index
    %get3A_2451 = tpu.vector_load %arg16[%get3A_2449, %get3A_2450] {strides = array<i32>} : memref<21x64xf32, #tpu.memory_space<vmem>>, vector<16xf32>,
    %add3A_2452 = arith.addf %get3A_2451, %add3A_2288 : vector<16xf32>
    %add3A_2453 = arith.addf %add3A_2452, %get3A_2292 : vector<16xf32>
    %neg3A_2454 = arith.constant 0.000000e+00 : f32
    %neg3A_2455 = vector.broadcast %neg3A_2454 : f32 to vector<16xf32>
    %neg3A_2456 = arith.subf %neg3A_2455, %add3A_2453 : vector<16xf32>
    %exp3A_2457 = math.exp %neg3A_2456 : vector<16xf32>
    %add3A_2458 = arith.constant 1.000000e+00 : f32
    %add3A_2459 = vector.broadcast %add3A_2458 : f32 to vector<16xf32>
    %add3A_2460 = arith.addf %add3A_2459, %exp3A_2457 : vector<16xf32>
    %div3A_2461 = arith.constant 1.000000e+00 : f32
    %div3A_2462 = vector.broadcast %div3A_2461 : f32 to vector<16xf32>
    %div3A_2463 = arith.divf %div3A_2462, %add3A_2460 : vector<16xf32>
    %swap3A_2464 = arith.constant 15 : i32
    %swap3A_2465 = arith.index_cast %swap3A_2464 : i32 to index
    %swap3A_2466 = arith.constant 16 : index
    %swap3A_2467 = tpu.vector_load %arg16[%swap3A_2465, %swap3A_2466] {strides = array<i32>} : memref<21x64xf32, #tpu.memory_space<vmem>>, vector<16xf32>,
    tpu.vector_store %arg16[%swap3A_2465, %swap3A_2466], %div3A_2463 {strides = array<i32>} : memref<21x64xf32, #tpu.memory_space<vmem>>, vector<16xf32>,
    %get3A_2468 = arith.constant 16 : i32
    %get3A_2469 = arith.index_cast %get3A_2468 : i32 to index
    %get3A_2470 = arith.constant 16 : index
    %get3A_2471 = tpu.vector_load %arg16[%get3A_2469, %get3A_2470] {strides = array<i32>} : memref<21x64xf32, #tpu.memory_space<vmem>>, vector<16xf32>,
    %add3A_2472 = arith.addf %get3A_2471, %add3A_2288 : vector<16xf32>
    %add3A_2473 = arith.addf %add3A_2472, %get3A_2292 : vector<16xf32>
    %neg3A_2474 = arith.constant 0.000000e+00 : f32
    %neg3A_2475 = vector.broadcast %neg3A_2474 : f32 to vector<16xf32>
    %neg3A_2476 = arith.subf %neg3A_2475, %add3A_2473 : vector<16xf32>
    %exp3A_2477 = math.exp %neg3A_2476 : vector<16xf32>
    %add3A_2478 = arith.constant 1.000000e+00 : f32
    %add3A_2479 = vector.broadcast %add3A_2478 : f32 to vector<16xf32>
    %add3A_2480 = arith.addf %add3A_2479, %exp3A_2477 : vector<16xf32>
    %div3A_2481 = arith.constant 1.000000e+00 : f32
    %div3A_2482 = vector.broadcast %div3A_2481 : f32 to vector<16xf32>
    %div3A_2483 = arith.divf %div3A_2482, %add3A_2480 : vector<16xf32>
    %swap3A_2484 = arith.constant 16 : i32
    %swap3A_2485 = arith.index_cast %swap3A_2484 : i32 to index
    %swap3A_2486 = arith.constant 16 : index
    %swap3A_2487 = tpu.vector_load %arg16[%swap3A_2485, %swap3A_2486] {strides = array<i32>} : memref<21x64xf32, #tpu.memory_space<vmem>>, vector<16xf32>,
    tpu.vector_store %arg16[%swap3A_2485, %swap3A_2486], %div3A_2483 {strides = array<i32>} : memref<21x64xf32, #tpu.memory_space<vmem>>, vector<16xf32>,
    %get3A_2488 = arith.constant 17 : i32
    %get3A_2489 = arith.index_cast %get3A_2488 : i32 to index
    %get3A_2490 = arith.constant 16 : index
    %get3A_2491 = tpu.vector_load %arg16[%get3A_2489, %get3A_2490] {strides = array<i32>} : memref<21x64xf32, #tpu.memory_space<vmem>>, vector<16xf32>,
    %add3A_2492 = arith.addf %get3A_2491, %add3A_2288 : vector<16xf32>
    %add3A_2493 = arith.addf %add3A_2492, %get3A_2292 : vector<16xf32>
    %neg3A_2494 = arith.constant 0.000000e+00 : f32
    %neg3A_2495 = vector.broadcast %neg3A_2494 : f32 to vector<16xf32>
    %neg3A_2496 = arith.subf %neg3A_2495, %add3A_2493 : vector<16xf32>
    %exp3A_2497 = math.exp %neg3A_2496 : vector<16xf32>
    %add3A_2498 = arith.constant 1.000000e+00 : f32
    %add3A_2499 = vector.broadcast %add3A_2498 : f32 to vector<16xf32>
    %add3A_2500 = arith.addf %add3A_2499, %exp3A_2497 : vector<16xf32>
    %div3A_2501 = arith.constant 1.000000e+00 : f32
    %div3A_2502 = vector.broadcast %div3A_2501 : f32 to vector<16xf32>
    %div3A_2503 = arith.divf %div3A_2502, %add3A_2500 : vector<16xf32>
    %swap3A_2504 = arith.constant 17 : i32
    %swap3A_2505 = arith.index_cast %swap3A_2504 : i32 to index
    %swap3A_2506 = arith.constant 16 : index
    %swap3A_2507 = tpu.vector_load %arg16[%swap3A_2505, %swap3A_2506] {strides = array<i32>} : memref<21x64xf32, #tpu.memory_space<vmem>>, vector<16xf32>,
    tpu.vector_store %arg16[%swap3A_2505, %swap3A_2506], %div3A_2503 {strides = array<i32>} : memref<21x64xf32, #tpu.memory_space<vmem>>, vector<16xf32>,
    %get3A_2508 = arith.constant 18 : i32
    %get3A_2509 = arith.index_cast %get3A_2508 : i32 to index
    %get3A_2510 = arith.constant 16 : index
    %get3A_2511 = tpu.vector_load %arg16[%get3A_2509, %get3A_2510] {strides = array<i32>} : memref<21x64xf32, #tpu.memory_space<vmem>>, vector<16xf32>,
    %add3A_2512 = arith.addf %get3A_2511, %add3A_2288 : vector<16xf32>
    %add3A_2513 = arith.addf %add3A_2512, %get3A_2292 : vector<16xf32>
    %neg3A_2514 = arith.constant 0.000000e+00 : f32
    %neg3A_2515 = vector.broadcast %neg3A_2514 : f32 to vector<16xf32>
    %neg3A_2516 = arith.subf %neg3A_2515, %add3A_2513 : vector<16xf32>
    %exp3A_2517 = math.exp %neg3A_2516 : vector<16xf32>
    %add3A_2518 = arith.constant 1.000000e+00 : f32
    %add3A_2519 = vector.broadcast %add3A_2518 : f32 to vector<16xf32>
    %add3A_2520 = arith.addf %add3A_2519, %exp3A_2517 : vector<16xf32>
    %div3A_2521 = arith.constant 1.000000e+00 : f32
    %div3A_2522 = vector.broadcast %div3A_2521 : f32 to vector<16xf32>
    %div3A_2523 = arith.divf %div3A_2522, %add3A_2520 : vector<16xf32>
    %swap3A_2524 = arith.constant 18 : i32
    %swap3A_2525 = arith.index_cast %swap3A_2524 : i32 to index
    %swap3A_2526 = arith.constant 16 : index
    %swap3A_2527 = tpu.vector_load %arg16[%swap3A_2525, %swap3A_2526] {strides = array<i32>} : memref<21x64xf32, #tpu.memory_space<vmem>>, vector<16xf32>,
    tpu.vector_store %arg16[%swap3A_2525, %swap3A_2526], %div3A_2523 {strides = array<i32>} : memref<21x64xf32, #tpu.memory_space<vmem>>, vector<16xf32>,
    %get3A_2528 = arith.constant 19 : i32
    %get3A_2529 = arith.index_cast %get3A_2528 : i32 to index
    %get3A_2530 = arith.constant 16 : index
    %get3A_2531 = tpu.vector_load %arg16[%get3A_2529, %get3A_2530] {strides = array<i32>} : memref<21x64xf32, #tpu.memory_space<vmem>>, vector<16xf32>,
    %add3A_2532 = arith.addf %get3A_2531, %add3A_2288 : vector<16xf32>
    %add3A_2533 = arith.addf %add3A_2532, %get3A_2292 : vector<16xf32>
    %neg3A_2534 = arith.constant 0.000000e+00 : f32
    %neg3A_2535 = vector.broadcast %neg3A_2534 : f32 to vector<16xf32>
    %neg3A_2536 = arith.subf %neg3A_2535, %add3A_2533 : vector<16xf32>
    %exp3A_2537 = math.exp %neg3A_2536 : vector<16xf32>
    %add3A_2538 = arith.constant 1.000000e+00 : f32
    %add3A_2539 = vector.broadcast %add3A_2538 : f32 to vector<16xf32>
    %add3A_2540 = arith.addf %add3A_2539, %exp3A_2537 : vector<16xf32>
    %div3A_2541 = arith.constant 1.000000e+00 : f32
    %div3A_2542 = vector.broadcast %div3A_2541 : f32 to vector<16xf32>
    %div3A_2543 = arith.divf %div3A_2542, %add3A_2540 : vector<16xf32>
    %swap3A_2544 = arith.constant 19 : i32
    %swap3A_2545 = arith.index_cast %swap3A_2544 : i32 to index
    %swap3A_2546 = arith.constant 16 : index
    %swap3A_2547 = tpu.vector_load %arg16[%swap3A_2545, %swap3A_2546] {strides = array<i32>} : memref<21x64xf32, #tpu.memory_space<vmem>>, vector<16xf32>,
    tpu.vector_store %arg16[%swap3A_2545, %swap3A_2546], %div3A_2543 {strides = array<i32>} : memref<21x64xf32, #tpu.memory_space<vmem>>, vector<16xf32>,
    %get3A_2548 = arith.constant 20 : i32
    %get3A_2549 = arith.index_cast %get3A_2548 : i32 to index
    %get3A_2550 = arith.constant 16 : index
    %get3A_2551 = tpu.vector_load %arg16[%get3A_2549, %get3A_2550] {strides = array<i32>} : memref<21x64xf32, #tpu.memory_space<vmem>>, vector<16xf32>,
    %add3A_2552 = arith.addf %get3A_2551, %add3A_2288 : vector<16xf32>
    %add3A_2553 = arith.addf %add3A_2552, %get3A_2292 : vector<16xf32>
    %neg3A_2554 = arith.constant 0.000000e+00 : f32
    %neg3A_2555 = vector.broadcast %neg3A_2554 : f32 to vector<16xf32>
    %neg3A_2556 = arith.subf %neg3A_2555, %add3A_2553 : vector<16xf32>
    %exp3A_2557 = math.exp %neg3A_2556 : vector<16xf32>
    %add3A_2558 = arith.constant 1.000000e+00 : f32
    %add3A_2559 = vector.broadcast %add3A_2558 : f32 to vector<16xf32>
    %add3A_2560 = arith.addf %add3A_2559, %exp3A_2557 : vector<16xf32>
    %div3A_2561 = arith.constant 1.000000e+00 : f32
    %div3A_2562 = vector.broadcast %div3A_2561 : f32 to vector<16xf32>
    %div3A_2563 = arith.divf %div3A_2562, %add3A_2560 : vector<16xf32>
    %swap3A_2564 = arith.constant 20 : i32
    %swap3A_2565 = arith.index_cast %swap3A_2564 : i32 to index
    %swap3A_2566 = arith.constant 16 : index
    %swap3A_2567 = tpu.vector_load %arg16[%swap3A_2565, %swap3A_2566] {strides = array<i32>} : memref<21x64xf32, #tpu.memory_space<vmem>>, vector<16xf32>,
    tpu.vector_store %arg16[%swap3A_2565, %swap3A_2566], %div3A_2563 {strides = array<i32>} : memref<21x64xf32, #tpu.memory_space<vmem>>, vector<16xf32>,
    %get3A_2568 = arith.constant 0 : i32
    %get3A_2569 = arith.constant 0 : i32
    %get3A_2570 = arith.index_cast %get3A_2568 : i32 to index
    %get3A_2571 = arith.index_cast %get3A_2569 : i32 to index
    %get3A_2572 = arith.constant 32 : index
    %get3A_2573 = tpu.vector_load %arg17[%get3A_2570, %get3A_2571, %get3A_2572] {strides = array<i32>} : memref<16x1x64xf32, #tpu.memory_space<vmem>>, vector<16xf32>,
    %gt3A_2574 = arith.constant 0 : i32
    %gt3A_2575 = arith.cmpi sgt, %arg1, %gt3A_2574 : i32
    %jit3A_2576 = arith.constant 0.000000e+00 : f32
    %broadcast_in_dim3A_2577 = vector.broadcast %jit3A_2576 : f32 to vector<16xf32>
    %select_n3A_2578 = arith.select %gt3A_2575, %get3A_2573, %broadcast_in_dim3A_2577 : vector<16xf32>
    %add3A_2579 = arith.addf %broadcast_in_dim3A_695, %select_n3A_2578 : vector<16xf32>
    %get3A_2580 = arith.constant 1 : i32
    %get3A_2581 = arith.constant 0 : i32
    %get3A_2582 = arith.index_cast %get3A_2580 : i32 to index
    %get3A_2583 = arith.index_cast %get3A_2581 : i32 to index
    %get3A_2584 = arith.constant 32 : index
    %get3A_2585 = tpu.vector_load %arg17[%get3A_2582, %get3A_2583, %get3A_2584] {strides = array<i32>} : memref<16x1x64xf32, #tpu.memory_space<vmem>>, vector<16xf32>,
    %gt3A_2586 = arith.constant 1 : i32
    %gt3A_2587 = arith.cmpi sgt, %arg1, %gt3A_2586 : i32
    %jit3A_2588 = arith.constant 0.000000e+00 : f32
    %broadcast_in_dim3A_2589 = vector.broadcast %jit3A_2588 : f32 to vector<16xf32>
    %select_n3A_2590 = arith.select %gt3A_2587, %get3A_2585, %broadcast_in_dim3A_2589 : vector<16xf32>
    %add3A_2591 = arith.addf %add3A_2579, %select_n3A_2590 : vector<16xf32>
    %get3A_2592 = arith.constant 2 : i32
    %get3A_2593 = arith.constant 0 : i32
    %get3A_2594 = arith.index_cast %get3A_2592 : i32 to index
    %get3A_2595 = arith.index_cast %get3A_2593 : i32 to index
    %get3A_2596 = arith.constant 32 : index
    %get3A_2597 = tpu.vector_load %arg17[%get3A_2594, %get3A_2595, %get3A_2596] {strides = array<i32>} : memref<16x1x64xf32, #tpu.memory_space<vmem>>, vector<16xf32>,
    %gt3A_2598 = arith.constant 2 : i32
    %gt3A_2599 = arith.cmpi sgt, %arg1, %gt3A_2598 : i32
    %jit3A_2600 = arith.constant 0.000000e+00 : f32
    %broadcast_in_dim3A_2601 = vector.broadcast %jit3A_2600 : f32 to vector<16xf32>
    %select_n3A_2602 = arith.select %gt3A_2599, %get3A_2597, %broadcast_in_dim3A_2601 : vector<16xf32>
    %add3A_2603 = arith.addf %add3A_2591, %select_n3A_2602 : vector<16xf32>
    %get3A_2604 = arith.constant 3 : i32
    %get3A_2605 = arith.constant 0 : i32
    %get3A_2606 = arith.index_cast %get3A_2604 : i32 to index
    %get3A_2607 = arith.index_cast %get3A_2605 : i32 to index
    %get3A_2608 = arith.constant 32 : index
    %get3A_2609 = tpu.vector_load %arg17[%get3A_2606, %get3A_2607, %get3A_2608] {strides = array<i32>} : memref<16x1x64xf32, #tpu.memory_space<vmem>>, vector<16xf32>,
    %gt3A_2610 = arith.constant 3 : i32
    %gt3A_2611 = arith.cmpi sgt, %arg1, %gt3A_2610 : i32
    %jit3A_2612 = arith.constant 0.000000e+00 : f32
    %broadcast_in_dim3A_2613 = vector.broadcast %jit3A_2612 : f32 to vector<16xf32>
    %select_n3A_2614 = arith.select %gt3A_2611, %get3A_2609, %broadcast_in_dim3A_2613 : vector<16xf32>
    %add3A_2615 = arith.addf %add3A_2603, %select_n3A_2614 : vector<16xf32>
    %get3A_2616 = arith.constant 4 : i32
    %get3A_2617 = arith.constant 0 : i32
    %get3A_2618 = arith.index_cast %get3A_2616 : i32 to index
    %get3A_2619 = arith.index_cast %get3A_2617 : i32 to index
    %get3A_2620 = arith.constant 32 : index
    %get3A_2621 = tpu.vector_load %arg17[%get3A_2618, %get3A_2619, %get3A_2620] {strides = array<i32>} : memref<16x1x64xf32, #tpu.memory_space<vmem>>, vector<16xf32>,
    %gt3A_2622 = arith.constant 4 : i32
    %gt3A_2623 = arith.cmpi sgt, %arg1, %gt3A_2622 : i32
    %jit3A_2624 = arith.constant 0.000000e+00 : f32
    %broadcast_in_dim3A_2625 = vector.broadcast %jit3A_2624 : f32 to vector<16xf32>
    %select_n3A_2626 = arith.select %gt3A_2623, %get3A_2621, %broadcast_in_dim3A_2625 : vector<16xf32>
    %add3A_2627 = arith.addf %add3A_2615, %select_n3A_2626 : vector<16xf32>
    %get3A_2628 = arith.constant 5 : i32
    %get3A_2629 = arith.constant 0 : i32
    %get3A_2630 = arith.index_cast %get3A_2628 : i32 to index
    %get3A_2631 = arith.index_cast %get3A_2629 : i32 to index
    %get3A_2632 = arith.constant 32 : index
    %get3A_2633 = tpu.vector_load %arg17[%get3A_2630, %get3A_2631, %get3A_2632] {strides = array<i32>} : memref<16x1x64xf32, #tpu.memory_space<vmem>>, vector<16xf32>,
    %gt3A_2634 = arith.constant 5 : i32
    %gt3A_2635 = arith.cmpi sgt, %arg1, %gt3A_2634 : i32
    %jit3A_2636 = arith.constant 0.000000e+00 : f32
    %broadcast_in_dim3A_2637 = vector.broadcast %jit3A_2636 : f32 to vector<16xf32>
    %select_n3A_2638 = arith.select %gt3A_2635, %get3A_2633, %broadcast_in_dim3A_2637 : vector<16xf32>
    %add3A_2639 = arith.addf %add3A_2627, %select_n3A_2638 : vector<16xf32>
    %get3A_2640 = arith.constant 6 : i32
    %get3A_2641 = arith.constant 0 : i32
    %get3A_2642 = arith.index_cast %get3A_2640 : i32 to index
    %get3A_2643 = arith.index_cast %get3A_2641 : i32 to index
    %get3A_2644 = arith.constant 32 : index
    %get3A_2645 = tpu.vector_load %arg17[%get3A_2642, %get3A_2643, %get3A_2644] {strides = array<i32>} : memref<16x1x64xf32, #tpu.memory_space<vmem>>, vector<16xf32>,
    %gt3A_2646 = arith.constant 6 : i32
    %gt3A_2647 = arith.cmpi sgt, %arg1, %gt3A_2646 : i32
    %jit3A_2648 = arith.constant 0.000000e+00 : f32
    %broadcast_in_dim3A_2649 = vector.broadcast %jit3A_2648 : f32 to vector<16xf32>
    %select_n3A_2650 = arith.select %gt3A_2647, %get3A_2645, %broadcast_in_dim3A_2649 : vector<16xf32>
    %add3A_2651 = arith.addf %add3A_2639, %select_n3A_2650 : vector<16xf32>
    %get3A_2652 = arith.constant 7 : i32
    %get3A_2653 = arith.constant 0 : i32
    %get3A_2654 = arith.index_cast %get3A_2652 : i32 to index
    %get3A_2655 = arith.index_cast %get3A_2653 : i32 to index
    %get3A_2656 = arith.constant 32 : index
    %get3A_2657 = tpu.vector_load %arg17[%get3A_2654, %get3A_2655, %get3A_2656] {strides = array<i32>} : memref<16x1x64xf32, #tpu.memory_space<vmem>>, vector<16xf32>,
    %gt3A_2658 = arith.constant 7 : i32
    %gt3A_2659 = arith.cmpi sgt, %arg1, %gt3A_2658 : i32
    %jit3A_2660 = arith.constant 0.000000e+00 : f32
    %broadcast_in_dim3A_2661 = vector.broadcast %jit3A_2660 : f32 to vector<16xf32>
    %select_n3A_2662 = arith.select %gt3A_2659, %get3A_2657, %broadcast_in_dim3A_2661 : vector<16xf32>
    %add3A_2663 = arith.addf %add3A_2651, %select_n3A_2662 : vector<16xf32>
    %get3A_2664 = arith.constant 8 : i32
    %get3A_2665 = arith.constant 0 : i32
    %get3A_2666 = arith.index_cast %get3A_2664 : i32 to index
    %get3A_2667 = arith.index_cast %get3A_2665 : i32 to index
    %get3A_2668 = arith.constant 32 : index
    %get3A_2669 = tpu.vector_load %arg17[%get3A_2666, %get3A_2667, %get3A_2668] {strides = array<i32>} : memref<16x1x64xf32, #tpu.memory_space<vmem>>, vector<16xf32>,
    %gt3A_2670 = arith.constant 8 : i32
    %gt3A_2671 = arith.cmpi sgt, %arg1, %gt3A_2670 : i32
    %jit3A_2672 = arith.constant 0.000000e+00 : f32
    %broadcast_in_dim3A_2673 = vector.broadcast %jit3A_2672 : f32 to vector<16xf32>
    %select_n3A_2674 = arith.select %gt3A_2671, %get3A_2669, %broadcast_in_dim3A_2673 : vector<16xf32>
    %add3A_2675 = arith.addf %add3A_2663, %select_n3A_2674 : vector<16xf32>
    %get3A_2676 = arith.constant 9 : i32
    %get3A_2677 = arith.constant 0 : i32
    %get3A_2678 = arith.index_cast %get3A_2676 : i32 to index
    %get3A_2679 = arith.index_cast %get3A_2677 : i32 to index
    %get3A_2680 = arith.constant 32 : index
    %get3A_2681 = tpu.vector_load %arg17[%get3A_2678, %get3A_2679, %get3A_2680] {strides = array<i32>} : memref<16x1x64xf32, #tpu.memory_space<vmem>>, vector<16xf32>,
    %gt3A_2682 = arith.constant 9 : i32
    %gt3A_2683 = arith.cmpi sgt, %arg1, %gt3A_2682 : i32
    %jit3A_2684 = arith.constant 0.000000e+00 : f32
    %broadcast_in_dim3A_2685 = vector.broadcast %jit3A_2684 : f32 to vector<16xf32>
    %select_n3A_2686 = arith.select %gt3A_2683, %get3A_2681, %broadcast_in_dim3A_2685 : vector<16xf32>
    %add3A_2687 = arith.addf %add3A_2675, %select_n3A_2686 : vector<16xf32>
    %get3A_2688 = arith.constant 10 : i32
    %get3A_2689 = arith.constant 0 : i32
    %get3A_2690 = arith.index_cast %get3A_2688 : i32 to index
    %get3A_2691 = arith.index_cast %get3A_2689 : i32 to index
    %get3A_2692 = arith.constant 32 : index
    %get3A_2693 = tpu.vector_load %arg17[%get3A_2690, %get3A_2691, %get3A_2692] {strides = array<i32>} : memref<16x1x64xf32, #tpu.memory_space<vmem>>, vector<16xf32>,
    %gt3A_2694 = arith.constant 10 : i32
    %gt3A_2695 = arith.cmpi sgt, %arg1, %gt3A_2694 : i32
    %jit3A_2696 = arith.constant 0.000000e+00 : f32
    %broadcast_in_dim3A_2697 = vector.broadcast %jit3A_2696 : f32 to vector<16xf32>
    %select_n3A_2698 = arith.select %gt3A_2695, %get3A_2693, %broadcast_in_dim3A_2697 : vector<16xf32>
    %add3A_2699 = arith.addf %add3A_2687, %select_n3A_2698 : vector<16xf32>
    %get3A_2700 = arith.constant 11 : i32
    %get3A_2701 = arith.constant 0 : i32
    %get3A_2702 = arith.index_cast %get3A_2700 : i32 to index
    %get3A_2703 = arith.index_cast %get3A_2701 : i32 to index
    %get3A_2704 = arith.constant 32 : index
    %get3A_2705 = tpu.vector_load %arg17[%get3A_2702, %get3A_2703, %get3A_2704] {strides = array<i32>} : memref<16x1x64xf32, #tpu.memory_space<vmem>>, vector<16xf32>,
    %gt3A_2706 = arith.constant 11 : i32
    %gt3A_2707 = arith.cmpi sgt, %arg1, %gt3A_2706 : i32
    %jit3A_2708 = arith.constant 0.000000e+00 : f32
    %broadcast_in_dim3A_2709 = vector.broadcast %jit3A_2708 : f32 to vector<16xf32>
    %select_n3A_2710 = arith.select %gt3A_2707, %get3A_2705, %broadcast_in_dim3A_2709 : vector<16xf32>
    %add3A_2711 = arith.addf %add3A_2699, %select_n3A_2710 : vector<16xf32>
    %get3A_2712 = arith.constant 12 : i32
    %get3A_2713 = arith.constant 0 : i32
    %get3A_2714 = arith.index_cast %get3A_2712 : i32 to index
    %get3A_2715 = arith.index_cast %get3A_2713 : i32 to index
    %get3A_2716 = arith.constant 32 : index
    %get3A_2717 = tpu.vector_load %arg17[%get3A_2714, %get3A_2715, %get3A_2716] {strides = array<i32>} : memref<16x1x64xf32, #tpu.memory_space<vmem>>, vector<16xf32>,
    %gt3A_2718 = arith.constant 12 : i32
    %gt3A_2719 = arith.cmpi sgt, %arg1, %gt3A_2718 : i32
    %jit3A_2720 = arith.constant 0.000000e+00 : f32
    %broadcast_in_dim3A_2721 = vector.broadcast %jit3A_2720 : f32 to vector<16xf32>
    %select_n3A_2722 = arith.select %gt3A_2719, %get3A_2717, %broadcast_in_dim3A_2721 : vector<16xf32>
    %add3A_2723 = arith.addf %add3A_2711, %select_n3A_2722 : vector<16xf32>
    %get3A_2724 = arith.constant 13 : i32
    %get3A_2725 = arith.constant 0 : i32
    %get3A_2726 = arith.index_cast %get3A_2724 : i32 to index
    %get3A_2727 = arith.index_cast %get3A_2725 : i32 to index
    %get3A_2728 = arith.constant 32 : index
    %get3A_2729 = tpu.vector_load %arg17[%get3A_2726, %get3A_2727, %get3A_2728] {strides = array<i32>} : memref<16x1x64xf32, #tpu.memory_space<vmem>>, vector<16xf32>,
    %gt3A_2730 = arith.constant 13 : i32
    %gt3A_2731 = arith.cmpi sgt, %arg1, %gt3A_2730 : i32
    %jit3A_2732 = arith.constant 0.000000e+00 : f32
    %broadcast_in_dim3A_2733 = vector.broadcast %jit3A_2732 : f32 to vector<16xf32>
    %select_n3A_2734 = arith.select %gt3A_2731, %get3A_2729, %broadcast_in_dim3A_2733 : vector<16xf32>
    %add3A_2735 = arith.addf %add3A_2723, %select_n3A_2734 : vector<16xf32>
    %get3A_2736 = arith.constant 14 : i32
    %get3A_2737 = arith.constant 0 : i32
    %get3A_2738 = arith.index_cast %get3A_2736 : i32 to index
    %get3A_2739 = arith.index_cast %get3A_2737 : i32 to index
    %get3A_2740 = arith.constant 32 : index
    %get3A_2741 = tpu.vector_load %arg17[%get3A_2738, %get3A_2739, %get3A_2740] {strides = array<i32>} : memref<16x1x64xf32, #tpu.memory_space<vmem>>, vector<16xf32>,
    %gt3A_2742 = arith.constant 14 : i32
    %gt3A_2743 = arith.cmpi sgt, %arg1, %gt3A_2742 : i32
    %jit3A_2744 = arith.constant 0.000000e+00 : f32
    %broadcast_in_dim3A_2745 = vector.broadcast %jit3A_2744 : f32 to vector<16xf32>
    %select_n3A_2746 = arith.select %gt3A_2743, %get3A_2741, %broadcast_in_dim3A_2745 : vector<16xf32>
    %add3A_2747 = arith.addf %add3A_2735, %select_n3A_2746 : vector<16xf32>
    %get3A_2748 = arith.constant 0 : i32
    %get3A_2749 = arith.index_cast %get3A_2748 : i32 to index
    %get3A_2750 = arith.index_cast %add3A_707 : i32 to index
    %get3A_2751 = tpu.vector_load %arg14[%get3A_2749, %get3A_2750] {strides = array<i32>} : memref<1x128xf32, #tpu.memory_space<vmem>>, vector<16xf32>,
    %add3A_2752 = arith.addf %get3A_2751, %add3A_2747 : vector<16xf32>
    %neg3A_2753 = arith.constant 0.000000e+00 : f32
    %neg3A_2754 = vector.broadcast %neg3A_2753 : f32 to vector<16xf32>
    %neg3A_2755 = arith.subf %neg3A_2754, %add3A_2752 : vector<16xf32>
    %exp3A_2756 = math.exp %neg3A_2755 : vector<16xf32>
    %add3A_2757 = arith.constant 1.000000e+00 : f32
    %add3A_2758 = vector.broadcast %add3A_2757 : f32 to vector<16xf32>
    %add3A_2759 = arith.addf %add3A_2758, %exp3A_2756 : vector<16xf32>
    %div3A_2760 = arith.constant 1.000000e+00 : f32
    %div3A_2761 = vector.broadcast %div3A_2760 : f32 to vector<16xf32>
    %div3A_2762 = arith.divf %div3A_2761, %add3A_2759 : vector<16xf32>
    %swap3A_2763 = arith.constant 0 : i32
    %swap3A_2764 = arith.index_cast %swap3A_2763 : i32 to index
    %swap3A_2765 = arith.constant 32 : index
    %swap3A_2766 = tpu.vector_load %arg16[%swap3A_2764, %swap3A_2765] {strides = array<i32>} : memref<21x64xf32, #tpu.memory_space<vmem>>, vector<16xf32>,
    tpu.vector_store %arg16[%swap3A_2764, %swap3A_2765], %div3A_2762 {strides = array<i32>} : memref<21x64xf32, #tpu.memory_space<vmem>>, vector<16xf32>,
    %get3A_2767 = arith.constant 8 : i32
    %get3A_2768 = arith.index_cast %get3A_2767 : i32 to index
    %get3A_2769 = arith.constant 32 : index
    %get3A_2770 = tpu.vector_load %arg16[%get3A_2768, %get3A_2769] {strides = array<i32>} : memref<21x64xf32, #tpu.memory_space<vmem>>, vector<16xf32>,
    %add3A_2771 = arith.addf %get3A_2770, %add3A_2747 : vector<16xf32>
    %add3A_2772 = arith.addf %add3A_2771, %get3A_2751 : vector<16xf32>
    %neg3A_2773 = arith.constant 0.000000e+00 : f32
    %neg3A_2774 = vector.broadcast %neg3A_2773 : f32 to vector<16xf32>
    %neg3A_2775 = arith.subf %neg3A_2774, %add3A_2772 : vector<16xf32>
    %exp3A_2776 = math.exp %neg3A_2775 : vector<16xf32>
    %add3A_2777 = arith.constant 1.000000e+00 : f32
    %add3A_2778 = vector.broadcast %add3A_2777 : f32 to vector<16xf32>
    %add3A_2779 = arith.addf %add3A_2778, %exp3A_2776 : vector<16xf32>
    %div3A_2780 = arith.constant 1.000000e+00 : f32
    %div3A_2781 = vector.broadcast %div3A_2780 : f32 to vector<16xf32>
    %div3A_2782 = arith.divf %div3A_2781, %add3A_2779 : vector<16xf32>
    %swap3A_2783 = arith.constant 8 : i32
    %swap3A_2784 = arith.index_cast %swap3A_2783 : i32 to index
    %swap3A_2785 = arith.constant 32 : index
    %swap3A_2786 = tpu.vector_load %arg16[%swap3A_2784, %swap3A_2785] {strides = array<i32>} : memref<21x64xf32, #tpu.memory_space<vmem>>, vector<16xf32>,
    tpu.vector_store %arg16[%swap3A_2784, %swap3A_2785], %div3A_2782 {strides = array<i32>} : memref<21x64xf32, #tpu.memory_space<vmem>>, vector<16xf32>,
    %get3A_2787 = arith.constant 9 : i32
    %get3A_2788 = arith.index_cast %get3A_2787 : i32 to index
    %get3A_2789 = arith.constant 32 : index
    %get3A_2790 = tpu.vector_load %arg16[%get3A_2788, %get3A_2789] {strides = array<i32>} : memref<21x64xf32, #tpu.memory_space<vmem>>, vector<16xf32>,
    %add3A_2791 = arith.addf %get3A_2790, %add3A_2747 : vector<16xf32>
    %add3A_2792 = arith.addf %add3A_2791, %get3A_2751 : vector<16xf32>
    %neg3A_2793 = arith.constant 0.000000e+00 : f32
    %neg3A_2794 = vector.broadcast %neg3A_2793 : f32 to vector<16xf32>
    %neg3A_2795 = arith.subf %neg3A_2794, %add3A_2792 : vector<16xf32>
    %exp3A_2796 = math.exp %neg3A_2795 : vector<16xf32>
    %add3A_2797 = arith.constant 1.000000e+00 : f32
    %add3A_2798 = vector.broadcast %add3A_2797 : f32 to vector<16xf32>
    %add3A_2799 = arith.addf %add3A_2798, %exp3A_2796 : vector<16xf32>
    %div3A_2800 = arith.constant 1.000000e+00 : f32
    %div3A_2801 = vector.broadcast %div3A_2800 : f32 to vector<16xf32>
    %div3A_2802 = arith.divf %div3A_2801, %add3A_2799 : vector<16xf32>
    %swap3A_2803 = arith.constant 9 : i32
    %swap3A_2804 = arith.index_cast %swap3A_2803 : i32 to index
    %swap3A_2805 = arith.constant 32 : index
    %swap3A_2806 = tpu.vector_load %arg16[%swap3A_2804, %swap3A_2805] {strides = array<i32>} : memref<21x64xf32, #tpu.memory_space<vmem>>, vector<16xf32>,
    tpu.vector_store %arg16[%swap3A_2804, %swap3A_2805], %div3A_2802 {strides = array<i32>} : memref<21x64xf32, #tpu.memory_space<vmem>>, vector<16xf32>,
    %get3A_2807 = arith.constant 10 : i32
    %get3A_2808 = arith.index_cast %get3A_2807 : i32 to index
    %get3A_2809 = arith.constant 32 : index
    %get3A_2810 = tpu.vector_load %arg16[%get3A_2808, %get3A_2809] {strides = array<i32>} : memref<21x64xf32, #tpu.memory_space<vmem>>, vector<16xf32>,
    %add3A_2811 = arith.addf %get3A_2810, %add3A_2747 : vector<16xf32>
    %add3A_2812 = arith.addf %add3A_2811, %get3A_2751 : vector<16xf32>
    %neg3A_2813 = arith.constant 0.000000e+00 : f32
    %neg3A_2814 = vector.broadcast %neg3A_2813 : f32 to vector<16xf32>
    %neg3A_2815 = arith.subf %neg3A_2814, %add3A_2812 : vector<16xf32>
    %exp3A_2816 = math.exp %neg3A_2815 : vector<16xf32>
    %add3A_2817 = arith.constant 1.000000e+00 : f32
    %add3A_2818 = vector.broadcast %add3A_2817 : f32 to vector<16xf32>
    %add3A_2819 = arith.addf %add3A_2818, %exp3A_2816 : vector<16xf32>
    %div3A_2820 = arith.constant 1.000000e+00 : f32
    %div3A_2821 = vector.broadcast %div3A_2820 : f32 to vector<16xf32>
    %div3A_2822 = arith.divf %div3A_2821, %add3A_2819 : vector<16xf32>
    %swap3A_2823 = arith.constant 10 : i32
    %swap3A_2824 = arith.index_cast %swap3A_2823 : i32 to index
    %swap3A_2825 = arith.constant 32 : index
    %swap3A_2826 = tpu.vector_load %arg16[%swap3A_2824, %swap3A_2825] {strides = array<i32>} : memref<21x64xf32, #tpu.memory_space<vmem>>, vector<16xf32>,
    tpu.vector_store %arg16[%swap3A_2824, %swap3A_2825], %div3A_2822 {strides = array<i32>} : memref<21x64xf32, #tpu.memory_space<vmem>>, vector<16xf32>,
    %get3A_2827 = arith.constant 11 : i32
    %get3A_2828 = arith.index_cast %get3A_2827 : i32 to index
    %get3A_2829 = arith.constant 32 : index
    %get3A_2830 = tpu.vector_load %arg16[%get3A_2828, %get3A_2829] {strides = array<i32>} : memref<21x64xf32, #tpu.memory_space<vmem>>, vector<16xf32>,
    %add3A_2831 = arith.addf %get3A_2830, %add3A_2747 : vector<16xf32>
    %add3A_2832 = arith.addf %add3A_2831, %get3A_2751 : vector<16xf32>
    %neg3A_2833 = arith.constant 0.000000e+00 : f32
    %neg3A_2834 = vector.broadcast %neg3A_2833 : f32 to vector<16xf32>
    %neg3A_2835 = arith.subf %neg3A_2834, %add3A_2832 : vector<16xf32>
    %exp3A_2836 = math.exp %neg3A_2835 : vector<16xf32>
    %add3A_2837 = arith.constant 1.000000e+00 : f32
    %add3A_2838 = vector.broadcast %add3A_2837 : f32 to vector<16xf32>
    %add3A_2839 = arith.addf %add3A_2838, %exp3A_2836 : vector<16xf32>
    %div3A_2840 = arith.constant 1.000000e+00 : f32
    %div3A_2841 = vector.broadcast %div3A_2840 : f32 to vector<16xf32>
    %div3A_2842 = arith.divf %div3A_2841, %add3A_2839 : vector<16xf32>
    %swap3A_2843 = arith.constant 11 : i32
    %swap3A_2844 = arith.index_cast %swap3A_2843 : i32 to index
    %swap3A_2845 = arith.constant 32 : index
    %swap3A_2846 = tpu.vector_load %arg16[%swap3A_2844, %swap3A_2845] {strides = array<i32>} : memref<21x64xf32, #tpu.memory_space<vmem>>, vector<16xf32>,
    tpu.vector_store %arg16[%swap3A_2844, %swap3A_2845], %div3A_2842 {strides = array<i32>} : memref<21x64xf32, #tpu.memory_space<vmem>>, vector<16xf32>,
    %get3A_2847 = arith.constant 12 : i32
    %get3A_2848 = arith.index_cast %get3A_2847 : i32 to index
    %get3A_2849 = arith.constant 32 : index
    %get3A_2850 = tpu.vector_load %arg16[%get3A_2848, %get3A_2849] {strides = array<i32>} : memref<21x64xf32, #tpu.memory_space<vmem>>, vector<16xf32>,
    %add3A_2851 = arith.addf %get3A_2850, %add3A_2747 : vector<16xf32>
    %add3A_2852 = arith.addf %add3A_2851, %get3A_2751 : vector<16xf32>
    %neg3A_2853 = arith.constant 0.000000e+00 : f32
    %neg3A_2854 = vector.broadcast %neg3A_2853 : f32 to vector<16xf32>
    %neg3A_2855 = arith.subf %neg3A_2854, %add3A_2852 : vector<16xf32>
    %exp3A_2856 = math.exp %neg3A_2855 : vector<16xf32>
    %add3A_2857 = arith.constant 1.000000e+00 : f32
    %add3A_2858 = vector.broadcast %add3A_2857 : f32 to vector<16xf32>
    %add3A_2859 = arith.addf %add3A_2858, %exp3A_2856 : vector<16xf32>
    %div3A_2860 = arith.constant 1.000000e+00 : f32
    %div3A_2861 = vector.broadcast %div3A_2860 : f32 to vector<16xf32>
    %div3A_2862 = arith.divf %div3A_2861, %add3A_2859 : vector<16xf32>
    %swap3A_2863 = arith.constant 12 : i32
    %swap3A_2864 = arith.index_cast %swap3A_2863 : i32 to index
    %swap3A_2865 = arith.constant 32 : index
    %swap3A_2866 = tpu.vector_load %arg16[%swap3A_2864, %swap3A_2865] {strides = array<i32>} : memref<21x64xf32, #tpu.memory_space<vmem>>, vector<16xf32>,
    tpu.vector_store %arg16[%swap3A_2864, %swap3A_2865], %div3A_2862 {strides = array<i32>} : memref<21x64xf32, #tpu.memory_space<vmem>>, vector<16xf32>,
    %get3A_2867 = arith.constant 13 : i32
    %get3A_2868 = arith.index_cast %get3A_2867 : i32 to index
    %get3A_2869 = arith.constant 32 : index
    %get3A_2870 = tpu.vector_load %arg16[%get3A_2868, %get3A_2869] {strides = array<i32>} : memref<21x64xf32, #tpu.memory_space<vmem>>, vector<16xf32>,
    %add3A_2871 = arith.addf %get3A_2870, %add3A_2747 : vector<16xf32>
    %add3A_2872 = arith.addf %add3A_2871, %get3A_2751 : vector<16xf32>
    %neg3A_2873 = arith.constant 0.000000e+00 : f32
    %neg3A_2874 = vector.broadcast %neg3A_2873 : f32 to vector<16xf32>
    %neg3A_2875 = arith.subf %neg3A_2874, %add3A_2872 : vector<16xf32>
    %exp3A_2876 = math.exp %neg3A_2875 : vector<16xf32>
    %add3A_2877 = arith.constant 1.000000e+00 : f32
    %add3A_2878 = vector.broadcast %add3A_2877 : f32 to vector<16xf32>
    %add3A_2879 = arith.addf %add3A_2878, %exp3A_2876 : vector<16xf32>
    %div3A_2880 = arith.constant 1.000000e+00 : f32
    %div3A_2881 = vector.broadcast %div3A_2880 : f32 to vector<16xf32>
    %div3A_2882 = arith.divf %div3A_2881, %add3A_2879 : vector<16xf32>
    %swap3A_2883 = arith.constant 13 : i32
    %swap3A_2884 = arith.index_cast %swap3A_2883 : i32 to index
    %swap3A_2885 = arith.constant 32 : index
    %swap3A_2886 = tpu.vector_load %arg16[%swap3A_2884, %swap3A_2885] {strides = array<i32>} : memref<21x64xf32, #tpu.memory_space<vmem>>, vector<16xf32>,
    tpu.vector_store %arg16[%swap3A_2884, %swap3A_2885], %div3A_2882 {strides = array<i32>} : memref<21x64xf32, #tpu.memory_space<vmem>>, vector<16xf32>,
    %get3A_2887 = arith.constant 14 : i32
    %get3A_2888 = arith.index_cast %get3A_2887 : i32 to index
    %get3A_2889 = arith.constant 32 : index
    %get3A_2890 = tpu.vector_load %arg16[%get3A_2888, %get3A_2889] {strides = array<i32>} : memref<21x64xf32, #tpu.memory_space<vmem>>, vector<16xf32>,
    %add3A_2891 = arith.addf %get3A_2890, %add3A_2747 : vector<16xf32>
    %add3A_2892 = arith.addf %add3A_2891, %get3A_2751 : vector<16xf32>
    %neg3A_2893 = arith.constant 0.000000e+00 : f32
    %neg3A_2894 = vector.broadcast %neg3A_2893 : f32 to vector<16xf32>
    %neg3A_2895 = arith.subf %neg3A_2894, %add3A_2892 : vector<16xf32>
    %exp3A_2896 = math.exp %neg3A_2895 : vector<16xf32>
    %add3A_2897 = arith.constant 1.000000e+00 : f32
    %add3A_2898 = vector.broadcast %add3A_2897 : f32 to vector<16xf32>
    %add3A_2899 = arith.addf %add3A_2898, %exp3A_2896 : vector<16xf32>
    %div3A_2900 = arith.constant 1.000000e+00 : f32
    %div3A_2901 = vector.broadcast %div3A_2900 : f32 to vector<16xf32>
    %div3A_2902 = arith.divf %div3A_2901, %add3A_2899 : vector<16xf32>
    %swap3A_2903 = arith.constant 14 : i32
    %swap3A_2904 = arith.index_cast %swap3A_2903 : i32 to index
    %swap3A_2905 = arith.constant 32 : index
    %swap3A_2906 = tpu.vector_load %arg16[%swap3A_2904, %swap3A_2905] {strides = array<i32>} : memref<21x64xf32, #tpu.memory_space<vmem>>, vector<16xf32>,
    tpu.vector_store %arg16[%swap3A_2904, %swap3A_2905], %div3A_2902 {strides = array<i32>} : memref<21x64xf32, #tpu.memory_space<vmem>>, vector<16xf32>,
    %get3A_2907 = arith.constant 15 : i32
    %get3A_2908 = arith.index_cast %get3A_2907 : i32 to index
    %get3A_2909 = arith.constant 32 : index
    %get3A_2910 = tpu.vector_load %arg16[%get3A_2908, %get3A_2909] {strides = array<i32>} : memref<21x64xf32, #tpu.memory_space<vmem>>, vector<16xf32>,
    %add3A_2911 = arith.addf %get3A_2910, %add3A_2747 : vector<16xf32>
    %add3A_2912 = arith.addf %add3A_2911, %get3A_2751 : vector<16xf32>
    %neg3A_2913 = arith.constant 0.000000e+00 : f32
    %neg3A_2914 = vector.broadcast %neg3A_2913 : f32 to vector<16xf32>
    %neg3A_2915 = arith.subf %neg3A_2914, %add3A_2912 : vector<16xf32>
    %exp3A_2916 = math.exp %neg3A_2915 : vector<16xf32>
    %add3A_2917 = arith.constant 1.000000e+00 : f32
    %add3A_2918 = vector.broadcast %add3A_2917 : f32 to vector<16xf32>
    %add3A_2919 = arith.addf %add3A_2918, %exp3A_2916 : vector<16xf32>
    %div3A_2920 = arith.constant 1.000000e+00 : f32
    %div3A_2921 = vector.broadcast %div3A_2920 : f32 to vector<16xf32>
    %div3A_2922 = arith.divf %div3A_2921, %add3A_2919 : vector<16xf32>
    %swap3A_2923 = arith.constant 15 : i32
    %swap3A_2924 = arith.index_cast %swap3A_2923 : i32 to index
    %swap3A_2925 = arith.constant 32 : index
    %swap3A_2926 = tpu.vector_load %arg16[%swap3A_2924, %swap3A_2925] {strides = array<i32>} : memref<21x64xf32, #tpu.memory_space<vmem>>, vector<16xf32>,
    tpu.vector_store %arg16[%swap3A_2924, %swap3A_2925], %div3A_2922 {strides = array<i32>} : memref<21x64xf32, #tpu.memory_space<vmem>>, vector<16xf32>,
    %get3A_2927 = arith.constant 16 : i32
    %get3A_2928 = arith.index_cast %get3A_2927 : i32 to index
    %get3A_2929 = arith.constant 32 : index
    %get3A_2930 = tpu.vector_load %arg16[%get3A_2928, %get3A_2929] {strides = array<i32>} : memref<21x64xf32, #tpu.memory_space<vmem>>, vector<16xf32>,
    %add3A_2931 = arith.addf %get3A_2930, %add3A_2747 : vector<16xf32>
    %add3A_2932 = arith.addf %add3A_2931, %get3A_2751 : vector<16xf32>
    %neg3A_2933 = arith.constant 0.000000e+00 : f32
    %neg3A_2934 = vector.broadcast %neg3A_2933 : f32 to vector<16xf32>
    %neg3A_2935 = arith.subf %neg3A_2934, %add3A_2932 : vector<16xf32>
    %exp3A_2936 = math.exp %neg3A_2935 : vector<16xf32>
    %add3A_2937 = arith.constant 1.000000e+00 : f32
    %add3A_2938 = vector.broadcast %add3A_2937 : f32 to vector<16xf32>
    %add3A_2939 = arith.addf %add3A_2938, %exp3A_2936 : vector<16xf32>
    %div3A_2940 = arith.constant 1.000000e+00 : f32
    %div3A_2941 = vector.broadcast %div3A_2940 : f32 to vector<16xf32>
    %div3A_2942 = arith.divf %div3A_2941, %add3A_2939 : vector<16xf32>
    %swap3A_2943 = arith.constant 16 : i32
    %swap3A_2944 = arith.index_cast %swap3A_2943 : i32 to index
    %swap3A_2945 = arith.constant 32 : index
    %swap3A_2946 = tpu.vector_load %arg16[%swap3A_2944, %swap3A_2945] {strides = array<i32>} : memref<21x64xf32, #tpu.memory_space<vmem>>, vector<16xf32>,
    tpu.vector_store %arg16[%swap3A_2944, %swap3A_2945], %div3A_2942 {strides = array<i32>} : memref<21x64xf32, #tpu.memory_space<vmem>>, vector<16xf32>,
    %get3A_2947 = arith.constant 17 : i32
    %get3A_2948 = arith.index_cast %get3A_2947 : i32 to index
    %get3A_2949 = arith.constant 32 : index
    %get3A_2950 = tpu.vector_load %arg16[%get3A_2948, %get3A_2949] {strides = array<i32>} : memref<21x64xf32, #tpu.memory_space<vmem>>, vector<16xf32>,
    %add3A_2951 = arith.addf %get3A_2950, %add3A_2747 : vector<16xf32>
    %add3A_2952 = arith.addf %add3A_2951, %get3A_2751 : vector<16xf32>
    %neg3A_2953 = arith.constant 0.000000e+00 : f32
    %neg3A_2954 = vector.broadcast %neg3A_2953 : f32 to vector<16xf32>
    %neg3A_2955 = arith.subf %neg3A_2954, %add3A_2952 : vector<16xf32>
    %exp3A_2956 = math.exp %neg3A_2955 : vector<16xf32>
    %add3A_2957 = arith.constant 1.000000e+00 : f32
    %add3A_2958 = vector.broadcast %add3A_2957 : f32 to vector<16xf32>
    %add3A_2959 = arith.addf %add3A_2958, %exp3A_2956 : vector<16xf32>
    %div3A_2960 = arith.constant 1.000000e+00 : f32
    %div3A_2961 = vector.broadcast %div3A_2960 : f32 to vector<16xf32>
    %div3A_2962 = arith.divf %div3A_2961, %add3A_2959 : vector<16xf32>
    %swap3A_2963 = arith.constant 17 : i32
    %swap3A_2964 = arith.index_cast %swap3A_2963 : i32 to index
    %swap3A_2965 = arith.constant 32 : index
    %swap3A_2966 = tpu.vector_load %arg16[%swap3A_2964, %swap3A_2965] {strides = array<i32>} : memref<21x64xf32, #tpu.memory_space<vmem>>, vector<16xf32>,
    tpu.vector_store %arg16[%swap3A_2964, %swap3A_2965], %div3A_2962 {strides = array<i32>} : memref<21x64xf32, #tpu.memory_space<vmem>>, vector<16xf32>,
    %get3A_2967 = arith.constant 18 : i32
    %get3A_2968 = arith.index_cast %get3A_2967 : i32 to index
    %get3A_2969 = arith.constant 32 : index
    %get3A_2970 = tpu.vector_load %arg16[%get3A_2968, %get3A_2969] {strides = array<i32>} : memref<21x64xf32, #tpu.memory_space<vmem>>, vector<16xf32>,
    %add3A_2971 = arith.addf %get3A_2970, %add3A_2747 : vector<16xf32>
    %add3A_2972 = arith.addf %add3A_2971, %get3A_2751 : vector<16xf32>
    %neg3A_2973 = arith.constant 0.000000e+00 : f32
    %neg3A_2974 = vector.broadcast %neg3A_2973 : f32 to vector<16xf32>
    %neg3A_2975 = arith.subf %neg3A_2974, %add3A_2972 : vector<16xf32>
    %exp3A_2976 = math.exp %neg3A_2975 : vector<16xf32>
    %add3A_2977 = arith.constant 1.000000e+00 : f32
    %add3A_2978 = vector.broadcast %add3A_2977 : f32 to vector<16xf32>
    %add3A_2979 = arith.addf %add3A_2978, %exp3A_2976 : vector<16xf32>
    %div3A_2980 = arith.constant 1.000000e+00 : f32
    %div3A_2981 = vector.broadcast %div3A_2980 : f32 to vector<16xf32>
    %div3A_2982 = arith.divf %div3A_2981, %add3A_2979 : vector<16xf32>
    %swap3A_2983 = arith.constant 18 : i32
    %swap3A_2984 = arith.index_cast %swap3A_2983 : i32 to index
    %swap3A_2985 = arith.constant 32 : index
    %swap3A_2986 = tpu.vector_load %arg16[%swap3A_2984, %swap3A_2985] {strides = array<i32>} : memref<21x64xf32, #tpu.memory_space<vmem>>, vector<16xf32>,
    tpu.vector_store %arg16[%swap3A_2984, %swap3A_2985], %div3A_2982 {strides = array<i32>} : memref<21x64xf32, #tpu.memory_space<vmem>>, vector<16xf32>,
    %get3A_2987 = arith.constant 19 : i32
    %get3A_2988 = arith.index_cast %get3A_2987 : i32 to index
    %get3A_2989 = arith.constant 32 : index
    %get3A_2990 = tpu.vector_load %arg16[%get3A_2988, %get3A_2989] {strides = array<i32>} : memref<21x64xf32, #tpu.memory_space<vmem>>, vector<16xf32>,
    %add3A_2991 = arith.addf %get3A_2990, %add3A_2747 : vector<16xf32>
    %add3A_2992 = arith.addf %add3A_2991, %get3A_2751 : vector<16xf32>
    %neg3A_2993 = arith.constant 0.000000e+00 : f32
    %neg3A_2994 = vector.broadcast %neg3A_2993 : f32 to vector<16xf32>
    %neg3A_2995 = arith.subf %neg3A_2994, %add3A_2992 : vector<16xf32>
    %exp3A_2996 = math.exp %neg3A_2995 : vector<16xf32>
    %add3A_2997 = arith.constant 1.000000e+00 : f32
    %add3A_2998 = vector.broadcast %add3A_2997 : f32 to vector<16xf32>
    %add3A_2999 = arith.addf %add3A_2998, %exp3A_2996 : vector<16xf32>
    %div3A_3000 = arith.constant 1.000000e+00 : f32
    %div3A_3001 = vector.broadcast %div3A_3000 : f32 to vector<16xf32>
    %div3A_3002 = arith.divf %div3A_3001, %add3A_2999 : vector<16xf32>
    %swap3A_3003 = arith.constant 19 : i32
    %swap3A_3004 = arith.index_cast %swap3A_3003 : i32 to index
    %swap3A_3005 = arith.constant 32 : index
    %swap3A_3006 = tpu.vector_load %arg16[%swap3A_3004, %swap3A_3005] {strides = array<i32>} : memref<21x64xf32, #tpu.memory_space<vmem>>, vector<16xf32>,
    tpu.vector_store %arg16[%swap3A_3004, %swap3A_3005], %div3A_3002 {strides = array<i32>} : memref<21x64xf32, #tpu.memory_space<vmem>>, vector<16xf32>,
    %get3A_3007 = arith.constant 20 : i32
    %get3A_3008 = arith.index_cast %get3A_3007 : i32 to index
    %get3A_3009 = arith.constant 32 : index
    %get3A_3010 = tpu.vector_load %arg16[%get3A_3008, %get3A_3009] {strides = array<i32>} : memref<21x64xf32, #tpu.memory_space<vmem>>, vector<16xf32>,
    %add3A_3011 = arith.addf %get3A_3010, %add3A_2747 : vector<16xf32>
    %add3A_3012 = arith.addf %add3A_3011, %get3A_2751 : vector<16xf32>
    %neg3A_3013 = arith.constant 0.000000e+00 : f32
    %neg3A_3014 = vector.broadcast %neg3A_3013 : f32 to vector<16xf32>
    %neg3A_3015 = arith.subf %neg3A_3014, %add3A_3012 : vector<16xf32>
    %exp3A_3016 = math.exp %neg3A_3015 : vector<16xf32>
    %add3A_3017 = arith.constant 1.000000e+00 : f32
    %add3A_3018 = vector.broadcast %add3A_3017 : f32 to vector<16xf32>
    %add3A_3019 = arith.addf %add3A_3018, %exp3A_3016 : vector<16xf32>
    %div3A_3020 = arith.constant 1.000000e+00 : f32
    %div3A_3021 = vector.broadcast %div3A_3020 : f32 to vector<16xf32>
    %div3A_3022 = arith.divf %div3A_3021, %add3A_3019 : vector<16xf32>
    %swap3A_3023 = arith.constant 20 : i32
    %swap3A_3024 = arith.index_cast %swap3A_3023 : i32 to index
    %swap3A_3025 = arith.constant 32 : index
    %swap3A_3026 = tpu.vector_load %arg16[%swap3A_3024, %swap3A_3025] {strides = array<i32>} : memref<21x64xf32, #tpu.memory_space<vmem>>, vector<16xf32>,
    tpu.vector_store %arg16[%swap3A_3024, %swap3A_3025], %div3A_3022 {strides = array<i32>} : memref<21x64xf32, #tpu.memory_space<vmem>>, vector<16xf32>,
    %get3A_3027 = arith.constant 0 : i32
    %get3A_3028 = arith.constant 0 : i32
    %get3A_3029 = arith.index_cast %get3A_3027 : i32 to index
    %get3A_3030 = arith.index_cast %get3A_3028 : i32 to index
    %get3A_3031 = arith.constant 48 : index
    %get3A_3032 = tpu.vector_load %arg17[%get3A_3029, %get3A_3030, %get3A_3031] {strides = array<i32>} : memref<16x1x64xf32, #tpu.memory_space<vmem>>, vector<16xf32>,
    %gt3A_3033 = arith.constant 0 : i32
    %gt3A_3034 = arith.cmpi sgt, %arg1, %gt3A_3033 : i32
    %jit3A_3035 = arith.constant 0.000000e+00 : f32
    %broadcast_in_dim3A_3036 = vector.broadcast %jit3A_3035 : f32 to vector<16xf32>
    %select_n3A_3037 = arith.select %gt3A_3034, %get3A_3032, %broadcast_in_dim3A_3036 : vector<16xf32>
    %add3A_3038 = arith.addf %broadcast_in_dim3A_695, %select_n3A_3037 : vector<16xf32>
    %get3A_3039 = arith.constant 1 : i32
    %get3A_3040 = arith.constant 0 : i32
    %get3A_3041 = arith.index_cast %get3A_3039 : i32 to index
    %get3A_3042 = arith.index_cast %get3A_3040 : i32 to index
    %get3A_3043 = arith.constant 48 : index
    %get3A_3044 = tpu.vector_load %arg17[%get3A_3041, %get3A_3042, %get3A_3043] {strides = array<i32>} : memref<16x1x64xf32, #tpu.memory_space<vmem>>, vector<16xf32>,
    %gt3A_3045 = arith.constant 1 : i32
    %gt3A_3046 = arith.cmpi sgt, %arg1, %gt3A_3045 : i32
    %jit3A_3047 = arith.constant 0.000000e+00 : f32
    %broadcast_in_dim3A_3048 = vector.broadcast %jit3A_3047 : f32 to vector<16xf32>
    %select_n3A_3049 = arith.select %gt3A_3046, %get3A_3044, %broadcast_in_dim3A_3048 : vector<16xf32>
    %add3A_3050 = arith.addf %add3A_3038, %select_n3A_3049 : vector<16xf32>
    %get3A_3051 = arith.constant 2 : i32
    %get3A_3052 = arith.constant 0 : i32
    %get3A_3053 = arith.index_cast %get3A_3051 : i32 to index
    %get3A_3054 = arith.index_cast %get3A_3052 : i32 to index
    %get3A_3055 = arith.constant 48 : index
    %get3A_3056 = tpu.vector_load %arg17[%get3A_3053, %get3A_3054, %get3A_3055] {strides = array<i32>} : memref<16x1x64xf32, #tpu.memory_space<vmem>>, vector<16xf32>,
    %gt3A_3057 = arith.constant 2 : i32
    %gt3A_3058 = arith.cmpi sgt, %arg1, %gt3A_3057 : i32
    %jit3A_3059 = arith.constant 0.000000e+00 : f32
    %broadcast_in_dim3A_3060 = vector.broadcast %jit3A_3059 : f32 to vector<16xf32>
    %select_n3A_3061 = arith.select %gt3A_3058, %get3A_3056, %broadcast_in_dim3A_3060 : vector<16xf32>
    %add3A_3062 = arith.addf %add3A_3050, %select_n3A_3061 : vector<16xf32>
    %get3A_3063 = arith.constant 3 : i32
    %get3A_3064 = arith.constant 0 : i32
    %get3A_3065 = arith.index_cast %get3A_3063 : i32 to index
    %get3A_3066 = arith.index_cast %get3A_3064 : i32 to index
    %get3A_3067 = arith.constant 48 : index
    %get3A_3068 = tpu.vector_load %arg17[%get3A_3065, %get3A_3066, %get3A_3067] {strides = array<i32>} : memref<16x1x64xf32, #tpu.memory_space<vmem>>, vector<16xf32>,
    %gt3A_3069 = arith.constant 3 : i32
    %gt3A_3070 = arith.cmpi sgt, %arg1, %gt3A_3069 : i32
    %jit3A_3071 = arith.constant 0.000000e+00 : f32
    %broadcast_in_dim3A_3072 = vector.broadcast %jit3A_3071 : f32 to vector<16xf32>
    %select_n3A_3073 = arith.select %gt3A_3070, %get3A_3068, %broadcast_in_dim3A_3072 : vector<16xf32>
    %add3A_3074 = arith.addf %add3A_3062, %select_n3A_3073 : vector<16xf32>
    %get3A_3075 = arith.constant 4 : i32
    %get3A_3076 = arith.constant 0 : i32
    %get3A_3077 = arith.index_cast %get3A_3075 : i32 to index
    %get3A_3078 = arith.index_cast %get3A_3076 : i32 to index
    %get3A_3079 = arith.constant 48 : index
    %get3A_3080 = tpu.vector_load %arg17[%get3A_3077, %get3A_3078, %get3A_3079] {strides = array<i32>} : memref<16x1x64xf32, #tpu.memory_space<vmem>>, vector<16xf32>,
    %gt3A_3081 = arith.constant 4 : i32
    %gt3A_3082 = arith.cmpi sgt, %arg1, %gt3A_3081 : i32
    %jit3A_3083 = arith.constant 0.000000e+00 : f32
    %broadcast_in_dim3A_3084 = vector.broadcast %jit3A_3083 : f32 to vector<16xf32>
    %select_n3A_3085 = arith.select %gt3A_3082, %get3A_3080, %broadcast_in_dim3A_3084 : vector<16xf32>
    %add3A_3086 = arith.addf %add3A_3074, %select_n3A_3085 : vector<16xf32>
    %get3A_3087 = arith.constant 5 : i32
    %get3A_3088 = arith.constant 0 : i32
    %get3A_3089 = arith.index_cast %get3A_3087 : i32 to index
    %get3A_3090 = arith.index_cast %get3A_3088 : i32 to index
    %get3A_3091 = arith.constant 48 : index
    %get3A_3092 = tpu.vector_load %arg17[%get3A_3089, %get3A_3090, %get3A_3091] {strides = array<i32>} : memref<16x1x64xf32, #tpu.memory_space<vmem>>, vector<16xf32>,
    %gt3A_3093 = arith.constant 5 : i32
    %gt3A_3094 = arith.cmpi sgt, %arg1, %gt3A_3093 : i32
    %jit3A_3095 = arith.constant 0.000000e+00 : f32
    %broadcast_in_dim3A_3096 = vector.broadcast %jit3A_3095 : f32 to vector<16xf32>
    %select_n3A_3097 = arith.select %gt3A_3094, %get3A_3092, %broadcast_in_dim3A_3096 : vector<16xf32>
    %add3A_3098 = arith.addf %add3A_3086, %select_n3A_3097 : vector<16xf32>
    %get3A_3099 = arith.constant 6 : i32
    %get3A_3100 = arith.constant 0 : i32
    %get3A_3101 = arith.index_cast %get3A_3099 : i32 to index
    %get3A_3102 = arith.index_cast %get3A_3100 : i32 to index
    %get3A_3103 = arith.constant 48 : index
    %get3A_3104 = tpu.vector_load %arg17[%get3A_3101, %get3A_3102, %get3A_3103] {strides = array<i32>} : memref<16x1x64xf32, #tpu.memory_space<vmem>>, vector<16xf32>,
    %gt3A_3105 = arith.constant 6 : i32
    %gt3A_3106 = arith.cmpi sgt, %arg1, %gt3A_3105 : i32
    %jit3A_3107 = arith.constant 0.000000e+00 : f32
    %broadcast_in_dim3A_3108 = vector.broadcast %jit3A_3107 : f32 to vector<16xf32>
    %select_n3A_3109 = arith.select %gt3A_3106, %get3A_3104, %broadcast_in_dim3A_3108 : vector<16xf32>
    %add3A_3110 = arith.addf %add3A_3098, %select_n3A_3109 : vector<16xf32>
    %get3A_3111 = arith.constant 7 : i32
    %get3A_3112 = arith.constant 0 : i32
    %get3A_3113 = arith.index_cast %get3A_3111 : i32 to index
    %get3A_3114 = arith.index_cast %get3A_3112 : i32 to index
    %get3A_3115 = arith.constant 48 : index
    %get3A_3116 = tpu.vector_load %arg17[%get3A_3113, %get3A_3114, %get3A_3115] {strides = array<i32>} : memref<16x1x64xf32, #tpu.memory_space<vmem>>, vector<16xf32>,
    %gt3A_3117 = arith.constant 7 : i32
    %gt3A_3118 = arith.cmpi sgt, %arg1, %gt3A_3117 : i32
    %jit3A_3119 = arith.constant 0.000000e+00 : f32
    %broadcast_in_dim3A_3120 = vector.broadcast %jit3A_3119 : f32 to vector<16xf32>
    %select_n3A_3121 = arith.select %gt3A_3118, %get3A_3116, %broadcast_in_dim3A_3120 : vector<16xf32>
    %add3A_3122 = arith.addf %add3A_3110, %select_n3A_3121 : vector<16xf32>
    %get3A_3123 = arith.constant 8 : i32
    %get3A_3124 = arith.constant 0 : i32
    %get3A_3125 = arith.index_cast %get3A_3123 : i32 to index
    %get3A_3126 = arith.index_cast %get3A_3124 : i32 to index
    %get3A_3127 = arith.constant 48 : index
    %get3A_3128 = tpu.vector_load %arg17[%get3A_3125, %get3A_3126, %get3A_3127] {strides = array<i32>} : memref<16x1x64xf32, #tpu.memory_space<vmem>>, vector<16xf32>,
    %gt3A_3129 = arith.constant 8 : i32
    %gt3A_3130 = arith.cmpi sgt, %arg1, %gt3A_3129 : i32
    %jit3A_3131 = arith.constant 0.000000e+00 : f32
    %broadcast_in_dim3A_3132 = vector.broadcast %jit3A_3131 : f32 to vector<16xf32>
    %select_n3A_3133 = arith.select %gt3A_3130, %get3A_3128, %broadcast_in_dim3A_3132 : vector<16xf32>
    %add3A_3134 = arith.addf %add3A_3122, %select_n3A_3133 : vector<16xf32>
    %get3A_3135 = arith.constant 9 : i32
    %get3A_3136 = arith.constant 0 : i32
    %get3A_3137 = arith.index_cast %get3A_3135 : i32 to index
    %get3A_3138 = arith.index_cast %get3A_3136 : i32 to index
    %get3A_3139 = arith.constant 48 : index
    %get3A_3140 = tpu.vector_load %arg17[%get3A_3137, %get3A_3138, %get3A_3139] {strides = array<i32>} : memref<16x1x64xf32, #tpu.memory_space<vmem>>, vector<16xf32>,
    %gt3A_3141 = arith.constant 9 : i32
    %gt3A_3142 = arith.cmpi sgt, %arg1, %gt3A_3141 : i32
    %jit3A_3143 = arith.constant 0.000000e+00 : f32
    %broadcast_in_dim3A_3144 = vector.broadcast %jit3A_3143 : f32 to vector<16xf32>
    %select_n3A_3145 = arith.select %gt3A_3142, %get3A_3140, %broadcast_in_dim3A_3144 : vector<16xf32>
    %add3A_3146 = arith.addf %add3A_3134, %select_n3A_3145 : vector<16xf32>
    %get3A_3147 = arith.constant 10 : i32
    %get3A_3148 = arith.constant 0 : i32
    %get3A_3149 = arith.index_cast %get3A_3147 : i32 to index
    %get3A_3150 = arith.index_cast %get3A_3148 : i32 to index
    %get3A_3151 = arith.constant 48 : index
    %get3A_3152 = tpu.vector_load %arg17[%get3A_3149, %get3A_3150, %get3A_3151] {strides = array<i32>} : memref<16x1x64xf32, #tpu.memory_space<vmem>>, vector<16xf32>,
    %gt3A_3153 = arith.constant 10 : i32
    %gt3A_3154 = arith.cmpi sgt, %arg1, %gt3A_3153 : i32
    %jit3A_3155 = arith.constant 0.000000e+00 : f32
    %broadcast_in_dim3A_3156 = vector.broadcast %jit3A_3155 : f32 to vector<16xf32>
    %select_n3A_3157 = arith.select %gt3A_3154, %get3A_3152, %broadcast_in_dim3A_3156 : vector<16xf32>
    %add3A_3158 = arith.addf %add3A_3146, %select_n3A_3157 : vector<16xf32>
    %get3A_3159 = arith.constant 11 : i32
    %get3A_3160 = arith.constant 0 : i32
    %get3A_3161 = arith.index_cast %get3A_3159 : i32 to index
    %get3A_3162 = arith.index_cast %get3A_3160 : i32 to index
    %get3A_3163 = arith.constant 48 : index
    %get3A_3164 = tpu.vector_load %arg17[%get3A_3161, %get3A_3162, %get3A_3163] {strides = array<i32>} : memref<16x1x64xf32, #tpu.memory_space<vmem>>, vector<16xf32>,
    %gt3A_3165 = arith.constant 11 : i32
    %gt3A_3166 = arith.cmpi sgt, %arg1, %gt3A_3165 : i32
    %jit3A_3167 = arith.constant 0.000000e+00 : f32
    %broadcast_in_dim3A_3168 = vector.broadcast %jit3A_3167 : f32 to vector<16xf32>
    %select_n3A_3169 = arith.select %gt3A_3166, %get3A_3164, %broadcast_in_dim3A_3168 : vector<16xf32>
    %add3A_3170 = arith.addf %add3A_3158, %select_n3A_3169 : vector<16xf32>
    %get3A_3171 = arith.constant 12 : i32
    %get3A_3172 = arith.constant 0 : i32
    %get3A_3173 = arith.index_cast %get3A_3171 : i32 to index
    %get3A_3174 = arith.index_cast %get3A_3172 : i32 to index
    %get3A_3175 = arith.constant 48 : index
    %get3A_3176 = tpu.vector_load %arg17[%get3A_3173, %get3A_3174, %get3A_3175] {strides = array<i32>} : memref<16x1x64xf32, #tpu.memory_space<vmem>>, vector<16xf32>,
    %gt3A_3177 = arith.constant 12 : i32
    %gt3A_3178 = arith.cmpi sgt, %arg1, %gt3A_3177 : i32
    %jit3A_3179 = arith.constant 0.000000e+00 : f32
    %broadcast_in_dim3A_3180 = vector.broadcast %jit3A_3179 : f32 to vector<16xf32>
    %select_n3A_3181 = arith.select %gt3A_3178, %get3A_3176, %broadcast_in_dim3A_3180 : vector<16xf32>
    %add3A_3182 = arith.addf %add3A_3170, %select_n3A_3181 : vector<16xf32>
    %get3A_3183 = arith.constant 13 : i32
    %get3A_3184 = arith.constant 0 : i32
    %get3A_3185 = arith.index_cast %get3A_3183 : i32 to index
    %get3A_3186 = arith.index_cast %get3A_3184 : i32 to index
    %get3A_3187 = arith.constant 48 : index
    %get3A_3188 = tpu.vector_load %arg17[%get3A_3185, %get3A_3186, %get3A_3187] {strides = array<i32>} : memref<16x1x64xf32, #tpu.memory_space<vmem>>, vector<16xf32>,
    %gt3A_3189 = arith.constant 13 : i32
    %gt3A_3190 = arith.cmpi sgt, %arg1, %gt3A_3189 : i32
    %jit3A_3191 = arith.constant 0.000000e+00 : f32
    %broadcast_in_dim3A_3192 = vector.broadcast %jit3A_3191 : f32 to vector<16xf32>
    %select_n3A_3193 = arith.select %gt3A_3190, %get3A_3188, %broadcast_in_dim3A_3192 : vector<16xf32>
    %add3A_3194 = arith.addf %add3A_3182, %select_n3A_3193 : vector<16xf32>
    %get3A_3195 = arith.constant 14 : i32
    %get3A_3196 = arith.constant 0 : i32
    %get3A_3197 = arith.index_cast %get3A_3195 : i32 to index
    %get3A_3198 = arith.index_cast %get3A_3196 : i32 to index
    %get3A_3199 = arith.constant 48 : index
    %get3A_3200 = tpu.vector_load %arg17[%get3A_3197, %get3A_3198, %get3A_3199] {strides = array<i32>} : memref<16x1x64xf32, #tpu.memory_space<vmem>>, vector<16xf32>,
    %gt3A_3201 = arith.constant 14 : i32
    %gt3A_3202 = arith.cmpi sgt, %arg1, %gt3A_3201 : i32
    %jit3A_3203 = arith.constant 0.000000e+00 : f32
    %broadcast_in_dim3A_3204 = vector.broadcast %jit3A_3203 : f32 to vector<16xf32>
    %select_n3A_3205 = arith.select %gt3A_3202, %get3A_3200, %broadcast_in_dim3A_3204 : vector<16xf32>
    %add3A_3206 = arith.addf %add3A_3194, %select_n3A_3205 : vector<16xf32>
    %get3A_3207 = arith.constant 0 : i32
    %get3A_3208 = arith.index_cast %get3A_3207 : i32 to index
    %get3A_3209 = arith.index_cast %add3A_711 : i32 to index
    %get3A_3210 = tpu.vector_load %arg14[%get3A_3208, %get3A_3209] {strides = array<i32>} : memref<1x128xf32, #tpu.memory_space<vmem>>, vector<16xf32>,
    %add3A_3211 = arith.addf %get3A_3210, %add3A_3206 : vector<16xf32>
    %neg3A_3212 = arith.constant 0.000000e+00 : f32
    %neg3A_3213 = vector.broadcast %neg3A_3212 : f32 to vector<16xf32>
    %neg3A_3214 = arith.subf %neg3A_3213, %add3A_3211 : vector<16xf32>
    %exp3A_3215 = math.exp %neg3A_3214 : vector<16xf32>
    %add3A_3216 = arith.constant 1.000000e+00 : f32
    %add3A_3217 = vector.broadcast %add3A_3216 : f32 to vector<16xf32>
    %add3A_3218 = arith.addf %add3A_3217, %exp3A_3215 : vector<16xf32>
    %div3A_3219 = arith.constant 1.000000e+00 : f32
    %div3A_3220 = vector.broadcast %div3A_3219 : f32 to vector<16xf32>
    %div3A_3221 = arith.divf %div3A_3220, %add3A_3218 : vector<16xf32>
    %swap3A_3222 = arith.constant 0 : i32
    %swap3A_3223 = arith.index_cast %swap3A_3222 : i32 to index
    %swap3A_3224 = arith.constant 48 : index
    %swap3A_3225 = tpu.vector_load %arg16[%swap3A_3223, %swap3A_3224] {strides = array<i32>} : memref<21x64xf32, #tpu.memory_space<vmem>>, vector<16xf32>,
    tpu.vector_store %arg16[%swap3A_3223, %swap3A_3224], %div3A_3221 {strides = array<i32>} : memref<21x64xf32, #tpu.memory_space<vmem>>, vector<16xf32>,
    %get3A_3226 = arith.constant 8 : i32
    %get3A_3227 = arith.index_cast %get3A_3226 : i32 to index
    %get3A_3228 = arith.constant 48 : index
    %get3A_3229 = tpu.vector_load %arg16[%get3A_3227, %get3A_3228] {strides = array<i32>} : memref<21x64xf32, #tpu.memory_space<vmem>>, vector<16xf32>,
    %add3A_3230 = arith.addf %get3A_3229, %add3A_3206 : vector<16xf32>
    %add3A_3231 = arith.addf %add3A_3230, %get3A_3210 : vector<16xf32>
    %neg3A_3232 = arith.constant 0.000000e+00 : f32
    %neg3A_3233 = vector.broadcast %neg3A_3232 : f32 to vector<16xf32>
    %neg3A_3234 = arith.subf %neg3A_3233, %add3A_3231 : vector<16xf32>
    %exp3A_3235 = math.exp %neg3A_3234 : vector<16xf32>
    %add3A_3236 = arith.constant 1.000000e+00 : f32
    %add3A_3237 = vector.broadcast %add3A_3236 : f32 to vector<16xf32>
    %add3A_3238 = arith.addf %add3A_3237, %exp3A_3235 : vector<16xf32>
    %div3A_3239 = arith.constant 1.000000e+00 : f32
    %div3A_3240 = vector.broadcast %div3A_3239 : f32 to vector<16xf32>
    %div3A_3241 = arith.divf %div3A_3240, %add3A_3238 : vector<16xf32>
    %swap3A_3242 = arith.constant 8 : i32
    %swap3A_3243 = arith.index_cast %swap3A_3242 : i32 to index
    %swap3A_3244 = arith.constant 48 : index
    %swap3A_3245 = tpu.vector_load %arg16[%swap3A_3243, %swap3A_3244] {strides = array<i32>} : memref<21x64xf32, #tpu.memory_space<vmem>>, vector<16xf32>,
    tpu.vector_store %arg16[%swap3A_3243, %swap3A_3244], %div3A_3241 {strides = array<i32>} : memref<21x64xf32, #tpu.memory_space<vmem>>, vector<16xf32>,
    %get3A_3246 = arith.constant 9 : i32
    %get3A_3247 = arith.index_cast %get3A_3246 : i32 to index
    %get3A_3248 = arith.constant 48 : index
    %get3A_3249 = tpu.vector_load %arg16[%get3A_3247, %get3A_3248] {strides = array<i32>} : memref<21x64xf32, #tpu.memory_space<vmem>>, vector<16xf32>,
    %add3A_3250 = arith.addf %get3A_3249, %add3A_3206 : vector<16xf32>
    %add3A_3251 = arith.addf %add3A_3250, %get3A_3210 : vector<16xf32>
    %neg3A_3252 = arith.constant 0.000000e+00 : f32
    %neg3A_3253 = vector.broadcast %neg3A_3252 : f32 to vector<16xf32>
    %neg3A_3254 = arith.subf %neg3A_3253, %add3A_3251 : vector<16xf32>
    %exp3A_3255 = math.exp %neg3A_3254 : vector<16xf32>
    %add3A_3256 = arith.constant 1.000000e+00 : f32
    %add3A_3257 = vector.broadcast %add3A_3256 : f32 to vector<16xf32>
    %add3A_3258 = arith.addf %add3A_3257, %exp3A_3255 : vector<16xf32>
    %div3A_3259 = arith.constant 1.000000e+00 : f32
    %div3A_3260 = vector.broadcast %div3A_3259 : f32 to vector<16xf32>
    %div3A_3261 = arith.divf %div3A_3260, %add3A_3258 : vector<16xf32>
    %swap3A_3262 = arith.constant 9 : i32
    %swap3A_3263 = arith.index_cast %swap3A_3262 : i32 to index
    %swap3A_3264 = arith.constant 48 : index
    %swap3A_3265 = tpu.vector_load %arg16[%swap3A_3263, %swap3A_3264] {strides = array<i32>} : memref<21x64xf32, #tpu.memory_space<vmem>>, vector<16xf32>,
    tpu.vector_store %arg16[%swap3A_3263, %swap3A_3264], %div3A_3261 {strides = array<i32>} : memref<21x64xf32, #tpu.memory_space<vmem>>, vector<16xf32>,
    %get3A_3266 = arith.constant 10 : i32
    %get3A_3267 = arith.index_cast %get3A_3266 : i32 to index
    %get3A_3268 = arith.constant 48 : index
    %get3A_3269 = tpu.vector_load %arg16[%get3A_3267, %get3A_3268] {strides = array<i32>} : memref<21x64xf32, #tpu.memory_space<vmem>>, vector<16xf32>,
    %add3A_3270 = arith.addf %get3A_3269, %add3A_3206 : vector<16xf32>
    %add3A_3271 = arith.addf %add3A_3270, %get3A_3210 : vector<16xf32>
    %neg3A_3272 = arith.constant 0.000000e+00 : f32
    %neg3A_3273 = vector.broadcast %neg3A_3272 : f32 to vector<16xf32>
    %neg3A_3274 = arith.subf %neg3A_3273, %add3A_3271 : vector<16xf32>
    %exp3A_3275 = math.exp %neg3A_3274 : vector<16xf32>
    %add3A_3276 = arith.constant 1.000000e+00 : f32
    %add3A_3277 = vector.broadcast %add3A_3276 : f32 to vector<16xf32>
    %add3A_3278 = arith.addf %add3A_3277, %exp3A_3275 : vector<16xf32>
    %div3A_3279 = arith.constant 1.000000e+00 : f32
    %div3A_3280 = vector.broadcast %div3A_3279 : f32 to vector<16xf32>
    %div3A_3281 = arith.divf %div3A_3280, %add3A_3278 : vector<16xf32>
    %swap3A_3282 = arith.constant 10 : i32
    %swap3A_3283 = arith.index_cast %swap3A_3282 : i32 to index
    %swap3A_3284 = arith.constant 48 : index
    %swap3A_3285 = tpu.vector_load %arg16[%swap3A_3283, %swap3A_3284] {strides = array<i32>} : memref<21x64xf32, #tpu.memory_space<vmem>>, vector<16xf32>,
    tpu.vector_store %arg16[%swap3A_3283, %swap3A_3284], %div3A_3281 {strides = array<i32>} : memref<21x64xf32, #tpu.memory_space<vmem>>, vector<16xf32>,
    %get3A_3286 = arith.constant 11 : i32
    %get3A_3287 = arith.index_cast %get3A_3286 : i32 to index
    %get3A_3288 = arith.constant 48 : index
    %get3A_3289 = tpu.vector_load %arg16[%get3A_3287, %get3A_3288] {strides = array<i32>} : memref<21x64xf32, #tpu.memory_space<vmem>>, vector<16xf32>,
    %add3A_3290 = arith.addf %get3A_3289, %add3A_3206 : vector<16xf32>
    %add3A_3291 = arith.addf %add3A_3290, %get3A_3210 : vector<16xf32>
    %neg3A_3292 = arith.constant 0.000000e+00 : f32
    %neg3A_3293 = vector.broadcast %neg3A_3292 : f32 to vector<16xf32>
    %neg3A_3294 = arith.subf %neg3A_3293, %add3A_3291 : vector<16xf32>
    %exp3A_3295 = math.exp %neg3A_3294 : vector<16xf32>
    %add3A_3296 = arith.constant 1.000000e+00 : f32
    %add3A_3297 = vector.broadcast %add3A_3296 : f32 to vector<16xf32>
    %add3A_3298 = arith.addf %add3A_3297, %exp3A_3295 : vector<16xf32>
    %div3A_3299 = arith.constant 1.000000e+00 : f32
    %div3A_3300 = vector.broadcast %div3A_3299 : f32 to vector<16xf32>
    %div3A_3301 = arith.divf %div3A_3300, %add3A_3298 : vector<16xf32>
    %swap3A_3302 = arith.constant 11 : i32
    %swap3A_3303 = arith.index_cast %swap3A_3302 : i32 to index
    %swap3A_3304 = arith.constant 48 : index
    %swap3A_3305 = tpu.vector_load %arg16[%swap3A_3303, %swap3A_3304] {strides = array<i32>} : memref<21x64xf32, #tpu.memory_space<vmem>>, vector<16xf32>,
    tpu.vector_store %arg16[%swap3A_3303, %swap3A_3304], %div3A_3301 {strides = array<i32>} : memref<21x64xf32, #tpu.memory_space<vmem>>, vector<16xf32>,
    %get3A_3306 = arith.constant 12 : i32
    %get3A_3307 = arith.index_cast %get3A_3306 : i32 to index
    %get3A_3308 = arith.constant 48 : index
    %get3A_3309 = tpu.vector_load %arg16[%get3A_3307, %get3A_3308] {strides = array<i32>} : memref<21x64xf32, #tpu.memory_space<vmem>>, vector<16xf32>,
    %add3A_3310 = arith.addf %get3A_3309, %add3A_3206 : vector<16xf32>
    %add3A_3311 = arith.addf %add3A_3310, %get3A_3210 : vector<16xf32>
    %neg3A_3312 = arith.constant 0.000000e+00 : f32
    %neg3A_3313 = vector.broadcast %neg3A_3312 : f32 to vector<16xf32>
    %neg3A_3314 = arith.subf %neg3A_3313, %add3A_3311 : vector<16xf32>
    %exp3A_3315 = math.exp %neg3A_3314 : vector<16xf32>
    %add3A_3316 = arith.constant 1.000000e+00 : f32
    %add3A_3317 = vector.broadcast %add3A_3316 : f32 to vector<16xf32>
    %add3A_3318 = arith.addf %add3A_3317, %exp3A_3315 : vector<16xf32>
    %div3A_3319 = arith.constant 1.000000e+00 : f32
    %div3A_3320 = vector.broadcast %div3A_3319 : f32 to vector<16xf32>
    %div3A_3321 = arith.divf %div3A_3320, %add3A_3318 : vector<16xf32>
    %swap3A_3322 = arith.constant 12 : i32
    %swap3A_3323 = arith.index_cast %swap3A_3322 : i32 to index
    %swap3A_3324 = arith.constant 48 : index
    %swap3A_3325 = tpu.vector_load %arg16[%swap3A_3323, %swap3A_3324] {strides = array<i32>} : memref<21x64xf32, #tpu.memory_space<vmem>>, vector<16xf32>,
    tpu.vector_store %arg16[%swap3A_3323, %swap3A_3324], %div3A_3321 {strides = array<i32>} : memref<21x64xf32, #tpu.memory_space<vmem>>, vector<16xf32>,
    %get3A_3326 = arith.constant 13 : i32
    %get3A_3327 = arith.index_cast %get3A_3326 : i32 to index
    %get3A_3328 = arith.constant 48 : index
    %get3A_3329 = tpu.vector_load %arg16[%get3A_3327, %get3A_3328] {strides = array<i32>} : memref<21x64xf32, #tpu.memory_space<vmem>>, vector<16xf32>,
    %add3A_3330 = arith.addf %get3A_3329, %add3A_3206 : vector<16xf32>
    %add3A_3331 = arith.addf %add3A_3330, %get3A_3210 : vector<16xf32>
    %neg3A_3332 = arith.constant 0.000000e+00 : f32
    %neg3A_3333 = vector.broadcast %neg3A_3332 : f32 to vector<16xf32>
    %neg3A_3334 = arith.subf %neg3A_3333, %add3A_3331 : vector<16xf32>
    %exp3A_3335 = math.exp %neg3A_3334 : vector<16xf32>
    %add3A_3336 = arith.constant 1.000000e+00 : f32
    %add3A_3337 = vector.broadcast %add3A_3336 : f32 to vector<16xf32>
    %add3A_3338 = arith.addf %add3A_3337, %exp3A_3335 : vector<16xf32>
    %div3A_3339 = arith.constant 1.000000e+00 : f32
    %div3A_3340 = vector.broadcast %div3A_3339 : f32 to vector<16xf32>
    %div3A_3341 = arith.divf %div3A_3340, %add3A_3338 : vector<16xf32>
    %swap3A_3342 = arith.constant 13 : i32
    %swap3A_3343 = arith.index_cast %swap3A_3342 : i32 to index
    %swap3A_3344 = arith.constant 48 : index
    %swap3A_3345 = tpu.vector_load %arg16[%swap3A_3343, %swap3A_3344] {strides = array<i32>} : memref<21x64xf32, #tpu.memory_space<vmem>>, vector<16xf32>,
    tpu.vector_store %arg16[%swap3A_3343, %swap3A_3344], %div3A_3341 {strides = array<i32>} : memref<21x64xf32, #tpu.memory_space<vmem>>, vector<16xf32>,
    %get3A_3346 = arith.constant 14 : i32
    %get3A_3347 = arith.index_cast %get3A_3346 : i32 to index
    %get3A_3348 = arith.constant 48 : index
    %get3A_3349 = tpu.vector_load %arg16[%get3A_3347, %get3A_3348] {strides = array<i32>} : memref<21x64xf32, #tpu.memory_space<vmem>>, vector<16xf32>,
    %add3A_3350 = arith.addf %get3A_3349, %add3A_3206 : vector<16xf32>
    %add3A_3351 = arith.addf %add3A_3350, %get3A_3210 : vector<16xf32>
    %neg3A_3352 = arith.constant 0.000000e+00 : f32
    %neg3A_3353 = vector.broadcast %neg3A_3352 : f32 to vector<16xf32>
    %neg3A_3354 = arith.subf %neg3A_3353, %add3A_3351 : vector<16xf32>
    %exp3A_3355 = math.exp %neg3A_3354 : vector<16xf32>
    %add3A_3356 = arith.constant 1.000000e+00 : f32
    %add3A_3357 = vector.broadcast %add3A_3356 : f32 to vector<16xf32>
    %add3A_3358 = arith.addf %add3A_3357, %exp3A_3355 : vector<16xf32>
    %div3A_3359 = arith.constant 1.000000e+00 : f32
    %div3A_3360 = vector.broadcast %div3A_3359 : f32 to vector<16xf32>
    %div3A_3361 = arith.divf %div3A_3360, %add3A_3358 : vector<16xf32>
    %swap3A_3362 = arith.constant 14 : i32
    %swap3A_3363 = arith.index_cast %swap3A_3362 : i32 to index
    %swap3A_3364 = arith.constant 48 : index
    %swap3A_3365 = tpu.vector_load %arg16[%swap3A_3363, %swap3A_3364] {strides = array<i32>} : memref<21x64xf32, #tpu.memory_space<vmem>>, vector<16xf32>,
    tpu.vector_store %arg16[%swap3A_3363, %swap3A_3364], %div3A_3361 {strides = array<i32>} : memref<21x64xf32, #tpu.memory_space<vmem>>, vector<16xf32>,
    %get3A_3366 = arith.constant 15 : i32
    %get3A_3367 = arith.index_cast %get3A_3366 : i32 to index
    %get3A_3368 = arith.constant 48 : index
    %get3A_3369 = tpu.vector_load %arg16[%get3A_3367, %get3A_3368] {strides = array<i32>} : memref<21x64xf32, #tpu.memory_space<vmem>>, vector<16xf32>,
    %add3A_3370 = arith.addf %get3A_3369, %add3A_3206 : vector<16xf32>
    %add3A_3371 = arith.addf %add3A_3370, %get3A_3210 : vector<16xf32>
    %neg3A_3372 = arith.constant 0.000000e+00 : f32
    %neg3A_3373 = vector.broadcast %neg3A_3372 : f32 to vector<16xf32>
    %neg3A_3374 = arith.subf %neg3A_3373, %add3A_3371 : vector<16xf32>
    %exp3A_3375 = math.exp %neg3A_3374 : vector<16xf32>
    %add3A_3376 = arith.constant 1.000000e+00 : f32
    %add3A_3377 = vector.broadcast %add3A_3376 : f32 to vector<16xf32>
    %add3A_3378 = arith.addf %add3A_3377, %exp3A_3375 : vector<16xf32>
    %div3A_3379 = arith.constant 1.000000e+00 : f32
    %div3A_3380 = vector.broadcast %div3A_3379 : f32 to vector<16xf32>
    %div3A_3381 = arith.divf %div3A_3380, %add3A_3378 : vector<16xf32>
    %swap3A_3382 = arith.constant 15 : i32
    %swap3A_3383 = arith.index_cast %swap3A_3382 : i32 to index
    %swap3A_3384 = arith.constant 48 : index
    %swap3A_3385 = tpu.vector_load %arg16[%swap3A_3383, %swap3A_3384] {strides = array<i32>} : memref<21x64xf32, #tpu.memory_space<vmem>>, vector<16xf32>,
    tpu.vector_store %arg16[%swap3A_3383, %swap3A_3384], %div3A_3381 {strides = array<i32>} : memref<21x64xf32, #tpu.memory_space<vmem>>, vector<16xf32>,
    %get3A_3386 = arith.constant 16 : i32
    %get3A_3387 = arith.index_cast %get3A_3386 : i32 to index
    %get3A_3388 = arith.constant 48 : index
    %get3A_3389 = tpu.vector_load %arg16[%get3A_3387, %get3A_3388] {strides = array<i32>} : memref<21x64xf32, #tpu.memory_space<vmem>>, vector<16xf32>,
    %add3A_3390 = arith.addf %get3A_3389, %add3A_3206 : vector<16xf32>
    %add3A_3391 = arith.addf %add3A_3390, %get3A_3210 : vector<16xf32>
    %neg3A_3392 = arith.constant 0.000000e+00 : f32
    %neg3A_3393 = vector.broadcast %neg3A_3392 : f32 to vector<16xf32>
    %neg3A_3394 = arith.subf %neg3A_3393, %add3A_3391 : vector<16xf32>
    %exp3A_3395 = math.exp %neg3A_3394 : vector<16xf32>
    %add3A_3396 = arith.constant 1.000000e+00 : f32
    %add3A_3397 = vector.broadcast %add3A_3396 : f32 to vector<16xf32>
    %add3A_3398 = arith.addf %add3A_3397, %exp3A_3395 : vector<16xf32>
    %div3A_3399 = arith.constant 1.000000e+00 : f32
    %div3A_3400 = vector.broadcast %div3A_3399 : f32 to vector<16xf32>
    %div3A_3401 = arith.divf %div3A_3400, %add3A_3398 : vector<16xf32>
    %swap3A_3402 = arith.constant 16 : i32
    %swap3A_3403 = arith.index_cast %swap3A_3402 : i32 to index
    %swap3A_3404 = arith.constant 48 : index
    %swap3A_3405 = tpu.vector_load %arg16[%swap3A_3403, %swap3A_3404] {strides = array<i32>} : memref<21x64xf32, #tpu.memory_space<vmem>>, vector<16xf32>,
    tpu.vector_store %arg16[%swap3A_3403, %swap3A_3404], %div3A_3401 {strides = array<i32>} : memref<21x64xf32, #tpu.memory_space<vmem>>, vector<16xf32>,
    %get3A_3406 = arith.constant 17 : i32
    %get3A_3407 = arith.index_cast %get3A_3406 : i32 to index
    %get3A_3408 = arith.constant 48 : index
    %get3A_3409 = tpu.vector_load %arg16[%get3A_3407, %get3A_3408] {strides = array<i32>} : memref<21x64xf32, #tpu.memory_space<vmem>>, vector<16xf32>,
    %add3A_3410 = arith.addf %get3A_3409, %add3A_3206 : vector<16xf32>
    %add3A_3411 = arith.addf %add3A_3410, %get3A_3210 : vector<16xf32>
    %neg3A_3412 = arith.constant 0.000000e+00 : f32
    %neg3A_3413 = vector.broadcast %neg3A_3412 : f32 to vector<16xf32>
    %neg3A_3414 = arith.subf %neg3A_3413, %add3A_3411 : vector<16xf32>
    %exp3A_3415 = math.exp %neg3A_3414 : vector<16xf32>
    %add3A_3416 = arith.constant 1.000000e+00 : f32
    %add3A_3417 = vector.broadcast %add3A_3416 : f32 to vector<16xf32>
    %add3A_3418 = arith.addf %add3A_3417, %exp3A_3415 : vector<16xf32>
    %div3A_3419 = arith.constant 1.000000e+00 : f32
    %div3A_3420 = vector.broadcast %div3A_3419 : f32 to vector<16xf32>
    %div3A_3421 = arith.divf %div3A_3420, %add3A_3418 : vector<16xf32>
    %swap3A_3422 = arith.constant 17 : i32
    %swap3A_3423 = arith.index_cast %swap3A_3422 : i32 to index
    %swap3A_3424 = arith.constant 48 : index
    %swap3A_3425 = tpu.vector_load %arg16[%swap3A_3423, %swap3A_3424] {strides = array<i32>} : memref<21x64xf32, #tpu.memory_space<vmem>>, vector<16xf32>,
    tpu.vector_store %arg16[%swap3A_3423, %swap3A_3424], %div3A_3421 {strides = array<i32>} : memref<21x64xf32, #tpu.memory_space<vmem>>, vector<16xf32>,
    %get3A_3426 = arith.constant 18 : i32
    %get3A_3427 = arith.index_cast %get3A_3426 : i32 to index
    %get3A_3428 = arith.constant 48 : index
    %get3A_3429 = tpu.vector_load %arg16[%get3A_3427, %get3A_3428] {strides = array<i32>} : memref<21x64xf32, #tpu.memory_space<vmem>>, vector<16xf32>,
    %add3A_3430 = arith.addf %get3A_3429, %add3A_3206 : vector<16xf32>
    %add3A_3431 = arith.addf %add3A_3430, %get3A_3210 : vector<16xf32>
    %neg3A_3432 = arith.constant 0.000000e+00 : f32
    %neg3A_3433 = vector.broadcast %neg3A_3432 : f32 to vector<16xf32>
    %neg3A_3434 = arith.subf %neg3A_3433, %add3A_3431 : vector<16xf32>
    %exp3A_3435 = math.exp %neg3A_3434 : vector<16xf32>
    %add3A_3436 = arith.constant 1.000000e+00 : f32
    %add3A_3437 = vector.broadcast %add3A_3436 : f32 to vector<16xf32>
    %add3A_3438 = arith.addf %add3A_3437, %exp3A_3435 : vector<16xf32>
    %div3A_3439 = arith.constant 1.000000e+00 : f32
    %div3A_3440 = vector.broadcast %div3A_3439 : f32 to vector<16xf32>
    %div3A_3441 = arith.divf %div3A_3440, %add3A_3438 : vector<16xf32>
    %swap3A_3442 = arith.constant 18 : i32
    %swap3A_3443 = arith.index_cast %swap3A_3442 : i32 to index
    %swap3A_3444 = arith.constant 48 : index
    %swap3A_3445 = tpu.vector_load %arg16[%swap3A_3443, %swap3A_3444] {strides = array<i32>} : memref<21x64xf32, #tpu.memory_space<vmem>>, vector<16xf32>,
    tpu.vector_store %arg16[%swap3A_3443, %swap3A_3444], %div3A_3441 {strides = array<i32>} : memref<21x64xf32, #tpu.memory_space<vmem>>, vector<16xf32>,
    %get3A_3446 = arith.constant 19 : i32
    %get3A_3447 = arith.index_cast %get3A_3446 : i32 to index
    %get3A_3448 = arith.constant 48 : index
    %get3A_3449 = tpu.vector_load %arg16[%get3A_3447, %get3A_3448] {strides = array<i32>} : memref<21x64xf32, #tpu.memory_space<vmem>>, vector<16xf32>,
    %add3A_3450 = arith.addf %get3A_3449, %add3A_3206 : vector<16xf32>
    %add3A_3451 = arith.addf %add3A_3450, %get3A_3210 : vector<16xf32>
    %neg3A_3452 = arith.constant 0.000000e+00 : f32
    %neg3A_3453 = vector.broadcast %neg3A_3452 : f32 to vector<16xf32>
    %neg3A_3454 = arith.subf %neg3A_3453, %add3A_3451 : vector<16xf32>
    %exp3A_3455 = math.exp %neg3A_3454 : vector<16xf32>
    %add3A_3456 = arith.constant 1.000000e+00 : f32
    %add3A_3457 = vector.broadcast %add3A_3456 : f32 to vector<16xf32>
    %add3A_3458 = arith.addf %add3A_3457, %exp3A_3455 : vector<16xf32>
    %div3A_3459 = arith.constant 1.000000e+00 : f32
    %div3A_3460 = vector.broadcast %div3A_3459 : f32 to vector<16xf32>
    %div3A_3461 = arith.divf %div3A_3460, %add3A_3458 : vector<16xf32>
    %swap3A_3462 = arith.constant 19 : i32
    %swap3A_3463 = arith.index_cast %swap3A_3462 : i32 to index
    %swap3A_3464 = arith.constant 48 : index
    %swap3A_3465 = tpu.vector_load %arg16[%swap3A_3463, %swap3A_3464] {strides = array<i32>} : memref<21x64xf32, #tpu.memory_space<vmem>>, vector<16xf32>,
    tpu.vector_store %arg16[%swap3A_3463, %swap3A_3464], %div3A_3461 {strides = array<i32>} : memref<21x64xf32, #tpu.memory_space<vmem>>, vector<16xf32>,
    %get3A_3466 = arith.constant 20 : i32
    %get3A_3467 = arith.index_cast %get3A_3466 : i32 to index
    %get3A_3468 = arith.constant 48 : index
    %get3A_3469 = tpu.vector_load %arg16[%get3A_3467, %get3A_3468] {strides = array<i32>} : memref<21x64xf32, #tpu.memory_space<vmem>>, vector<16xf32>,
    %add3A_3470 = arith.addf %get3A_3469, %add3A_3206 : vector<16xf32>
    %add3A_3471 = arith.addf %add3A_3470, %get3A_3210 : vector<16xf32>
    %neg3A_3472 = arith.constant 0.000000e+00 : f32
    %neg3A_3473 = vector.broadcast %neg3A_3472 : f32 to vector<16xf32>
    %neg3A_3474 = arith.subf %neg3A_3473, %add3A_3471 : vector<16xf32>
    %exp3A_3475 = math.exp %neg3A_3474 : vector<16xf32>
    %add3A_3476 = arith.constant 1.000000e+00 : f32
    %add3A_3477 = vector.broadcast %add3A_3476 : f32 to vector<16xf32>
    %add3A_3478 = arith.addf %add3A_3477, %exp3A_3475 : vector<16xf32>
    %div3A_3479 = arith.constant 1.000000e+00 : f32
    %div3A_3480 = vector.broadcast %div3A_3479 : f32 to vector<16xf32>
    %div3A_3481 = arith.divf %div3A_3480, %add3A_3478 : vector<16xf32>
    %swap3A_3482 = arith.constant 20 : i32
    %swap3A_3483 = arith.index_cast %swap3A_3482 : i32 to index
    %swap3A_3484 = arith.constant 48 : index
    %swap3A_3485 = tpu.vector_load %arg16[%swap3A_3483, %swap3A_3484] {strides = array<i32>} : memref<21x64xf32, #tpu.memory_space<vmem>>, vector<16xf32>,
    tpu.vector_store %arg16[%swap3A_3483, %swap3A_3484], %div3A_3481 {strides = array<i32>} : memref<21x64xf32, #tpu.memory_space<vmem>>, vector<16xf32>,
    "tpu.region"() ({
      %run_scoped3A = tpu.sem_alloc : memref<!tpu.dma_semaphore, #tpu.memory_space<semaphore_mem>>
      %dma_start3A_3488 = arith.constant 8 : i32
      %dma_start3A_3489 = arith.constant 0 : i32
      %dma_start3A_3490 = tpu.memref_slice %arg16[%dma_start3A_3488, %dma_start3A_3489] : memref<21x64xf32, #tpu.memory_space<vmem>> -> memref<13x64xf32, #tpu.memory_space<vmem>>
      %dma_start3A_3491 = arith.constant 0 : i32
      %dma_start3A_3492 = arith.constant 0 : i32
      %dma_start3A_3493 = tpu.memref_slice %arg7[%arg1, %dma_start3A_3491, %arg0, %dma_start3A_3492] : memref<16x13x2x64xf32, #tpu.memory_space<hbm>> -> memref<1x13x1x64xf32, #tpu.memory_space<hbm>>
      %dma_start3A_3494 = tpu.memref_squeeze %dma_start3A_3493 : memref<1x13x1x64xf32, #tpu.memory_space<hbm>> -> memref<13x64xf32, #tpu.memory_space<hbm>>
      %dma_start3A_3495 = arith.constant 0 : i32
      %dma_start3A_3496 = arith.constant 0 : i32
      %dma_start3A_3497 = tpu.memref_slice %arg7[%arg1, %dma_start3A_3495, %arg0, %dma_start3A_3496] : memref<16x13x2x64xf32, #tpu.memory_space<hbm>> -> memref<1x13x1x64xf32, #tpu.memory_space<hbm>>
      %dma_start3A_3498 = tpu.memref_squeeze %dma_start3A_3497 : memref<1x13x1x64xf32, #tpu.memory_space<hbm>> -> memref<13x64xf32, #tpu.memory_space<hbm>>
      %dma_start3A_3499 = arith.constant 8 : i32
      %dma_start3A_3500 = arith.constant 0 : i32
      %dma_start3A_3501 = tpu.memref_slice %arg16[%dma_start3A_3499, %dma_start3A_3500] : memref<21x64xf32, #tpu.memory_space<vmem>> -> memref<13x64xf32, #tpu.memory_space<vmem>>
      tpu.enqueue_dma source(%dma_start3A_3501 : memref<13x64xf32, #tpu.memory_space<vmem>>) target(%dma_start3A_3498 : memref<13x64xf32, #tpu.memory_space<hbm>>) target_semaphore(%run_scoped3A : memref<!tpu.dma_semaphore, #tpu.memory_space<semaphore_mem>>)
      %dma_wait3A_3502 = arith.constant 8 : i32
      %dma_wait3A_3503 = arith.constant 0 : i32
      %dma_wait3A_3504 = tpu.memref_slice %arg16[%dma_wait3A_3502, %dma_wait3A_3503] : memref<21x64xf32, #tpu.memory_space<vmem>> -> memref<13x64xf32, #tpu.memory_space<vmem>>
      %dma_wait3A_3505 = arith.constant 0 : i32
      %dma_wait3A_3506 = arith.constant 0 : i32
      %dma_wait3A_3507 = tpu.memref_slice %arg7[%arg1, %dma_wait3A_3505, %arg0, %dma_wait3A_3506] : memref<16x13x2x64xf32, #tpu.memory_space<hbm>> -> memref<1x13x1x64xf32, #tpu.memory_space<hbm>>
      %dma_wait3A_3508 = tpu.memref_squeeze %dma_wait3A_3507 : memref<1x13x1x64xf32, #tpu.memory_space<hbm>> -> memref<13x64xf32, #tpu.memory_space<hbm>>
      %dma_wait3A_3509 = arith.constant 0 : i32
      %dma_wait3A_3510 = arith.constant 0 : i32
      %dma_wait3A_3511 = tpu.memref_slice %arg7[%arg1, %dma_wait3A_3509, %arg0, %dma_wait3A_3510] : memref<16x13x2x64xf32, #tpu.memory_space<hbm>> -> memref<1x13x1x64xf32, #tpu.memory_space<hbm>>
      %dma_wait3A_3512 = tpu.memref_squeeze %dma_wait3A_3511 : memref<1x13x1x64xf32, #tpu.memory_space<hbm>> -> memref<13x64xf32, #tpu.memory_space<hbm>>
      %dma_wait3A_3513 = arith.constant 8 : i32
      %dma_wait3A_3514 = arith.constant 0 : i32
      %dma_wait3A_3515 = tpu.memref_slice %arg16[%dma_wait3A_3513, %dma_wait3A_3514] : memref<21x64xf32, #tpu.memory_space<vmem>> -> memref<13x64xf32, #tpu.memory_space<vmem>>
      tpu.wait_dma2 semaphore(%run_scoped3A : memref<!tpu.dma_semaphore, #tpu.memory_space<semaphore_mem>>) src(%dma_wait3A_3515 : memref<13x64xf32, #tpu.memory_space<vmem>>) dst(%dma_wait3A_3512 : memref<13x64xf32, #tpu.memory_space<hbm>>)
      tpu.yield
    }) : () -> ()
    %eq3A = arith.constant 0 : i32
    %eq3A_3486 = arith.cmpi eq, %arg1, %eq3A : i32
    %convert_element_type3A = arith.extui %eq3A_3486 : i1 to i32
    %cond3A = arith.constant 0 : i32
    %cond3A_3487 = arith.cmpi ne, %convert_element_type3A, %cond3A : i32
    scf.if %cond3A_3487 {
      "tpu.region"() ({
        %run_scoped3A = tpu.sem_alloc : memref<!tpu.dma_semaphore, #tpu.memory_space<semaphore_mem>>
        %dma_start3A_3488 = arith.constant 0 : i32
        %dma_start3A_3489 = arith.constant 0 : i32
        %dma_start3A_3490 = tpu.memref_slice %arg16[%dma_start3A_3488, %dma_start3A_3489] : memref<21x64xf32, #tpu.memory_space<vmem>> -> memref<1x64xf32, #tpu.memory_space<vmem>>
        %dma_start3A_3491 = arith.constant 0 : i32
        %dma_start3A_3492 = arith.constant 0 : i32
        %dma_start3A_3493 = tpu.memref_slice %arg8[%dma_start3A_3491, %arg0, %dma_start3A_3492] : memref<1x2x64xf32, #tpu.memory_space<hbm>> -> memref<1x1x64xf32, #tpu.memory_space<hbm>>
        %dma_start3A_3494 = tpu.memref_squeeze %dma_start3A_3493 : memref<1x1x64xf32, #tpu.memory_space<hbm>> -> memref<1x64xf32, #tpu.memory_space<hbm>>
        %dma_start3A_3495 = arith.constant 0 : i32
        %dma_start3A_3496 = arith.constant 0 : i32
        %dma_start3A_3497 = tpu.memref_slice %arg8[%dma_start3A_3495, %arg0, %dma_start3A_3496] : memref<1x2x64xf32, #tpu.memory_space<hbm>> -> memref<1x1x64xf32, #tpu.memory_space<hbm>>
        %dma_start3A_3498 = tpu.memref_squeeze %dma_start3A_3497 : memref<1x1x64xf32, #tpu.memory_space<hbm>> -> memref<1x64xf32, #tpu.memory_space<hbm>>
        %dma_start3A_3499 = arith.constant 0 : i32
        %dma_start3A_3500 = arith.constant 0 : i32
        %dma_start3A_3501 = tpu.memref_slice %arg16[%dma_start3A_3499, %dma_start3A_3500] : memref<21x64xf32, #tpu.memory_space<vmem>> -> memref<1x64xf32, #tpu.memory_space<vmem>>
        tpu.enqueue_dma source(%dma_start3A_3501 : memref<1x64xf32, #tpu.memory_space<vmem>>) target(%dma_start3A_3498 : memref<1x64xf32, #tpu.memory_space<hbm>>) target_semaphore(%run_scoped3A : memref<!tpu.dma_semaphore, #tpu.memory_space<semaphore_mem>>)
        %dma_wait3A_3502 = arith.constant 0 : i32
        %dma_wait3A_3503 = arith.constant 0 : i32
        %dma_wait3A_3504 = tpu.memref_slice %arg16[%dma_wait3A_3502, %dma_wait3A_3503] : memref<21x64xf32, #tpu.memory_space<vmem>> -> memref<1x64xf32, #tpu.memory_space<vmem>>
        %dma_wait3A_3505 = arith.constant 0 : i32
        %dma_wait3A_3506 = arith.constant 0 : i32
        %dma_wait3A_3507 = tpu.memref_slice %arg8[%dma_wait3A_3505, %arg0, %dma_wait3A_3506] : memref<1x2x64xf32, #tpu.memory_space<hbm>> -> memref<1x1x64xf32, #tpu.memory_space<hbm>>
        %dma_wait3A_3508 = tpu.memref_squeeze %dma_wait3A_3507 : memref<1x1x64xf32, #tpu.memory_space<hbm>> -> memref<1x64xf32, #tpu.memory_space<hbm>>
        %dma_wait3A_3509 = arith.constant 0 : i32
        %dma_wait3A_3510 = arith.constant 0 : i32
        %dma_wait3A_3511 = tpu.memref_slice %arg8[%dma_wait3A_3509, %arg0, %dma_wait3A_3510] : memref<1x2x64xf32, #tpu.memory_space<hbm>> -> memref<1x1x64xf32, #tpu.memory_space<hbm>>
        %dma_wait3A_3512 = tpu.memref_squeeze %dma_wait3A_3511 : memref<1x1x64xf32, #tpu.memory_space<hbm>> -> memref<1x64xf32, #tpu.memory_space<hbm>>
        %dma_wait3A_3513 = arith.constant 0 : i32
        %dma_wait3A_3514 = arith.constant 0 : i32
        %dma_wait3A_3515 = tpu.memref_slice %arg16[%dma_wait3A_3513, %dma_wait3A_3514] : memref<21x64xf32, #tpu.memory_space<vmem>> -> memref<1x64xf32, #tpu.memory_space<vmem>>
        tpu.wait_dma2 semaphore(%run_scoped3A : memref<!tpu.dma_semaphore, #tpu.memory_space<semaphore_mem>>) src(%dma_wait3A_3515 : memref<1x64xf32, #tpu.memory_space<vmem>>) dst(%dma_wait3A_3512 : memref<1x64xf32, #tpu.memory_space<hbm>>)
        tpu.yield
      }) : () -> ()
    } else {
    }
    return
  }
}

</mosaic_0001>

<sc_bundles>
// kernel: kernel.3.cloned.1.call-start
scs
__scs_entry_jumppad:
0x0: {  	(pc) =	sbr.rel $0x88, $3  }
0x1: {  	(tag) =	ssettag $0x0;
	lr =	simm.s32 $0x1  }
0x2: {  	[smem:$0x3F9C] =	sst lr;
	_ =	strace $0xD0000000  }
0x3: {  	_ = 	snop  }
0x4: {  	_ = 	snop  }
0x5: {  	_ = 	snop  }
0x6: {  	_ = 	snop  }
0x7: {  	_ = 	snop  }
__scs_overlays_trampoline_lowered:
0x8: {  	[smem:$0x3FAB] =	sst s0  }
0x9: {  	[smem:$0x3FAC] =	sst s1  }
0xa: {  	[smem:$0x3FAD] =	sst s2  }
0xb: {  	[smem:$0x3FAE] =	sst s3  }
0xc: {  	[smem:$0x3FAF] =	sst s4  }
0xd: {  	[smem:$0x3FB0] =	sst s5  }
0xe: {  	[smem:$0x3FB1] =	sst s6  }
0xf: {  	[smem:$0x3FB2] =	sst s7  }
0x10: {  	[smem:$0x3FB3] =	sst s8  }
0x11: {  	[smem:$0x3FB4] =	sst s9;
	s0 =	simm.s32 @!p0 $0x0  }
0x12: {  	s1 =	sld [smem:$0x3F9A];
	s0 =	simm.s32 @p0 $0x1  }
0x13: {  	[smem:$0x3FB5] =	sst s0;
	s0 =	simm.s32 @!p1 $0x0  }
0x14: {  	s2 =	sld [smem:$0x3F99];
	s0 =	simm.s32 @p1 $0x1  }
0x15: {  	[smem:$0x3FB6] =	sst s0;
	s0 =	simm.s32 @!p2 $0x0  }
0x16: {  	s3 =	sld [smem:$0x3FDB];
	s0 =	simm.s32 @p2 $0x1  }
0x17: {  	s4 =	simm.s32 $0x1BF5;
	[smem:$0x3FB8] =	sst s0  }
0x18: {  	s0 =	sld [smem:$0x3F9B];
	_ =	swait.ge [sflag:s4], $0x0  }
0x19: {  	s7 =	sld [smem:$0x3F9C]  }
0x1a: {  	s8 =	sadd.s32 $0xFFFFE003, lr  }
0x1b: {  	s9 =	sadd.s32 $0xFFFFFEF7, lr;
	s5 =	simm.s32 $0xFFFFFFFF;
	p2 =	slt.u32 s8, $0xFFFFF086  }
0x1c: {  	p1 =	slt.u32 s9, $0xF7A;
	s5 =	simm.s32 @!p2 $0x0  }
0x1d: {  	s5 =	simm.s32 @p1 $0x1;
	p0 =	seq.s32 s7, s2  }
0x1e: {  	s7 =	smul.u32 @!p0 $0xF7A, s2;
	p2 =	seq.s32 @!p0 s5, $0x0  }
0x1f: {  	s9 =	smul.u32 $0xF7A, s1;
	s8 =	simm.s32 @!p0 $0x1BF5;
	p2 =	por !p2, p0  }
0x20: {  	[sflag:s8] =	ssyncset.s32 @!p0 $0xFFFFF086;
	s6 =	sadd.s32 @!p0 s3, s7;
	s7 =	simm.s32 @!p0 $0x108  }
0x21: {  	s3 =	sadd.s32 s3, s9;
	s6 =	sadd.s32 @!p0 $0x88, s6;
	s7 =	simm.s32 @p2 $0x1082  }
0x22: {  	[simem:s7], [sflag:s8] =	dma.local @!p0 [hbm:s6], $0xF7A  }
0x23: {  	s9 =	sor.u32 $0xD0000000, s2;
	s6 =	simm.s32 $0x108;
	_ =	swait.ge @!p0 [sflag:s8], $0x0  }
0x24: {  	s3 =	sadd.s32 $0x88, s3;
	s6 =	simm.s32 @!p1 $0x1082;
	[sflag:s4] =	ssyncset.s32 $0xFFFFF086  }
0x25: {  	[simem:s6], [sflag:s4] =	dma.local [hbm:s3], $0xF7A  }
0x26: {  	[smem:$0x3F9C] =	sst s1;
	(tag) =	ssettag s2;
	_ =	strace s9  }
0x27: {  	s1 =	sld [smem:$0x3FAC]  }
0x28: {  	s2 =	sld [smem:$0x3FAD]  }
0x29: {  	s4 =	sld [smem:$0x3FAF]  }
0x2a: {  	p0 =	seq.s32 s5, $0x0;
	s5 =	sld [smem:$0x3FB0]  }
0x2b: {  	s6 =	sld [smem:$0x3FB1]  }
0x2c: {  	s7 =	sld [smem:$0x3FB2]  }
0x2d: {  	s3 =	simm.s32 $0x108;
	s8 =	sld [smem:$0x3FB3]  }
0x2e: {  	s3 =	simm.s32 @!p0 $0x1082;
	s9 =	sld [smem:$0x3FB4]  }
0x2f: {  	lr =	sadd.s32 s0, s3;
	s0 =	sld [smem:$0x3FAB]  }
0x30: {  	s3 =	sld [smem:$0x3FAE]  }
0x31: {  	[smem:$0x3FB7] =	sst s10  }
0x32: {  	s10 =	sld [smem:$0x3FB5];
	_ =	sdelay $0x3  }
0x33: {  	p0 =	seq.s32 s10, $0x1;
	s10 =	sld [smem:$0x3FB7];
	_ =	sdelay $0x3  }
0x34: {  	[smem:$0x3FB7] =	sst s10  }
0x35: {  	s10 =	sld [smem:$0x3FB6];
	_ =	sdelay $0x3  }
0x36: {  	p1 =	seq.s32 s10, $0x1;
	s10 =	sld [smem:$0x3FB7];
	_ =	sdelay $0x3  }
0x37: {  	[smem:$0x3FB7] =	sst s10  }
0x38: {  	s10 =	sld [smem:$0x3FB8]  }
0x39: {  	_ = 	snop;
	(pc) =	sbr.ind lr, $3  }
0x3a: {  	_ = 	snop  }
0x3b: {  	_ = 	snop  }
0x3c: {  	p2 =	seq.s32 s10, $0x1;
	s10 =	sld [smem:$0x3FB7]  }
0x3d: {  	_ =	shalt  }
0x3e: {  	_ =	shalt  }
0x3f: {  	_ =	shalt  }
0x40: {  	_ =	shalt  }
0x41: {  	_ =	shalt  }
0x42: {  	_ =	shalt  }
0x43: {  	_ =	shalt  }
0x44: {  	_ =	shalt  }
0x45: {  	_ =	shalt  }
0x46: {  	_ =	shalt  }
0x47: {  	_ =	shalt  }
0x48: {  	_ =	shalt  }
0x49: {  	_ =	shalt  }
0x4a: {  	_ =	shalt  }
0x4b: {  	_ =	shalt  }
0x4c: {  	_ =	shalt  }
0x4d: {  	_ =	shalt  }
0x4e: {  	_ =	shalt  }
0x4f: {  	_ =	shalt  }
0x50: {  	_ =	shalt  }
0x51: {  	_ =	shalt  }
0x52: {  	_ =	shalt  }
0x53: {  	_ =	shalt  }
0x54: {  	_ =	shalt  }
0x55: {  	_ =	shalt  }
0x56: {  	_ =	shalt  }
0x57: {  	_ =	shalt  }
0x58: {  	_ =	shalt  }
0x59: {  	_ =	shalt  }
0x5a: {  	_ =	shalt  }
0x5b: {  	_ =	shalt  }
0x5c: {  	_ =	shalt  }
0x5d: {  	_ =	shalt  }
0x5e: {  	_ =	shalt  }
0x5f: {  	_ =	shalt  }
0x60: {  	_ =	shalt  }
0x61: {  	_ =	shalt  }
0x62: {  	_ =	shalt  }
0x63: {  	_ =	shalt  }
0x64: {  	_ =	shalt  }
0x65: {  	_ =	shalt  }
0x66: {  	_ =	shalt  }
0x67: {  	_ =	shalt  }
0x68: {  	_ =	shalt  }
0x69: {  	_ =	shalt  }
0x6a: {  	_ =	shalt  }
0x6b: {  	_ =	shalt  }
0x6c: {  	_ =	shalt  }
0x6d: {  	_ =	shalt  }
0x6e: {  	_ =	shalt  }
0x6f: {  	_ =	shalt  }
0x70: {  	_ =	shalt  }
0x71: {  	_ =	shalt  }
0x72: {  	_ =	shalt  }
0x73: {  	_ =	shalt  }
0x74: {  	_ =	shalt  }
0x75: {  	_ =	shalt  }
0x76: {  	_ =	shalt  }
0x77: {  	_ =	shalt  }
0x78: {  	_ =	shalt  }
0x79: {  	_ =	shalt  }
0x7a: {  	_ =	shalt  }
0x7b: {  	_ =	shalt  }
0x7c: {  	_ =	shalt  }
0x7d: {  	_ =	shalt  }
0x7e: {  	_ =	shalt  }
0x7f: {  	_ =	shalt  }
0x80: {  	_ =	shalt  }
0x81: {  	_ =	shalt  }
0x82: {  	_ =	shalt  }
0x83: {  	_ =	shalt  }
0x84: {  	_ =	shalt  }
0x85: {  	_ =	shalt  }
0x86: {  	_ =	shalt  }
0x87: {  	_ =	shalt  }
.Lfunc_end0:
.L_simem_size_0:
called_computation_lowered:
.L_overlay_start_0:
0x88: {  	s2 =	sld [smem:$0x3FD9]  }
0x89: {  	s3 =	sld [smem:$0x3FFE];
	_ =	sdelay $0x1  }
0x8a: {  	s1 =	srdreg.scid  }
0x8b: {  	s0 =	sand.u32 $0x1, s1  }
0x8c: {  	s14 =	sshll.u32 s0, $0xA;
	s2 =	sadd.s32 s3, s2  }
0x8d: {  	s2 =	sadd.s32 s2, s14  }
0x8e: {  	[smem:$0x3FC3] =	sst s2  }
0x8f: {  	_ = 	snop  }
0x90: {  	s2 =	sld [smem:$0x3FC8]  }
0x91: {  	s15 =	sld [smem:$0x3FD0]  }
0x92: {  	s4 =	sld [smem:$0x3FC7]  }
0x93: {  	s5 =	sld [smem:$0x3FC6]  }
0x94: {  	s7 =	simm.s32 $0xA;
	s8 =	simm.s32 $0x10;
	s6 =	sld [smem:$0x3FC5]  }
0x95: {  	[smem:s8], [sflag:s7] =	dma.local [hbm:s15], $0x1  }
0x96: {  	_ =	swait.eq [sflag:s7], $0x1  }
0x97: {  	[sflag:s7] =	ssyncset.done $0x0  }
0x98: {  	s16 =	sld [smem:$0x10];
	[sflag:s7] =	ssyncadd.s32 $0xFFFFFFFF  }
0x99: {  	s17 =	sld [smem:$0x12];
	(tm) =	ssettm $0x1  }
0x9a: {  	s18 =	sld [smem:$0x3FFB];
	_ =	sdelay $0x3  }
0x9b: {  	_ =	strace s18  }
0x9c: {  	s8 =	sld [smem:$0x3FFC];
	_ =	sdelay $0x3  }
0x9d: {  	_ =	strace s8  }
0x9e: {  	s8 =	sld [smem:$0x3FFD];
	_ =	sdelay $0x3  }
0x9f: {  	_ =	strace s8  }
0xa0: {  	_ =	strace $0x8FFFFFFF  }
0xa1: {  	s19 =	sld [smem:$0x3FDB];
	_ =	sdelay $0x1  }
0xa2: {  	s9 =	simm.s32 $_scs_section_size  }
0xa3: {  	s10 =	simm.s32 $_size__tile_overlayer_lowered;
	s11 =	simm.s32 $_tile_overlayer_lowered  }
0xa4: {  	s22 =	simm.s32 $0x1BFF;
	s21 =	sshll.u32 s11, $0x1;
	s8 =	sadd.s32 s9, s19  }
0xa5: {  	s12 =	simm.s32 $0x0;
	s20 =	sshll.u32 s10, $0x1;
	s10 =	sadd.s32 s21, s8  }
0xa6: {  	[timem:s12], [sflag:s22] =	dma.local [hbm:s10], s20  }
0xa7: {  	_ =	swait.ge [sflag:s22], s20  }
0xa8: {  	s9 =	ssub.s32 $0x0, s20;
	[sflag:s22] =	ssyncset.done $0x0  }
0xa9: {  	[sflag:s22] =	ssyncadd.s32 s9;
	_ =	sdelay $0x1  }
0xaa: {  	s23 =	simm.s32 $0x1B8B  }
0xab: {  	_ =	swait.ge [sflag:s23], $0x1  }
0xac: {  	[sflag:s23] =	ssyncset.done $0x0  }
0xad: {  	s25 =	simm.s32 $0x1B8E;
	s24 =	sld [smem:$0x3FFE];
	[sflag:s23] =	ssyncadd.s32 $0xFFFFFFFF  }
0xae: {  	s26 =	simm.s32 $execute0_lowered;
	[smem:$0x3FD2] =	sst s25  }
0xaf: {  	s10 =	sshll.u32 s26, $0x1;
	_ =	strace $0x80000046;
	[dreg:$0x1] =	wrdreg $0xFFFFFFFF  }
0xb0: {  	s28 =	simm.s32 $_size_execute0_lowered;
	s8 =	sadd.s32 s8, s10;
	[dreg:$0x0] =	wrdreg $0x0  }
0xb1: {  	s10 =	sshll.u32 s28, $0x1;
	[dreg:$0x2] =	wrdreg s8  }
0xb2: {  	[dreg:$0x3] =	wrdreg s10  }
0xb3: {  	[dreg:$0x4] =	wrdreg $0xC0  }
0xb4: {  	_ =	task [dreg:s12], $0x5FFFF  }
0xb5: {  	[dreg:$0x1] =	wrdreg $0xFFFFFFFF  }
0xb6: {  	[dreg:$0x0] =	wrdreg $0x60  }
0xb7: {  	[dreg:$0x2] =	wrdreg s6  }
0xb8: {  	[dreg:$0x3] =	wrdreg s5  }
0xb9: {  	[dreg:$0x4] =	wrdreg s4  }
0xba: {  	[dreg:$0x5] =	wrdreg s2  }
0xbb: {  	[dreg:$0x6] =	wrdreg s17  }
0xbc: {  	[dreg:$0x7] =	wrdreg s24  }
0xbd: {  	[dreg:$0x8] =	wrdreg s16  }
0xbe: {  	[dreg:$0x9] =	wrdreg $0x1DA800  }
0xbf: {  	[dreg:$0xa] =	wrdreg $0x9  }
0xc0: {  	_ =	task.clear_ibuf [dreg:s12], $0xBFFFF;
	_ =	strace $0x90000046  }
0xc1: {  	s29 =	simm.s32 $0x9;
	_ =	strace $0x80000048  }
0xc2: {  	_ =	swait.ge [sflag:s29], $0x1  }
0xc3: {  	[sflag:s29] =	ssyncadd.s32 $0xFFFFFFFF  }
0xc4: {  	_ =	strace $0x90000048  }
0xc5: {  	_ =	sfence  }
0xc6: {  	s30 =	sld [smem:$0x0];
	_ =	sdelay $0x2  }
0xc7: {  	s31 =	sshll.u32 s1, $0xD;
	s1 =	sshrl.u32 s1, $0x2  }
0xc8: {  	s3 =	sand.u32 $0x4000, s31;
	s1 =	sadd.s32 s1, s30  }
0xc9: {  	s0 =	sor.u32 s3, s0;
	s1 =	sshll.u32 s1, $0x11  }
0xca: {  	s0 =	sor.u32 s1, s0  }
0xcb: {  	s0 =	sadd.s32 $0x8F2B, s0  }
0xcc: {  	[sflag:s0] =	ssyncadd.remote.s32 $0x1  }
0xcd: {  	_ =	sfence.sel $0xFFFF  }
0xce: {  	[dreg:$0x0] =	wrdreg $0xFFFFFFFF;
	(pc) =	sbr.abs _section_cstart, $3  }
0xcf: {  	[dreg:$0x1] =	wrdreg $0xFFFFFFFF  }
0xd0: {  	_ =	task.clear_ibuf [dreg:s12], $0x2FFFF;
	_ =	strace $0x9FFFFFFF  }
0xd1: {  	(tm) =	ssettm $0x7FFFFFFF  }
tec
execute0_lowered:
.L_overlay_start_1:
0x0: {  	(tag) =	ssettag $0x1  }
0x1: {  	s0 =	rddreg [dreg:$0x0]  }
0x2: {  	s2 =	rddreg [dreg:$0x5]  }
0x3: {  	s3 =	rddreg [dreg:$0x6]  }
0x4: {  	s13 =	rddreg [dreg:$0x7]  }
0x5: {  	s1 =	srdreg.scid;
	s5 =	stileid.u32;
	s7 =	simm.s32 $0x0  }
0x6: {  	s6 =	sand.u32 $0x1, s1;
	s8 =	smul.u32 $0xD00, s5;
	[smem:$0x7FF] =	sst s7  }
0x7: {  	s1 =	smul.u32 $0xD, s5;
	p0 =	seq.s32 s5, $0xF;
	s24 =	sshll.u32 s5, $0x7  }
0x8: {  	s4 =	sshll.u32 s6, $0x7;
	_ =	strace $0x80000047;
	s18 =	sshll.u32 s6, $0x4  }
0x9: {  	s4 =	sor.u32 s4, s8;
	s8 =	ssub.s32 $0x2, s6;
	s19 =	sadd.s32 $0x1, s1  }
0xa: {  	s20 =	sadd.s32 $0x2, s1;
	s22 =	sadd.s32 $0x3, s1;
	s3 =	sadd.s32 s3, s18  }
0xb: {  	s23 =	sadd.s32 $0x4, s1;
	[dreg:$0x9] =	wrdreg s3;
	s3 =	simm.s32 @!p0 $0x0  }
0xc: {  	s10 =	smin.u32 s1, $0xC1;
	s3 =	simm.s32 @p0 $0x1;
	p0 =	sgt.u32 s5, $0xD  }
0xd: {  	s14 =	smin.u32 s1, $0xC0;
	[smem:$0x7EE] =	sst s3;
	s3 =	simm.s32 @!p0 $0x0  }
0xe: {  	s15 =	smin.u32 s1, $0xBF;
	s3 =	simm.s32 @p0 $0x1;
	p0 =	sgt.u32 s5, $0xC  }
0xf: {  	s16 =	smin.u32 s1, $0xBE;
	[smem:$0x7EF] =	sst s3;
	s3 =	simm.s32 @!p0 $0x0  }
0x10: {  	s17 =	smin.u32 s1, $0xBD;
	s3 =	simm.s32 @p0 $0x1;
	p0 =	sgt.u32 s5, $0xB  }
0x11: {  	s21 =	smin.u32 s1, $0xBB;
	[smem:$0x7F0] =	sst s3;
	s3 =	simm.s32 @!p0 $0x0  }
0x12: {  	s18 =	simm.s32 $0x40;
	s3 =	simm.s32 @p0 $0x1;
	p0 =	sgt.u32 s5, $0xA  }
0x13: {  	s4 =	sshrl.u32 s4, $0x3;
	[smem:$0x7F1] =	sst s3;
	s3 =	simm.s32 @!p0 $0x0  }
0x14: {  	s9 =	sshrl.u32 s8, $0x1;
	s3 =	simm.s32 @p0 $0x1;
	p0 =	sgt.u32 s5, $0x9  }
0x15: {  	s26 =	sadd.s32 $0x7, s14;
	[smem:$0x7F2] =	sst s3;
	s3 =	simm.s32 @!p0 $0x0  }
0x16: {  	s28 =	sadd.s32 $0x8, s15;
	s3 =	simm.s32 @p0 $0x1;
	p0 =	sgt.u32 s5, $0x8  }
0x17: {  	s29 =	sadd.s32 $0xA, s17;
	[smem:$0x7F3] =	sst s3;
	s3 =	simm.s32 @!p0 $0x0  }
0x18: {  	s31 =	sadd.s32 $0xC, s21;
	s3 =	simm.s32 @p0 $0x1;
	p0 =	sgt.u32 s5, $0x7  }
0x19: {  	s17 =	simm.s32 $0x100;
	[smem:$0x7F4] =	sst s3;
	s3 =	simm.s32 @!p0 $0x0  }
0x1a: {  	s21 =	simm.s32 $0x1;
	s3 =	simm.s32 @p0 $0x1;
	p0 =	sgt.u32 s5, $0x6  }
0x1b: {  	v1 =	vmov s19;
	s19 =	simm.s32 $0x480;
	[smem:$0x7F5] =	sst s3;
	s3 =	simm.s32 @!p0 $0x0  }
0x1c: {  	v2 =	vmov s20;
	s20 =	simm.s32 $0x18580;
	s3 =	simm.s32 @p0 $0x1;
	p0 =	sgt.u32 s5, $0x5  }
0x1d: {  	v3 =	vmov s22;
	s22 =	simm.s32 $0x2;
	[smem:$0x7F6] =	sst s3;
	s3 =	simm.s32 @!p0 $0x0  }
0x1e: {  	v4 =	vmov s23;
	s23 =	simm.s32 $0x3;
	s3 =	simm.s32 @p0 $0x1;
	p0 =	sgt.u32 s5, $0x4  }
0x1f: {  	s11 =	sadd.s32 s4, s2;
	[smem:$0x7F7] =	sst s3;
	s3 =	simm.s32 @!p0 $0x0  }
0x20: {  	s12 =	ssub.s32 s8, s9;
	s3 =	simm.s32 @p0 $0x1;
	p0 =	sgt.u32 s5, $0x3  }
0x21: {  	s9 =	smin.u32 s1, $0xC2;
	[smem:$0x7F8] =	sst s3;
	s3 =	simm.s32 @!p0 $0x0  }
0x22: {  	s2 =	sadd.s32 $0x6, s10;
	s3 =	simm.s32 @p0 $0x1;
	p0 =	sgt.u32 s5, $0x2  }
0x23: {  	s4 =	sadd.s32 $0x9, s16;
	[smem:$0x7F9] =	sst s3;
	s3 =	simm.s32 @!p0 $0x0  }
0x24: {  	s10 =	smin.u32 s1, $0xBC;
	s3 =	simm.s32 @p0 $0x1;
	p0 =	sgt.u32 s5, $0x1  }
0x25: {  	s16 =	simm.s32 $0x4;
	[smem:$0x7FA] =	sst s3;
	s3 =	simm.s32 @!p0 $0x0  }
0x26: {  	v0 =	vmov s1;
	s1 =	simm.s32 $0x400;
	s3 =	simm.s32 @p0 $0x1;
	p0 =	sne.s32 s5, $0x0  }
0x27: {  	v7 =	vmov s26;
	s26 =	simm.s32 $0x1D280;
	[smem:$0x7FB] =	sst s3;
	s3 =	simm.s32 @!p0 $0x0  }
0x28: {  	v8 =	vmov s28;
	s28 =	simm.s32 $0x1CA80;
	s3 =	simm.s32 @p0 $0x1;
	p0 =	seq.s32 s5, $0x0  }
0x29: {  	v10 =	vmov s29;
	s29 =	simm.s32 $0x0;
	[smem:$0x7FC] =	sst s3;
	s3 =	simm.s32 @!p0 $0x0  }
0x2a: {  	s25 =	sadd.s32 $0x5, s9;
	s9 =	sshll.u32 s6, $0x6;
	s3 =	simm.s32 @p0 $0x1  }
0x2b: {  	s5 =	sor.u32 $0x580, s9;
	[smem:$0x7FD] =	sst s3;
	s3 =	sor.u32 $0x2580, s9  }
0x2c: {  	s30 =	sadd.s32 $0xB, s10;
	s6 =	sor.u32 $0x1A5B0, s9;
	s8 =	sor.u32 $0x1A5A0, s9;
	v16 =	vmov s5;
	v14 =	vmov s3  }
0x2d: {  	s10 =	sadd.s32 s24, s13;
	s11 =	sadd.s32 $0x800, s11;
	s12 =	smax.u32 s12, $0x1;
	v13 =	vmov s6;
	v15 =	vmov s8  }
0x2e: {  	v17 =	vlaneseq.u32;
	s24 =	simm.s32 $0x80;
	v6 =	vmov s2;
	v9 =	vmov s4;
	s2 =	simm.s32 $0x380;
	s4 =	simm.s32 $0x10580  }
0x2f: {  	v18 =	vor.u32 $0x10, v17;
	v19 =	vor.u32 $0x20, v17;
	v20 =	vor.u32 $0x30, v17;
	s13 =	sor.u32 $0x10, s9;
	s14 =	sor.u32 $0x20, s9;
	s15 =	sor.u32 $0x30, s9  }
0x30: {  	v12 =	vmov s31;
	v5 =	vmov s25;
	v11 =	vmov s30;
	s25 =	simm.s32 $0x1C600;
	s6 =	simm.s32 $0x14580;
	s8 =	rddreg [dreg:$0x1]  }
.LBB2_1:
0x31: {  	s3 =	rddreg [dreg:$0x3]  }
0x32: {  	[tilespmem:s7], [sflag:$0x4] =	stream.linear.gather [hbm4b:s3+s7], $0x100, $0x38;
	[tilespmem:$0x1DAC0] =	vst v63  }
0x33: {  	_ =	swait.ge [sflag:s16], $0x100  }
0x34: {  	[sflag:s16] =	ssyncset.done $0x0  }
0x35: {  	[sflag:s16] =	ssyncadd.s32 $0xFFFFFF00  }
0x36: {  	s5 =	rddreg [dreg:$0x4]  }
0x37: {  	[tilespmem:s17], [sflag:$0x4] =	stream.linear.gather [hbm4b:s5+s7], $0x80, $0x38;
	[tilespmem:$0x1DAC0] =	vst v63  }
0x38: {  	_ =	swait.ge [sflag:s16], $0x80  }
0x39: {  	[sflag:s16] =	ssyncset.done $0x0  }
0x3a: {  	[sflag:s16] =	ssyncadd.s32 $0xFFFFFF80  }
0x3b: {  	v21 =	vld.idx.msk [tilespmem:v0+s7+$0x0], $0xffff;
	_ =	sdelay $0x4  }
0x3c: {  	v21 =	vshll.u32 v21, $0x6  }
0x3d: {  	v22 =	vor.u32 v17, v21  }
0x3e: {  	[tilespmem:$0x180] =	vst v22;
	v22 =	vor.u32 v18, v21  }
0x3f: {  	[tilespmem:$0x190] =	vst v22;
	v22 =	vor.u32 v19, v21  }
0x40: {  	v21 =	vor.u32 v20, v21;
	[tilespmem:$0x1A0] =	vst v22  }
0x41: {  	[tilespmem:$0x1B0] =	vst v21  }
0x42: {  	v21 =	vld.idx.msk [tilespmem:v1+s7+$0x0], $0xffff;
	_ =	sdelay $0x4  }
0x43: {  	v21 =	vshll.u32 v21, $0x6  }
0x44: {  	v22 =	vor.u32 v17, v21  }
0x45: {  	[tilespmem:$0x1C0] =	vst v22;
	v22 =	vor.u32 v18, v21  }
0x46: {  	[tilespmem:$0x1D0] =	vst v22;
	v22 =	vor.u32 v19, v21  }
0x47: {  	v21 =	vor.u32 v20, v21;
	[tilespmem:$0x1E0] =	vst v22  }
0x48: {  	[tilespmem:$0x1F0] =	vst v21  }
0x49: {  	v21 =	vld.idx.msk [tilespmem:v2+s7+$0x0], $0xffff;
	_ =	sdelay $0x4  }
0x4a: {  	v21 =	vshll.u32 v21, $0x6  }
0x4b: {  	v22 =	vor.u32 v17, v21  }
0x4c: {  	[tilespmem:$0x200] =	vst v22;
	v22 =	vor.u32 v18, v21  }
0x4d: {  	[tilespmem:$0x210] =	vst v22;
	v22 =	vor.u32 v19, v21  }
0x4e: {  	v21 =	vor.u32 v20, v21;
	[tilespmem:$0x220] =	vst v22  }
0x4f: {  	[tilespmem:$0x230] =	vst v21  }
0x50: {  	v21 =	vld.idx.msk [tilespmem:v3+s7+$0x0], $0xffff;
	_ =	sdelay $0x4  }
0x51: {  	v21 =	vshll.u32 v21, $0x6  }
0x52: {  	v22 =	vor.u32 v17, v21  }
0x53: {  	[tilespmem:$0x240] =	vst v22;
	v22 =	vor.u32 v18, v21  }
0x54: {  	[tilespmem:$0x250] =	vst v22;
	v22 =	vor.u32 v19, v21  }
0x55: {  	v21 =	vor.u32 v20, v21;
	[tilespmem:$0x260] =	vst v22  }
0x56: {  	[tilespmem:$0x270] =	vst v21  }
0x57: {  	v21 =	vld.idx.msk [tilespmem:v4+s7+$0x0], $0xffff;
	_ =	sdelay $0x4  }
0x58: {  	v21 =	vshll.u32 v21, $0x6  }
0x59: {  	v22 =	vor.u32 v17, v21  }
0x5a: {  	[tilespmem:$0x280] =	vst v22;
	v22 =	vor.u32 v18, v21  }
0x5b: {  	[tilespmem:$0x290] =	vst v22;
	v22 =	vor.u32 v19, v21  }
0x5c: {  	v21 =	vor.u32 v20, v21;
	[tilespmem:$0x2A0] =	vst v22  }
0x5d: {  	[tilespmem:$0x2B0] =	vst v21  }
0x5e: {  	v21 =	vld.idx.msk [tilespmem:v5+s7+$0x0], $0xffff;
	_ =	sdelay $0x4  }
0x5f: {  	v21 =	vshll.u32 v21, $0x6  }
0x60: {  	v22 =	vor.u32 v17, v21  }
0x61: {  	[tilespmem:$0x2C0] =	vst v22;
	v22 =	vor.u32 v18, v21  }
0x62: {  	[tilespmem:$0x2D0] =	vst v22;
	v22 =	vor.u32 v19, v21  }
0x63: {  	v21 =	vor.u32 v20, v21;
	[tilespmem:$0x2E0] =	vst v22  }
0x64: {  	[tilespmem:$0x2F0] =	vst v21  }
0x65: {  	v21 =	vld.idx.msk [tilespmem:v6+s7+$0x0], $0xffff;
	_ =	sdelay $0x4  }
0x66: {  	v21 =	vshll.u32 v21, $0x6  }
0x67: {  	v22 =	vor.u32 v17, v21  }
0x68: {  	[tilespmem:$0x300] =	vst v22;
	v22 =	vor.u32 v18, v21  }
0x69: {  	[tilespmem:$0x310] =	vst v22;
	v22 =	vor.u32 v19, v21  }
0x6a: {  	v21 =	vor.u32 v20, v21;
	[tilespmem:$0x320] =	vst v22  }
0x6b: {  	[tilespmem:$0x330] =	vst v21  }
0x6c: {  	v21 =	vld.idx.msk [tilespmem:v7+s7+$0x0], $0xffff;
	_ =	sdelay $0x4  }
0x6d: {  	v21 =	vshll.u32 v21, $0x6  }
0x6e: {  	v22 =	vor.u32 v17, v21  }
0x6f: {  	[tilespmem:$0x340] =	vst v22;
	v22 =	vor.u32 v18, v21  }
0x70: {  	[tilespmem:$0x350] =	vst v22;
	v22 =	vor.u32 v19, v21  }
0x71: {  	v21 =	vor.u32 v20, v21;
	[tilespmem:$0x360] =	vst v22  }
0x72: {  	[tilespmem:$0x370] =	vst v21  }
0x73: {  	v21 =	vld.idx.msk [tilespmem:v8+s7+$0x0], $0xffff;
	_ =	sdelay $0x4  }
0x74: {  	v21 =	vshll.u32 v21, $0x6  }
0x75: {  	v22 =	vor.u32 v17, v21  }
0x76: {  	[tilespmem:$0x380] =	vst v22;
	v22 =	vor.u32 v18, v21  }
0x77: {  	[tilespmem:$0x390] =	vst v22;
	v22 =	vor.u32 v19, v21  }
0x78: {  	v21 =	vor.u32 v20, v21;
	[tilespmem:$0x3A0] =	vst v22  }
0x79: {  	[tilespmem:$0x3B0] =	vst v21  }
0x7a: {  	v21 =	vld.idx.msk [tilespmem:v9+s7+$0x0], $0xffff;
	_ =	sdelay $0x4  }
0x7b: {  	v21 =	vshll.u32 v21, $0x6  }
0x7c: {  	v22 =	vor.u32 v17, v21  }
0x7d: {  	[tilespmem:$0x3C0] =	vst v22;
	v22 =	vor.u32 v18, v21  }
0x7e: {  	[tilespmem:$0x3D0] =	vst v22;
	v22 =	vor.u32 v19, v21  }
0x7f: {  	v21 =	vor.u32 v20, v21;
	[tilespmem:$0x3E0] =	vst v22  }
0x80: {  	[tilespmem:$0x3F0] =	vst v21  }
0x81: {  	v21 =	vld.idx.msk [tilespmem:v10+s7+$0x0], $0xffff;
	_ =	sdelay $0x4  }
0x82: {  	v21 =	vshll.u32 v21, $0x6  }
0x83: {  	v22 =	vor.u32 v17, v21  }
0x84: {  	[tilespmem:$0x400] =	vst v22;
	v22 =	vor.u32 v18, v21  }
0x85: {  	[tilespmem:$0x410] =	vst v22;
	v22 =	vor.u32 v19, v21  }
0x86: {  	v21 =	vor.u32 v20, v21;
	[tilespmem:$0x420] =	vst v22  }
0x87: {  	[tilespmem:$0x430] =	vst v21  }
0x88: {  	v21 =	vld.idx.msk [tilespmem:v11+s7+$0x0], $0xffff;
	_ =	sdelay $0x4  }
0x89: {  	v21 =	vshll.u32 v21, $0x6  }
0x8a: {  	v22 =	vor.u32 v17, v21  }
0x8b: {  	[tilespmem:$0x440] =	vst v22;
	v22 =	vor.u32 v18, v21  }
0x8c: {  	[tilespmem:$0x450] =	vst v22;
	v22 =	vor.u32 v19, v21  }
0x8d: {  	v21 =	vor.u32 v20, v21;
	[tilespmem:$0x460] =	vst v22  }
0x8e: {  	[tilespmem:$0x470] =	vst v21  }
0x8f: {  	v21 =	vld.idx.msk [tilespmem:v12+s7+$0x0], $0xffff  }
0x90: {  	v22 =	vld [tilespmem:$0x100];
	_ =	sdelay $0x3  }
0x91: {  	v21 =	vshll.u32 v21, $0x6  }
0x92: {  	[tilespmem:$0x500] =	vst v22;
	v23 =	vor.u32 v17, v21  }
0x93: {  	[tilespmem:$0x480] =	vst v23;
	v23 =	vor.u32 v18, v21  }
0x94: {  	[tilespmem:$0x490] =	vst v23;
	v23 =	vor.u32 v19, v21  }
0x95: {  	v21 =	vor.u32 v20, v21;
	[tilespmem:$0x4A0] =	vst v23;
	v23 =	vshll.u32 v22, $0x6  }
0x96: {  	[tilespmem:$0x4B0] =	vst v21;
	v21 =	vor.u32 v17, v23  }
0x97: {  	[tilespmem:$0x4C0] =	vst v21;
	v21 =	vor.u32 v18, v23  }
0x98: {  	[tilespmem:$0x4D0] =	vst v21;
	v21 =	vor.u32 v19, v23  }
0x99: {  	[tilespmem:$0x4E0] =	vst v21;
	v21 =	vor.u32 v20, v23  }
0x9a: {  	s3 =	simm.s32 $0x4C0;
	s5 =	simm.s32 $0x1A580;
	[tilespmem:$0x4F0] =	vst v21  }
0x9b: {  	[tilespmem:s5], [sflag:$0x2] =	stream.indirect.gather [hbm4b:s8+s18], $0x80, s3, s18, $0xb8;
	[tilespmem:$0x1DAC0] =	vst v63  }
0x9c: {  	s30 =	simm.s32 $0x1C580;
	s3 =	rddreg [dreg:$0x2];
	s5 =	simm.s32 $0x500  }
0x9d: {  	[tilespmem:s30], [sflag:$0x3] =	stream.indirect.gather [hbm4b:s3+s21], $0x80, s5, s21, $0xb8;
	[tilespmem:$0x1DAC0] =	vst v63  }
0x9e: {  	s3 =	simm.s32 $0x180;
	s5 =	simm.s32 $0x580  }
0x9f: {  	[tilespmem:s5], [sflag:$0x1] =	stream.indirect.gather [hbm4b:s0+s24], $0x80, s3, s24, $0xb8;
	[tilespmem:$0x1DAC0] =	vst v63  }
0xa0: {  	s3 =	simm.s32 $0x200;
	s5 =	simm.s32 $0x4580  }
0xa1: {  	[tilespmem:s5], [sflag:$0x1] =	stream.indirect.gather [hbm4b:s0+s24], $0x80, s3, s24, $0xb8;
	[tilespmem:$0x1DAC0] =	vst v63  }
0xa2: {  	s3 =	simm.s32 $0x280;
	s5 =	simm.s32 $0x8580  }
0xa3: {  	[tilespmem:s5], [sflag:$0x1] =	stream.indirect.gather [hbm4b:s0+s24], $0x80, s3, s24, $0xb8;
	[tilespmem:$0x1DAC0] =	vst v63  }
0xa4: {  	s3 =	simm.s32 $0x300;
	s5 =	simm.s32 $0xC580  }
0xa5: {  	[tilespmem:s5], [sflag:$0x1] =	stream.indirect.gather [hbm4b:s0+s24], $0x80, s3, s24, $0xb8;
	[tilespmem:$0x1DAC0] =	vst v63  }
0xa6: {  	_ = 	snop  }
0xa7: {  	[tilespmem:s4], [sflag:$0x1] =	stream.indirect.gather [hbm4b:s0+s24], $0x80, s2, s24, $0xb8;
	[tilespmem:$0x1DAC0] =	vst v63  }
0xa8: {  	_ = 	snop  }
0xa9: {  	[tilespmem:s6], [sflag:$0x1] =	stream.indirect.gather [hbm4b:s0+s24], $0x80, s1, s24, $0xb8;
	[tilespmem:$0x1DAC0] =	vst v63  }
0xaa: {  	_ = 	snop  }
0xab: {  	[tilespmem:s20], [sflag:$0x1] =	stream.indirect.gather [hbm4b:s0+s18], $0x80, s19, s18, $0xb8;
	[tilespmem:$0x1DAC0] =	vst v63  }
0xac: {  	_ =	swait.ge [sflag:s22], $0x2000  }
0xad: {  	[sflag:s22] =	ssyncset.done $0x0  }
0xae: {  	[sflag:s22] =	ssyncadd.s32 $0xFFFFE000  }
0xaf: {  	_ =	swait.ge [sflag:s23], $0x80  }
0xb0: {  	[sflag:s23] =	ssyncset.done $0x0  }
0xb1: {  	[sflag:s23] =	ssyncadd.s32 $0xFFFFFF80  }
0xb2: {  	_ =	swait.ge [sflag:s21], $0x4000  }
0xb3: {  	[sflag:s21] =	ssyncset.done $0x0  }
0xb4: {  	s5 =	simm.s32 $0x0;
	[sflag:s21] =	ssyncadd.s32 $0xFFFFC000  }
0xb5: {  	v32 =	vld.idx.msk [tilespmem:v13+s5+$0x0 ss:$0x1], $0xffff  }
0xb6: {  	v23 =	vld.idx.msk [tilespmem:v14+s5+$0x30 ss:$0x1], $0xffff  }
0xb7: {  	v31 =	vld.idx.msk [tilespmem:v13+s5+$0xFFFFFFD0 ss:$0x1], $0xffff  }
0xb8: {  	v24 =	vld.idx.msk [tilespmem:v14+s5+$0xFFFFE000 ss:$0x1], $0xffff  }
0xb9: {  	v21 =	vld.idx.msk [tilespmem:v13+s5+$0xFFFFFFE0 ss:$0x1], $0xffff  }
0xba: {  	v25 =	vld.idx.msk [tilespmem:v14+s5+$0xFFFFE010 ss:$0x1], $0xffff  }
0xbb: {  	v22 =	vld.idx.msk [tilespmem:v13+s5+$0xFFFFFFF0 ss:$0x1], $0xffff  }
0xbc: {  	v37 =	vld.idx.msk [tilespmem:v14+s5+$0xFFFFE020 ss:$0x1], $0xffff  }
0xbd: {  	v38 =	vld.idx.msk [tilespmem:v14+s5+$0xFFFFE030 ss:$0x1], $0xffff  }
0xbe: {  	v27 =	vimm.f32 $0.0e+00;
	v33 =	vimm.f32 $0.0e+00;
	v36 =	vld.idx.msk [tilespmem:v14+s5+$0x0 ss:$0x1], $0xffff  }
0xbf: {  	v30 =	vimm.f32 $0.0e+00;
	v35 =	vld.idx.msk [tilespmem:v14+s5+$0x10 ss:$0x1], $0xffff;
	v23 =	vmul.f32 v23, v32;
	v24 =	vmul.f32 v24, v31  }
0xc0: {  	v28 =	vimm.f32 $0.0e+00;
	s30 =	simm.s32 $0x80;
	v34 =	vld.idx.msk [tilespmem:v14+s5+$0x20 ss:$0x1], $0xffff;
	v39 =	vmul.f32 v25, v21;
	v25 =	vimm.f32 $0.0e+00  }
0xc1: {  	s31 =	simm.s32 $0x400;
	v29 =	vld.idx.msk [tilespmem:v13+s30+$0x0 ss:$0x1], $0xffff;
	v23 =	vadd.f32 v23, v27;
	v26 =	vadd.f32 v24, v27;
	v24 =	vimm.f32 $0.0e+00  }
.LBB2_2:
0xc2: {  	p3 =	sne.s32 s31, $0x7E00;
	v40 =	vld.idx.msk [tilespmem:v14+s30+$0x30 ss:$0x1], $0xffff;
	v27 =	vadd.f32 v39, v27;
	v37 =	vmul.f32 v37, v22  }
0xc3: {  	v32 =	vmul.f32 v38, v32;
	v39 =	vld.idx.msk [tilespmem:v13+s30+$0xFFFFFFD0 ss:$0x1], $0xffff  }
0xc4: {  	v31 =	vmul.f32 v36, v31;
	v41 =	vld.idx.msk [tilespmem:v14+s30+$0xFFFFE000 ss:$0x1], $0xffff;
	v33 =	vadd.f32 v37, v33  }
0xc5: {  	v30 =	vadd.f32 v32, v30;
	v35 =	vmul.f32 v35, v21;
	v21 =	vld.idx.msk [tilespmem:v13+s30+$0xFFFFFFE0 ss:$0x1], $0xffff  }
0xc6: {  	v28 =	vadd.f32 v31, v28;
	v34 =	vmul.f32 v34, v22;
	v42 =	vld.idx.msk [tilespmem:v14+s30+$0xFFFFE010 ss:$0x1], $0xffff  }
0xc7: {  	v25 =	vadd.f32 v35, v25;
	v32 =	vmov v29;
	v22 =	vld.idx.msk [tilespmem:v13+s30+$0xFFFFFFF0 ss:$0x1], $0xffff  }
0xc8: {  	v29 =	vmul.f32 v40, v32;
	v24 =	vadd.f32 v34, v24;
	v37 =	vld.idx.msk [tilespmem:v14+s30+$0xFFFFE020 ss:$0x1], $0xffff  }
.Ltmp0:
0xc9: {  	v31 =	vmov v39;
	v38 =	vld.idx.msk [tilespmem:v14+s30+$0xFFFFE030 ss:$0x1], $0xffff;
	(pc) =	sbr.rel @p3 .LBB2_2-.Ltmp0, $4  }
0xca: {  	v34 =	vmul.f32 v41, v31;
	v23 =	vadd.f32 v29, v23;
	v36 =	vld.idx.msk [tilespmem:v14+s30+$0x0 ss:$0x1], $0xffff  }
0xcb: {  	v35 =	vld.idx.msk [tilespmem:v14+s30+$0x10 ss:$0x1], $0xffff  }
0xcc: {  	v26 =	vadd.f32 v34, v26;
	v39 =	vmul.f32 v42, v21;
	v34 =	vld.idx.msk [tilespmem:v14+s30+$0x20 ss:$0x1], $0xffff;
	s30 =	sshra.s32 s31, $0x2  }
0xcd: {  	s31 =	sadd.s32 $0x200, s31;
	v29 =	vld.idx.msk [tilespmem:v13+s30+$0x0 ss:$0x1], $0xffff  }
0xce: {  	_ =	sdelay $0x3  }
0xcf: {  	v40 =	vld.idx.msk [tilespmem:v13+s30+$0xFFFFFFD0 ss:$0x1], $0xffff  }
0xd0: {  	v41 =	vld.idx.msk [tilespmem:v14+s30+$0xFFFFE000 ss:$0x1], $0xffff  }
0xd1: {  	v42 =	vld.idx.msk [tilespmem:v13+s30+$0xFFFFFFE0 ss:$0x1], $0xffff  }
0xd2: {  	v43 =	vld.idx.msk [tilespmem:v14+s30+$0xFFFFE010 ss:$0x1], $0xffff  }
0xd3: {  	v44 =	vld.idx.msk [tilespmem:v13+s30+$0xFFFFFFF0 ss:$0x1], $0xffff  }
0xd4: {  	v45 =	vld.idx.msk [tilespmem:v14+s30+$0xFFFFE020 ss:$0x1], $0xffff  }
0xd5: {  	v46 =	vld.idx.msk [tilespmem:v14+s30+$0xFFFFE030 ss:$0x1], $0xffff  }
0xd6: {  	v37 =	vmul.f32 v37, v22;
	v32 =	vmul.f32 v38, v32;
	v56 =	vld.idx.msk [tilespmem:v14+s30+$0x0 ss:$0x1], $0xffff  }
0xd7: {  	v27 =	vadd.f32 v39, v27;
	v58 =	vld.idx.msk [tilespmem:v14+s30+$0x10 ss:$0x1], $0xffff;
	v31 =	vmul.f32 v36, v31;
	v57 =	vmul.f32 v41, v40  }
0xd8: {  	v60 =	vld.idx.msk [tilespmem:v14+s30+$0x20 ss:$0x1], $0xffff;
	v33 =	vadd.f32 v37, v33;
	v30 =	vadd.f32 v32, v30;
	v59 =	vmul.f32 v43, v42  }
0xd9: {  	v35 =	vmul.f32 v35, v21;
	v61 =	vmul.f32 v45, v44;
	v21 =	vadd.f32 v57, v26;
	v26 =	vld.idx.msk [tilespmem:v14+s30+$0x30 ss:$0x1], $0xffff  }
0xda: {  	v28 =	vadd.f32 v31, v28;
	v31 =	vmul.f32 v46, v29;
	v27 =	vadd.f32 v59, v27  }
0xdb: {  	v22 =	vmul.f32 v34, v22;
	v63 =	vmul.f32 v56, v40;
	v62 =	vadd.f32 v61, v33;
	[tilespmem:$0x1CA80] =	vst v21  }
0xdc: {  	v25 =	vadd.f32 v35, v25;
	v30 =	vadd.f32 v31, v30;
	v31 =	vmul.f32 v58, v42;
	[tilespmem:$0x1CA90] =	vst v27  }
0xdd: {  	v24 =	vadd.f32 v22, v24;
	v22 =	vadd.f32 v63, v28;
	v27 =	vmul.f32 v60, v44;
	[tilespmem:$0x1CAA0] =	vst v62  }
0xde: {  	v25 =	vadd.f32 v31, v25;
	[tilespmem:$0x1CAB0] =	vst v30;
	v26 =	vmul.f32 v26, v29  }
0xdf: {  	[tilespmem:$0x1CB00] =	vst v22;
	v24 =	vadd.f32 v27, v24  }
0xe0: {  	[tilespmem:$0x1CB10] =	vst v25;
	v23 =	vadd.f32 v26, v23  }
0xe1: {  	[tilespmem:$0x1CB20] =	vst v24  }
0xe2: {  	[tilespmem:$0x1CB30] =	vst v23  }
0xe3: {  	_ =	swait.ge [sflag:s21], $0x4000  }
0xe4: {  	[sflag:s21] =	ssyncset.done $0x0  }
0xe5: {  	s3 =	simm.s32 $0x0;
	[sflag:s21] =	ssyncadd.s32 $0xFFFFC000  }
0xe6: {  	v34 =	vld.idx.msk [tilespmem:v15+s3+$0x10 ss:$0x1], $0xffff  }
0xe7: {  	v25 =	vld.idx.msk [tilespmem:v16+s3+$0x6030 ss:$0x1], $0xffff  }
0xe8: {  	v33 =	vld.idx.msk [tilespmem:v15+s3+$0xFFFFFFE0 ss:$0x1], $0xffff  }
0xe9: {  	v26 =	vld.idx.msk [tilespmem:v16+s3+$0x4000 ss:$0x1], $0xffff  }
0xea: {  	v23 =	vld.idx.msk [tilespmem:v15+s3+$0xFFFFFFF0 ss:$0x1], $0xffff  }
0xeb: {  	v27 =	vld.idx.msk [tilespmem:v16+s3+$0x4010 ss:$0x1], $0xffff  }
0xec: {  	v24 =	vld.idx.msk [tilespmem:v15+s3+$0x0 ss:$0x1], $0xffff  }
0xed: {  	v39 =	vld.idx.msk [tilespmem:v16+s3+$0x4020 ss:$0x1], $0xffff  }
0xee: {  	v40 =	vld.idx.msk [tilespmem:v16+s3+$0x4030 ss:$0x1], $0xffff  }
0xef: {  	v32 =	vimm.f32 $0.0e+00;
	v35 =	vimm.f32 $0.0e+00;
	v38 =	vld.idx.msk [tilespmem:v16+s3+$0x6000 ss:$0x1], $0xffff  }
0xf0: {  	v30 =	vimm.f32 $0.0e+00;
	v37 =	vld.idx.msk [tilespmem:v16+s3+$0x6010 ss:$0x1], $0xffff;
	v25 =	vmul.f32 v25, v34;
	v26 =	vmul.f32 v26, v33  }
0xf1: {  	s30 =	simm.s32 $0x80;
	v29 =	vimm.f32 $0.0e+00;
	v36 =	vld.idx.msk [tilespmem:v16+s3+$0x6020 ss:$0x1], $0xffff;
	v41 =	vmul.f32 v27, v23;
	v27 =	vimm.f32 $0.0e+00  }
0xf2: {  	s31 =	simm.s32 $0x400;
	v31 =	vld.idx.msk [tilespmem:v15+s30+$0x10 ss:$0x1], $0xffff;
	v25 =	vadd.f32 v25, v29;
	v28 =	vadd.f32 v26, v29;
	v26 =	vimm.f32 $0.0e+00  }
.LBB2_4:
0xf3: {  	p3 =	sne.s32 s31, $0x7E00;
	v42 =	vld.idx.msk [tilespmem:v16+s30+$0x6030 ss:$0x1], $0xffff;
	v29 =	vadd.f32 v41, v29;
	v39 =	vmul.f32 v39, v24  }
0xf4: {  	v34 =	vmul.f32 v40, v34;
	v41 =	vld.idx.msk [tilespmem:v15+s30+$0xFFFFFFE0 ss:$0x1], $0xffff  }
0xf5: {  	v33 =	vmul.f32 v38, v33;
	v43 =	vld.idx.msk [tilespmem:v16+s30+$0x4000 ss:$0x1], $0xffff;
	v35 =	vadd.f32 v39, v35  }
0xf6: {  	v32 =	vadd.f32 v34, v32;
	v37 =	vmul.f32 v37, v23;
	v23 =	vld.idx.msk [tilespmem:v15+s30+$0xFFFFFFF0 ss:$0x1], $0xffff  }
0xf7: {  	v30 =	vadd.f32 v33, v30;
	v36 =	vmul.f32 v36, v24;
	v44 =	vld.idx.msk [tilespmem:v16+s30+$0x4010 ss:$0x1], $0xffff  }
0xf8: {  	v27 =	vadd.f32 v37, v27;
	v34 =	vmov v31;
	v24 =	vld.idx.msk [tilespmem:v15+s30+$0x0 ss:$0x1], $0xffff  }
0xf9: {  	v31 =	vmul.f32 v42, v34;
	v26 =	vadd.f32 v36, v26;
	v39 =	vld.idx.msk [tilespmem:v16+s30+$0x4020 ss:$0x1], $0xffff  }
.Ltmp1:
0xfa: {  	v33 =	vmov v41;
	v40 =	vld.idx.msk [tilespmem:v16+s30+$0x4030 ss:$0x1], $0xffff;
	(pc) =	sbr.rel @p3 .LBB2_4-.Ltmp1, $4  }
0xfb: {  	v36 =	vmul.f32 v43, v33;
	v25 =	vadd.f32 v31, v25;
	v38 =	vld.idx.msk [tilespmem:v16+s30+$0x6000 ss:$0x1], $0xffff  }
0xfc: {  	v37 =	vld.idx.msk [tilespmem:v16+s30+$0x6010 ss:$0x1], $0xffff  }
0xfd: {  	v28 =	vadd.f32 v36, v28;
	v41 =	vmul.f32 v44, v23;
	v36 =	vld.idx.msk [tilespmem:v16+s30+$0x6020 ss:$0x1], $0xffff;
	s30 =	sshra.s32 s31, $0x2  }
0xfe: {  	s31 =	sadd.s32 $0x200, s31;
	v31 =	vld.idx.msk [tilespmem:v15+s30+$0x10 ss:$0x1], $0xffff  }
0xff: {  	_ =	sdelay $0x3  }
0x100: {  	v42 =	vld.idx.msk [tilespmem:v15+s30+$0xFFFFFFE0 ss:$0x1], $0xffff  }
0x101: {  	v43 =	vld.idx.msk [tilespmem:v16+s30+$0x4000 ss:$0x1], $0xffff  }
0x102: {  	v44 =	vld.idx.msk [tilespmem:v15+s30+$0xFFFFFFF0 ss:$0x1], $0xffff  }
0x103: {  	v45 =	vld.idx.msk [tilespmem:v16+s30+$0x4010 ss:$0x1], $0xffff  }
0x104: {  	v46 =	vld.idx.msk [tilespmem:v15+s30+$0x0 ss:$0x1], $0xffff  }
0x105: {  	v47 =	vld.idx.msk [tilespmem:v16+s30+$0x4020 ss:$0x1], $0xffff  }
0x106: {  	v48 =	vld.idx.msk [tilespmem:v16+s30+$0x4030 ss:$0x1], $0xffff  }
0x107: {  	v39 =	vmul.f32 v39, v24;
	v34 =	vmul.f32 v40, v34;
	v54 =	vld.idx.msk [tilespmem:v16+s30+$0x6000 ss:$0x1], $0xffff  }
0x108: {  	v29 =	vadd.f32 v41, v29;
	v56 =	vld.idx.msk [tilespmem:v16+s30+$0x6010 ss:$0x1], $0xffff;
	v33 =	vmul.f32 v38, v33;
	v55 =	vmul.f32 v43, v42  }
0x109: {  	v58 =	vld.idx.msk [tilespmem:v16+s30+$0x6020 ss:$0x1], $0xffff;
	v35 =	vadd.f32 v39, v35;
	v32 =	vadd.f32 v34, v32;
	v57 =	vmul.f32 v45, v44  }
0x10a: {  	v37 =	vmul.f32 v37, v23;
	v59 =	vmul.f32 v47, v46;
	v23 =	vadd.f32 v55, v28;
	v28 =	vld.idx.msk [tilespmem:v16+s30+$0x6030 ss:$0x1], $0xffff  }
0x10b: {  	v30 =	vadd.f32 v33, v30;
	v60 =	vmul.f32 v48, v31;
	v29 =	vadd.f32 v57, v29  }
0x10c: {  	v24 =	vmul.f32 v36, v24;
	v62 =	vmul.f32 v54, v42;
	v61 =	vadd.f32 v59, v35;
	[tilespmem:$0x1CB80] =	vst v23  }
0x10d: {  	v27 =	vadd.f32 v37, v27;
	v63 =	vmul.f32 v56, v44;
	v32 =	vadd.f32 v60, v32;
	[tilespmem:$0x1CB90] =	vst v29  }
0x10e: {  	v26 =	vadd.f32 v24, v26;
	v24 =	vadd.f32 v62, v30;
	v29 =	vmul.f32 v58, v46;
	[tilespmem:$0x1CBA0] =	vst v61  }
0x10f: {  	v27 =	vadd.f32 v63, v27;
	[tilespmem:$0x1CBB0] =	vst v32;
	v28 =	vmul.f32 v28, v31  }
0x110: {  	[tilespmem:$0x1CC00] =	vst v24;
	v26 =	vadd.f32 v29, v26  }
0x111: {  	[tilespmem:$0x1CC10] =	vst v27;
	v25 =	vadd.f32 v28, v25  }
0x112: {  	[tilespmem:$0x1CC20] =	vst v26  }
0x113: {  	[tilespmem:$0x1CC30] =	vst v25  }
0x114: {  	_ =	swait.ge [sflag:s21], $0x4000  }
0x115: {  	[sflag:s21] =	ssyncset.done $0x0  }
0x116: {  	s3 =	simm.s32 $0x0;
	[sflag:s21] =	ssyncadd.s32 $0xFFFFC000  }
0x117: {  	v36 =	vld.idx.msk [tilespmem:v15+s3+$0x10 ss:$0x1], $0xffff  }
0x118: {  	v27 =	vld.idx.msk [tilespmem:v16+s3+$0xA030 ss:$0x1], $0xffff  }
0x119: {  	v35 =	vld.idx.msk [tilespmem:v15+s3+$0xFFFFFFE0 ss:$0x1], $0xffff  }
0x11a: {  	v28 =	vld.idx.msk [tilespmem:v16+s3+$0x8000 ss:$0x1], $0xffff  }
0x11b: {  	v25 =	vld.idx.msk [tilespmem:v15+s3+$0xFFFFFFF0 ss:$0x1], $0xffff  }
0x11c: {  	v29 =	vld.idx.msk [tilespmem:v16+s3+$0x8010 ss:$0x1], $0xffff  }
0x11d: {  	v26 =	vld.idx.msk [tilespmem:v15+s3+$0x0 ss:$0x1], $0xffff  }
0x11e: {  	v41 =	vld.idx.msk [tilespmem:v16+s3+$0x8020 ss:$0x1], $0xffff  }
0x11f: {  	v42 =	vld.idx.msk [tilespmem:v16+s3+$0x8030 ss:$0x1], $0xffff  }
0x120: {  	v34 =	vimm.f32 $0.0e+00;
	v37 =	vimm.f32 $0.0e+00;
	v40 =	vld.idx.msk [tilespmem:v16+s3+$0xA000 ss:$0x1], $0xffff  }
0x121: {  	v32 =	vimm.f32 $0.0e+00;
	v39 =	vld.idx.msk [tilespmem:v16+s3+$0xA010 ss:$0x1], $0xffff;
	v27 =	vmul.f32 v27, v36;
	v28 =	vmul.f32 v28, v35  }
0x122: {  	s30 =	simm.s32 $0x80;
	v31 =	vimm.f32 $0.0e+00;
	v38 =	vld.idx.msk [tilespmem:v16+s3+$0xA020 ss:$0x1], $0xffff;
	v43 =	vmul.f32 v29, v25;
	v29 =	vimm.f32 $0.0e+00  }
0x123: {  	s31 =	simm.s32 $0x400;
	v33 =	vld.idx.msk [tilespmem:v15+s30+$0x10 ss:$0x1], $0xffff;
	v27 =	vadd.f32 v27, v31;
	v30 =	vadd.f32 v28, v31;
	v28 =	vimm.f32 $0.0e+00  }
.LBB2_6:
0x124: {  	p3 =	sne.s32 s31, $0x7E00;
	v44 =	vld.idx.msk [tilespmem:v16+s30+$0xA030 ss:$0x1], $0xffff;
	v31 =	vadd.f32 v43, v31;
	v41 =	vmul.f32 v41, v26  }
0x125: {  	v36 =	vmul.f32 v42, v36;
	v43 =	vld.idx.msk [tilespmem:v15+s30+$0xFFFFFFE0 ss:$0x1], $0xffff  }
0x126: {  	v35 =	vmul.f32 v40, v35;
	v45 =	vld.idx.msk [tilespmem:v16+s30+$0x8000 ss:$0x1], $0xffff;
	v37 =	vadd.f32 v41, v37  }
0x127: {  	v34 =	vadd.f32 v36, v34;
	v39 =	vmul.f32 v39, v25;
	v25 =	vld.idx.msk [tilespmem:v15+s30+$0xFFFFFFF0 ss:$0x1], $0xffff  }
0x128: {  	v32 =	vadd.f32 v35, v32;
	v38 =	vmul.f32 v38, v26;
	v46 =	vld.idx.msk [tilespmem:v16+s30+$0x8010 ss:$0x1], $0xffff  }
0x129: {  	v29 =	vadd.f32 v39, v29;
	v36 =	vmov v33;
	v26 =	vld.idx.msk [tilespmem:v15+s30+$0x0 ss:$0x1], $0xffff  }
0x12a: {  	v33 =	vmul.f32 v44, v36;
	v28 =	vadd.f32 v38, v28;
	v41 =	vld.idx.msk [tilespmem:v16+s30+$0x8020 ss:$0x1], $0xffff  }
.Ltmp2:
0x12b: {  	v35 =	vmov v43;
	v42 =	vld.idx.msk [tilespmem:v16+s30+$0x8030 ss:$0x1], $0xffff;
	(pc) =	sbr.rel @p3 .LBB2_6-.Ltmp2, $4  }
0x12c: {  	v38 =	vmul.f32 v45, v35;
	v27 =	vadd.f32 v33, v27;
	v40 =	vld.idx.msk [tilespmem:v16+s30+$0xA000 ss:$0x1], $0xffff  }
0x12d: {  	v39 =	vld.idx.msk [tilespmem:v16+s30+$0xA010 ss:$0x1], $0xffff  }
0x12e: {  	v30 =	vadd.f32 v38, v30;
	v43 =	vmul.f32 v46, v25;
	v38 =	vld.idx.msk [tilespmem:v16+s30+$0xA020 ss:$0x1], $0xffff;
	s30 =	sshra.s32 s31, $0x2  }
0x12f: {  	s31 =	sadd.s32 $0x200, s31;
	v33 =	vld.idx.msk [tilespmem:v15+s30+$0x10 ss:$0x1], $0xffff  }
0x130: {  	_ =	sdelay $0x3  }
0x131: {  	v44 =	vld.idx.msk [tilespmem:v15+s30+$0xFFFFFFE0 ss:$0x1], $0xffff  }
0x132: {  	v45 =	vld.idx.msk [tilespmem:v16+s30+$0x8000 ss:$0x1], $0xffff  }
0x133: {  	v46 =	vld.idx.msk [tilespmem:v15+s30+$0xFFFFFFF0 ss:$0x1], $0xffff  }
0x134: {  	v47 =	vld.idx.msk [tilespmem:v16+s30+$0x8010 ss:$0x1], $0xffff  }
0x135: {  	v48 =	vld.idx.msk [tilespmem:v15+s30+$0x0 ss:$0x1], $0xffff  }
0x136: {  	v49 =	vld.idx.msk [tilespmem:v16+s30+$0x8020 ss:$0x1], $0xffff  }
0x137: {  	v50 =	vld.idx.msk [tilespmem:v16+s30+$0x8030 ss:$0x1], $0xffff  }
0x138: {  	v41 =	vmul.f32 v41, v26;
	v36 =	vmul.f32 v42, v36;
	v54 =	vld.idx.msk [tilespmem:v16+s30+$0xA000 ss:$0x1], $0xffff  }
0x139: {  	v31 =	vadd.f32 v43, v31;
	v56 =	vld.idx.msk [tilespmem:v16+s30+$0xA010 ss:$0x1], $0xffff;
	v35 =	vmul.f32 v40, v35;
	v55 =	vmul.f32 v45, v44  }
0x13a: {  	v58 =	vld.idx.msk [tilespmem:v16+s30+$0xA020 ss:$0x1], $0xffff;
	v37 =	vadd.f32 v41, v37;
	v34 =	vadd.f32 v36, v34;
	v57 =	vmul.f32 v47, v46  }
0x13b: {  	v39 =	vmul.f32 v39, v25;
	v59 =	vmul.f32 v49, v48;
	v25 =	vadd.f32 v55, v30;
	v30 =	vld.idx.msk [tilespmem:v16+s30+$0xA030 ss:$0x1], $0xffff  }
0x13c: {  	v32 =	vadd.f32 v35, v32;
	v60 =	vmul.f32 v50, v33;
	v31 =	vadd.f32 v57, v31  }
0x13d: {  	v26 =	vmul.f32 v38, v26;
	v62 =	vmul.f32 v54, v44;
	v61 =	vadd.f32 v59, v37;
	[tilespmem:$0x1CC80] =	vst v25  }
0x13e: {  	v29 =	vadd.f32 v39, v29;
	v63 =	vmul.f32 v56, v46;
	v34 =	vadd.f32 v60, v34;
	[tilespmem:$0x1CC90] =	vst v31  }
0x13f: {  	v28 =	vadd.f32 v26, v28;
	v26 =	vadd.f32 v62, v32;
	v31 =	vmul.f32 v58, v48;
	[tilespmem:$0x1CCA0] =	vst v61  }
0x140: {  	v29 =	vadd.f32 v63, v29;
	[tilespmem:$0x1CCB0] =	vst v34;
	v30 =	vmul.f32 v30, v33  }
0x141: {  	[tilespmem:$0x1CD00] =	vst v26;
	v28 =	vadd.f32 v31, v28  }
0x142: {  	[tilespmem:$0x1CD10] =	vst v29;
	v27 =	vadd.f32 v30, v27  }
0x143: {  	[tilespmem:$0x1CD20] =	vst v28  }
0x144: {  	[tilespmem:$0x1CD30] =	vst v27  }
0x145: {  	_ =	swait.ge [sflag:s21], $0x4000  }
0x146: {  	[sflag:s21] =	ssyncset.done $0x0  }
0x147: {  	s3 =	simm.s32 $0x0;
	[sflag:s21] =	ssyncadd.s32 $0xFFFFC000  }
0x148: {  	v38 =	vld.idx.msk [tilespmem:v15+s3+$0x10 ss:$0x1], $0xffff  }
0x149: {  	v29 =	vld.idx.msk [tilespmem:v16+s3+$0xE030 ss:$0x1], $0xffff  }
0x14a: {  	v37 =	vld.idx.msk [tilespmem:v15+s3+$0xFFFFFFE0 ss:$0x1], $0xffff  }
0x14b: {  	v30 =	vld.idx.msk [tilespmem:v16+s3+$0xC000 ss:$0x1], $0xffff  }
0x14c: {  	v27 =	vld.idx.msk [tilespmem:v15+s3+$0xFFFFFFF0 ss:$0x1], $0xffff  }
0x14d: {  	v31 =	vld.idx.msk [tilespmem:v16+s3+$0xC010 ss:$0x1], $0xffff  }
0x14e: {  	v28 =	vld.idx.msk [tilespmem:v15+s3+$0x0 ss:$0x1], $0xffff  }
0x14f: {  	v43 =	vld.idx.msk [tilespmem:v16+s3+$0xC020 ss:$0x1], $0xffff  }
0x150: {  	v44 =	vld.idx.msk [tilespmem:v16+s3+$0xC030 ss:$0x1], $0xffff  }
0x151: {  	v36 =	vimm.f32 $0.0e+00;
	v39 =	vimm.f32 $0.0e+00;
	v42 =	vld.idx.msk [tilespmem:v16+s3+$0xE000 ss:$0x1], $0xffff  }
0x152: {  	v34 =	vimm.f32 $0.0e+00;
	v41 =	vld.idx.msk [tilespmem:v16+s3+$0xE010 ss:$0x1], $0xffff;
	v29 =	vmul.f32 v29, v38;
	v30 =	vmul.f32 v30, v37  }
0x153: {  	s30 =	simm.s32 $0x80;
	v33 =	vimm.f32 $0.0e+00;
	v40 =	vld.idx.msk [tilespmem:v16+s3+$0xE020 ss:$0x1], $0xffff;
	v45 =	vmul.f32 v31, v27;
	v31 =	vimm.f32 $0.0e+00  }
0x154: {  	s31 =	simm.s32 $0x400;
	v35 =	vld.idx.msk [tilespmem:v15+s30+$0x10 ss:$0x1], $0xffff;
	v29 =	vadd.f32 v29, v33;
	v32 =	vadd.f32 v30, v33;
	v30 =	vimm.f32 $0.0e+00  }
.LBB2_8:
0x155: {  	p3 =	sne.s32 s31, $0x7E00;
	v46 =	vld.idx.msk [tilespmem:v16+s30+$0xE030 ss:$0x1], $0xffff;
	v33 =	vadd.f32 v45, v33;
	v43 =	vmul.f32 v43, v28  }
0x156: {  	v38 =	vmul.f32 v44, v38;
	v45 =	vld.idx.msk [tilespmem:v15+s30+$0xFFFFFFE0 ss:$0x1], $0xffff  }
0x157: {  	v37 =	vmul.f32 v42, v37;
	v47 =	vld.idx.msk [tilespmem:v16+s30+$0xC000 ss:$0x1], $0xffff;
	v39 =	vadd.f32 v43, v39  }
0x158: {  	v36 =	vadd.f32 v38, v36;
	v41 =	vmul.f32 v41, v27;
	v27 =	vld.idx.msk [tilespmem:v15+s30+$0xFFFFFFF0 ss:$0x1], $0xffff  }
0x159: {  	v34 =	vadd.f32 v37, v34;
	v40 =	vmul.f32 v40, v28;
	v48 =	vld.idx.msk [tilespmem:v16+s30+$0xC010 ss:$0x1], $0xffff  }
0x15a: {  	v31 =	vadd.f32 v41, v31;
	v38 =	vmov v35;
	v28 =	vld.idx.msk [tilespmem:v15+s30+$0x0 ss:$0x1], $0xffff  }
0x15b: {  	v35 =	vmul.f32 v46, v38;
	v30 =	vadd.f32 v40, v30;
	v43 =	vld.idx.msk [tilespmem:v16+s30+$0xC020 ss:$0x1], $0xffff  }
.Ltmp3:
0x15c: {  	v37 =	vmov v45;
	v44 =	vld.idx.msk [tilespmem:v16+s30+$0xC030 ss:$0x1], $0xffff;
	(pc) =	sbr.rel @p3 .LBB2_8-.Ltmp3, $4  }
0x15d: {  	v40 =	vmul.f32 v47, v37;
	v29 =	vadd.f32 v35, v29;
	v42 =	vld.idx.msk [tilespmem:v16+s30+$0xE000 ss:$0x1], $0xffff  }
0x15e: {  	v41 =	vld.idx.msk [tilespmem:v16+s30+$0xE010 ss:$0x1], $0xffff  }
0x15f: {  	v32 =	vadd.f32 v40, v32;
	v45 =	vmul.f32 v48, v27;
	v40 =	vld.idx.msk [tilespmem:v16+s30+$0xE020 ss:$0x1], $0xffff;
	s30 =	sshra.s32 s31, $0x2  }
0x160: {  	s31 =	sadd.s32 $0x200, s31;
	v35 =	vld.idx.msk [tilespmem:v15+s30+$0x10 ss:$0x1], $0xffff  }
0x161: {  	_ =	sdelay $0x3  }
0x162: {  	v46 =	vld.idx.msk [tilespmem:v15+s30+$0xFFFFFFE0 ss:$0x1], $0xffff  }
0x163: {  	v47 =	vld.idx.msk [tilespmem:v16+s30+$0xC000 ss:$0x1], $0xffff  }
0x164: {  	v48 =	vld.idx.msk [tilespmem:v15+s30+$0xFFFFFFF0 ss:$0x1], $0xffff  }
0x165: {  	v49 =	vld.idx.msk [tilespmem:v16+s30+$0xC010 ss:$0x1], $0xffff  }
0x166: {  	v50 =	vld.idx.msk [tilespmem:v15+s30+$0x0 ss:$0x1], $0xffff  }
0x167: {  	v51 =	vld.idx.msk [tilespmem:v16+s30+$0xC020 ss:$0x1], $0xffff  }
0x168: {  	v52 =	vld.idx.msk [tilespmem:v16+s30+$0xC030 ss:$0x1], $0xffff  }
0x169: {  	v43 =	vmul.f32 v43, v28;
	v38 =	vmul.f32 v44, v38;
	v61 =	vld.idx.msk [tilespmem:v16+s30+$0xE000 ss:$0x1], $0xffff  }
0x16a: {  	v33 =	vadd.f32 v45, v33;
	v63 =	vld.idx.msk [tilespmem:v16+s30+$0xE010 ss:$0x1], $0xffff;
	v37 =	vmul.f32 v42, v37;
	v62 =	vmul.f32 v47, v46  }
0x16b: {  	v54 =	vld.idx.msk [tilespmem:v16+s30+$0xE020 ss:$0x1], $0xffff;
	v39 =	vadd.f32 v43, v39;
	v36 =	vadd.f32 v38, v36;
	v53 =	vmul.f32 v49, v48  }
0x16c: {  	v55 =	vld.idx.msk [tilespmem:v16+s30+$0xE030 ss:$0x1], $0xffff;
	v41 =	vmul.f32 v41, v27;
	v56 =	vmul.f32 v51, v50;
	v27 =	vadd.f32 v62, v32  }
0x16d: {  	v34 =	vadd.f32 v37, v34;
	v57 =	vmul.f32 v52, v35;
	v33 =	vadd.f32 v53, v33  }
0x16e: {  	v28 =	vmul.f32 v40, v28;
	v59 =	vmul.f32 v61, v46;
	v58 =	vadd.f32 v56, v39;
	[tilespmem:$0x1CD80] =	vst v27  }
0x16f: {  	v31 =	vadd.f32 v41, v31;
	v60 =	vmul.f32 v63, v48;
	v36 =	vadd.f32 v57, v36;
	[tilespmem:$0x1CD90] =	vst v33  }
0x170: {  	v30 =	vadd.f32 v28, v30;
	v61 =	vmul.f32 v54, v50;
	v28 =	vadd.f32 v59, v34;
	[tilespmem:$0x1CDA0] =	vst v58  }
0x171: {  	v32 =	vmul.f32 v55, v35;
	v31 =	vadd.f32 v60, v31;
	[tilespmem:$0x1CDB0] =	vst v36  }
0x172: {  	v30 =	vadd.f32 v61, v30;
	[tilespmem:$0x1CE00] =	vst v28  }
0x173: {  	v29 =	vadd.f32 v32, v29;
	[tilespmem:$0x1CE10] =	vst v31  }
0x174: {  	[tilespmem:$0x1CE20] =	vst v30  }
0x175: {  	[tilespmem:$0x1CE30] =	vst v29  }
0x176: {  	_ =	swait.ge [sflag:s21], $0x4000  }
0x177: {  	[sflag:s21] =	ssyncset.done $0x0  }
0x178: {  	s3 =	simm.s32 $0x0;
	[sflag:s21] =	ssyncadd.s32 $0xFFFFC000  }
0x179: {  	v40 =	vld.idx.msk [tilespmem:v15+s3+$0x10 ss:$0x1], $0xffff  }
0x17a: {  	v31 =	vld.idx.msk [tilespmem:v16+s3+$0x12030 ss:$0x1], $0xffff  }
0x17b: {  	v39 =	vld.idx.msk [tilespmem:v15+s3+$0xFFFFFFE0 ss:$0x1], $0xffff  }
0x17c: {  	v62 =	vld.idx.msk [tilespmem:v16+s3+$0x10000 ss:$0x1], $0xffff  }
0x17d: {  	v29 =	vld.idx.msk [tilespmem:v15+s3+$0xFFFFFFF0 ss:$0x1], $0xffff  }
0x17e: {  	v63 =	vld.idx.msk [tilespmem:v16+s3+$0x10010 ss:$0x1], $0xffff  }
0x17f: {  	v30 =	vld.idx.msk [tilespmem:v15+s3+$0x0 ss:$0x1], $0xffff  }
0x180: {  	v45 =	vld.idx.msk [tilespmem:v16+s3+$0x10020 ss:$0x1], $0xffff  }
0x181: {  	v46 =	vld.idx.msk [tilespmem:v16+s3+$0x10030 ss:$0x1], $0xffff  }
0x182: {  	v38 =	vimm.f32 $0.0e+00;
	v41 =	vimm.f32 $0.0e+00;
	v44 =	vld.idx.msk [tilespmem:v16+s3+$0x12000 ss:$0x1], $0xffff  }
0x183: {  	v35 =	vimm.f32 $0.0e+00;
	v43 =	vld.idx.msk [tilespmem:v16+s3+$0x12010 ss:$0x1], $0xffff;
	v31 =	vmul.f32 v31, v40;
	v32 =	vmul.f32 v62, v39  }
0x184: {  	s30 =	simm.s32 $0x80;
	v36 =	vimm.f32 $0.0e+00;
	v33 =	vimm.f32 $0.0e+00;
	v42 =	vld.idx.msk [tilespmem:v16+s3+$0x12020 ss:$0x1], $0xffff;
	v47 =	vmul.f32 v63, v29  }
0x185: {  	s31 =	simm.s32 $0x400;
	v37 =	vld.idx.msk [tilespmem:v15+s30+$0x10 ss:$0x1], $0xffff;
	v31 =	vadd.f32 v31, v35;
	v34 =	vadd.f32 v32, v35;
	v32 =	vimm.f32 $0.0e+00  }
.LBB2_10:
0x186: {  	p3 =	sne.s32 s31, $0x7E00;
	v48 =	vld.idx.msk [tilespmem:v16+s30+$0x12030 ss:$0x1], $0xffff;
	v35 =	vadd.f32 v47, v35;
	v45 =	vmul.f32 v45, v30  }
0x187: {  	v40 =	vmul.f32 v46, v40;
	v47 =	vld.idx.msk [tilespmem:v15+s30+$0xFFFFFFE0 ss:$0x1], $0xffff  }
0x188: {  	v39 =	vmul.f32 v44, v39;
	v49 =	vld.idx.msk [tilespmem:v16+s30+$0x10000 ss:$0x1], $0xffff;
	v41 =	vadd.f32 v45, v41  }
0x189: {  	v38 =	vadd.f32 v40, v38;
	v43 =	vmul.f32 v43, v29;
	v29 =	vld.idx.msk [tilespmem:v15+s30+$0xFFFFFFF0 ss:$0x1], $0xffff  }
0x18a: {  	v36 =	vadd.f32 v39, v36;
	v42 =	vmul.f32 v42, v30;
	v50 =	vld.idx.msk [tilespmem:v16+s30+$0x10010 ss:$0x1], $0xffff  }
0x18b: {  	v33 =	vadd.f32 v43, v33;
	v40 =	vmov v37;
	v30 =	vld.idx.msk [tilespmem:v15+s30+$0x0 ss:$0x1], $0xffff  }
0x18c: {  	v37 =	vmul.f32 v48, v40;
	v32 =	vadd.f32 v42, v32;
	v45 =	vld.idx.msk [tilespmem:v16+s30+$0x10020 ss:$0x1], $0xffff  }
.Ltmp4:
0x18d: {  	v39 =	vmov v47;
	v46 =	vld.idx.msk [tilespmem:v16+s30+$0x10030 ss:$0x1], $0xffff;
	(pc) =	sbr.rel @p3 .LBB2_10-.Ltmp4, $4  }
0x18e: {  	v42 =	vmul.f32 v49, v39;
	v31 =	vadd.f32 v37, v31;
	v44 =	vld.idx.msk [tilespmem:v16+s30+$0x12000 ss:$0x1], $0xffff  }
0x18f: {  	v43 =	vld.idx.msk [tilespmem:v16+s30+$0x12010 ss:$0x1], $0xffff  }
0x190: {  	v34 =	vadd.f32 v42, v34;
	v47 =	vmul.f32 v50, v29;
	v42 =	vld.idx.msk [tilespmem:v16+s30+$0x12020 ss:$0x1], $0xffff;
	s30 =	sshra.s32 s31, $0x2  }
0x191: {  	s31 =	sadd.s32 $0x200, s31;
	v37 =	vld.idx.msk [tilespmem:v15+s30+$0x10 ss:$0x1], $0xffff  }
0x192: {  	_ =	sdelay $0x3  }
0x193: {  	v48 =	vld.idx.msk [tilespmem:v15+s30+$0xFFFFFFE0 ss:$0x1], $0xffff  }
0x194: {  	v49 =	vld.idx.msk [tilespmem:v16+s30+$0x10000 ss:$0x1], $0xffff  }
0x195: {  	v50 =	vld.idx.msk [tilespmem:v15+s30+$0xFFFFFFF0 ss:$0x1], $0xffff  }
0x196: {  	v51 =	vld.idx.msk [tilespmem:v16+s30+$0x10010 ss:$0x1], $0xffff  }
0x197: {  	v52 =	vld.idx.msk [tilespmem:v15+s30+$0x0 ss:$0x1], $0xffff  }
0x198: {  	v53 =	vld.idx.msk [tilespmem:v16+s30+$0x10020 ss:$0x1], $0xffff  }
0x199: {  	v54 =	vld.idx.msk [tilespmem:v16+s30+$0x10030 ss:$0x1], $0xffff  }
0x19a: {  	v45 =	vmul.f32 v45, v30;
	v40 =	vmul.f32 v46, v40;
	v60 =	vld.idx.msk [tilespmem:v16+s30+$0x12000 ss:$0x1], $0xffff  }
0x19b: {  	v35 =	vadd.f32 v47, v35;
	v62 =	vld.idx.msk [tilespmem:v16+s30+$0x12010 ss:$0x1], $0xffff;
	v39 =	vmul.f32 v44, v39;
	v61 =	vmul.f32 v49, v48  }
0x19c: {  	v41 =	vadd.f32 v45, v41;
	v38 =	vadd.f32 v40, v38;
	v63 =	vmul.f32 v51, v50;
	v49 =	vld.idx.msk [tilespmem:v16+s30+$0x12020 ss:$0x1], $0xffff  }
0x19d: {  	v43 =	vmul.f32 v43, v29;
	v51 =	vld.idx.msk [tilespmem:v16+s30+$0x12030 ss:$0x1], $0xffff;
	v55 =	vmul.f32 v53, v52;
	v29 =	vadd.f32 v61, v34  }
0x19e: {  	v36 =	vadd.f32 v39, v36;
	v56 =	vmul.f32 v54, v37;
	v35 =	vadd.f32 v63, v35  }
0x19f: {  	v30 =	vmul.f32 v42, v30;
	v58 =	vmul.f32 v60, v48;
	v57 =	vadd.f32 v55, v41;
	[tilespmem:$0x1CE80] =	vst v29  }
0x1a0: {  	v33 =	vadd.f32 v43, v33;
	v59 =	vmul.f32 v62, v50;
	v38 =	vadd.f32 v56, v38;
	[tilespmem:$0x1CE90] =	vst v35  }
0x1a1: {  	v32 =	vadd.f32 v30, v32;
	v30 =	vadd.f32 v58, v36;
	[tilespmem:$0x1CEA0] =	vst v57;
	v60 =	vmul.f32 v49, v52  }
0x1a2: {  	v33 =	vadd.f32 v59, v33;
	[tilespmem:$0x1CEB0] =	vst v38;
	v34 =	vmul.f32 v51, v37  }
0x1a3: {  	[tilespmem:$0x1CF00] =	vst v30;
	v32 =	vadd.f32 v60, v32  }
0x1a4: {  	[tilespmem:$0x1CF10] =	vst v33;
	v31 =	vadd.f32 v34, v31  }
0x1a5: {  	[tilespmem:$0x1CF20] =	vst v32  }
0x1a6: {  	[tilespmem:$0x1CF30] =	vst v31  }
0x1a7: {  	_ =	swait.ge [sflag:s21], $0x4000  }
0x1a8: {  	[sflag:s21] =	ssyncset.done $0x0  }
0x1a9: {  	s3 =	simm.s32 $0x0;
	[sflag:s21] =	ssyncadd.s32 $0xFFFFC000  }
0x1aa: {  	v42 =	vld.idx.msk [tilespmem:v15+s3+$0x10 ss:$0x1], $0xffff  }
0x1ab: {  	v61 =	vld.idx.msk [tilespmem:v16+s3+$0x16030 ss:$0x1], $0xffff  }
0x1ac: {  	v41 =	vld.idx.msk [tilespmem:v15+s3+$0xFFFFFFE0 ss:$0x1], $0xffff  }
0x1ad: {  	v62 =	vld.idx.msk [tilespmem:v16+s3+$0x14000 ss:$0x1], $0xffff  }
0x1ae: {  	v31 =	vld.idx.msk [tilespmem:v15+s3+$0xFFFFFFF0 ss:$0x1], $0xffff  }
0x1af: {  	v63 =	vld.idx.msk [tilespmem:v16+s3+$0x14010 ss:$0x1], $0xffff  }
0x1b0: {  	v32 =	vld.idx.msk [tilespmem:v15+s3+$0x0 ss:$0x1], $0xffff  }
0x1b1: {  	v47 =	vld.idx.msk [tilespmem:v16+s3+$0x14020 ss:$0x1], $0xffff  }
0x1b2: {  	v48 =	vld.idx.msk [tilespmem:v16+s3+$0x14030 ss:$0x1], $0xffff  }
0x1b3: {  	v40 =	vimm.f32 $0.0e+00;
	v43 =	vimm.f32 $0.0e+00;
	v46 =	vld.idx.msk [tilespmem:v16+s3+$0x16000 ss:$0x1], $0xffff  }
0x1b4: {  	v38 =	vimm.f32 $0.0e+00;
	v45 =	vld.idx.msk [tilespmem:v16+s3+$0x16010 ss:$0x1], $0xffff;
	v33 =	vmul.f32 v61, v42;
	v34 =	vmul.f32 v62, v41  }
0x1b5: {  	s30 =	simm.s32 $0x80;
	v35 =	vimm.f32 $0.0e+00;
	v37 =	vimm.f32 $0.0e+00;
	v44 =	vld.idx.msk [tilespmem:v16+s3+$0x16020 ss:$0x1], $0xffff;
	v49 =	vmul.f32 v63, v31  }
0x1b6: {  	s31 =	simm.s32 $0x400;
	v39 =	vld.idx.msk [tilespmem:v15+s30+$0x10 ss:$0x1], $0xffff;
	v33 =	vadd.f32 v33, v37;
	v36 =	vadd.f32 v34, v37;
	v34 =	vimm.f32 $0.0e+00  }
.LBB2_12:
0x1b7: {  	p3 =	sne.s32 s31, $0x7E00;
	v50 =	vld.idx.msk [tilespmem:v16+s30+$0x16030 ss:$0x1], $0xffff;
	v37 =	vadd.f32 v49, v37;
	v47 =	vmul.f32 v47, v32  }
0x1b8: {  	v42 =	vmul.f32 v48, v42;
	v49 =	vld.idx.msk [tilespmem:v15+s30+$0xFFFFFFE0 ss:$0x1], $0xffff  }
0x1b9: {  	v41 =	vmul.f32 v46, v41;
	v51 =	vld.idx.msk [tilespmem:v16+s30+$0x14000 ss:$0x1], $0xffff;
	v43 =	vadd.f32 v47, v43  }
0x1ba: {  	v40 =	vadd.f32 v42, v40;
	v45 =	vmul.f32 v45, v31;
	v31 =	vld.idx.msk [tilespmem:v15+s30+$0xFFFFFFF0 ss:$0x1], $0xffff  }
0x1bb: {  	v38 =	vadd.f32 v41, v38;
	v44 =	vmul.f32 v44, v32;
	v52 =	vld.idx.msk [tilespmem:v16+s30+$0x14010 ss:$0x1], $0xffff  }
0x1bc: {  	v35 =	vadd.f32 v45, v35;
	v42 =	vmov v39;
	v32 =	vld.idx.msk [tilespmem:v15+s30+$0x0 ss:$0x1], $0xffff  }
0x1bd: {  	v39 =	vmul.f32 v50, v42;
	v34 =	vadd.f32 v44, v34;
	v47 =	vld.idx.msk [tilespmem:v16+s30+$0x14020 ss:$0x1], $0xffff  }
.Ltmp5:
0x1be: {  	v41 =	vmov v49;
	v48 =	vld.idx.msk [tilespmem:v16+s30+$0x14030 ss:$0x1], $0xffff;
	(pc) =	sbr.rel @p3 .LBB2_12-.Ltmp5, $4  }
0x1bf: {  	v44 =	vmul.f32 v51, v41;
	v33 =	vadd.f32 v39, v33;
	v46 =	vld.idx.msk [tilespmem:v16+s30+$0x16000 ss:$0x1], $0xffff  }
0x1c0: {  	v45 =	vld.idx.msk [tilespmem:v16+s30+$0x16010 ss:$0x1], $0xffff  }
0x1c1: {  	v36 =	vadd.f32 v44, v36;
	v49 =	vmul.f32 v52, v31;
	v44 =	vld.idx.msk [tilespmem:v16+s30+$0x16020 ss:$0x1], $0xffff;
	s30 =	sshra.s32 s31, $0x2  }
0x1c2: {  	s31 =	sadd.s32 $0x200, s31;
	v39 =	vld.idx.msk [tilespmem:v15+s30+$0x10 ss:$0x1], $0xffff  }
0x1c3: {  	_ =	sdelay $0x3  }
0x1c4: {  	v50 =	vld.idx.msk [tilespmem:v15+s30+$0xFFFFFFE0 ss:$0x1], $0xffff  }
0x1c5: {  	v51 =	vld.idx.msk [tilespmem:v16+s30+$0x14000 ss:$0x1], $0xffff  }
0x1c6: {  	v52 =	vld.idx.msk [tilespmem:v15+s30+$0xFFFFFFF0 ss:$0x1], $0xffff  }
0x1c7: {  	v53 =	vld.idx.msk [tilespmem:v16+s30+$0x14010 ss:$0x1], $0xffff  }
0x1c8: {  	v54 =	vld.idx.msk [tilespmem:v15+s30+$0x0 ss:$0x1], $0xffff  }
0x1c9: {  	v55 =	vld.idx.msk [tilespmem:v16+s30+$0x14020 ss:$0x1], $0xffff  }
0x1ca: {  	v56 =	vld.idx.msk [tilespmem:v16+s30+$0x14030 ss:$0x1], $0xffff  }
0x1cb: {  	v47 =	vmul.f32 v47, v32;
	v42 =	vmul.f32 v48, v42;
	v60 =	vld.idx.msk [tilespmem:v16+s30+$0x16000 ss:$0x1], $0xffff  }
0x1cc: {  	v37 =	vadd.f32 v49, v37;
	v62 =	vld.idx.msk [tilespmem:v16+s30+$0x16010 ss:$0x1], $0xffff;
	v41 =	vmul.f32 v46, v41;
	v61 =	vmul.f32 v51, v50  }
0x1cd: {  	v43 =	vadd.f32 v47, v43;
	v40 =	vadd.f32 v42, v40;
	v63 =	vmul.f32 v53, v52;
	v51 =	vld.idx.msk [tilespmem:v16+s30+$0x16020 ss:$0x1], $0xffff  }
0x1ce: {  	v45 =	vmul.f32 v45, v31;
	v53 =	vld.idx.msk [tilespmem:v16+s30+$0x16030 ss:$0x1], $0xffff;
	v55 =	vmul.f32 v55, v54;
	v31 =	vadd.f32 v61, v36  }
0x1cf: {  	v38 =	vadd.f32 v41, v38;
	v56 =	vmul.f32 v56, v39;
	v37 =	vadd.f32 v63, v37  }
0x1d0: {  	v57 =	vmul.f32 v44, v32;
	v59 =	vmul.f32 v60, v50;
	v58 =	vadd.f32 v55, v43;
	[tilespmem:$0x1CF80] =	vst v31  }
0x1d1: {  	v35 =	vadd.f32 v45, v35;
	v60 =	vmul.f32 v62, v52;
	v40 =	vadd.f32 v56, v40;
	[tilespmem:$0x1CF90] =	vst v37  }
0x1d2: {  	v34 =	vadd.f32 v57, v34;
	v32 =	vadd.f32 v59, v38;
	[tilespmem:$0x1CFA0] =	vst v58;
	v61 =	vmul.f32 v51, v54  }
0x1d3: {  	v35 =	vadd.f32 v60, v35;
	[tilespmem:$0x1CFB0] =	vst v40;
	v36 =	vmul.f32 v53, v39  }
0x1d4: {  	[tilespmem:$0x1D000] =	vst v32;
	v34 =	vadd.f32 v61, v34  }
0x1d5: {  	[tilespmem:$0x1D010] =	vst v35;
	v33 =	vadd.f32 v36, v33  }
0x1d6: {  	[tilespmem:$0x1D020] =	vst v34  }
0x1d7: {  	[tilespmem:$0x1D030] =	vst v33  }
0x1d8: {  	_ =	swait.ge [sflag:s21], $0x2000  }
0x1d9: {  	[sflag:s21] =	ssyncset.done $0x0  }
0x1da: {  	s3 =	simm.s32 $0x0;
	[sflag:s21] =	ssyncadd.s32 $0xFFFFE000  }
0x1db: {  	v62 =	vld.idx.msk [tilespmem:v15+s3+$0x10 ss:$0x1], $0xffff  }
0x1dc: {  	v63 =	vld.idx.msk [tilespmem:v16+s3+$0x18030 ss:$0x1], $0xffff  }
0x1dd: {  	v33 =	vld.idx.msk [tilespmem:v15+s3+$0xFFFFFFE0 ss:$0x1], $0xffff  }
0x1de: {  	v35 =	vld.idx.msk [tilespmem:v16+s3+$0x18000 ss:$0x1], $0xffff  }
0x1df: {  	v38 =	vld.idx.msk [tilespmem:v15+s3+$0xFFFFFFF0 ss:$0x1], $0xffff  }
0x1e0: {  	v40 =	vld.idx.msk [tilespmem:v16+s3+$0x18010 ss:$0x1], $0xffff  }
0x1e1: {  	v39 =	vld.idx.msk [tilespmem:v15+s3+$0x0 ss:$0x1], $0xffff  }
0x1e2: {  	v42 =	vimm.f32 $0.0e+00;
	s30 =	simm.s32 $0x80;
	v43 =	vld.idx.msk [tilespmem:v16+s3+$0x18020 ss:$0x1], $0xffff;
	v44 =	vmul.f32 v63, v62  }
0x1e3: {  	s31 =	simm.s32 $0x400;
	v41 =	vimm.f32 $0.0e+00;
	v36 =	vimm.f32 $0.0e+00;
	v34 =	vimm.f32 $0.0e+00;
	v37 =	vld.idx.msk [tilespmem:v15+s30+$0x10 ss:$0x1], $0xffff  }
.LBB2_14:
0x1e4: {  	p3 =	sne.s32 s31, $0x7E00;
	v45 =	vld.idx.msk [tilespmem:v16+s30+$0x18030 ss:$0x1], $0xffff;
	v46 =	vmul.f32 v35, v33;
	v36 =	vadd.f32 v44, v36  }
0x1e5: {  	v33 =	vld.idx.msk [tilespmem:v15+s30+$0xFFFFFFE0 ss:$0x1], $0xffff  }
0x1e6: {  	v44 =	vmul.f32 v40, v38;
	v35 =	vld.idx.msk [tilespmem:v16+s30+$0x18000 ss:$0x1], $0xffff;
	v34 =	vadd.f32 v46, v34  }
.Ltmp6:
0x1e7: {  	v38 =	vld.idx.msk [tilespmem:v15+s30+$0xFFFFFFF0 ss:$0x1], $0xffff;
	(pc) =	sbr.rel @p3 .LBB2_14-.Ltmp6, $4  }
0x1e8: {  	v42 =	vadd.f32 v44, v42;
	v46 =	vmul.f32 v43, v39;
	v40 =	vld.idx.msk [tilespmem:v16+s30+$0x18010 ss:$0x1], $0xffff  }
0x1e9: {  	v39 =	vld.idx.msk [tilespmem:v15+s30+$0x0 ss:$0x1], $0xffff  }
0x1ea: {  	v44 =	vmul.f32 v45, v37;
	v41 =	vadd.f32 v46, v41;
	v43 =	vld.idx.msk [tilespmem:v16+s30+$0x18020 ss:$0x1], $0xffff;
	s30 =	sshra.s32 s31, $0x2  }
0x1eb: {  	s31 =	sadd.s32 $0x200, s31;
	v37 =	vld.idx.msk [tilespmem:v15+s30+$0x10 ss:$0x1], $0xffff  }
0x1ec: {  	_ =	sdelay $0x3  }
0x1ed: {  	v45 =	vld.idx.msk [tilespmem:v15+s30+$0xFFFFFFF0 ss:$0x1], $0xffff;
	v21 =	vmax.f32 v21, $0.0e+00  }
0x1ee: {  	v46 =	vld.idx.msk [tilespmem:v16+s30+$0x18010 ss:$0x1], $0xffff;
	v21 =	vadd.f32 $0.0e+00, v21  }
0x1ef: {  	v47 =	vld.idx.msk [tilespmem:v15+s30+$0x0 ss:$0x1], $0xffff;
	v22 =	vmax.f32 v22, $0.0e+00  }
0x1f0: {  	v48 =	vld.idx.msk [tilespmem:v16+s30+$0x18020 ss:$0x1], $0xffff;
	v22 =	vadd.f32 v22, v21  }
0x1f1: {  	v49 =	vld.idx.msk [tilespmem:v16+s30+$0x18030 ss:$0x1], $0xffff;
	v23 =	vmax.f32 v23, $0.0e+00  }
0x1f2: {  	v62 =	vld.idx.msk [tilespmem:v15+s30+$0xFFFFFFE0 ss:$0x1], $0xffff;
	v23 =	vadd.f32 v23, v22  }
0x1f3: {  	v63 =	vld.idx.msk [tilespmem:v16+s30+$0x18000 ss:$0x1], $0xffff;
	[tilespmem:$0x1CA80] =	vst v21;
	v21 =	vmax.f32 v24, $0.0e+00  }
0x1f4: {  	v21 =	vadd.f32 v21, v23  }
0x1f5: {  	v38 =	vmul.f32 v40, v38;
	[tilespmem:$0x1CB00] =	vst v22;
	v22 =	vmax.f32 v25, $0.0e+00  }
0x1f6: {  	v39 =	vmul.f32 v43, v39;
	[tilespmem:$0x1CC00] =	vst v21;
	v21 =	vadd.f32 v22, v21;
	v22 =	vld [tilespmem:$0x1CA90]  }
0x1f7: {  	v36 =	vadd.f32 v44, v36;
	v38 =	vadd.f32 v38, v42;
	[tilespmem:$0x1CB80] =	vst v23;
	v23 =	vmax.f32 v26, $0.0e+00  }
0x1f8: {  	v44 =	vld [tilespmem:$0x1CB10];
	v60 =	vmul.f32 v46, v45;
	v39 =	vadd.f32 v39, v41;
	v23 =	vadd.f32 v23, v21  }
0x1f9: {  	v61 =	vmul.f32 v48, v47;
	v37 =	vmul.f32 v49, v37;
	v45 =	vmax.f32 v27, $0.0e+00  }
0x1fa: {  	v46 =	vld [tilespmem:$0x1CB90];
	v47 =	vmax.f32 v28, $0.0e+00;
	v38 =	vadd.f32 v60, v38;
	v25 =	vadd.f32 v45, v23  }
0x1fb: {  	v39 =	vadd.f32 v61, v39;
	v36 =	vadd.f32 v37, v36;
	v22 =	vmax.f32 v22, $0.0e+00  }
0x1fc: {  	v48 =	vld [tilespmem:$0x1CC10];
	[tilespmem:$0x1D090] =	vst v38;
	v27 =	vadd.f32 v47, v25;
	v22 =	vadd.f32 $0.0e+00, v22  }
0x1fd: {  	v33 =	vmul.f32 v35, v33;
	v29 =	vmax.f32 v29, $0.0e+00;
	v24 =	vmax.f32 v44, $0.0e+00;
	[tilespmem:$0x1D0A0] =	vst v39  }
0x1fe: {  	v49 =	vld [tilespmem:$0x1CC90];
	[tilespmem:$0x1D0B0] =	vst v36;
	v29 =	vadd.f32 v29, v27;
	v24 =	vadd.f32 v24, v22  }
0x1ff: {  	v30 =	vmax.f32 v30, $0.0e+00;
	v33 =	vadd.f32 v33, v34;
	v26 =	vmax.f32 v46, $0.0e+00;
	[tilespmem:$0x1CC80] =	vst v21  }
0x200: {  	v50 =	vld [tilespmem:$0x1CD10];
	[tilespmem:$0x1CD00] =	vst v23;
	v21 =	vadd.f32 v30, v29;
	v26 =	vadd.f32 v26, v24  }
0x201: {  	v51 =	vmul.f32 v63, v62;
	v28 =	vmax.f32 v48, $0.0e+00;
	v23 =	vmax.f32 v31, $0.0e+00;
	[tilespmem:$0x1CD80] =	vst v25  }
0x202: {  	v53 =	vld [tilespmem:$0x1CD90];
	[tilespmem:$0x1CE00] =	vst v27;
	v23 =	vadd.f32 v23, v21;
	v52 =	vadd.f32 v28, v26  }
0x203: {  	v55 =	vmax.f32 v32, $0.0e+00;
	v57 =	vld [tilespmem:$0x1CE10];
	v54 =	vadd.f32 v51, v33;
	v56 =	vmax.f32 v49, $0.0e+00;
	[tilespmem:$0x1CA90] =	vst v22  }
0x204: {  	v59 =	vld [tilespmem:$0x1CAA0];
	[tilespmem:$0x1CE80] =	vst v29;
	v27 =	vadd.f32 v55, v23;
	v58 =	vadd.f32 v56, v52  }
0x205: {  	v60 =	vld [tilespmem:$0x1CE90];
	v30 =	vmax.f32 v50, $0.0e+00;
	[tilespmem:$0x1CF00] =	vst v21;
	v21 =	vmax.f32 v54, $0.0e+00  }
0x206: {  	v61 =	vld [tilespmem:$0x1CB20];
	[tilespmem:$0x1CF80] =	vst v23;
	v21 =	vadd.f32 v21, v27;
	v23 =	vadd.f32 v30, v58  }
0x207: {  	v62 =	vmax.f32 v53, $0.0e+00;
	v63 =	vld [tilespmem:$0x1CF10];
	[tilespmem:$0x1D000] =	vst v27  }
0x208: {  	v36 =	vld [tilespmem:$0x1CBA0];
	[tilespmem:$0x1D080] =	vst v21;
	v27 =	vadd.f32 v62, v23  }
0x209: {  	v32 =	vmax.f32 v59, $0.0e+00;
	v37 =	vld [tilespmem:$0x1CF90];
	[tilespmem:$0x1C600] =	vst v21;
	v21 =	vmax.f32 v57, $0.0e+00  }
0x20a: {  	v38 =	vld [tilespmem:$0x1CC20];
	v22 =	vadd.f32 $0.0e+00, v32;
	[tilespmem:$0x1CB10] =	vst v24;
	v21 =	vadd.f32 v21, v27  }
0x20b: {  	v40 =	vld [tilespmem:$0x1D010];
	v39 =	vmax.f32 v60, $0.0e+00;
	[tilespmem:$0x1CB90] =	vst v26;
	v30 =	vmax.f32 v61, $0.0e+00  }
0x20c: {  	v42 =	vld [tilespmem:$0x1CCA0];
	[tilespmem:$0x1CC10] =	vst v52;
	v41 =	vadd.f32 v30, v22;
	v24 =	vadd.f32 v39, v21  }
0x20d: {  	v43 =	vmax.f32 v63, $0.0e+00;
	v44 =	vld [tilespmem:$0x1D090];
	v34 =	vmax.f32 v36, $0.0e+00;
	[tilespmem:$0x1CC90] =	vst v58  }
0x20e: {  	v46 =	vld [tilespmem:$0x1CD20];
	[tilespmem:$0x1CD10] =	vst v23;
	v45 =	vadd.f32 v34, v41;
	v25 =	vadd.f32 v43, v24  }
0x20f: {  	v32 =	vmax.f32 v38, $0.0e+00;
	v23 =	vmax.f32 v37, $0.0e+00;
	[tilespmem:$0x1CD90] =	vst v27  }
0x210: {  	v48 =	vld [tilespmem:$0x1CDA0];
	v47 =	vadd.f32 v32, v45;
	[tilespmem:$0x1CE10] =	vst v21;
	v23 =	vadd.f32 v23, v25  }
0x211: {  	v51 =	vld [tilespmem:$0x1CAB0];
	v30 =	vmax.f32 v42, $0.0e+00;
	v21 =	vmax.f32 v40, $0.0e+00;
	[tilespmem:$0x1CE90] =	vst v24  }
0x212: {  	v49 =	vld [tilespmem:$0x1CE20];
	v50 =	vadd.f32 v30, v47;
	[tilespmem:$0x1CF10] =	vst v25;
	v21 =	vadd.f32 v21, v23  }
0x213: {  	v53 =	vmax.f32 v46, $0.0e+00;
	v54 =	vld [tilespmem:$0x1CEA0];
	v52 =	vmax.f32 v44, $0.0e+00;
	[tilespmem:$0x1CF90] =	vst v23  }
0x214: {  	v56 =	vld [tilespmem:$0x1CB30];
	v55 =	vadd.f32 v53, v50;
	v23 =	vadd.f32 v52, v21;
	[tilespmem:$0x1D010] =	vst v21  }
0x215: {  	v21 =	vmax.f32 v48, $0.0e+00;
	v57 =	vld [tilespmem:$0x1CF20]  }
0x216: {  	v21 =	vadd.f32 v21, v55;
	v58 =	vld [tilespmem:$0x1CBB0];
	[tilespmem:$0x1D090] =	vst v23  }
0x217: {  	v30 =	vmax.f32 v51, $0.0e+00;
	v59 =	vld [tilespmem:$0x1CFA0];
	[tilespmem:$0x1C610] =	vst v23;
	v23 =	vmax.f32 v49, $0.0e+00  }
0x218: {  	[tilespmem:$0x1CAA0] =	vst v22;
	v60 =	vld [tilespmem:$0x1CC30];
	v22 =	vadd.f32 v23, v21;
	v23 =	vadd.f32 $0.0e+00, v30  }
0x219: {  	v61 =	vmax.f32 v54, $0.0e+00;
	v28 =	vmax.f32 v56, $0.0e+00;
	[tilespmem:$0x1CB20] =	vst v41;
	v62 =	vld [tilespmem:$0x1D020]  }
0x21a: {  	[tilespmem:$0x1CBA0] =	vst v45;
	v63 =	vld [tilespmem:$0x1CCB0];
	v26 =	vadd.f32 v61, v22;
	v28 =	vadd.f32 v28, v23  }
0x21b: {  	[tilespmem:$0x1CC20] =	vst v47;
	v37 =	vld [tilespmem:$0x1D0A0];
	v36 =	vmax.f32 v57, $0.0e+00;
	v34 =	vmax.f32 v58, $0.0e+00  }
0x21c: {  	[tilespmem:$0x1CCA0] =	vst v50;
	v40 =	vld [tilespmem:$0x1CD30];
	v38 =	vadd.f32 v36, v26;
	v39 =	vadd.f32 v34, v28  }
0x21d: {  	[tilespmem:$0x1CD20] =	vst v55;
	v41 =	vmax.f32 v59, $0.0e+00;
	v30 =	vmax.f32 v60, $0.0e+00  }
0x21e: {  	v43 =	vld [tilespmem:$0x1CDB0];
	[tilespmem:$0x1CDA0] =	vst v21;
	v21 =	vadd.f32 v41, v38;
	v42 =	vadd.f32 v30, v39  }
0x21f: {  	[tilespmem:$0x1CE20] =	vst v22;
	v22 =	vmax.f32 v62, $0.0e+00;
	v29 =	vmax.f32 v63, $0.0e+00  }
0x220: {  	v45 =	vld [tilespmem:$0x1CE30];
	[tilespmem:$0x1CAB0] =	vst v23;
	v22 =	vadd.f32 v22, v21;
	v44 =	vadd.f32 v29, v42  }
0x221: {  	v46 =	vmax.f32 v37, $0.0e+00;
	v47 =	vmax.f32 v40, $0.0e+00;
	[tilespmem:$0x1CEA0] =	vst v26  }
0x222: {  	v49 =	vld [tilespmem:$0x1CEB0];
	[tilespmem:$0x1CFA0] =	vst v21;
	v21 =	vadd.f32 v46, v22;
	v48 =	vadd.f32 v47, v44  }
0x223: {  	[tilespmem:$0x1D020] =	vst v22;
	v22 =	vmax.f32 v43, $0.0e+00  }
0x224: {  	v50 =	vld [tilespmem:$0x1CF30];
	[tilespmem:$0x1D0A0] =	vst v21;
	v22 =	vadd.f32 v22, v48  }
0x225: {  	[tilespmem:$0x1C620] =	vst v21;
	v21 =	vmax.f32 v45, $0.0e+00  }
0x226: {  	v23 =	vld [tilespmem:$0x1CFB0];
	[tilespmem:$0x1CB30] =	vst v28;
	v21 =	vadd.f32 v21, v22  }
0x227: {  	v51 =	vmax.f32 v49, $0.0e+00;
	[tilespmem:$0x1CF20] =	vst v38  }
0x228: {  	v53 =	vld [tilespmem:$0x1D030];
	[tilespmem:$0x1CBB0] =	vst v39;
	v52 =	vadd.f32 v51, v21  }
0x229: {  	v54 =	vmax.f32 v50, $0.0e+00;
	[tilespmem:$0x1CC30] =	vst v42  }
0x22a: {  	v55 =	vld [tilespmem:$0x1D0B0];
	[tilespmem:$0x1CCB0] =	vst v44;
	v25 =	vadd.f32 v54, v52  }
0x22b: {  	v23 =	vmax.f32 v23, $0.0e+00;
	[tilespmem:$0x1CD30] =	vst v48  }
0x22c: {  	[tilespmem:$0x1CDB0] =	vst v22;
	v22 =	vadd.f32 v23, v25  }
0x22d: {  	[tilespmem:$0x1CE30] =	vst v21;
	v21 =	vmax.f32 v53, $0.0e+00  }
0x22e: {  	[tilespmem:$0x1CEB0] =	vst v52;
	v21 =	vadd.f32 v21, v22  }
0x22f: {  	[tilespmem:$0x1CF30] =	vst v25;
	v23 =	vmax.f32 v55, $0.0e+00  }
0x230: {  	[tilespmem:$0x1CFB0] =	vst v22;
	v22 =	vadd.f32 v23, v21  }
0x231: {  	[tilespmem:$0x1D030] =	vst v21  }
0x232: {  	[tilespmem:$0x1D0B0] =	vst v22  }
0x233: {  	[tilespmem:$0x1C630] =	vst v22  }
0x234: {  	[spmem:s10] =	stream.linear.scatter [tilespmem:s25], [sflag:$0x4], $0x80, $0x38;
	[tilespmem:$0x1DAC0] =	vst v63  }
0x235: {  	_ =	swait.ge [sflag:s16], $0x80  }
0x236: {  	[sflag:s16] =	ssyncset.done $0x0  }
0x237: {  	[sflag:s16] =	ssyncadd.s32 $0xFFFFFF80  }
0x238: {  	[bflag:$0x0] =	sbarrier.arrive $0xFFFF  }
0x239: {  	s3 =	rddreg [dreg:$0x7]  }
0x23a: {  	[tilespmem:s26], [sflag:$0x4] =	stream.linear.gather [spmem:s3], $0x800, $0x38;
	[tilespmem:$0x1DAC0] =	vst v63  }
0x23b: {  	_ =	swait.ge [sflag:s16], $0x800  }
0x23c: {  	[sflag:s16] =	ssyncset.done $0x0  }
0x23d: {  	[sflag:s16] =	ssyncadd.s32 $0xFFFFF800  }
0x23e: {  	v21 =	vld [tilespmem:$0x1D280];
	_ =	sdelay $0x1  }
0x23f: {  	s30 =	sld [smem:$0x7FD];
	v22 =	vld [tilespmem:$0x1D300]  }
0x240: {  	s31 =	sld [smem:$0x7FB]  }
0x241: {  	v23 =	vld [tilespmem:$0x1D380]  }
0x242: {  	s5 =	sld [smem:$0x7FA];
	v21 =	vadd.f32 $0.0e+00, v21  }
0x243: {  	v56 =	vld [tilespmem:$0x1D400];
	p2 =	seq.s32 s30, $0x1;
	p3 =	seq.s32 s31, $0x1  }
0x244: {  	s30 =	sld [smem:$0x7F9];
	v22 =	vpsel !p3, $0x0, v22;
	v21 =	vpsel p2, $0x0, v21  }
0x245: {  	p0 =	seq.s32 s5, $0x1;
	v21 =	vadd.f32 v22, v21;
	v22 =	vld [tilespmem:$0x1D480]  }
0x246: {  	s31 =	sld [smem:$0x7F8];
	v23 =	vpsel !p0, $0x0, v23  }
0x247: {  	p4 =	seq.s32 s30, $0x1;
	v21 =	vadd.f32 v23, v21;
	v23 =	vld [tilespmem:$0x1D500]  }
0x248: {  	s5 =	sld [smem:$0x7F7];
	v24 =	vpsel !p4, $0x0, v56  }
0x249: {  	v57 =	vld [tilespmem:$0x1D580];
	p5 =	seq.s32 s31, $0x1;
	v21 =	vadd.f32 v24, v21  }
0x24a: {  	s30 =	sld [smem:$0x7F6];
	v22 =	vpsel !p5, $0x0, v22  }
0x24b: {  	p1 =	seq.s32 s5, $0x1;
	v21 =	vadd.f32 v22, v21;
	v22 =	vld [tilespmem:$0x1D600]  }
0x24c: {  	s31 =	sld [smem:$0x7F5];
	v23 =	vpsel !p1, $0x0, v23  }
0x24d: {  	p6 =	seq.s32 s30, $0x1;
	v21 =	vadd.f32 v23, v21;
	v23 =	vld [tilespmem:$0x1D680]  }
0x24e: {  	s5 =	sld [smem:$0x7F4];
	v24 =	vpsel !p6, $0x0, v57  }
0x24f: {  	v58 =	vld [tilespmem:$0x1D700];
	p6 =	seq.s32 s31, $0x1;
	v21 =	vadd.f32 v24, v21  }
0x250: {  	s30 =	sld [smem:$0x7F3];
	v22 =	vpsel !p6, $0x0, v22  }
0x251: {  	p0 =	seq.s32 s5, $0x1;
	v21 =	vadd.f32 v22, v21;
	v22 =	vld [tilespmem:$0x1D780]  }
0x252: {  	s31 =	sld [smem:$0x7F2];
	v23 =	vpsel !p0, $0x0, v23  }
0x253: {  	p0 =	seq.s32 s30, $0x1;
	v21 =	vadd.f32 v23, v21;
	v23 =	vld [tilespmem:$0x1D800]  }
0x254: {  	s5 =	sld [smem:$0x7F1];
	v24 =	vpsel !p0, $0x0, v58  }
0x255: {  	v59 =	vld [tilespmem:$0x1D880];
	p0 =	seq.s32 s31, $0x1;
	v21 =	vadd.f32 v24, v21  }
0x256: {  	s30 =	sld [smem:$0x7F0];
	v22 =	vpsel !p0, $0x0, v22  }
0x257: {  	p0 =	seq.s32 s5, $0x1;
	v21 =	vadd.f32 v22, v21;
	v22 =	vld [tilespmem:$0x1D900]  }
0x258: {  	s31 =	sld [smem:$0x7EF];
	v23 =	vpsel !p0, $0x0, v23  }
0x259: {  	v60 =	vld [tilespmem:$0x1D980];
	p0 =	seq.s32 s30, $0x1;
	v21 =	vadd.f32 v23, v21  }
0x25a: {  	s5 =	sld [smem:$0x7EE];
	v23 =	vpsel !p0, $0x0, v59  }
0x25b: {  	p0 =	seq.s32 s31, $0x1;
	v21 =	vadd.f32 v23, v21  }
0x25c: {  	v23 =	vld [tilespmem:s9+$0x1C580];
	v22 =	vpsel !p0, $0x0, v22  }
0x25d: {  	p0 =	seq.s32 s5, $0x1;
	v21 =	vadd.f32 v22, v21  }
0x25e: {  	v22 =	vpsel !p0, $0x0, v60  }
0x25f: {  	v61 =	vadd.f32 v22, v21;
	_ =	sdelay $0x1  }
0x260: {  	v21 =	vadd.f32 v61, v23;
	_ =	sdelay $0x1  }
0x261: {  	v21 =	vsub.f32 $0.0e+00, v21;
	_ =	sdelay $0x1  }
0x262: {  	v21 =	vmul.f32 $1.442695020e+00, v21;
	_ =	sdelay $0x1  }
0x263: {  	(erf) = vpow2.f32 v21;
	v21 =	vld [tilespmem:$0x1CA80];
	_ =	sdelay $0x4  }
0x264: {  	v21 =	vadd.f32 v21, v61;
	_ =	sdelay $0x1  }
0x265: {  	v21 =	vadd.f32 v21, v23;
	_ =	sdelay $0x1  }
0x266: {  	v22 =	vpop (erf);
	v21 =	vsub.f32 $0.0e+00, v21  }
0x267: {  	v22 =	vadd.f32 $1.000000000e+00, v22  }
0x268: {  	v21 =	vmul.f32 $1.442695020e+00, v21  }
0x269: {  	(erf) = vrcp.f32 v22  }
0x26a: {  	(erf) = vpow2.f32 v21;
	v21 =	vld [tilespmem:$0x1CB00];
	_ =	sdelay $0x4  }
0x26b: {  	v21 =	vadd.f32 v21, v61;
	_ =	sdelay $0x2  }
0x26c: {  	v22 =	vadd.f32 v21, v23  }
0x26d: {  	v21 =	vpop (erf)  }
0x26e: {  	v22 =	vsub.f32 $0.0e+00, v22;
	v62 =	vpop (erf)  }
0x26f: {  	v25 =	vadd.f32 $1.000000000e+00, v62  }
0x270: {  	v22 =	vmul.f32 $1.442695020e+00, v22  }
0x271: {  	(erf) = vrcp.f32 v25  }
0x272: {  	(erf) = vpow2.f32 v22;
	v22 =	vld [tilespmem:$0x1CB80];
	_ =	sdelay $0x4  }
0x273: {  	v22 =	vadd.f32 v22, v61;
	_ =	sdelay $0x2  }
0x274: {  	v63 =	vadd.f32 v22, v23  }
0x275: {  	v22 =	vpop (erf)  }
0x276: {  	v25 =	vsub.f32 $0.0e+00, v63;
	v28 =	vpop (erf)  }
0x277: {  	v26 =	vadd.f32 $1.000000000e+00, v28  }
0x278: {  	v25 =	vmul.f32 $1.442695020e+00, v25  }
0x279: {  	(erf) = vrcp.f32 v26  }
0x27a: {  	v29 =	vld [tilespmem:$0x1CC00];
	(erf) = vpow2.f32 v25;
	_ =	sdelay $0x4  }
0x27b: {  	v25 =	vadd.f32 v29, v61;
	_ =	sdelay $0x1  }
0x27c: {  	v25 =	vadd.f32 v25, v23  }
0x27d: {  	v26 =	vpop (erf)  }
0x27e: {  	v25 =	vsub.f32 $0.0e+00, v25;
	v30 =	vpop (erf)  }
0x27f: {  	v27 =	vadd.f32 $1.000000000e+00, v30  }
0x280: {  	v25 =	vmul.f32 $1.442695020e+00, v25  }
0x281: {  	(erf) = vrcp.f32 v27  }
0x282: {  	v31 =	vld [tilespmem:$0x1CC80];
	(erf) = vpow2.f32 v25;
	_ =	sdelay $0x4  }
0x283: {  	v25 =	vadd.f32 v31, v61;
	_ =	sdelay $0x1  }
0x284: {  	v25 =	vadd.f32 v25, v23  }
0x285: {  	v27 =	vpop (erf)  }
0x286: {  	v25 =	vsub.f32 $0.0e+00, v25;
	v32 =	vpop (erf)  }
0x287: {  	v28 =	vadd.f32 $1.000000000e+00, v32  }
0x288: {  	v25 =	vmul.f32 $1.442695020e+00, v25  }
0x289: {  	(erf) = vrcp.f32 v28  }
0x28a: {  	v33 =	vld [tilespmem:$0x1CD00];
	(erf) = vpow2.f32 v25;
	_ =	sdelay $0x4  }
0x28b: {  	v25 =	vadd.f32 v33, v61;
	_ =	sdelay $0x1  }
0x28c: {  	v25 =	vadd.f32 v25, v23  }
0x28d: {  	v28 =	vpop (erf)  }
0x28e: {  	v25 =	vsub.f32 $0.0e+00, v25;
	v34 =	vpop (erf)  }
0x28f: {  	v29 =	vadd.f32 $1.000000000e+00, v34  }
0x290: {  	v25 =	vmul.f32 $1.442695020e+00, v25  }
0x291: {  	(erf) = vrcp.f32 v29  }
0x292: {  	v35 =	vld [tilespmem:$0x1CD80];
	(erf) = vpow2.f32 v25;
	_ =	sdelay $0x4  }
0x293: {  	v25 =	vadd.f32 v35, v61;
	_ =	sdelay $0x1  }
0x294: {  	v25 =	vadd.f32 v25, v23  }
0x295: {  	v29 =	vpop (erf)  }
0x296: {  	v25 =	vsub.f32 $0.0e+00, v25;
	v36 =	vpop (erf)  }
0x297: {  	v30 =	vadd.f32 $1.000000000e+00, v36  }
0x298: {  	v25 =	vmul.f32 $1.442695020e+00, v25  }
0x299: {  	(erf) = vrcp.f32 v30  }
0x29a: {  	v37 =	vld [tilespmem:$0x1CE00];
	(erf) = vpow2.f32 v25;
	_ =	sdelay $0x4  }
0x29b: {  	v25 =	vadd.f32 v37, v61;
	_ =	sdelay $0x1  }
0x29c: {  	v25 =	vadd.f32 v25, v23  }
0x29d: {  	v30 =	vpop (erf)  }
0x29e: {  	v25 =	vsub.f32 $0.0e+00, v25;
	v38 =	vpop (erf)  }
0x29f: {  	v31 =	vadd.f32 $1.000000000e+00, v38  }
0x2a0: {  	v25 =	vmul.f32 $1.442695020e+00, v25  }
0x2a1: {  	(erf) = vrcp.f32 v31  }
0x2a2: {  	v39 =	vld [tilespmem:$0x1CE80];
	(erf) = vpow2.f32 v25;
	_ =	sdelay $0x4  }
0x2a3: {  	v25 =	vadd.f32 v39, v61;
	_ =	sdelay $0x1  }
0x2a4: {  	v25 =	vadd.f32 v25, v23  }
0x2a5: {  	v31 =	vpop (erf)  }
0x2a6: {  	v25 =	vsub.f32 $0.0e+00, v25;
	v40 =	vpop (erf)  }
0x2a7: {  	v32 =	vadd.f32 $1.000000000e+00, v40  }
0x2a8: {  	v25 =	vmul.f32 $1.442695020e+00, v25  }
0x2a9: {  	(erf) = vrcp.f32 v32  }
0x2aa: {  	v41 =	vld [tilespmem:$0x1CF00];
	(erf) = vpow2.f32 v25;
	_ =	sdelay $0x4  }
0x2ab: {  	v25 =	vadd.f32 v41, v61;
	_ =	sdelay $0x1  }
0x2ac: {  	v25 =	vadd.f32 v25, v23  }
0x2ad: {  	v32 =	vpop (erf)  }
0x2ae: {  	v25 =	vsub.f32 $0.0e+00, v25;
	v42 =	vpop (erf)  }
0x2af: {  	v33 =	vadd.f32 $1.000000000e+00, v42  }
0x2b0: {  	v25 =	vmul.f32 $1.442695020e+00, v25  }
0x2b1: {  	(erf) = vrcp.f32 v33  }
0x2b2: {  	v43 =	vld [tilespmem:$0x1CF80];
	(erf) = vpow2.f32 v25;
	_ =	sdelay $0x4  }
0x2b3: {  	v25 =	vadd.f32 v43, v61;
	_ =	sdelay $0x1  }
0x2b4: {  	v25 =	vadd.f32 v25, v23  }
0x2b5: {  	v33 =	vpop (erf)  }
0x2b6: {  	v25 =	vsub.f32 $0.0e+00, v25;
	v44 =	vpop (erf)  }
0x2b7: {  	v34 =	vadd.f32 $1.000000000e+00, v44  }
0x2b8: {  	v25 =	vmul.f32 $1.442695020e+00, v25  }
0x2b9: {  	(erf) = vrcp.f32 v34  }
0x2ba: {  	v45 =	vld [tilespmem:$0x1D000];
	(erf) = vpow2.f32 v25;
	_ =	sdelay $0x4  }
0x2bb: {  	v25 =	vadd.f32 v45, v61;
	_ =	sdelay $0x1  }
0x2bc: {  	v25 =	vadd.f32 v25, v23  }
0x2bd: {  	v34 =	vpop (erf)  }
0x2be: {  	v25 =	vsub.f32 $0.0e+00, v25;
	v46 =	vpop (erf)  }
0x2bf: {  	v35 =	vadd.f32 $1.000000000e+00, v46  }
0x2c0: {  	v25 =	vmul.f32 $1.442695020e+00, v25  }
0x2c1: {  	(erf) = vrcp.f32 v35  }
0x2c2: {  	v47 =	vld [tilespmem:$0x1D080];
	(erf) = vpow2.f32 v25;
	_ =	sdelay $0x4  }
0x2c3: {  	v48 =	vld [tilespmem:$0x1D290];
	v24 =	vadd.f32 v47, v61;
	_ =	sdelay $0x1  }
0x2c4: {  	v49 =	vld [tilespmem:$0x1D310];
	v23 =	vadd.f32 v24, v23  }
0x2c5: {  	v35 =	vpop (erf)  }
0x2c6: {  	v51 =	vld [tilespmem:$0x1D390];
	v23 =	vsub.f32 $0.0e+00, v23;
	v50 =	vpop (erf)  }
0x2c7: {  	s30 =	sld [smem:$0x7FA];
	v25 =	vadd.f32 $0.0e+00, v48;
	v36 =	vadd.f32 $1.000000000e+00, v50  }
0x2c8: {  	v52 =	vld [tilespmem:$0x1D410];
	v23 =	vmul.f32 $1.442695020e+00, v23  }
0x2c9: {  	v24 =	vpsel !p3, $0x0, v49;
	v25 =	vpsel p2, $0x0, v25;
	(erf) = vrcp.f32 v36  }
0x2ca: {  	v53 =	vld [tilespmem:$0x1D490];
	p0 =	seq.s32 s30, $0x1;
	(erf) = vpow2.f32 v23;
	v23 =	vadd.f32 v24, v25  }
0x2cb: {  	v54 =	vpsel !p0, $0x0, v51  }
0x2cc: {  	v55 =	vld [tilespmem:$0x1D510];
	v23 =	vadd.f32 v54, v23  }
0x2cd: {  	v56 =	vpsel !p4, $0x0, v52  }
0x2ce: {  	v57 =	vld [tilespmem:$0x1D590];
	v23 =	vadd.f32 v56, v23  }
0x2cf: {  	s31 =	sld [smem:$0x7F6];
	v24 =	vpsel !p5, $0x0, v53  }
0x2d0: {  	v58 =	vld [tilespmem:$0x1D610];
	v23 =	vadd.f32 v24, v23  }
0x2d1: {  	v25 =	vpsel !p1, $0x0, v55  }
0x2d2: {  	p4 =	por p1, p1;
	v60 =	vld [tilespmem:$0x1D690];
	p1 =	seq.s32 s31, $0x1;
	v59 =	vpop (erf);
	v23 =	vadd.f32 v25, v23  }
0x2d3: {  	s5 =	sld [smem:$0x7F4];
	[tilespmem:$0x1C680] =	vst v21;
	v36 =	vpsel !p1, $0x0, v57;
	v21 =	vpop (erf)  }
0x2d4: {  	[tilespmem:$0x1CA80] =	vst v22;
	v21 =	vadd.f32 $1.000000000e+00, v21;
	v22 =	vadd.f32 v36, v23;
	v23 =	vld [tilespmem:$0x1D710]  }
0x2d5: {  	s30 =	sld [smem:$0x7F3];
	[tilespmem:$0x1CB00] =	vst v26;
	v24 =	vpsel !p6, $0x0, v58  }
0x2d6: {  	[tilespmem:$0x1CB80] =	vst v27;
	p5 =	seq.s32 s5, $0x1;
	(erf) = vrcp.f32 v21;
	v21 =	vadd.f32 v24, v22;
	v22 =	vld [tilespmem:$0x1D790]  }
0x2d7: {  	[tilespmem:$0x1CC00] =	vst v28;
	s31 =	sld [smem:$0x7F2];
	v61 =	vpsel !p5, $0x0, v60  }
0x2d8: {  	v62 =	vld [tilespmem:$0x1D810];
	[tilespmem:$0x1CC80] =	vst v29;
	p6 =	seq.s32 s30, $0x1;
	v21 =	vadd.f32 v61, v21  }
0x2d9: {  	[tilespmem:$0x1CD00] =	vst v30;
	s5 =	sld [smem:$0x7F1];
	v23 =	vpsel !p6, $0x0, v23  }
0x2da: {  	[tilespmem:$0x1CD80] =	vst v31;
	p1 =	seq.s32 s31, $0x1;
	v21 =	vadd.f32 v23, v21;
	v23 =	vld [tilespmem:$0x1D890]  }
0x2db: {  	[tilespmem:$0x1CE00] =	vst v32;
	s30 =	sld [smem:$0x7F0];
	v22 =	vpsel !p1, $0x0, v22  }
0x2dc: {  	[tilespmem:$0x1CE80] =	vst v33;
	p5 =	seq.s32 s5, $0x1;
	v21 =	vadd.f32 v22, v21;
	v22 =	vld [tilespmem:$0x1D910]  }
0x2dd: {  	[tilespmem:$0x1CF00] =	vst v34;
	s31 =	sld [smem:$0x7EF];
	v24 =	vpsel !p5, $0x0, v62  }
0x2de: {  	v63 =	vld [tilespmem:$0x1D990];
	[tilespmem:$0x1CF80] =	vst v35;
	p0 =	seq.s32 s30, $0x1;
	v21 =	vadd.f32 v24, v21  }
0x2df: {  	s5 =	sld [smem:$0x7EE];
	[tilespmem:$0x1D000] =	vst v59;
	v28 =	vpop (erf);
	v23 =	vpsel !p0, $0x0, v23  }
0x2e0: {  	p1 =	seq.s32 s31, $0x1;
	[tilespmem:$0x1D080] =	vst v28;
	v21 =	vadd.f32 v23, v21  }
0x2e1: {  	v22 =	vpsel !p1, $0x0, v22;
	v23 =	vld [tilespmem:s13+$0x1C580]  }
0x2e2: {  	p6 =	seq.s32 s5, $0x1;
	v21 =	vadd.f32 v22, v21  }
0x2e3: {  	v22 =	vpsel !p6, $0x0, v63  }
0x2e4: {  	v24 =	vadd.f32 v22, v21;
	_ =	sdelay $0x1  }
0x2e5: {  	v21 =	vadd.f32 v24, v23;
	_ =	sdelay $0x1  }
0x2e6: {  	v21 =	vsub.f32 $0.0e+00, v21;
	_ =	sdelay $0x1  }
0x2e7: {  	v21 =	vmul.f32 $1.442695020e+00, v21;
	_ =	sdelay $0x1  }
0x2e8: {  	(erf) = vpow2.f32 v21;
	v21 =	vld [tilespmem:$0x1CA90];
	_ =	sdelay $0x4  }
0x2e9: {  	v21 =	vadd.f32 v21, v24;
	_ =	sdelay $0x1  }
0x2ea: {  	v21 =	vadd.f32 v21, v23;
	_ =	sdelay $0x1  }
0x2eb: {  	v22 =	vpop (erf);
	v21 =	vsub.f32 $0.0e+00, v21  }
0x2ec: {  	v22 =	vadd.f32 $1.000000000e+00, v22  }
0x2ed: {  	v21 =	vmul.f32 $1.442695020e+00, v21  }
0x2ee: {  	(erf) = vrcp.f32 v22  }
0x2ef: {  	(erf) = vpow2.f32 v21;
	v21 =	vld [tilespmem:$0x1CB10];
	_ =	sdelay $0x4  }
0x2f0: {  	v21 =	vadd.f32 v21, v24;
	_ =	sdelay $0x2  }
0x2f1: {  	v22 =	vadd.f32 v21, v23  }
0x2f2: {  	v21 =	vpop (erf)  }
0x2f3: {  	v22 =	vsub.f32 $0.0e+00, v22;
	v29 =	vpop (erf)  }
0x2f4: {  	v25 =	vadd.f32 $1.000000000e+00, v29  }
0x2f5: {  	v22 =	vmul.f32 $1.442695020e+00, v22  }
0x2f6: {  	(erf) = vrcp.f32 v25  }
0x2f7: {  	(erf) = vpow2.f32 v22;
	v22 =	vld [tilespmem:$0x1CB90];
	_ =	sdelay $0x4  }
0x2f8: {  	v22 =	vadd.f32 v22, v24;
	_ =	sdelay $0x2  }
0x2f9: {  	v30 =	vadd.f32 v22, v23  }
0x2fa: {  	v22 =	vpop (erf)  }
0x2fb: {  	v25 =	vsub.f32 $0.0e+00, v30;
	v31 =	vpop (erf)  }
0x2fc: {  	v26 =	vadd.f32 $1.000000000e+00, v31  }
0x2fd: {  	v25 =	vmul.f32 $1.442695020e+00, v25  }
0x2fe: {  	(erf) = vrcp.f32 v26  }
0x2ff: {  	v32 =	vld [tilespmem:$0x1CC10];
	(erf) = vpow2.f32 v25;
	_ =	sdelay $0x4  }
0x300: {  	v25 =	vadd.f32 v32, v24;
	_ =	sdelay $0x1  }
0x301: {  	v25 =	vadd.f32 v25, v23  }
0x302: {  	v26 =	vpop (erf)  }
0x303: {  	v25 =	vsub.f32 $0.0e+00, v25;
	v33 =	vpop (erf)  }
0x304: {  	v27 =	vadd.f32 $1.000000000e+00, v33  }
0x305: {  	v25 =	vmul.f32 $1.442695020e+00, v25  }
0x306: {  	(erf) = vrcp.f32 v27  }
0x307: {  	v34 =	vld [tilespmem:$0x1CC90];
	(erf) = vpow2.f32 v25;
	_ =	sdelay $0x4  }
0x308: {  	v25 =	vadd.f32 v34, v24;
	_ =	sdelay $0x1  }
0x309: {  	v25 =	vadd.f32 v25, v23  }
0x30a: {  	v27 =	vpop (erf)  }
0x30b: {  	v25 =	vsub.f32 $0.0e+00, v25;
	v35 =	vpop (erf)  }
0x30c: {  	v28 =	vadd.f32 $1.000000000e+00, v35  }
0x30d: {  	v25 =	vmul.f32 $1.442695020e+00, v25  }
0x30e: {  	(erf) = vrcp.f32 v28  }
0x30f: {  	v36 =	vld [tilespmem:$0x1CD10];
	(erf) = vpow2.f32 v25;
	_ =	sdelay $0x4  }
0x310: {  	v25 =	vadd.f32 v36, v24;
	_ =	sdelay $0x1  }
0x311: {  	v25 =	vadd.f32 v25, v23  }
0x312: {  	v28 =	vpop (erf)  }
0x313: {  	v25 =	vsub.f32 $0.0e+00, v25;
	v37 =	vpop (erf)  }
0x314: {  	v29 =	vadd.f32 $1.000000000e+00, v37  }
0x315: {  	v25 =	vmul.f32 $1.442695020e+00, v25  }
0x316: {  	(erf) = vrcp.f32 v29  }
0x317: {  	v38 =	vld [tilespmem:$0x1CD90];
	(erf) = vpow2.f32 v25;
	_ =	sdelay $0x4  }
0x318: {  	v25 =	vadd.f32 v38, v24;
	_ =	sdelay $0x1  }
0x319: {  	v25 =	vadd.f32 v25, v23  }
0x31a: {  	v29 =	vpop (erf)  }
0x31b: {  	v25 =	vsub.f32 $0.0e+00, v25;
	v39 =	vpop (erf)  }
0x31c: {  	v30 =	vadd.f32 $1.000000000e+00, v39  }
0x31d: {  	v25 =	vmul.f32 $1.442695020e+00, v25  }
0x31e: {  	(erf) = vrcp.f32 v30  }
0x31f: {  	v40 =	vld [tilespmem:$0x1CE10];
	(erf) = vpow2.f32 v25;
	_ =	sdelay $0x4  }
0x320: {  	v25 =	vadd.f32 v40, v24;
	_ =	sdelay $0x1  }
0x321: {  	v25 =	vadd.f32 v25, v23  }
0x322: {  	v30 =	vpop (erf)  }
0x323: {  	v25 =	vsub.f32 $0.0e+00, v25;
	v41 =	vpop (erf)  }
0x324: {  	v31 =	vadd.f32 $1.000000000e+00, v41  }
0x325: {  	v25 =	vmul.f32 $1.442695020e+00, v25  }
0x326: {  	(erf) = vrcp.f32 v31  }
0x327: {  	v42 =	vld [tilespmem:$0x1CE90];
	(erf) = vpow2.f32 v25;
	_ =	sdelay $0x4  }
0x328: {  	v25 =	vadd.f32 v42, v24;
	_ =	sdelay $0x1  }
0x329: {  	v25 =	vadd.f32 v25, v23  }
0x32a: {  	v31 =	vpop (erf)  }
0x32b: {  	v25 =	vsub.f32 $0.0e+00, v25;
	v43 =	vpop (erf)  }
0x32c: {  	v32 =	vadd.f32 $1.000000000e+00, v43  }
0x32d: {  	v25 =	vmul.f32 $1.442695020e+00, v25  }
0x32e: {  	(erf) = vrcp.f32 v32  }
0x32f: {  	v44 =	vld [tilespmem:$0x1CF10];
	(erf) = vpow2.f32 v25;
	_ =	sdelay $0x4  }
0x330: {  	v25 =	vadd.f32 v44, v24;
	_ =	sdelay $0x1  }
0x331: {  	v25 =	vadd.f32 v25, v23  }
0x332: {  	v32 =	vpop (erf)  }
0x333: {  	v25 =	vsub.f32 $0.0e+00, v25;
	v45 =	vpop (erf)  }
0x334: {  	v33 =	vadd.f32 $1.000000000e+00, v45  }
0x335: {  	v25 =	vmul.f32 $1.442695020e+00, v25  }
0x336: {  	(erf) = vrcp.f32 v33  }
0x337: {  	v46 =	vld [tilespmem:$0x1CF90];
	(erf) = vpow2.f32 v25;
	_ =	sdelay $0x4  }
0x338: {  	v25 =	vadd.f32 v46, v24;
	_ =	sdelay $0x1  }
0x339: {  	v25 =	vadd.f32 v25, v23  }
0x33a: {  	v33 =	vpop (erf)  }
0x33b: {  	v25 =	vsub.f32 $0.0e+00, v25;
	v47 =	vpop (erf)  }
0x33c: {  	v34 =	vadd.f32 $1.000000000e+00, v47  }
0x33d: {  	v25 =	vmul.f32 $1.442695020e+00, v25  }
0x33e: {  	(erf) = vrcp.f32 v34  }
0x33f: {  	v48 =	vld [tilespmem:$0x1D010];
	(erf) = vpow2.f32 v25;
	_ =	sdelay $0x4  }
0x340: {  	v25 =	vadd.f32 v48, v24;
	_ =	sdelay $0x1  }
0x341: {  	v25 =	vadd.f32 v25, v23  }
0x342: {  	v34 =	vpop (erf)  }
0x343: {  	v25 =	vsub.f32 $0.0e+00, v25;
	v49 =	vpop (erf)  }
0x344: {  	v35 =	vadd.f32 $1.000000000e+00, v49  }
0x345: {  	v25 =	vmul.f32 $1.442695020e+00, v25  }
0x346: {  	(erf) = vrcp.f32 v35  }
0x347: {  	v50 =	vld [tilespmem:$0x1D090];
	(erf) = vpow2.f32 v25;
	_ =	sdelay $0x4  }
0x348: {  	v51 =	vld [tilespmem:$0x1D2A0];
	v24 =	vadd.f32 v50, v24;
	_ =	sdelay $0x1  }
0x349: {  	v52 =	vld [tilespmem:$0x1D320];
	v23 =	vadd.f32 v24, v23  }
0x34a: {  	v35 =	vpop (erf)  }
0x34b: {  	v54 =	vld [tilespmem:$0x1D3A0];
	v23 =	vsub.f32 $0.0e+00, v23;
	v53 =	vpop (erf)  }
0x34c: {  	s30 =	sld [smem:$0x7FA];
	v25 =	vadd.f32 $0.0e+00, v51;
	v36 =	vadd.f32 $1.000000000e+00, v53  }
0x34d: {  	v55 =	vld [tilespmem:$0x1D420];
	v23 =	vmul.f32 $1.442695020e+00, v23  }
0x34e: {  	s31 =	sld [smem:$0x7F9];
	v24 =	vpsel !p3, $0x0, v52;
	v25 =	vpsel p2, $0x0, v25;
	(erf) = vrcp.f32 v36  }
0x34f: {  	v56 =	vld [tilespmem:$0x1D4A0];
	p6 =	seq.s32 s30, $0x1;
	(erf) = vpow2.f32 v23;
	v23 =	vadd.f32 v24, v25  }
0x350: {  	s5 =	sld [smem:$0x7F8];
	v57 =	vpsel !p6, $0x0, v54  }
0x351: {  	v58 =	vld [tilespmem:$0x1D520];
	p5 =	seq.s32 s31, $0x1;
	v23 =	vadd.f32 v57, v23  }
0x352: {  	v59 =	vpsel !p5, $0x0, v55  }
0x353: {  	v60 =	vld [tilespmem:$0x1D5A0];
	p5 =	seq.s32 s5, $0x1;
	v23 =	vadd.f32 v59, v23  }
0x354: {  	s30 =	sld [smem:$0x7F6];
	v24 =	vpsel !p5, $0x0, v56  }
0x355: {  	v61 =	vld [tilespmem:$0x1D620];
	v23 =	vadd.f32 v24, v23  }
0x356: {  	s31 =	sld [smem:$0x7F5];
	v25 =	vpsel !p4, $0x0, v58  }
0x357: {  	v63 =	vld [tilespmem:$0x1D6A0];
	p4 =	seq.s32 s30, $0x1;
	v62 =	vpop (erf);
	v23 =	vadd.f32 v25, v23  }
0x358: {  	s5 =	sld [smem:$0x7F4];
	[tilespmem:$0x1C690] =	vst v21;
	v36 =	vpsel !p4, $0x0, v60;
	v21 =	vpop (erf)  }
0x359: {  	[tilespmem:$0x1CA90] =	vst v22;
	p3 =	seq.s32 s31, $0x1;
	v21 =	vadd.f32 $1.000000000e+00, v21;
	v22 =	vadd.f32 v36, v23;
	v23 =	vld [tilespmem:$0x1D720]  }
0x35a: {  	[tilespmem:$0x1CB10] =	vst v26;
	s30 =	sld [smem:$0x7F3];
	v24 =	vpsel !p3, $0x0, v61  }
0x35b: {  	[tilespmem:$0x1CB90] =	vst v27;
	p3 =	seq.s32 s5, $0x1;
	(erf) = vrcp.f32 v21;
	v21 =	vadd.f32 v24, v22;
	v22 =	vld [tilespmem:$0x1D7A0]  }
0x35c: {  	[tilespmem:$0x1CC10] =	vst v28;
	s31 =	sld [smem:$0x7F2];
	v28 =	vpsel !p3, $0x0, v63  }
0x35d: {  	[tilespmem:$0x1CC90] =	vst v29;
	v29 =	vld [tilespmem:$0x1D820];
	p3 =	seq.s32 s30, $0x1;
	v21 =	vadd.f32 v28, v21  }
0x35e: {  	[tilespmem:$0x1CD10] =	vst v30;
	s5 =	sld [smem:$0x7F1];
	v23 =	vpsel !p3, $0x0, v23  }
0x35f: {  	[tilespmem:$0x1CD90] =	vst v31;
	p2 =	seq.s32 s31, $0x1;
	v21 =	vadd.f32 v23, v21;
	v23 =	vld [tilespmem:$0x1D8A0]  }
0x360: {  	[tilespmem:$0x1CE10] =	vst v32;
	v22 =	vpsel !p2, $0x0, v22  }
0x361: {  	[tilespmem:$0x1CE90] =	vst v33;
	p3 =	seq.s32 s5, $0x1;
	v21 =	vadd.f32 v22, v21;
	v22 =	vld [tilespmem:$0x1D920]  }
0x362: {  	[tilespmem:$0x1CF10] =	vst v34;
	v24 =	vpsel !p3, $0x0, v29  }
0x363: {  	[tilespmem:$0x1CF90] =	vst v35;
	v35 =	vld [tilespmem:$0x1D9A0];
	v21 =	vadd.f32 v24, v21  }
0x364: {  	s30 =	sld [smem:$0x7EE];
	[tilespmem:$0x1D010] =	vst v62;
	v36 =	vpop (erf);
	v23 =	vpsel !p0, $0x0, v23  }
0x365: {  	[tilespmem:$0x1D090] =	vst v36;
	v21 =	vadd.f32 v23, v21  }
0x366: {  	v22 =	vpsel !p1, $0x0, v22;
	v23 =	vld [tilespmem:s14+$0x1C580]  }
0x367: {  	p1 =	seq.s32 s30, $0x1;
	v21 =	vadd.f32 v22, v21  }
0x368: {  	v22 =	vpsel !p1, $0x0, v35  }
0x369: {  	v24 =	vadd.f32 v22, v21;
	_ =	sdelay $0x1  }
0x36a: {  	v21 =	vadd.f32 v24, v23;
	_ =	sdelay $0x1  }
0x36b: {  	v21 =	vsub.f32 $0.0e+00, v21;
	_ =	sdelay $0x1  }
0x36c: {  	v21 =	vmul.f32 $1.442695020e+00, v21;
	_ =	sdelay $0x1  }
0x36d: {  	(erf) = vpow2.f32 v21;
	v21 =	vld [tilespmem:$0x1CAA0];
	_ =	sdelay $0x4  }
0x36e: {  	v21 =	vadd.f32 v21, v24;
	_ =	sdelay $0x1  }
0x36f: {  	v21 =	vadd.f32 v21, v23;
	_ =	sdelay $0x1  }
0x370: {  	v22 =	vpop (erf);
	v21 =	vsub.f32 $0.0e+00, v21  }
0x371: {  	v22 =	vadd.f32 $1.000000000e+00, v22  }
0x372: {  	v21 =	vmul.f32 $1.442695020e+00, v21  }
0x373: {  	(erf) = vrcp.f32 v22  }
0x374: {  	(erf) = vpow2.f32 v21;
	v21 =	vld [tilespmem:$0x1CB20];
	_ =	sdelay $0x4  }
0x375: {  	v21 =	vadd.f32 v21, v24;
	_ =	sdelay $0x2  }
0x376: {  	v22 =	vadd.f32 v21, v23  }
0x377: {  	v21 =	vpop (erf)  }
0x378: {  	v22 =	vsub.f32 $0.0e+00, v22;
	v37 =	vpop (erf)  }
0x379: {  	v25 =	vadd.f32 $1.000000000e+00, v37  }
0x37a: {  	v22 =	vmul.f32 $1.442695020e+00, v22  }
0x37b: {  	(erf) = vrcp.f32 v25  }
0x37c: {  	(erf) = vpow2.f32 v22;
	v22 =	vld [tilespmem:$0x1CBA0];
	_ =	sdelay $0x4  }
0x37d: {  	v22 =	vadd.f32 v22, v24;
	_ =	sdelay $0x2  }
0x37e: {  	v38 =	vadd.f32 v22, v23  }
0x37f: {  	v22 =	vpop (erf)  }
0x380: {  	v25 =	vsub.f32 $0.0e+00, v38;
	v39 =	vpop (erf)  }
0x381: {  	v26 =	vadd.f32 $1.000000000e+00, v39  }
0x382: {  	v25 =	vmul.f32 $1.442695020e+00, v25  }
0x383: {  	(erf) = vrcp.f32 v26  }
0x384: {  	v40 =	vld [tilespmem:$0x1CC20];
	(erf) = vpow2.f32 v25;
	_ =	sdelay $0x4  }
0x385: {  	v25 =	vadd.f32 v40, v24;
	_ =	sdelay $0x1  }
0x386: {  	v25 =	vadd.f32 v25, v23  }
0x387: {  	v26 =	vpop (erf)  }
0x388: {  	v25 =	vsub.f32 $0.0e+00, v25;
	v41 =	vpop (erf)  }
0x389: {  	v27 =	vadd.f32 $1.000000000e+00, v41  }
0x38a: {  	v25 =	vmul.f32 $1.442695020e+00, v25  }
0x38b: {  	(erf) = vrcp.f32 v27  }
0x38c: {  	v42 =	vld [tilespmem:$0x1CCA0];
	(erf) = vpow2.f32 v25;
	_ =	sdelay $0x4  }
0x38d: {  	v25 =	vadd.f32 v42, v24;
	_ =	sdelay $0x1  }
0x38e: {  	v25 =	vadd.f32 v25, v23  }
0x38f: {  	v27 =	vpop (erf)  }
0x390: {  	v25 =	vsub.f32 $0.0e+00, v25;
	v43 =	vpop (erf)  }
0x391: {  	v28 =	vadd.f32 $1.000000000e+00, v43  }
0x392: {  	v25 =	vmul.f32 $1.442695020e+00, v25  }
0x393: {  	(erf) = vrcp.f32 v28  }
0x394: {  	v44 =	vld [tilespmem:$0x1CD20];
	(erf) = vpow2.f32 v25;
	_ =	sdelay $0x4  }
0x395: {  	v25 =	vadd.f32 v44, v24;
	_ =	sdelay $0x1  }
0x396: {  	v25 =	vadd.f32 v25, v23  }
0x397: {  	v28 =	vpop (erf)  }
0x398: {  	v25 =	vsub.f32 $0.0e+00, v25;
	v45 =	vpop (erf)  }
0x399: {  	v29 =	vadd.f32 $1.000000000e+00, v45  }
0x39a: {  	v25 =	vmul.f32 $1.442695020e+00, v25  }
0x39b: {  	(erf) = vrcp.f32 v29  }
0x39c: {  	v46 =	vld [tilespmem:$0x1CDA0];
	(erf) = vpow2.f32 v25;
	_ =	sdelay $0x4  }
0x39d: {  	v25 =	vadd.f32 v46, v24;
	_ =	sdelay $0x1  }
0x39e: {  	v25 =	vadd.f32 v25, v23  }
0x39f: {  	v29 =	vpop (erf)  }
0x3a0: {  	v25 =	vsub.f32 $0.0e+00, v25;
	v47 =	vpop (erf)  }
0x3a1: {  	v30 =	vadd.f32 $1.000000000e+00, v47  }
0x3a2: {  	v25 =	vmul.f32 $1.442695020e+00, v25  }
0x3a3: {  	(erf) = vrcp.f32 v30  }
0x3a4: {  	v48 =	vld [tilespmem:$0x1CE20];
	(erf) = vpow2.f32 v25;
	_ =	sdelay $0x4  }
0x3a5: {  	v25 =	vadd.f32 v48, v24;
	_ =	sdelay $0x1  }
0x3a6: {  	v25 =	vadd.f32 v25, v23  }
0x3a7: {  	v30 =	vpop (erf)  }
0x3a8: {  	v25 =	vsub.f32 $0.0e+00, v25;
	v49 =	vpop (erf)  }
0x3a9: {  	v31 =	vadd.f32 $1.000000000e+00, v49  }
0x3aa: {  	v25 =	vmul.f32 $1.442695020e+00, v25  }
0x3ab: {  	(erf) = vrcp.f32 v31  }
0x3ac: {  	v50 =	vld [tilespmem:$0x1CEA0];
	(erf) = vpow2.f32 v25;
	_ =	sdelay $0x4  }
0x3ad: {  	v25 =	vadd.f32 v50, v24;
	_ =	sdelay $0x1  }
0x3ae: {  	v25 =	vadd.f32 v25, v23  }
0x3af: {  	v31 =	vpop (erf)  }
0x3b0: {  	v25 =	vsub.f32 $0.0e+00, v25;
	v51 =	vpop (erf)  }
0x3b1: {  	v32 =	vadd.f32 $1.000000000e+00, v51  }
0x3b2: {  	v25 =	vmul.f32 $1.442695020e+00, v25  }
0x3b3: {  	(erf) = vrcp.f32 v32  }
0x3b4: {  	v52 =	vld [tilespmem:$0x1CF20];
	(erf) = vpow2.f32 v25;
	_ =	sdelay $0x4  }
0x3b5: {  	v25 =	vadd.f32 v52, v24;
	_ =	sdelay $0x1  }
0x3b6: {  	v25 =	vadd.f32 v25, v23  }
0x3b7: {  	v32 =	vpop (erf)  }
0x3b8: {  	v25 =	vsub.f32 $0.0e+00, v25;
	v53 =	vpop (erf)  }
0x3b9: {  	v33 =	vadd.f32 $1.000000000e+00, v53  }
0x3ba: {  	v25 =	vmul.f32 $1.442695020e+00, v25  }
0x3bb: {  	(erf) = vrcp.f32 v33  }
0x3bc: {  	v54 =	vld [tilespmem:$0x1CFA0];
	(erf) = vpow2.f32 v25;
	_ =	sdelay $0x4  }
0x3bd: {  	v25 =	vadd.f32 v54, v24;
	_ =	sdelay $0x1  }
0x3be: {  	v25 =	vadd.f32 v25, v23  }
0x3bf: {  	v33 =	vpop (erf)  }
0x3c0: {  	v25 =	vsub.f32 $0.0e+00, v25;
	v55 =	vpop (erf)  }
0x3c1: {  	v34 =	vadd.f32 $1.000000000e+00, v55  }
0x3c2: {  	v25 =	vmul.f32 $1.442695020e+00, v25  }
0x3c3: {  	(erf) = vrcp.f32 v34  }
0x3c4: {  	v56 =	vld [tilespmem:$0x1D020];
	(erf) = vpow2.f32 v25;
	_ =	sdelay $0x4  }
0x3c5: {  	v25 =	vadd.f32 v56, v24;
	_ =	sdelay $0x1  }
0x3c6: {  	v25 =	vadd.f32 v25, v23  }
0x3c7: {  	v34 =	vpop (erf)  }
0x3c8: {  	v25 =	vsub.f32 $0.0e+00, v25;
	v57 =	vpop (erf)  }
0x3c9: {  	v35 =	vadd.f32 $1.000000000e+00, v57  }
0x3ca: {  	v25 =	vmul.f32 $1.442695020e+00, v25  }
0x3cb: {  	(erf) = vrcp.f32 v35  }
0x3cc: {  	v58 =	vld [tilespmem:$0x1D0A0];
	(erf) = vpow2.f32 v25;
	_ =	sdelay $0x3  }
0x3cd: {  	v59 =	vld [tilespmem:$0x1D2B0]  }
0x3ce: {  	v24 =	vadd.f32 v58, v24;
	_ =	sdelay $0x1  }
0x3cf: {  	s31 =	sld [smem:$0x7FD];
	v60 =	vld [tilespmem:$0x1D330];
	v23 =	vadd.f32 v24, v23  }
0x3d0: {  	s5 =	sld [smem:$0x7FB];
	v35 =	vpop (erf)  }
0x3d1: {  	v62 =	vld [tilespmem:$0x1D3B0];
	v23 =	vsub.f32 $0.0e+00, v23;
	v25 =	vadd.f32 $0.0e+00, v59;
	v61 =	vpop (erf)  }
0x3d2: {  	p0 =	seq.s32 s31, $0x1;
	v36 =	vadd.f32 $1.000000000e+00, v61  }
0x3d3: {  	v63 =	vld [tilespmem:$0x1D430];
	v23 =	vmul.f32 $1.442695020e+00, v23;
	v25 =	vpsel p0, $0x0, v25;
	p0 =	seq.s32 s5, $0x1  }
0x3d4: {  	s30 =	sld [smem:$0x7F9];
	v24 =	vpsel !p0, $0x0, v60;
	(erf) = vrcp.f32 v36  }
0x3d5: {  	v40 =	vld [tilespmem:$0x1D4B0];
	(erf) = vpow2.f32 v23;
	v23 =	vadd.f32 v24, v25  }
0x3d6: {  	v41 =	vpsel !p6, $0x0, v62  }
0x3d7: {  	v42 =	vld [tilespmem:$0x1D530];
	p0 =	seq.s32 s30, $0x1;
	v23 =	vadd.f32 v41, v23  }
0x3d8: {  	s31 =	sld [smem:$0x7F7];
	v43 =	vpsel !p0, $0x0, v63  }
0x3d9: {  	v44 =	vld [tilespmem:$0x1D5B0];
	v23 =	vadd.f32 v43, v23  }
0x3da: {  	v24 =	vpsel !p5, $0x0, v40  }
0x3db: {  	p6 =	seq.s32 s31, $0x1;
	v45 =	vld [tilespmem:$0x1D630];
	v23 =	vadd.f32 v24, v23  }
0x3dc: {  	s5 =	sld [smem:$0x7F5];
	v25 =	vpsel !p6, $0x0, v42  }
0x3dd: {  	v47 =	vld [tilespmem:$0x1D6B0];
	v46 =	vpop (erf);
	v23 =	vadd.f32 v25, v23  }
0x3de: {  	[tilespmem:$0x1C6A0] =	vst v21;
	s30 =	sld [smem:$0x7F4];
	v36 =	vpsel !p4, $0x0, v44;
	v21 =	vpop (erf)  }
0x3df: {  	[tilespmem:$0x1CAA0] =	vst v22;
	p5 =	seq.s32 s5, $0x1;
	v21 =	vadd.f32 $1.000000000e+00, v21;
	v22 =	vadd.f32 v36, v23;
	v23 =	vld [tilespmem:$0x1D730]  }
0x3e0: {  	[tilespmem:$0x1CB20] =	vst v26;
	s31 =	sld [smem:$0x7F3];
	v24 =	vpsel !p5, $0x0, v45  }
0x3e1: {  	[tilespmem:$0x1CBA0] =	vst v27;
	p6 =	seq.s32 s30, $0x1;
	(erf) = vrcp.f32 v21;
	v21 =	vadd.f32 v24, v22;
	v22 =	vld [tilespmem:$0x1D7B0]  }
0x3e2: {  	[tilespmem:$0x1CC20] =	vst v28;
	v48 =	vpsel !p6, $0x0, v47  }
0x3e3: {  	[tilespmem:$0x1CCA0] =	vst v29;
	v49 =	vld [tilespmem:$0x1D830];
	p0 =	seq.s32 s31, $0x1;
	v21 =	vadd.f32 v48, v21  }
0x3e4: {  	[tilespmem:$0x1CD20] =	vst v30;
	v23 =	vpsel !p0, $0x0, v23  }
0x3e5: {  	[tilespmem:$0x1CDA0] =	vst v31;
	v21 =	vadd.f32 v23, v21;
	v23 =	vld [tilespmem:$0x1D8B0]  }
0x3e6: {  	[tilespmem:$0x1CE20] =	vst v32;
	s5 =	sld [smem:$0x7F0];
	v22 =	vpsel !p2, $0x0, v22  }
0x3e7: {  	[tilespmem:$0x1CEA0] =	vst v33;
	v21 =	vadd.f32 v22, v21;
	v22 =	vld [tilespmem:$0x1D930]  }
0x3e8: {  	[tilespmem:$0x1CF20] =	vst v34;
	s30 =	sld [smem:$0x7EF];
	v24 =	vpsel !p3, $0x0, v49  }
0x3e9: {  	v50 =	vld [tilespmem:$0x1D9B0];
	[tilespmem:$0x1CFA0] =	vst v35;
	p5 =	seq.s32 s5, $0x1;
	v21 =	vadd.f32 v24, v21  }
0x3ea: {  	[tilespmem:$0x1D020] =	vst v46;
	v51 =	vpop (erf);
	v23 =	vpsel !p5, $0x0, v23  }
0x3eb: {  	p6 =	seq.s32 s30, $0x1;
	[tilespmem:$0x1D0A0] =	vst v51;
	v23 =	vadd.f32 v23, v21  }
0x3ec: {  	v22 =	vpsel !p6, $0x0, v22;
	v21 =	vld [tilespmem:s15+$0x1C580]  }
0x3ed: {  	v22 =	vadd.f32 v22, v23  }
0x3ee: {  	v23 =	vpsel !p1, $0x0, v50  }
0x3ef: {  	v22 =	vadd.f32 v23, v22;
	_ =	sdelay $0x1  }
0x3f0: {  	v23 =	vadd.f32 v22, v21;
	_ =	sdelay $0x1  }
0x3f1: {  	v23 =	vsub.f32 $0.0e+00, v23;
	_ =	sdelay $0x1  }
0x3f2: {  	v23 =	vmul.f32 $1.442695020e+00, v23;
	_ =	sdelay $0x1  }
0x3f3: {  	(erf) = vpow2.f32 v23;
	v23 =	vld [tilespmem:$0x1CAB0];
	_ =	sdelay $0x4  }
0x3f4: {  	v23 =	vadd.f32 v23, v22;
	_ =	sdelay $0x1  }
0x3f5: {  	v23 =	vadd.f32 v23, v21;
	_ =	sdelay $0x1  }
0x3f6: {  	v52 =	vpop (erf);
	v23 =	vsub.f32 $0.0e+00, v23  }
0x3f7: {  	v24 =	vadd.f32 $1.000000000e+00, v52  }
0x3f8: {  	v23 =	vmul.f32 $1.442695020e+00, v23  }
0x3f9: {  	(erf) = vrcp.f32 v24  }
0x3fa: {  	(erf) = vpow2.f32 v23;
	v23 =	vld [tilespmem:$0x1CB30];
	_ =	sdelay $0x4  }
0x3fb: {  	v23 =	vadd.f32 v23, v22;
	_ =	sdelay $0x1  }
0x3fc: {  	v23 =	vadd.f32 v23, v21  }
0x3fd: {  	v24 =	vpop (erf)  }
0x3fe: {  	v53 =	vpop (erf);
	v23 =	vsub.f32 $0.0e+00, v23  }
0x3ff: {  	v25 =	vadd.f32 $1.000000000e+00, v53  }
0x400: {  	v23 =	vmul.f32 $1.442695020e+00, v23  }
0x401: {  	(erf) = vrcp.f32 v25  }
0x402: {  	(erf) = vpow2.f32 v23;
	v23 =	vld [tilespmem:$0x1CBB0];
	_ =	sdelay $0x4  }
0x403: {  	v23 =	vadd.f32 v23, v22;
	_ =	sdelay $0x1  }
0x404: {  	v23 =	vadd.f32 v23, v21  }
0x405: {  	v25 =	vpop (erf)  }
0x406: {  	v54 =	vpop (erf);
	v23 =	vsub.f32 $0.0e+00, v23  }
0x407: {  	v26 =	vadd.f32 $1.000000000e+00, v54  }
0x408: {  	v23 =	vmul.f32 $1.442695020e+00, v23  }
0x409: {  	(erf) = vrcp.f32 v26  }
0x40a: {  	(erf) = vpow2.f32 v23;
	v23 =	vld [tilespmem:$0x1CC30];
	_ =	sdelay $0x4  }
0x40b: {  	v23 =	vadd.f32 v23, v22;
	_ =	sdelay $0x1  }
0x40c: {  	v23 =	vadd.f32 v23, v21  }
0x40d: {  	v26 =	vpop (erf)  }
0x40e: {  	v55 =	vpop (erf);
	v23 =	vsub.f32 $0.0e+00, v23  }
0x40f: {  	v27 =	vadd.f32 $1.000000000e+00, v55  }
0x410: {  	v23 =	vmul.f32 $1.442695020e+00, v23  }
0x411: {  	(erf) = vrcp.f32 v27  }
0x412: {  	(erf) = vpow2.f32 v23;
	v23 =	vld [tilespmem:$0x1CCB0];
	_ =	sdelay $0x4  }
0x413: {  	v23 =	vadd.f32 v23, v22;
	_ =	sdelay $0x1  }
0x414: {  	v23 =	vadd.f32 v23, v21  }
0x415: {  	v27 =	vpop (erf)  }
0x416: {  	v56 =	vpop (erf);
	v23 =	vsub.f32 $0.0e+00, v23  }
0x417: {  	v28 =	vadd.f32 $1.000000000e+00, v56  }
0x418: {  	v23 =	vmul.f32 $1.442695020e+00, v23  }
0x419: {  	(erf) = vrcp.f32 v28  }
0x41a: {  	(erf) = vpow2.f32 v23;
	v23 =	vld [tilespmem:$0x1CD30];
	_ =	sdelay $0x4  }
0x41b: {  	v23 =	vadd.f32 v23, v22;
	_ =	sdelay $0x1  }
0x41c: {  	v23 =	vadd.f32 v23, v21  }
0x41d: {  	v28 =	vpop (erf)  }
0x41e: {  	v57 =	vpop (erf);
	v23 =	vsub.f32 $0.0e+00, v23  }
0x41f: {  	v29 =	vadd.f32 $1.000000000e+00, v57  }
0x420: {  	v23 =	vmul.f32 $1.442695020e+00, v23  }
0x421: {  	(erf) = vrcp.f32 v29  }
0x422: {  	(erf) = vpow2.f32 v23;
	v23 =	vld [tilespmem:$0x1CDB0];
	_ =	sdelay $0x4  }
0x423: {  	v23 =	vadd.f32 v23, v22;
	_ =	sdelay $0x1  }
0x424: {  	v23 =	vadd.f32 v23, v21  }
0x425: {  	v29 =	vpop (erf)  }
0x426: {  	v58 =	vpop (erf);
	v23 =	vsub.f32 $0.0e+00, v23  }
0x427: {  	v30 =	vadd.f32 $1.000000000e+00, v58  }
0x428: {  	v23 =	vmul.f32 $1.442695020e+00, v23  }
0x429: {  	(erf) = vrcp.f32 v30  }
0x42a: {  	(erf) = vpow2.f32 v23;
	v23 =	vld [tilespmem:$0x1CE30];
	_ =	sdelay $0x4  }
0x42b: {  	v23 =	vadd.f32 v23, v22;
	_ =	sdelay $0x1  }
0x42c: {  	v23 =	vadd.f32 v23, v21  }
0x42d: {  	v30 =	vpop (erf)  }
0x42e: {  	v59 =	vpop (erf);
	v23 =	vsub.f32 $0.0e+00, v23  }
0x42f: {  	v31 =	vadd.f32 $1.000000000e+00, v59  }
0x430: {  	v23 =	vmul.f32 $1.442695020e+00, v23  }
0x431: {  	(erf) = vrcp.f32 v31  }
0x432: {  	(erf) = vpow2.f32 v23;
	v23 =	vld [tilespmem:$0x1CEB0];
	_ =	sdelay $0x4  }
0x433: {  	v23 =	vadd.f32 v23, v22;
	_ =	sdelay $0x1  }
0x434: {  	v23 =	vadd.f32 v23, v21  }
0x435: {  	v31 =	vpop (erf)  }
0x436: {  	v60 =	vpop (erf);
	v23 =	vsub.f32 $0.0e+00, v23  }
0x437: {  	v32 =	vadd.f32 $1.000000000e+00, v60  }
0x438: {  	v23 =	vmul.f32 $1.442695020e+00, v23  }
0x439: {  	(erf) = vrcp.f32 v32  }
0x43a: {  	(erf) = vpow2.f32 v23;
	v23 =	vld [tilespmem:$0x1CF30];
	_ =	sdelay $0x4  }
0x43b: {  	v23 =	vadd.f32 v23, v22;
	_ =	sdelay $0x1  }
0x43c: {  	v23 =	vadd.f32 v23, v21  }
0x43d: {  	v32 =	vpop (erf)  }
0x43e: {  	v61 =	vpop (erf);
	v23 =	vsub.f32 $0.0e+00, v23  }
0x43f: {  	v33 =	vadd.f32 $1.000000000e+00, v61  }
0x440: {  	v23 =	vmul.f32 $1.442695020e+00, v23  }
0x441: {  	(erf) = vrcp.f32 v33  }
0x442: {  	(erf) = vpow2.f32 v23;
	v23 =	vld [tilespmem:$0x1CFB0];
	_ =	sdelay $0x4  }
0x443: {  	v23 =	vadd.f32 v23, v22;
	_ =	sdelay $0x1  }
0x444: {  	v23 =	vadd.f32 v23, v21  }
0x445: {  	v33 =	vpop (erf)  }
0x446: {  	v62 =	vpop (erf);
	v23 =	vsub.f32 $0.0e+00, v23  }
0x447: {  	v34 =	vadd.f32 $1.000000000e+00, v62  }
0x448: {  	v23 =	vmul.f32 $1.442695020e+00, v23  }
0x449: {  	(erf) = vrcp.f32 v34  }
0x44a: {  	(erf) = vpow2.f32 v23;
	v23 =	vld [tilespmem:$0x1D030];
	_ =	sdelay $0x4  }
0x44b: {  	v23 =	vadd.f32 v23, v22;
	_ =	sdelay $0x1  }
0x44c: {  	v23 =	vadd.f32 v23, v21  }
0x44d: {  	v34 =	vpop (erf)  }
0x44e: {  	v63 =	vpop (erf);
	v23 =	vsub.f32 $0.0e+00, v23  }
0x44f: {  	v35 =	vadd.f32 $1.000000000e+00, v63  }
0x450: {  	v23 =	vmul.f32 $1.442695020e+00, v23  }
0x451: {  	(erf) = vrcp.f32 v35  }
0x452: {  	(erf) = vpow2.f32 v23;
	v23 =	vld [tilespmem:$0x1D0B0];
	_ =	sdelay $0x4  }
0x453: {  	v22 =	vadd.f32 v23, v22;
	_ =	sdelay $0x2  }
0x454: {  	v21 =	vadd.f32 v22, v21  }
0x455: {  	v22 =	vpop (erf)  }
0x456: {  	v21 =	vsub.f32 $0.0e+00, v21;
	v23 =	vpop (erf)  }
0x457: {  	v23 =	vadd.f32 $1.000000000e+00, v23  }
0x458: {  	v21 =	vmul.f32 $1.442695020e+00, v21  }
0x459: {  	(erf) = vrcp.f32 v23  }
0x45a: {  	(erf) = vpow2.f32 v21;
	_ =	sdelay $0x7  }
0x45b: {  	v21 =	vpop (erf)  }
0x45c: {  	[tilespmem:$0x1C6B0] =	vst v24;
	v23 =	vpop (erf)  }
0x45d: {  	[tilespmem:$0x1CAB0] =	vst v25;
	v23 =	vadd.f32 $1.000000000e+00, v23  }
0x45e: {  	[tilespmem:$0x1CB30] =	vst v26  }
0x45f: {  	[tilespmem:$0x1CBB0] =	vst v27;
	(erf) = vrcp.f32 v23  }
0x460: {  	[tilespmem:$0x1CC30] =	vst v28  }
0x461: {  	[tilespmem:$0x1CCB0] =	vst v29  }
0x462: {  	[tilespmem:$0x1CD30] =	vst v30  }
0x463: {  	[tilespmem:$0x1CDB0] =	vst v31  }
0x464: {  	[tilespmem:$0x1CE30] =	vst v32  }
0x465: {  	[tilespmem:$0x1CEB0] =	vst v33  }
0x466: {  	[tilespmem:$0x1CF30] =	vst v34  }
0x467: {  	[tilespmem:$0x1CFB0] =	vst v22  }
0x468: {  	[tilespmem:$0x1D030] =	vst v21;
	v21 =	vpop (erf)  }
0x469: {  	[tilespmem:$0x1D0B0] =	vst v21  }
0x46a: {  	[hbm4b:s11+s24] =	stream.strided.scatter [tilespmem:s28], [sflag:$0x4], $0x680, s17, s24, $0x38;
	[tilespmem:$0x1DAC0] =	vst v63  }
0x46b: {  	_ =	swait.ge [sflag:s16], $0x680  }
0x46c: {  	s31 =	sld [smem:$0x7FC]  }
0x46d: {  	s29 =	sadd.s32 $0x1, s29  }
0x46e: {  	p3 =	sne.s32 s29, s12  }
0x46f: {  	[sflag:s16] =	ssyncset.done $0x0;
	s30 =	rddreg [dreg:$0x9];
	p0 =	seq.s32 s31, $0x1  }
0x470: {  	[sflag:s16] =	ssyncadd.s32 $0xFFFFF980;
	s3 =	simm.s32 @!p0 $0x0;
	s5 =	simm.s32 @!p0 $0x1C680  }
0x471: {  	[hbm4b:s30+s3] =	stream.linear.scatter @!p0 [tilespmem:s5], [sflag:$0x4], $0x80, $0x38;
	[tilespmem:$0x1DAC0] =	vst v63  }
.Ltmp7:
0x472: {  	_ = 	snop;
	(pc) =	sbr.rel @p3 .LBB2_1-.Ltmp7, $4  }
0x473: {  	s3 =	simm.s32 @!p0 $0x4  }
0x474: {  	_ =	swait.ge @!p0 [sflag:s3], $0x80  }
0x475: {  	[sflag:s3] =	ssyncset.done @!p0 $0x0  }
0x476: {  	[sflag:s3] =	ssyncadd.s32 @!p0 $0xFFFFFF80  }
0x477: {  	_ =	sfence.sel $0x180000  }
0x478: {  	[bflag:$0x0] =	sbarrier.arrive $0xFFFF  }
0x479: {  	_ =	strace $0x90000047  }
0x47a: {  	[bflag:$0x2] =	sbarrier.arrive $0xFFFF  }
0x47b: {  	s1 =	sld [smem:$0x7FC];
	_ =	sdelay $0x2  }
0x47c: {  	s0 =	rddreg [dreg:$0x8];
	p0 =	seq.s32 s1, $0x1  }
0x47d: {  	s0 =	sadd.s32 @!p0 $0x100000, s0  }
0x47e: {  	[sflag:s0] =	ssyncadd.tile.s32 @!p0 $0x1;
	_ =	shalt  }
.Lfunc_end2:
_tile_overlayer_lowered:
.L_overlay_start_2:
0x47f: {  	(tag) =	ssettag $0x2  }
0x480: {  	s0 =	rddreg [dreg:$0x0];
	s2 =	stileid.u32  }
0x481: {  	s1 =	rddreg [dreg:$0x1];
	p0 =	sne.s32 s2, $0x0  }
0x482: {  	s3 =	rddreg [dreg:$0x2];
	[bflag:$0x3] =	sbarrier.arrive $0xFFFF;
	s2 =	simm.s32 @!p0 $0x1C04  }
0x483: {  	[timem:s3], [sflag:s2] =	dma.local @!p0 [hbm:s0], s1  }
0x484: {  	s0 =	simm.s32 @!p0 $0x4  }
0x485: {  	_ =	swait.ge @!p0 [sflag:s0], s1  }
0x486: {  	s1 =	ssub.s32 @!p0 $0x0, s1;
	[sflag:s0] =	ssyncset.done @!p0 $0x0  }
0x487: {  	[sflag:s0] =	ssyncadd.s32 @!p0 s1  }
0x488: {  	[bflag:$0x3] =	sbarrier.arrive $0xFFFF  }
0x489: {  	_ =	shalt  }

</sc_bundles>
